<compile_context>
chip_gen: v7x
topology: tpu7x:2x2x1
jax: 0.10.2.dev20260603
libtpu: 0.0.44.dev20260713+nightly
codegen_flags: <defaults>
</compile_context>

<pallas_src>
import jax
import jax.numpy as jnp
from jax import lax
from jax.experimental import pallas as pl
from jax.experimental.pallas import tpu as pltpu
from jax.experimental.pallas import tpu_sc as plsc

_EPS = jnp.finfo(jnp.float32).eps

_R = 262144
_NF = 32
_NP = 64
_G = 16

_NC, _NS, _L = 2, 16, 16
_NW = _NC * _NS
_ROWS_PER_W = _R // _NW
_GR = 128
_NGRP = _ROWS_PER_W // _GR
_STRIPS = _GR // _G

_CT = _NF + 1
_CH = _NP + 1


def _sc_body(t_hbm, w_hbm, th_hbm, wh_hbm, out_hbm,
             wb0, ob0, th0b0, tmb0,
             wb1, ob1, th0b1, tmb1,
             tb, thb, whb, sin0, sin1):
    bufs = ((wb0, ob0, th0b0, tmb0, sin0),
            (wb1, ob1, th0b1, tmb1, sin1))
    rows = lax.iota(jnp.int32, _G)
    wid = lax.axis_index("s") * _NC + lax.axis_index("c")
    base = wid * _ROWS_PER_W

    def in_copies(g, b):
        wb, _, th0b, tmb, sem = bufs[b]
        r0 = base + g * _GR
        return (
            (w_hbm.at[:, pl.ds(r0, _GR)], wb, sem),
            (th_hbm.at[pl.ds(0, 1), pl.ds(r0, _GR)], th0b, sem),
            (t_hbm.at[pl.ds(_NF, 1), pl.ds(r0, _GR)], tmb, sem),
        )

    def start_in(g, b):
        for src, dst, sem in in_copies(g, b):
            pltpu.async_copy(src, dst, sem)

    def wait_in(g, b):
        for src, dst, sem in in_copies(g, b):
            pltpu.make_async_copy(src, dst, sem).wait()

    def fast_strip(wb, ob, s):
        c0 = s * _G
        for c in range(_NF):
            wv = wb[c, pl.ds(c0, _G)]
            d = jnp.maximum(wv, 0.0)
            ob[c, pl.ds(c0, _G)] = d * d / (wv + _EPS)

    def compute_group(g, b):
        wb, ob, th0b, tmb, _ = bufs[b]

        def fast_group():
            def sbody(s, _):
                fast_strip(wb, ob, s)
                return 0
            lax.fori_loop(0, _STRIPS, sbody, 0)

        def slow_group():
            r0 = base + g * _GR
            pltpu.sync_copy(t_hbm.at[:, pl.ds(r0, _GR)], tb)
            pltpu.sync_copy(th_hbm.at[:, pl.ds(r0, _GR)], thb)
            pltpu.sync_copy(wh_hbm.at[:, pl.ds(r0, _GR)], whb)

            def strip_body(s, _):
                c0 = s * _G
                scol = rows + c0

                def masks(p_l, p_r, tj):
                    thl = plsc.load_gather(
                        thb, [jnp.minimum(p_l, _NP), scol])
                    thr = plsc.load_gather(
                        thb, [jnp.minimum(p_r, _NP), scol])
                    m_l = (thl < tj) & (p_l < _CH)
                    m_r = (thr <= tj) & (p_r < _CH)
                    return m_l, m_r

                def advance(carry, tj):
                    m_l, m_r = masks(carry[0], carry[1], tj)

                    def cond(c):
                        return jnp.any(c[4] | c[5])

                    def body(c):
                        p_l, p_r, s_l, s_r, m_l, m_r = c
                        wl = plsc.load_gather(
                            whb, [jnp.minimum(p_l, _NP - 1), scol])
                        wr = plsc.load_gather(
                            whb, [jnp.minimum(p_r, _NP - 1), scol])
                        s_l = s_l + jnp.where(m_l & (p_l < _NP), wl, 0.0)
                        s_r = s_r + jnp.where(m_r & (p_r < _NP), wr, 0.0)
                        p_l = p_l + m_l.astype(jnp.int32)
                        p_r = p_r + m_r.astype(jnp.int32)
                        m_l, m_r = masks(p_l, p_r, tj)
                        return (p_l, p_r, s_l, s_r, m_l, m_r)

                    c = lax.while_loop(
                        cond, body, (carry[0], carry[1], carry[2],
                                     carry[3], m_l, m_r))
                    return c[0], c[1], c[2], c[3]

                def j_body(j, carry):
                    p_l, p_r, s_l, s_r, prev_sl = carry
                    tj = tb[j, pl.ds(c0, _G)]
                    p_l, p_r, s_l, s_r = advance((p_l, p_r, s_l, s_r), tj)
                    jm1 = j - 1
                    wv = wb[jm1, pl.ds(c0, _G)]
                    d = jnp.maximum(wv - (s_r - prev_sl), 0.0)
                    ob[jm1, pl.ds(c0, _G)] = d * d / (wv + _EPS)
                    return (p_l, p_r, s_l, s_r, s_l)

                def strip_slow():
                    zf = jnp.zeros((_G,), jnp.float32)
                    zi = jnp.zeros((_G,), jnp.int32)
                    t0 = tb[0, pl.ds(c0, _G)]
                    p_l, p_r, s_l, s_r = advance((zi, zi, zf, zf), t0)
                    lax.fori_loop(1, _CT, j_body, (p_l, p_r, s_l, s_r, s_l))

                def strip_fast():
                    fast_strip(wb, ob, s)

                th0 = th0b[0, pl.ds(c0, _G)]
                tmax = tmb[0, pl.ds(c0, _G)]
                lax.cond(jnp.all(th0 > tmax), strip_fast, strip_slow)
                return 0

            lax.fori_loop(0, _STRIPS, strip_body, 0)

        dis = jnp.ones((_G,), jnp.bool_)
        for s in range(_STRIPS):
            dis = dis & (th0b[0, pl.ds(s * _G, _G)]
                         > tmb[0, pl.ds(s * _G, _G)])
        lax.cond(jnp.all(dis), fast_group, slow_group)

    start_in(0, 0)
    start_in(1, 1)

    def outer(i, _):
        g0 = 2 * i
        for b in range(2):
            g = g0 + b
            wait_in(g, b)
            compute_group(g, b)
            ob = bufs[b][1]
            r0 = base + g * _GR
            pltpu.sync_copy(ob, out_hbm.at[:, pl.ds(r0, _GR)])

            @pl.when(g + 2 < _NGRP)
            def _():
                start_in(g + 2, b)
        return 0

    lax.fori_loop(0, _NGRP // 2, outer, 0)


@jax.jit
def kernel(t, w, t_hat, w_hat):
    mesh = plsc.VectorSubcoreMesh(core_axis_name="c", subcore_axis_name="s",
                                  num_cores=_NC, num_subcores=_NS)
    f32 = jnp.float32
    run = pl.kernel(
        _sc_body,
        out_type=jax.ShapeDtypeStruct((_NF, _R), f32),
        mesh=mesh,
        scratch_types=[
            pltpu.VMEM((_NF, _GR), f32),
            pltpu.VMEM((_NF, _GR), f32),
            pltpu.VMEM((1, _GR), f32),
            pltpu.VMEM((1, _GR), f32),
            pltpu.VMEM((_NF, _GR), f32),
            pltpu.VMEM((_NF, _GR), f32),
            pltpu.VMEM((1, _GR), f32),
            pltpu.VMEM((1, _GR), f32),
            pltpu.VMEM((_CT, _GR), f32),
            pltpu.VMEM((_CH, _GR), f32),
            pltpu.VMEM((_NP, _GR), f32),
            pltpu.SemaphoreType.DMA,
            pltpu.SemaphoreType.DMA,
        ],
        compiler_params=pltpu.CompilerParams(needs_layout_passes=False),
    )
    out_t = run(t.T, w.T, t_hat.T, w_hat.T)
    return out_t.T

# --- scband reference (transcript-rebuilt; emitter-appended) ---
"""Pipeline reference for scband-proposal-loss-58815282152141 (READ-ONLY COPY).

The authoritative reference and input builder live on the scoring server;
editing this copy changes nothing except your own understanding.
"""

import jax, jax.numpy as jnp
import numpy as np

R = 262144
NF = 32   # fine samples  -> t has NF+1 edges, w has NF weights
NP = 64   # proposal samples -> t_hat has NP+1 edges, w_hat has NP weights


def setup_inputs(seed: int = 0) -> dict:
    key = jax.random.key(seed)
    k1, k2 = jax.random.split(key)
    # arange reshaped => each row is strictly increasing (sorted), matching
    # the sorted-distance-samples assumption of searchsorted. Since NF < NP,
    # every t value is strictly below the last t_hat value in its row, so all
    # searchsorted indices stay within cy1's bounds.
    t = jnp.arange(R * (NF + 1), dtype=jnp.float32).reshape(R, NF + 1)
    t_hat = jnp.arange(R * (NP + 1), dtype=jnp.float32).reshape(R, NP + 1)
    w = jax.random.uniform(k1, (R, NF), dtype=jnp.float32)
    w_hat = jax.random.uniform(k2, (R, NP), dtype=jnp.float32)
    return {"t": t, "w": w, "t_hat": t_hat, "w_hat": w_hat}


def inner_outer(t0, t1, y1):
    """Construct inner and outer measures on (t1, y1) for t0."""
    cy1 = jnp.concatenate([jnp.zeros_like(y1[..., :1]), jnp.cumsum(y1, axis=-1)], axis=-1)
    idx_left = jax.vmap(lambda a, v: jnp.searchsorted(a, v, side='left'))(t1, t0)
    idx_right = jax.vmap(lambda a, v: jnp.searchsorted(a, v, side='right'))(t1, t0)
    cy1_lo = jnp.take_along_axis(cy1, idx_left, axis=-1)
    cy1_hi = jnp.take_along_axis(cy1, idx_right, axis=-1)
    y0_outer = cy1_hi[..., 1:] - cy1_lo[..., :-1]
    return y0_outer


def lossfun_outer(t, w, t_hat, w_hat, eps=jnp.finfo(jnp.float32).eps):
    w_outer = inner_outer(t, t_hat, w_hat)
    return jnp.maximum(0.0, w - w_outer) ** 2 / (w + eps)


def reference(t, w, t_hat, w_hat):
    loss_weight = 1.0
    loss = loss_weight * lossfun_outer(t, w, t_hat, w_hat)
    return loss

if __name__ == "__main__":
    import jax
    _d = setup_inputs()
    print(jax.jit(kernel)(*tuple(_d.values())))

</pallas_src>

<mosaic_0001>
#map = affine_map<(d0, d1) -> (0, 0)>
module attributes {stable_mosaic.version = 14 : i64} {
  func.func @_sc_body(%arg0: i32, %arg1: i32, %arg2: memref<33x262144xf32, #tpu.memory_space<hbm>>, %arg3: memref<32x262144xf32, #tpu.memory_space<hbm>>, %arg4: memref<65x262144xf32, #tpu.memory_space<hbm>>, %arg5: memref<64x262144xf32, #tpu.memory_space<hbm>>, %arg6: memref<32x262144xf32, #tpu.memory_space<hbm>>, %arg7: memref<32x128xf32, #tpu.memory_space<vmem>>, %arg8: memref<32x128xf32, #tpu.memory_space<vmem>>, %arg9: memref<1x128xf32, #tpu.memory_space<vmem>>, %arg10: memref<1x128xf32, #tpu.memory_space<vmem>>, %arg11: memref<32x128xf32, #tpu.memory_space<vmem>>, %arg12: memref<32x128xf32, #tpu.memory_space<vmem>>, %arg13: memref<1x128xf32, #tpu.memory_space<vmem>>, %arg14: memref<1x128xf32, #tpu.memory_space<vmem>>, %arg15: memref<33x128xf32, #tpu.memory_space<vmem>>, %arg16: memref<65x128xf32, #tpu.memory_space<vmem>>, %arg17: memref<64x128xf32, #tpu.memory_space<vmem>>, %arg18: memref<!tpu.dma_semaphore, #tpu.memory_space<semaphore_mem>>, %arg19: memref<!tpu.dma_semaphore, #tpu.memory_space<semaphore_mem>>) attributes {dimension_semantics = [#tpu.dimension_semantics<core_parallel>, #tpu.dimension_semantics<subcore_parallel>], iteration_bounds = array<i64: 2, 16>, scalar_prefetch = 0 : i64, scratch_operands = 13 : i64, tpu.core_type = #tpu.core_type<sc_vector_subcore>, window_params = [{transform_indices = #map}, {transform_indices = #map}, {transform_indices = #map}, {transform_indices = #map}, {transform_indices = #map}]} {
    %iota3A = tpu.iota {dimensions = array<i32: 0>} : vector<16xi32>
    %mul3A = arith.constant 2 : i32
    %mul3A_0 = arith.muli %arg1, %mul3A : i32
    %add3A = arith.addi %mul3A_0, %arg0 : i32
    %mul3A_1 = arith.constant 8192 : i32
    %mul3A_2 = arith.muli %add3A, %mul3A_1 : i32
    %add3A_3 = arith.constant 0 : i32
    %add3A_4 = arith.addi %mul3A_2, %add3A_3 : i32
    %dma_start3A = arith.constant 0 : i32
    %dma_start3A_5 = tpu.memref_slice %arg3[%dma_start3A, %add3A_4] : memref<32x262144xf32, #tpu.memory_space<hbm>> -> memref<32x128xf32, #tpu.memory_space<hbm>>
    %dma_start3A_6 = arith.constant 0 : i32
    %dma_start3A_7 = tpu.memref_slice %arg3[%dma_start3A_6, %add3A_4] : memref<32x262144xf32, #tpu.memory_space<hbm>> -> memref<32x128xf32, #tpu.memory_space<hbm>>
    tpu.enqueue_dma source(%dma_start3A_7 : memref<32x128xf32, #tpu.memory_space<hbm>>) target(%arg7 : memref<32x128xf32, #tpu.memory_space<vmem>>) target_semaphore(%arg18 : memref<!tpu.dma_semaphore, #tpu.memory_space<semaphore_mem>>)
    %dma_start3A_8 = arith.constant 0 : i32
    %dma_start3A_9 = tpu.memref_slice %arg4[%dma_start3A_8, %add3A_4] : memref<65x262144xf32, #tpu.memory_space<hbm>> -> memref<1x128xf32, #tpu.memory_space<hbm>>
    %dma_start3A_10 = arith.constant 0 : i32
    %dma_start3A_11 = tpu.memref_slice %arg4[%dma_start3A_10, %add3A_4] : memref<65x262144xf32, #tpu.memory_space<hbm>> -> memref<1x128xf32, #tpu.memory_space<hbm>>
    tpu.enqueue_dma source(%dma_start3A_11 : memref<1x128xf32, #tpu.memory_space<hbm>>) target(%arg9 : memref<1x128xf32, #tpu.memory_space<vmem>>) target_semaphore(%arg18 : memref<!tpu.dma_semaphore, #tpu.memory_space<semaphore_mem>>)
    %dma_start3A_12 = arith.constant 32 : i32
    %dma_start3A_13 = tpu.memref_slice %arg2[%dma_start3A_12, %add3A_4] : memref<33x262144xf32, #tpu.memory_space<hbm>> -> memref<1x128xf32, #tpu.memory_space<hbm>>
    %dma_start3A_14 = arith.constant 32 : i32
    %dma_start3A_15 = tpu.memref_slice %arg2[%dma_start3A_14, %add3A_4] : memref<33x262144xf32, #tpu.memory_space<hbm>> -> memref<1x128xf32, #tpu.memory_space<hbm>>
    tpu.enqueue_dma source(%dma_start3A_15 : memref<1x128xf32, #tpu.memory_space<hbm>>) target(%arg10 : memref<1x128xf32, #tpu.memory_space<vmem>>) target_semaphore(%arg18 : memref<!tpu.dma_semaphore, #tpu.memory_space<semaphore_mem>>)
    %add3A_16 = arith.constant 128 : i32
    %add3A_17 = arith.addi %mul3A_2, %add3A_16 : i32
    %dma_start3A_18 = arith.constant 0 : i32
    %dma_start3A_19 = tpu.memref_slice %arg3[%dma_start3A_18, %add3A_17] : memref<32x262144xf32, #tpu.memory_space<hbm>> -> memref<32x128xf32, #tpu.memory_space<hbm>>
    %dma_start3A_20 = arith.constant 0 : i32
    %dma_start3A_21 = tpu.memref_slice %arg3[%dma_start3A_20, %add3A_17] : memref<32x262144xf32, #tpu.memory_space<hbm>> -> memref<32x128xf32, #tpu.memory_space<hbm>>
    tpu.enqueue_dma source(%dma_start3A_21 : memref<32x128xf32, #tpu.memory_space<hbm>>) target(%arg11 : memref<32x128xf32, #tpu.memory_space<vmem>>) target_semaphore(%arg19 : memref<!tpu.dma_semaphore, #tpu.memory_space<semaphore_mem>>)
    %dma_start3A_22 = arith.constant 0 : i32
    %dma_start3A_23 = tpu.memref_slice %arg4[%dma_start3A_22, %add3A_17] : memref<65x262144xf32, #tpu.memory_space<hbm>> -> memref<1x128xf32, #tpu.memory_space<hbm>>
    %dma_start3A_24 = arith.constant 0 : i32
    %dma_start3A_25 = tpu.memref_slice %arg4[%dma_start3A_24, %add3A_17] : memref<65x262144xf32, #tpu.memory_space<hbm>> -> memref<1x128xf32, #tpu.memory_space<hbm>>
    tpu.enqueue_dma source(%dma_start3A_25 : memref<1x128xf32, #tpu.memory_space<hbm>>) target(%arg13 : memref<1x128xf32, #tpu.memory_space<vmem>>) target_semaphore(%arg19 : memref<!tpu.dma_semaphore, #tpu.memory_space<semaphore_mem>>)
    %dma_start3A_26 = arith.constant 32 : i32
    %dma_start3A_27 = tpu.memref_slice %arg2[%dma_start3A_26, %add3A_17] : memref<33x262144xf32, #tpu.memory_space<hbm>> -> memref<1x128xf32, #tpu.memory_space<hbm>>
    %dma_start3A_28 = arith.constant 32 : i32
    %dma_start3A_29 = tpu.memref_slice %arg2[%dma_start3A_28, %add3A_17] : memref<33x262144xf32, #tpu.memory_space<hbm>> -> memref<1x128xf32, #tpu.memory_space<hbm>>
    tpu.enqueue_dma source(%dma_start3A_29 : memref<1x128xf32, #tpu.memory_space<hbm>>) target(%arg14 : memref<1x128xf32, #tpu.memory_space<vmem>>) target_semaphore(%arg19 : memref<!tpu.dma_semaphore, #tpu.memory_space<semaphore_mem>>)
    %scan3A = arith.constant 0 : i32
    %scan3A_30 = arith.constant 0 : i32
    %scan3A_31 = arith.constant 32 : i32
    %scan3A_32 = arith.addi %scan3A_30, %scan3A_31 : i32
    %scan3A_33 = arith.constant 1 : i32
    %scan3A_34 = scf.for %scan3A_36 = %scan3A_30 to %scan3A_32 step %scan3A_33 iter_args(%scan3A_37 = %scan3A) -> (i32)  : i32 {
      %mul3A_38 = arith.constant 2 : i32
      %mul3A_39 = arith.muli %mul3A_38, %scan3A_36 : i32
      %add3A_40 = arith.constant 0 : i32
      %add3A_41 = arith.addi %mul3A_39, %add3A_40 : i32
      %mul3A_42 = arith.constant 128 : i32
      %mul3A_43 = arith.muli %add3A_41, %mul3A_42 : i32
      %add3A_44 = arith.addi %mul3A_2, %mul3A_43 : i32
      %dma_wait3A = arith.constant 0 : i32
      %dma_wait3A_45 = tpu.memref_slice %arg3[%dma_wait3A, %add3A_44] : memref<32x262144xf32, #tpu.memory_space<hbm>> -> memref<32x128xf32, #tpu.memory_space<hbm>>
      %dma_wait3A_46 = arith.constant 0 : i32
      %dma_wait3A_47 = tpu.memref_slice %arg3[%dma_wait3A_46, %add3A_44] : memref<32x262144xf32, #tpu.memory_space<hbm>> -> memref<32x128xf32, #tpu.memory_space<hbm>>
      tpu.wait_dma2 semaphore(%arg18 : memref<!tpu.dma_semaphore, #tpu.memory_space<semaphore_mem>>) src(%dma_wait3A_47 : memref<32x128xf32, #tpu.memory_space<hbm>>) dst(%arg7 : memref<32x128xf32, #tpu.memory_space<vmem>>)
      %dma_wait3A_48 = arith.constant 0 : i32
      %dma_wait3A_49 = tpu.memref_slice %arg4[%dma_wait3A_48, %add3A_44] : memref<65x262144xf32, #tpu.memory_space<hbm>> -> memref<1x128xf32, #tpu.memory_space<hbm>>
      %dma_wait3A_50 = arith.constant 0 : i32
      %dma_wait3A_51 = tpu.memref_slice %arg4[%dma_wait3A_50, %add3A_44] : memref<65x262144xf32, #tpu.memory_space<hbm>> -> memref<1x128xf32, #tpu.memory_space<hbm>>
      tpu.wait_dma2 semaphore(%arg18 : memref<!tpu.dma_semaphore, #tpu.memory_space<semaphore_mem>>) src(%dma_wait3A_51 : memref<1x128xf32, #tpu.memory_space<hbm>>) dst(%arg9 : memref<1x128xf32, #tpu.memory_space<vmem>>)
      %dma_wait3A_52 = arith.constant 32 : i32
      %dma_wait3A_53 = tpu.memref_slice %arg2[%dma_wait3A_52, %add3A_44] : memref<33x262144xf32, #tpu.memory_space<hbm>> -> memref<1x128xf32, #tpu.memory_space<hbm>>
      %dma_wait3A_54 = arith.constant 32 : i32
      %dma_wait3A_55 = tpu.memref_slice %arg2[%dma_wait3A_54, %add3A_44] : memref<33x262144xf32, #tpu.memory_space<hbm>> -> memref<1x128xf32, #tpu.memory_space<hbm>>
      tpu.wait_dma2 semaphore(%arg18 : memref<!tpu.dma_semaphore, #tpu.memory_space<semaphore_mem>>) src(%dma_wait3A_55 : memref<1x128xf32, #tpu.memory_space<hbm>>) dst(%arg10 : memref<1x128xf32, #tpu.memory_space<vmem>>)
      %broadcast_in_dim3A = arith.constant true
      %broadcast_in_dim3A_56 = vector.broadcast %broadcast_in_dim3A : i1 to vector<16xi1>
      %get3A = arith.constant 0 : i32
      %get3A_57 = arith.index_cast %get3A : i32 to index
      %get3A_58 = arith.constant 0 : index
      %get3A_59 = tpu.vector_load %arg9[%get3A_57, %get3A_58] {strides = array<i32>} : memref<1x128xf32, #tpu.memory_space<vmem>>, vector<16xf32>,
      %get3A_60 = arith.constant 0 : i32
      %get3A_61 = arith.index_cast %get3A_60 : i32 to index
      %get3A_62 = arith.constant 0 : index
      %get3A_63 = tpu.vector_load %arg10[%get3A_61, %get3A_62] {strides = array<i32>} : memref<1x128xf32, #tpu.memory_space<vmem>>, vector<16xf32>,
      %gt3A = arith.cmpf ogt, %get3A_59, %get3A_63 : vector<16xf32>
      %and3A = arith.andi %broadcast_in_dim3A_56, %gt3A : vector<16xi1>
      %get3A_64 = arith.constant 0 : i32
      %get3A_65 = arith.index_cast %get3A_64 : i32 to index
      %get3A_66 = arith.constant 16 : index
      %get3A_67 = tpu.vector_load %arg9[%get3A_65, %get3A_66] {strides = array<i32>} : memref<1x128xf32, #tpu.memory_space<vmem>>, vector<16xf32>,
      %get3A_68 = arith.constant 0 : i32
      %get3A_69 = arith.index_cast %get3A_68 : i32 to index
      %get3A_70 = arith.constant 16 : index
      %get3A_71 = tpu.vector_load %arg10[%get3A_69, %get3A_70] {strides = array<i32>} : memref<1x128xf32, #tpu.memory_space<vmem>>, vector<16xf32>,
      %gt3A_72 = arith.cmpf ogt, %get3A_67, %get3A_71 : vector<16xf32>
      %and3A_73 = arith.andi %and3A, %gt3A_72 : vector<16xi1>
      %get3A_74 = arith.constant 0 : i32
      %get3A_75 = arith.index_cast %get3A_74 : i32 to index
      %get3A_76 = arith.constant 32 : index
      %get3A_77 = tpu.vector_load %arg9[%get3A_75, %get3A_76] {strides = array<i32>} : memref<1x128xf32, #tpu.memory_space<vmem>>, vector<16xf32>,
      %get3A_78 = arith.constant 0 : i32
      %get3A_79 = arith.index_cast %get3A_78 : i32 to index
      %get3A_80 = arith.constant 32 : index
      %get3A_81 = tpu.vector_load %arg10[%get3A_79, %get3A_80] {strides = array<i32>} : memref<1x128xf32, #tpu.memory_space<vmem>>, vector<16xf32>,
      %gt3A_82 = arith.cmpf ogt, %get3A_77, %get3A_81 : vector<16xf32>
      %and3A_83 = arith.andi %and3A_73, %gt3A_82 : vector<16xi1>
      %get3A_84 = arith.constant 0 : i32
      %get3A_85 = arith.index_cast %get3A_84 : i32 to index
      %get3A_86 = arith.constant 48 : index
      %get3A_87 = tpu.vector_load %arg9[%get3A_85, %get3A_86] {strides = array<i32>} : memref<1x128xf32, #tpu.memory_space<vmem>>, vector<16xf32>,
      %get3A_88 = arith.constant 0 : i32
      %get3A_89 = arith.index_cast %get3A_88 : i32 to index
      %get3A_90 = arith.constant 48 : index
      %get3A_91 = tpu.vector_load %arg10[%get3A_89, %get3A_90] {strides = array<i32>} : memref<1x128xf32, #tpu.memory_space<vmem>>, vector<16xf32>,
      %gt3A_92 = arith.cmpf ogt, %get3A_87, %get3A_91 : vector<16xf32>
      %and3A_93 = arith.andi %and3A_83, %gt3A_92 : vector<16xi1>
      %get3A_94 = arith.constant 0 : i32
      %get3A_95 = arith.index_cast %get3A_94 : i32 to index
      %get3A_96 = arith.constant 64 : index
      %get3A_97 = tpu.vector_load %arg9[%get3A_95, %get3A_96] {strides = array<i32>} : memref<1x128xf32, #tpu.memory_space<vmem>>, vector<16xf32>,
      %get3A_98 = arith.constant 0 : i32
      %get3A_99 = arith.index_cast %get3A_98 : i32 to index
      %get3A_100 = arith.constant 64 : index
      %get3A_101 = tpu.vector_load %arg10[%get3A_99, %get3A_100] {strides = array<i32>} : memref<1x128xf32, #tpu.memory_space<vmem>>, vector<16xf32>,
      %gt3A_102 = arith.cmpf ogt, %get3A_97, %get3A_101 : vector<16xf32>
      %and3A_103 = arith.andi %and3A_93, %gt3A_102 : vector<16xi1>
      %get3A_104 = arith.constant 0 : i32
      %get3A_105 = arith.index_cast %get3A_104 : i32 to index
      %get3A_106 = arith.constant 80 : index
      %get3A_107 = tpu.vector_load %arg9[%get3A_105, %get3A_106] {strides = array<i32>} : memref<1x128xf32, #tpu.memory_space<vmem>>, vector<16xf32>,
      %get3A_108 = arith.constant 0 : i32
      %get3A_109 = arith.index_cast %get3A_108 : i32 to index
      %get3A_110 = arith.constant 80 : index
      %get3A_111 = tpu.vector_load %arg10[%get3A_109, %get3A_110] {strides = array<i32>} : memref<1x128xf32, #tpu.memory_space<vmem>>, vector<16xf32>,
      %gt3A_112 = arith.cmpf ogt, %get3A_107, %get3A_111 : vector<16xf32>
      %and3A_113 = arith.andi %and3A_103, %gt3A_112 : vector<16xi1>
      %get3A_114 = arith.constant 0 : i32
      %get3A_115 = arith.index_cast %get3A_114 : i32 to index
      %get3A_116 = arith.constant 96 : index
      %get3A_117 = tpu.vector_load %arg9[%get3A_115, %get3A_116] {strides = array<i32>} : memref<1x128xf32, #tpu.memory_space<vmem>>, vector<16xf32>,
      %get3A_118 = arith.constant 0 : i32
      %get3A_119 = arith.index_cast %get3A_118 : i32 to index
      %get3A_120 = arith.constant 96 : index
      %get3A_121 = tpu.vector_load %arg10[%get3A_119, %get3A_120] {strides = array<i32>} : memref<1x128xf32, #tpu.memory_space<vmem>>, vector<16xf32>,
      %gt3A_122 = arith.cmpf ogt, %get3A_117, %get3A_121 : vector<16xf32>
      %and3A_123 = arith.andi %and3A_113, %gt3A_122 : vector<16xi1>
      %get3A_124 = arith.constant 0 : i32
      %get3A_125 = arith.index_cast %get3A_124 : i32 to index
      %get3A_126 = arith.constant 112 : index
      %get3A_127 = tpu.vector_load %arg9[%get3A_125, %get3A_126] {strides = array<i32>} : memref<1x128xf32, #tpu.memory_space<vmem>>, vector<16xf32>,
      %get3A_128 = arith.constant 0 : i32
      %get3A_129 = arith.index_cast %get3A_128 : i32 to index
      %get3A_130 = arith.constant 112 : index
      %get3A_131 = tpu.vector_load %arg10[%get3A_129, %get3A_130] {strides = array<i32>} : memref<1x128xf32, #tpu.memory_space<vmem>>, vector<16xf32>,
      %gt3A_132 = arith.cmpf ogt, %get3A_127, %get3A_131 : vector<16xf32>
      %and3A_133 = arith.andi %and3A_123, %gt3A_132 : vector<16xi1>
      %reduce_and3A = arith.constant 1.000000e+00 : f32
      %reduce_and3A_134 = arith.constant 0.000000e+00 : f32
      %reduce_and3A_135 = vector.broadcast %reduce_and3A : f32 to vector<16xf32>
      %reduce_and3A_136 = vector.broadcast %reduce_and3A_134 : f32 to vector<16xf32>
      %reduce_and3A_137 = arith.select %and3A_133, %reduce_and3A_135, %reduce_and3A_136 : vector<16xi1>, vector<16xf32>
      %reduce_and3A_138 = arith.constant true
      %reduce_and3A_139 = vector.broadcast %reduce_and3A_138 : i1 to vector<16xi1>
      %reduce_and3A_140 = tpu.scan <min>, %reduce_and3A_137 masked %reduce_and3A_139 : vector<16xf32>, vector<16xi1> -> vector<16xf32>
      %reduce_and3A_141 = vector.extract %reduce_and3A_140[15] : f32 from vector<16xf32>
      %reduce_and3A_142 = arith.constant 0.000000e+00 : f32
      %reduce_and3A_143 = arith.cmpf ogt, %reduce_and3A_141, %reduce_and3A_142 : f32
      %convert_element_type3A = arith.extui %reduce_and3A_143 : i1 to i32
      %cond3A = arith.constant 0 : i32
      %cond3A_144 = arith.cmpi ne, %convert_element_type3A, %cond3A : i32
      scf.if %cond3A_144 {
        %scan3A_278 = arith.constant 0 : i32
        %scan3A_279 = arith.constant 0 : i32
        %scan3A_280 = arith.constant 8 : i32
        %scan3A_281 = arith.addi %scan3A_279, %scan3A_280 : i32
        %scan3A_282 = arith.constant 1 : i32
        %scan3A_283 = scf.for %scan3A_285 = %scan3A_279 to %scan3A_281 step %scan3A_282 iter_args(%scan3A_286 = %scan3A_278) -> (i32)  : i32 {
          %mul3A_287 = arith.constant 16 : i32
          %mul3A_288 = arith.muli %scan3A_285, %mul3A_287 : i32
          %get3A_289 = arith.constant 0 : i32
          %get3A_290 = arith.index_cast %get3A_289 : i32 to index
          %get3A_291 = arith.index_cast %mul3A_288 : i32 to index
          %get3A_292 = tpu.vector_load %arg7[%get3A_290, %get3A_291] {strides = array<i32>} : memref<32x128xf32, #tpu.memory_space<vmem>>, vector<16xf32>,
          %max3A = arith.constant 0.000000e+00 : f32
          %max3A_293 = vector.broadcast %max3A : f32 to vector<16xf32>
          %max3A_294 = arith.maximumf %get3A_292, %max3A_293 : vector<16xf32>
          %mul3A_295 = arith.mulf %max3A_294, %max3A_294 : vector<16xf32>
          %add3A_296 = arith.constant 1.1920929E-7 : f32
          %add3A_297 = vector.broadcast %add3A_296 : f32 to vector<16xf32>
          %add3A_298 = arith.addf %get3A_292, %add3A_297 : vector<16xf32>
          %div3A = arith.divf %mul3A_295, %add3A_298 : vector<16xf32>
          %swap3A = arith.constant 0 : i32
          %swap3A_299 = arith.index_cast %swap3A : i32 to index
          %swap3A_300 = arith.index_cast %mul3A_288 : i32 to index
          %swap3A_301 = tpu.vector_load %arg8[%swap3A_299, %swap3A_300] {strides = array<i32>} : memref<32x128xf32, #tpu.memory_space<vmem>>, vector<16xf32>,
          tpu.vector_store %arg8[%swap3A_299, %swap3A_300], %div3A {strides = array<i32>} : memref<32x128xf32, #tpu.memory_space<vmem>>, vector<16xf32>,
          %get3A_302 = arith.constant 1 : i32
          %get3A_303 = arith.index_cast %get3A_302 : i32 to index
          %get3A_304 = arith.index_cast %mul3A_288 : i32 to index
          %get3A_305 = tpu.vector_load %arg7[%get3A_303, %get3A_304] {strides = array<i32>} : memref<32x128xf32, #tpu.memory_space<vmem>>, vector<16xf32>,
          %max3A_306 = arith.constant 0.000000e+00 : f32
          %max3A_307 = vector.broadcast %max3A_306 : f32 to vector<16xf32>
          %max3A_308 = arith.maximumf %get3A_305, %max3A_307 : vector<16xf32>
          %mul3A_309 = arith.mulf %max3A_308, %max3A_308 : vector<16xf32>
          %add3A_310 = arith.constant 1.1920929E-7 : f32
          %add3A_311 = vector.broadcast %add3A_310 : f32 to vector<16xf32>
          %add3A_312 = arith.addf %get3A_305, %add3A_311 : vector<16xf32>
          %div3A_313 = arith.divf %mul3A_309, %add3A_312 : vector<16xf32>
          %swap3A_314 = arith.constant 1 : i32
          %swap3A_315 = arith.index_cast %swap3A_314 : i32 to index
          %swap3A_316 = arith.index_cast %mul3A_288 : i32 to index
          %swap3A_317 = tpu.vector_load %arg8[%swap3A_315, %swap3A_316] {strides = array<i32>} : memref<32x128xf32, #tpu.memory_space<vmem>>, vector<16xf32>,
          tpu.vector_store %arg8[%swap3A_315, %swap3A_316], %div3A_313 {strides = array<i32>} : memref<32x128xf32, #tpu.memory_space<vmem>>, vector<16xf32>,
          %get3A_318 = arith.constant 2 : i32
          %get3A_319 = arith.index_cast %get3A_318 : i32 to index
          %get3A_320 = arith.index_cast %mul3A_288 : i32 to index
          %get3A_321 = tpu.vector_load %arg7[%get3A_319, %get3A_320] {strides = array<i32>} : memref<32x128xf32, #tpu.memory_space<vmem>>, vector<16xf32>,
          %max3A_322 = arith.constant 0.000000e+00 : f32
          %max3A_323 = vector.broadcast %max3A_322 : f32 to vector<16xf32>
          %max3A_324 = arith.maximumf %get3A_321, %max3A_323 : vector<16xf32>
          %mul3A_325 = arith.mulf %max3A_324, %max3A_324 : vector<16xf32>
          %add3A_326 = arith.constant 1.1920929E-7 : f32
          %add3A_327 = vector.broadcast %add3A_326 : f32 to vector<16xf32>
          %add3A_328 = arith.addf %get3A_321, %add3A_327 : vector<16xf32>
          %div3A_329 = arith.divf %mul3A_325, %add3A_328 : vector<16xf32>
          %swap3A_330 = arith.constant 2 : i32
          %swap3A_331 = arith.index_cast %swap3A_330 : i32 to index
          %swap3A_332 = arith.index_cast %mul3A_288 : i32 to index
          %swap3A_333 = tpu.vector_load %arg8[%swap3A_331, %swap3A_332] {strides = array<i32>} : memref<32x128xf32, #tpu.memory_space<vmem>>, vector<16xf32>,
          tpu.vector_store %arg8[%swap3A_331, %swap3A_332], %div3A_329 {strides = array<i32>} : memref<32x128xf32, #tpu.memory_space<vmem>>, vector<16xf32>,
          %get3A_334 = arith.constant 3 : i32
          %get3A_335 = arith.index_cast %get3A_334 : i32 to index
          %get3A_336 = arith.index_cast %mul3A_288 : i32 to index
          %get3A_337 = tpu.vector_load %arg7[%get3A_335, %get3A_336] {strides = array<i32>} : memref<32x128xf32, #tpu.memory_space<vmem>>, vector<16xf32>,
          %max3A_338 = arith.constant 0.000000e+00 : f32
          %max3A_339 = vector.broadcast %max3A_338 : f32 to vector<16xf32>
          %max3A_340 = arith.maximumf %get3A_337, %max3A_339 : vector<16xf32>
          %mul3A_341 = arith.mulf %max3A_340, %max3A_340 : vector<16xf32>
          %add3A_342 = arith.constant 1.1920929E-7 : f32
          %add3A_343 = vector.broadcast %add3A_342 : f32 to vector<16xf32>
          %add3A_344 = arith.addf %get3A_337, %add3A_343 : vector<16xf32>
          %div3A_345 = arith.divf %mul3A_341, %add3A_344 : vector<16xf32>
          %swap3A_346 = arith.constant 3 : i32
          %swap3A_347 = arith.index_cast %swap3A_346 : i32 to index
          %swap3A_348 = arith.index_cast %mul3A_288 : i32 to index
          %swap3A_349 = tpu.vector_load %arg8[%swap3A_347, %swap3A_348] {strides = array<i32>} : memref<32x128xf32, #tpu.memory_space<vmem>>, vector<16xf32>,
          tpu.vector_store %arg8[%swap3A_347, %swap3A_348], %div3A_345 {strides = array<i32>} : memref<32x128xf32, #tpu.memory_space<vmem>>, vector<16xf32>,
          %get3A_350 = arith.constant 4 : i32
          %get3A_351 = arith.index_cast %get3A_350 : i32 to index
          %get3A_352 = arith.index_cast %mul3A_288 : i32 to index
          %get3A_353 = tpu.vector_load %arg7[%get3A_351, %get3A_352] {strides = array<i32>} : memref<32x128xf32, #tpu.memory_space<vmem>>, vector<16xf32>,
          %max3A_354 = arith.constant 0.000000e+00 : f32
          %max3A_355 = vector.broadcast %max3A_354 : f32 to vector<16xf32>
          %max3A_356 = arith.maximumf %get3A_353, %max3A_355 : vector<16xf32>
          %mul3A_357 = arith.mulf %max3A_356, %max3A_356 : vector<16xf32>
          %add3A_358 = arith.constant 1.1920929E-7 : f32
          %add3A_359 = vector.broadcast %add3A_358 : f32 to vector<16xf32>
          %add3A_360 = arith.addf %get3A_353, %add3A_359 : vector<16xf32>
          %div3A_361 = arith.divf %mul3A_357, %add3A_360 : vector<16xf32>
          %swap3A_362 = arith.constant 4 : i32
          %swap3A_363 = arith.index_cast %swap3A_362 : i32 to index
          %swap3A_364 = arith.index_cast %mul3A_288 : i32 to index
          %swap3A_365 = tpu.vector_load %arg8[%swap3A_363, %swap3A_364] {strides = array<i32>} : memref<32x128xf32, #tpu.memory_space<vmem>>, vector<16xf32>,
          tpu.vector_store %arg8[%swap3A_363, %swap3A_364], %div3A_361 {strides = array<i32>} : memref<32x128xf32, #tpu.memory_space<vmem>>, vector<16xf32>,
          %get3A_366 = arith.constant 5 : i32
          %get3A_367 = arith.index_cast %get3A_366 : i32 to index
          %get3A_368 = arith.index_cast %mul3A_288 : i32 to index
          %get3A_369 = tpu.vector_load %arg7[%get3A_367, %get3A_368] {strides = array<i32>} : memref<32x128xf32, #tpu.memory_space<vmem>>, vector<16xf32>,
          %max3A_370 = arith.constant 0.000000e+00 : f32
          %max3A_371 = vector.broadcast %max3A_370 : f32 to vector<16xf32>
          %max3A_372 = arith.maximumf %get3A_369, %max3A_371 : vector<16xf32>
          %mul3A_373 = arith.mulf %max3A_372, %max3A_372 : vector<16xf32>
          %add3A_374 = arith.constant 1.1920929E-7 : f32
          %add3A_375 = vector.broadcast %add3A_374 : f32 to vector<16xf32>
          %add3A_376 = arith.addf %get3A_369, %add3A_375 : vector<16xf32>
          %div3A_377 = arith.divf %mul3A_373, %add3A_376 : vector<16xf32>
          %swap3A_378 = arith.constant 5 : i32
          %swap3A_379 = arith.index_cast %swap3A_378 : i32 to index
          %swap3A_380 = arith.index_cast %mul3A_288 : i32 to index
          %swap3A_381 = tpu.vector_load %arg8[%swap3A_379, %swap3A_380] {strides = array<i32>} : memref<32x128xf32, #tpu.memory_space<vmem>>, vector<16xf32>,
          tpu.vector_store %arg8[%swap3A_379, %swap3A_380], %div3A_377 {strides = array<i32>} : memref<32x128xf32, #tpu.memory_space<vmem>>, vector<16xf32>,
          %get3A_382 = arith.constant 6 : i32
          %get3A_383 = arith.index_cast %get3A_382 : i32 to index
          %get3A_384 = arith.index_cast %mul3A_288 : i32 to index
          %get3A_385 = tpu.vector_load %arg7[%get3A_383, %get3A_384] {strides = array<i32>} : memref<32x128xf32, #tpu.memory_space<vmem>>, vector<16xf32>,
          %max3A_386 = arith.constant 0.000000e+00 : f32
          %max3A_387 = vector.broadcast %max3A_386 : f32 to vector<16xf32>
          %max3A_388 = arith.maximumf %get3A_385, %max3A_387 : vector<16xf32>
          %mul3A_389 = arith.mulf %max3A_388, %max3A_388 : vector<16xf32>
          %add3A_390 = arith.constant 1.1920929E-7 : f32
          %add3A_391 = vector.broadcast %add3A_390 : f32 to vector<16xf32>
          %add3A_392 = arith.addf %get3A_385, %add3A_391 : vector<16xf32>
          %div3A_393 = arith.divf %mul3A_389, %add3A_392 : vector<16xf32>
          %swap3A_394 = arith.constant 6 : i32
          %swap3A_395 = arith.index_cast %swap3A_394 : i32 to index
          %swap3A_396 = arith.index_cast %mul3A_288 : i32 to index
          %swap3A_397 = tpu.vector_load %arg8[%swap3A_395, %swap3A_396] {strides = array<i32>} : memref<32x128xf32, #tpu.memory_space<vmem>>, vector<16xf32>,
          tpu.vector_store %arg8[%swap3A_395, %swap3A_396], %div3A_393 {strides = array<i32>} : memref<32x128xf32, #tpu.memory_space<vmem>>, vector<16xf32>,
          %get3A_398 = arith.constant 7 : i32
          %get3A_399 = arith.index_cast %get3A_398 : i32 to index
          %get3A_400 = arith.index_cast %mul3A_288 : i32 to index
          %get3A_401 = tpu.vector_load %arg7[%get3A_399, %get3A_400] {strides = array<i32>} : memref<32x128xf32, #tpu.memory_space<vmem>>, vector<16xf32>,
          %max3A_402 = arith.constant 0.000000e+00 : f32
          %max3A_403 = vector.broadcast %max3A_402 : f32 to vector<16xf32>
          %max3A_404 = arith.maximumf %get3A_401, %max3A_403 : vector<16xf32>
          %mul3A_405 = arith.mulf %max3A_404, %max3A_404 : vector<16xf32>
          %add3A_406 = arith.constant 1.1920929E-7 : f32
          %add3A_407 = vector.broadcast %add3A_406 : f32 to vector<16xf32>
          %add3A_408 = arith.addf %get3A_401, %add3A_407 : vector<16xf32>
          %div3A_409 = arith.divf %mul3A_405, %add3A_408 : vector<16xf32>
          %swap3A_410 = arith.constant 7 : i32
          %swap3A_411 = arith.index_cast %swap3A_410 : i32 to index
          %swap3A_412 = arith.index_cast %mul3A_288 : i32 to index
          %swap3A_413 = tpu.vector_load %arg8[%swap3A_411, %swap3A_412] {strides = array<i32>} : memref<32x128xf32, #tpu.memory_space<vmem>>, vector<16xf32>,
          tpu.vector_store %arg8[%swap3A_411, %swap3A_412], %div3A_409 {strides = array<i32>} : memref<32x128xf32, #tpu.memory_space<vmem>>, vector<16xf32>,
          %get3A_414 = arith.constant 8 : i32
          %get3A_415 = arith.index_cast %get3A_414 : i32 to index
          %get3A_416 = arith.index_cast %mul3A_288 : i32 to index
          %get3A_417 = tpu.vector_load %arg7[%get3A_415, %get3A_416] {strides = array<i32>} : memref<32x128xf32, #tpu.memory_space<vmem>>, vector<16xf32>,
          %max3A_418 = arith.constant 0.000000e+00 : f32
          %max3A_419 = vector.broadcast %max3A_418 : f32 to vector<16xf32>
          %max3A_420 = arith.maximumf %get3A_417, %max3A_419 : vector<16xf32>
          %mul3A_421 = arith.mulf %max3A_420, %max3A_420 : vector<16xf32>
          %add3A_422 = arith.constant 1.1920929E-7 : f32
          %add3A_423 = vector.broadcast %add3A_422 : f32 to vector<16xf32>
          %add3A_424 = arith.addf %get3A_417, %add3A_423 : vector<16xf32>
          %div3A_425 = arith.divf %mul3A_421, %add3A_424 : vector<16xf32>
          %swap3A_426 = arith.constant 8 : i32
          %swap3A_427 = arith.index_cast %swap3A_426 : i32 to index
          %swap3A_428 = arith.index_cast %mul3A_288 : i32 to index
          %swap3A_429 = tpu.vector_load %arg8[%swap3A_427, %swap3A_428] {strides = array<i32>} : memref<32x128xf32, #tpu.memory_space<vmem>>, vector<16xf32>,
          tpu.vector_store %arg8[%swap3A_427, %swap3A_428], %div3A_425 {strides = array<i32>} : memref<32x128xf32, #tpu.memory_space<vmem>>, vector<16xf32>,
          %get3A_430 = arith.constant 9 : i32
          %get3A_431 = arith.index_cast %get3A_430 : i32 to index
          %get3A_432 = arith.index_cast %mul3A_288 : i32 to index
          %get3A_433 = tpu.vector_load %arg7[%get3A_431, %get3A_432] {strides = array<i32>} : memref<32x128xf32, #tpu.memory_space<vmem>>, vector<16xf32>,
          %max3A_434 = arith.constant 0.000000e+00 : f32
          %max3A_435 = vector.broadcast %max3A_434 : f32 to vector<16xf32>
          %max3A_436 = arith.maximumf %get3A_433, %max3A_435 : vector<16xf32>
          %mul3A_437 = arith.mulf %max3A_436, %max3A_436 : vector<16xf32>
          %add3A_438 = arith.constant 1.1920929E-7 : f32
          %add3A_439 = vector.broadcast %add3A_438 : f32 to vector<16xf32>
          %add3A_440 = arith.addf %get3A_433, %add3A_439 : vector<16xf32>
          %div3A_441 = arith.divf %mul3A_437, %add3A_440 : vector<16xf32>
          %swap3A_442 = arith.constant 9 : i32
          %swap3A_443 = arith.index_cast %swap3A_442 : i32 to index
          %swap3A_444 = arith.index_cast %mul3A_288 : i32 to index
          %swap3A_445 = tpu.vector_load %arg8[%swap3A_443, %swap3A_444] {strides = array<i32>} : memref<32x128xf32, #tpu.memory_space<vmem>>, vector<16xf32>,
          tpu.vector_store %arg8[%swap3A_443, %swap3A_444], %div3A_441 {strides = array<i32>} : memref<32x128xf32, #tpu.memory_space<vmem>>, vector<16xf32>,
          %get3A_446 = arith.constant 10 : i32
          %get3A_447 = arith.index_cast %get3A_446 : i32 to index
          %get3A_448 = arith.index_cast %mul3A_288 : i32 to index
          %get3A_449 = tpu.vector_load %arg7[%get3A_447, %get3A_448] {strides = array<i32>} : memref<32x128xf32, #tpu.memory_space<vmem>>, vector<16xf32>,
          %max3A_450 = arith.constant 0.000000e+00 : f32
          %max3A_451 = vector.broadcast %max3A_450 : f32 to vector<16xf32>
          %max3A_452 = arith.maximumf %get3A_449, %max3A_451 : vector<16xf32>
          %mul3A_453 = arith.mulf %max3A_452, %max3A_452 : vector<16xf32>
          %add3A_454 = arith.constant 1.1920929E-7 : f32
          %add3A_455 = vector.broadcast %add3A_454 : f32 to vector<16xf32>
          %add3A_456 = arith.addf %get3A_449, %add3A_455 : vector<16xf32>
          %div3A_457 = arith.divf %mul3A_453, %add3A_456 : vector<16xf32>
          %swap3A_458 = arith.constant 10 : i32
          %swap3A_459 = arith.index_cast %swap3A_458 : i32 to index
          %swap3A_460 = arith.index_cast %mul3A_288 : i32 to index
          %swap3A_461 = tpu.vector_load %arg8[%swap3A_459, %swap3A_460] {strides = array<i32>} : memref<32x128xf32, #tpu.memory_space<vmem>>, vector<16xf32>,
          tpu.vector_store %arg8[%swap3A_459, %swap3A_460], %div3A_457 {strides = array<i32>} : memref<32x128xf32, #tpu.memory_space<vmem>>, vector<16xf32>,
          %get3A_462 = arith.constant 11 : i32
          %get3A_463 = arith.index_cast %get3A_462 : i32 to index
          %get3A_464 = arith.index_cast %mul3A_288 : i32 to index
          %get3A_465 = tpu.vector_load %arg7[%get3A_463, %get3A_464] {strides = array<i32>} : memref<32x128xf32, #tpu.memory_space<vmem>>, vector<16xf32>,
          %max3A_466 = arith.constant 0.000000e+00 : f32
          %max3A_467 = vector.broadcast %max3A_466 : f32 to vector<16xf32>
          %max3A_468 = arith.maximumf %get3A_465, %max3A_467 : vector<16xf32>
          %mul3A_469 = arith.mulf %max3A_468, %max3A_468 : vector<16xf32>
          %add3A_470 = arith.constant 1.1920929E-7 : f32
          %add3A_471 = vector.broadcast %add3A_470 : f32 to vector<16xf32>
          %add3A_472 = arith.addf %get3A_465, %add3A_471 : vector<16xf32>
          %div3A_473 = arith.divf %mul3A_469, %add3A_472 : vector<16xf32>
          %swap3A_474 = arith.constant 11 : i32
          %swap3A_475 = arith.index_cast %swap3A_474 : i32 to index
          %swap3A_476 = arith.index_cast %mul3A_288 : i32 to index
          %swap3A_477 = tpu.vector_load %arg8[%swap3A_475, %swap3A_476] {strides = array<i32>} : memref<32x128xf32, #tpu.memory_space<vmem>>, vector<16xf32>,
          tpu.vector_store %arg8[%swap3A_475, %swap3A_476], %div3A_473 {strides = array<i32>} : memref<32x128xf32, #tpu.memory_space<vmem>>, vector<16xf32>,
          %get3A_478 = arith.constant 12 : i32
          %get3A_479 = arith.index_cast %get3A_478 : i32 to index
          %get3A_480 = arith.index_cast %mul3A_288 : i32 to index
          %get3A_481 = tpu.vector_load %arg7[%get3A_479, %get3A_480] {strides = array<i32>} : memref<32x128xf32, #tpu.memory_space<vmem>>, vector<16xf32>,
          %max3A_482 = arith.constant 0.000000e+00 : f32
          %max3A_483 = vector.broadcast %max3A_482 : f32 to vector<16xf32>
          %max3A_484 = arith.maximumf %get3A_481, %max3A_483 : vector<16xf32>
          %mul3A_485 = arith.mulf %max3A_484, %max3A_484 : vector<16xf32>
          %add3A_486 = arith.constant 1.1920929E-7 : f32
          %add3A_487 = vector.broadcast %add3A_486 : f32 to vector<16xf32>
          %add3A_488 = arith.addf %get3A_481, %add3A_487 : vector<16xf32>
          %div3A_489 = arith.divf %mul3A_485, %add3A_488 : vector<16xf32>
          %swap3A_490 = arith.constant 12 : i32
          %swap3A_491 = arith.index_cast %swap3A_490 : i32 to index
          %swap3A_492 = arith.index_cast %mul3A_288 : i32 to index
          %swap3A_493 = tpu.vector_load %arg8[%swap3A_491, %swap3A_492] {strides = array<i32>} : memref<32x128xf32, #tpu.memory_space<vmem>>, vector<16xf32>,
          tpu.vector_store %arg8[%swap3A_491, %swap3A_492], %div3A_489 {strides = array<i32>} : memref<32x128xf32, #tpu.memory_space<vmem>>, vector<16xf32>,
          %get3A_494 = arith.constant 13 : i32
          %get3A_495 = arith.index_cast %get3A_494 : i32 to index
          %get3A_496 = arith.index_cast %mul3A_288 : i32 to index
          %get3A_497 = tpu.vector_load %arg7[%get3A_495, %get3A_496] {strides = array<i32>} : memref<32x128xf32, #tpu.memory_space<vmem>>, vector<16xf32>,
          %max3A_498 = arith.constant 0.000000e+00 : f32
          %max3A_499 = vector.broadcast %max3A_498 : f32 to vector<16xf32>
          %max3A_500 = arith.maximumf %get3A_497, %max3A_499 : vector<16xf32>
          %mul3A_501 = arith.mulf %max3A_500, %max3A_500 : vector<16xf32>
          %add3A_502 = arith.constant 1.1920929E-7 : f32
          %add3A_503 = vector.broadcast %add3A_502 : f32 to vector<16xf32>
          %add3A_504 = arith.addf %get3A_497, %add3A_503 : vector<16xf32>
          %div3A_505 = arith.divf %mul3A_501, %add3A_504 : vector<16xf32>
          %swap3A_506 = arith.constant 13 : i32
          %swap3A_507 = arith.index_cast %swap3A_506 : i32 to index
          %swap3A_508 = arith.index_cast %mul3A_288 : i32 to index
          %swap3A_509 = tpu.vector_load %arg8[%swap3A_507, %swap3A_508] {strides = array<i32>} : memref<32x128xf32, #tpu.memory_space<vmem>>, vector<16xf32>,
          tpu.vector_store %arg8[%swap3A_507, %swap3A_508], %div3A_505 {strides = array<i32>} : memref<32x128xf32, #tpu.memory_space<vmem>>, vector<16xf32>,
          %get3A_510 = arith.constant 14 : i32
          %get3A_511 = arith.index_cast %get3A_510 : i32 to index
          %get3A_512 = arith.index_cast %mul3A_288 : i32 to index
          %get3A_513 = tpu.vector_load %arg7[%get3A_511, %get3A_512] {strides = array<i32>} : memref<32x128xf32, #tpu.memory_space<vmem>>, vector<16xf32>,
          %max3A_514 = arith.constant 0.000000e+00 : f32
          %max3A_515 = vector.broadcast %max3A_514 : f32 to vector<16xf32>
          %max3A_516 = arith.maximumf %get3A_513, %max3A_515 : vector<16xf32>
          %mul3A_517 = arith.mulf %max3A_516, %max3A_516 : vector<16xf32>
          %add3A_518 = arith.constant 1.1920929E-7 : f32
          %add3A_519 = vector.broadcast %add3A_518 : f32 to vector<16xf32>
          %add3A_520 = arith.addf %get3A_513, %add3A_519 : vector<16xf32>
          %div3A_521 = arith.divf %mul3A_517, %add3A_520 : vector<16xf32>
          %swap3A_522 = arith.constant 14 : i32
          %swap3A_523 = arith.index_cast %swap3A_522 : i32 to index
          %swap3A_524 = arith.index_cast %mul3A_288 : i32 to index
          %swap3A_525 = tpu.vector_load %arg8[%swap3A_523, %swap3A_524] {strides = array<i32>} : memref<32x128xf32, #tpu.memory_space<vmem>>, vector<16xf32>,
          tpu.vector_store %arg8[%swap3A_523, %swap3A_524], %div3A_521 {strides = array<i32>} : memref<32x128xf32, #tpu.memory_space<vmem>>, vector<16xf32>,
          %get3A_526 = arith.constant 15 : i32
          %get3A_527 = arith.index_cast %get3A_526 : i32 to index
          %get3A_528 = arith.index_cast %mul3A_288 : i32 to index
          %get3A_529 = tpu.vector_load %arg7[%get3A_527, %get3A_528] {strides = array<i32>} : memref<32x128xf32, #tpu.memory_space<vmem>>, vector<16xf32>,
          %max3A_530 = arith.constant 0.000000e+00 : f32
          %max3A_531 = vector.broadcast %max3A_530 : f32 to vector<16xf32>
          %max3A_532 = arith.maximumf %get3A_529, %max3A_531 : vector<16xf32>
          %mul3A_533 = arith.mulf %max3A_532, %max3A_532 : vector<16xf32>
          %add3A_534 = arith.constant 1.1920929E-7 : f32
          %add3A_535 = vector.broadcast %add3A_534 : f32 to vector<16xf32>
          %add3A_536 = arith.addf %get3A_529, %add3A_535 : vector<16xf32>
          %div3A_537 = arith.divf %mul3A_533, %add3A_536 : vector<16xf32>
          %swap3A_538 = arith.constant 15 : i32
          %swap3A_539 = arith.index_cast %swap3A_538 : i32 to index
          %swap3A_540 = arith.index_cast %mul3A_288 : i32 to index
          %swap3A_541 = tpu.vector_load %arg8[%swap3A_539, %swap3A_540] {strides = array<i32>} : memref<32x128xf32, #tpu.memory_space<vmem>>, vector<16xf32>,
          tpu.vector_store %arg8[%swap3A_539, %swap3A_540], %div3A_537 {strides = array<i32>} : memref<32x128xf32, #tpu.memory_space<vmem>>, vector<16xf32>,
          %get3A_542 = arith.constant 16 : i32
          %get3A_543 = arith.index_cast %get3A_542 : i32 to index
          %get3A_544 = arith.index_cast %mul3A_288 : i32 to index
          %get3A_545 = tpu.vector_load %arg7[%get3A_543, %get3A_544] {strides = array<i32>} : memref<32x128xf32, #tpu.memory_space<vmem>>, vector<16xf32>,
          %max3A_546 = arith.constant 0.000000e+00 : f32
          %max3A_547 = vector.broadcast %max3A_546 : f32 to vector<16xf32>
          %max3A_548 = arith.maximumf %get3A_545, %max3A_547 : vector<16xf32>
          %mul3A_549 = arith.mulf %max3A_548, %max3A_548 : vector<16xf32>
          %add3A_550 = arith.constant 1.1920929E-7 : f32
          %add3A_551 = vector.broadcast %add3A_550 : f32 to vector<16xf32>
          %add3A_552 = arith.addf %get3A_545, %add3A_551 : vector<16xf32>
          %div3A_553 = arith.divf %mul3A_549, %add3A_552 : vector<16xf32>
          %swap3A_554 = arith.constant 16 : i32
          %swap3A_555 = arith.index_cast %swap3A_554 : i32 to index
          %swap3A_556 = arith.index_cast %mul3A_288 : i32 to index
          %swap3A_557 = tpu.vector_load %arg8[%swap3A_555, %swap3A_556] {strides = array<i32>} : memref<32x128xf32, #tpu.memory_space<vmem>>, vector<16xf32>,
          tpu.vector_store %arg8[%swap3A_555, %swap3A_556], %div3A_553 {strides = array<i32>} : memref<32x128xf32, #tpu.memory_space<vmem>>, vector<16xf32>,
          %get3A_558 = arith.constant 17 : i32
          %get3A_559 = arith.index_cast %get3A_558 : i32 to index
          %get3A_560 = arith.index_cast %mul3A_288 : i32 to index
          %get3A_561 = tpu.vector_load %arg7[%get3A_559, %get3A_560] {strides = array<i32>} : memref<32x128xf32, #tpu.memory_space<vmem>>, vector<16xf32>,
          %max3A_562 = arith.constant 0.000000e+00 : f32
          %max3A_563 = vector.broadcast %max3A_562 : f32 to vector<16xf32>
          %max3A_564 = arith.maximumf %get3A_561, %max3A_563 : vector<16xf32>
          %mul3A_565 = arith.mulf %max3A_564, %max3A_564 : vector<16xf32>
          %add3A_566 = arith.constant 1.1920929E-7 : f32
          %add3A_567 = vector.broadcast %add3A_566 : f32 to vector<16xf32>
          %add3A_568 = arith.addf %get3A_561, %add3A_567 : vector<16xf32>
          %div3A_569 = arith.divf %mul3A_565, %add3A_568 : vector<16xf32>
          %swap3A_570 = arith.constant 17 : i32
          %swap3A_571 = arith.index_cast %swap3A_570 : i32 to index
          %swap3A_572 = arith.index_cast %mul3A_288 : i32 to index
          %swap3A_573 = tpu.vector_load %arg8[%swap3A_571, %swap3A_572] {strides = array<i32>} : memref<32x128xf32, #tpu.memory_space<vmem>>, vector<16xf32>,
          tpu.vector_store %arg8[%swap3A_571, %swap3A_572], %div3A_569 {strides = array<i32>} : memref<32x128xf32, #tpu.memory_space<vmem>>, vector<16xf32>,
          %get3A_574 = arith.constant 18 : i32
          %get3A_575 = arith.index_cast %get3A_574 : i32 to index
          %get3A_576 = arith.index_cast %mul3A_288 : i32 to index
          %get3A_577 = tpu.vector_load %arg7[%get3A_575, %get3A_576] {strides = array<i32>} : memref<32x128xf32, #tpu.memory_space<vmem>>, vector<16xf32>,
          %max3A_578 = arith.constant 0.000000e+00 : f32
          %max3A_579 = vector.broadcast %max3A_578 : f32 to vector<16xf32>
          %max3A_580 = arith.maximumf %get3A_577, %max3A_579 : vector<16xf32>
          %mul3A_581 = arith.mulf %max3A_580, %max3A_580 : vector<16xf32>
          %add3A_582 = arith.constant 1.1920929E-7 : f32
          %add3A_583 = vector.broadcast %add3A_582 : f32 to vector<16xf32>
          %add3A_584 = arith.addf %get3A_577, %add3A_583 : vector<16xf32>
          %div3A_585 = arith.divf %mul3A_581, %add3A_584 : vector<16xf32>
          %swap3A_586 = arith.constant 18 : i32
          %swap3A_587 = arith.index_cast %swap3A_586 : i32 to index
          %swap3A_588 = arith.index_cast %mul3A_288 : i32 to index
          %swap3A_589 = tpu.vector_load %arg8[%swap3A_587, %swap3A_588] {strides = array<i32>} : memref<32x128xf32, #tpu.memory_space<vmem>>, vector<16xf32>,
          tpu.vector_store %arg8[%swap3A_587, %swap3A_588], %div3A_585 {strides = array<i32>} : memref<32x128xf32, #tpu.memory_space<vmem>>, vector<16xf32>,
          %get3A_590 = arith.constant 19 : i32
          %get3A_591 = arith.index_cast %get3A_590 : i32 to index
          %get3A_592 = arith.index_cast %mul3A_288 : i32 to index
          %get3A_593 = tpu.vector_load %arg7[%get3A_591, %get3A_592] {strides = array<i32>} : memref<32x128xf32, #tpu.memory_space<vmem>>, vector<16xf32>,
          %max3A_594 = arith.constant 0.000000e+00 : f32
          %max3A_595 = vector.broadcast %max3A_594 : f32 to vector<16xf32>
          %max3A_596 = arith.maximumf %get3A_593, %max3A_595 : vector<16xf32>
          %mul3A_597 = arith.mulf %max3A_596, %max3A_596 : vector<16xf32>
          %add3A_598 = arith.constant 1.1920929E-7 : f32
          %add3A_599 = vector.broadcast %add3A_598 : f32 to vector<16xf32>
          %add3A_600 = arith.addf %get3A_593, %add3A_599 : vector<16xf32>
          %div3A_601 = arith.divf %mul3A_597, %add3A_600 : vector<16xf32>
          %swap3A_602 = arith.constant 19 : i32
          %swap3A_603 = arith.index_cast %swap3A_602 : i32 to index
          %swap3A_604 = arith.index_cast %mul3A_288 : i32 to index
          %swap3A_605 = tpu.vector_load %arg8[%swap3A_603, %swap3A_604] {strides = array<i32>} : memref<32x128xf32, #tpu.memory_space<vmem>>, vector<16xf32>,
          tpu.vector_store %arg8[%swap3A_603, %swap3A_604], %div3A_601 {strides = array<i32>} : memref<32x128xf32, #tpu.memory_space<vmem>>, vector<16xf32>,
          %get3A_606 = arith.constant 20 : i32
          %get3A_607 = arith.index_cast %get3A_606 : i32 to index
          %get3A_608 = arith.index_cast %mul3A_288 : i32 to index
          %get3A_609 = tpu.vector_load %arg7[%get3A_607, %get3A_608] {strides = array<i32>} : memref<32x128xf32, #tpu.memory_space<vmem>>, vector<16xf32>,
          %max3A_610 = arith.constant 0.000000e+00 : f32
          %max3A_611 = vector.broadcast %max3A_610 : f32 to vector<16xf32>
          %max3A_612 = arith.maximumf %get3A_609, %max3A_611 : vector<16xf32>
          %mul3A_613 = arith.mulf %max3A_612, %max3A_612 : vector<16xf32>
          %add3A_614 = arith.constant 1.1920929E-7 : f32
          %add3A_615 = vector.broadcast %add3A_614 : f32 to vector<16xf32>
          %add3A_616 = arith.addf %get3A_609, %add3A_615 : vector<16xf32>
          %div3A_617 = arith.divf %mul3A_613, %add3A_616 : vector<16xf32>
          %swap3A_618 = arith.constant 20 : i32
          %swap3A_619 = arith.index_cast %swap3A_618 : i32 to index
          %swap3A_620 = arith.index_cast %mul3A_288 : i32 to index
          %swap3A_621 = tpu.vector_load %arg8[%swap3A_619, %swap3A_620] {strides = array<i32>} : memref<32x128xf32, #tpu.memory_space<vmem>>, vector<16xf32>,
          tpu.vector_store %arg8[%swap3A_619, %swap3A_620], %div3A_617 {strides = array<i32>} : memref<32x128xf32, #tpu.memory_space<vmem>>, vector<16xf32>,
          %get3A_622 = arith.constant 21 : i32
          %get3A_623 = arith.index_cast %get3A_622 : i32 to index
          %get3A_624 = arith.index_cast %mul3A_288 : i32 to index
          %get3A_625 = tpu.vector_load %arg7[%get3A_623, %get3A_624] {strides = array<i32>} : memref<32x128xf32, #tpu.memory_space<vmem>>, vector<16xf32>,
          %max3A_626 = arith.constant 0.000000e+00 : f32
          %max3A_627 = vector.broadcast %max3A_626 : f32 to vector<16xf32>
          %max3A_628 = arith.maximumf %get3A_625, %max3A_627 : vector<16xf32>
          %mul3A_629 = arith.mulf %max3A_628, %max3A_628 : vector<16xf32>
          %add3A_630 = arith.constant 1.1920929E-7 : f32
          %add3A_631 = vector.broadcast %add3A_630 : f32 to vector<16xf32>
          %add3A_632 = arith.addf %get3A_625, %add3A_631 : vector<16xf32>
          %div3A_633 = arith.divf %mul3A_629, %add3A_632 : vector<16xf32>
          %swap3A_634 = arith.constant 21 : i32
          %swap3A_635 = arith.index_cast %swap3A_634 : i32 to index
          %swap3A_636 = arith.index_cast %mul3A_288 : i32 to index
          %swap3A_637 = tpu.vector_load %arg8[%swap3A_635, %swap3A_636] {strides = array<i32>} : memref<32x128xf32, #tpu.memory_space<vmem>>, vector<16xf32>,
          tpu.vector_store %arg8[%swap3A_635, %swap3A_636], %div3A_633 {strides = array<i32>} : memref<32x128xf32, #tpu.memory_space<vmem>>, vector<16xf32>,
          %get3A_638 = arith.constant 22 : i32
          %get3A_639 = arith.index_cast %get3A_638 : i32 to index
          %get3A_640 = arith.index_cast %mul3A_288 : i32 to index
          %get3A_641 = tpu.vector_load %arg7[%get3A_639, %get3A_640] {strides = array<i32>} : memref<32x128xf32, #tpu.memory_space<vmem>>, vector<16xf32>,
          %max3A_642 = arith.constant 0.000000e+00 : f32
          %max3A_643 = vector.broadcast %max3A_642 : f32 to vector<16xf32>
          %max3A_644 = arith.maximumf %get3A_641, %max3A_643 : vector<16xf32>
          %mul3A_645 = arith.mulf %max3A_644, %max3A_644 : vector<16xf32>
          %add3A_646 = arith.constant 1.1920929E-7 : f32
          %add3A_647 = vector.broadcast %add3A_646 : f32 to vector<16xf32>
          %add3A_648 = arith.addf %get3A_641, %add3A_647 : vector<16xf32>
          %div3A_649 = arith.divf %mul3A_645, %add3A_648 : vector<16xf32>
          %swap3A_650 = arith.constant 22 : i32
          %swap3A_651 = arith.index_cast %swap3A_650 : i32 to index
          %swap3A_652 = arith.index_cast %mul3A_288 : i32 to index
          %swap3A_653 = tpu.vector_load %arg8[%swap3A_651, %swap3A_652] {strides = array<i32>} : memref<32x128xf32, #tpu.memory_space<vmem>>, vector<16xf32>,
          tpu.vector_store %arg8[%swap3A_651, %swap3A_652], %div3A_649 {strides = array<i32>} : memref<32x128xf32, #tpu.memory_space<vmem>>, vector<16xf32>,
          %get3A_654 = arith.constant 23 : i32
          %get3A_655 = arith.index_cast %get3A_654 : i32 to index
          %get3A_656 = arith.index_cast %mul3A_288 : i32 to index
          %get3A_657 = tpu.vector_load %arg7[%get3A_655, %get3A_656] {strides = array<i32>} : memref<32x128xf32, #tpu.memory_space<vmem>>, vector<16xf32>,
          %max3A_658 = arith.constant 0.000000e+00 : f32
          %max3A_659 = vector.broadcast %max3A_658 : f32 to vector<16xf32>
          %max3A_660 = arith.maximumf %get3A_657, %max3A_659 : vector<16xf32>
          %mul3A_661 = arith.mulf %max3A_660, %max3A_660 : vector<16xf32>
          %add3A_662 = arith.constant 1.1920929E-7 : f32
          %add3A_663 = vector.broadcast %add3A_662 : f32 to vector<16xf32>
          %add3A_664 = arith.addf %get3A_657, %add3A_663 : vector<16xf32>
          %div3A_665 = arith.divf %mul3A_661, %add3A_664 : vector<16xf32>
          %swap3A_666 = arith.constant 23 : i32
          %swap3A_667 = arith.index_cast %swap3A_666 : i32 to index
          %swap3A_668 = arith.index_cast %mul3A_288 : i32 to index
          %swap3A_669 = tpu.vector_load %arg8[%swap3A_667, %swap3A_668] {strides = array<i32>} : memref<32x128xf32, #tpu.memory_space<vmem>>, vector<16xf32>,
          tpu.vector_store %arg8[%swap3A_667, %swap3A_668], %div3A_665 {strides = array<i32>} : memref<32x128xf32, #tpu.memory_space<vmem>>, vector<16xf32>,
          %get3A_670 = arith.constant 24 : i32
          %get3A_671 = arith.index_cast %get3A_670 : i32 to index
          %get3A_672 = arith.index_cast %mul3A_288 : i32 to index
          %get3A_673 = tpu.vector_load %arg7[%get3A_671, %get3A_672] {strides = array<i32>} : memref<32x128xf32, #tpu.memory_space<vmem>>, vector<16xf32>,
          %max3A_674 = arith.constant 0.000000e+00 : f32
          %max3A_675 = vector.broadcast %max3A_674 : f32 to vector<16xf32>
          %max3A_676 = arith.maximumf %get3A_673, %max3A_675 : vector<16xf32>
          %mul3A_677 = arith.mulf %max3A_676, %max3A_676 : vector<16xf32>
          %add3A_678 = arith.constant 1.1920929E-7 : f32
          %add3A_679 = vector.broadcast %add3A_678 : f32 to vector<16xf32>
          %add3A_680 = arith.addf %get3A_673, %add3A_679 : vector<16xf32>
          %div3A_681 = arith.divf %mul3A_677, %add3A_680 : vector<16xf32>
          %swap3A_682 = arith.constant 24 : i32
          %swap3A_683 = arith.index_cast %swap3A_682 : i32 to index
          %swap3A_684 = arith.index_cast %mul3A_288 : i32 to index
          %swap3A_685 = tpu.vector_load %arg8[%swap3A_683, %swap3A_684] {strides = array<i32>} : memref<32x128xf32, #tpu.memory_space<vmem>>, vector<16xf32>,
          tpu.vector_store %arg8[%swap3A_683, %swap3A_684], %div3A_681 {strides = array<i32>} : memref<32x128xf32, #tpu.memory_space<vmem>>, vector<16xf32>,
          %get3A_686 = arith.constant 25 : i32
          %get3A_687 = arith.index_cast %get3A_686 : i32 to index
          %get3A_688 = arith.index_cast %mul3A_288 : i32 to index
          %get3A_689 = tpu.vector_load %arg7[%get3A_687, %get3A_688] {strides = array<i32>} : memref<32x128xf32, #tpu.memory_space<vmem>>, vector<16xf32>,
          %max3A_690 = arith.constant 0.000000e+00 : f32
          %max3A_691 = vector.broadcast %max3A_690 : f32 to vector<16xf32>
          %max3A_692 = arith.maximumf %get3A_689, %max3A_691 : vector<16xf32>
          %mul3A_693 = arith.mulf %max3A_692, %max3A_692 : vector<16xf32>
          %add3A_694 = arith.constant 1.1920929E-7 : f32
          %add3A_695 = vector.broadcast %add3A_694 : f32 to vector<16xf32>
          %add3A_696 = arith.addf %get3A_689, %add3A_695 : vector<16xf32>
          %div3A_697 = arith.divf %mul3A_693, %add3A_696 : vector<16xf32>
          %swap3A_698 = arith.constant 25 : i32
          %swap3A_699 = arith.index_cast %swap3A_698 : i32 to index
          %swap3A_700 = arith.index_cast %mul3A_288 : i32 to index
          %swap3A_701 = tpu.vector_load %arg8[%swap3A_699, %swap3A_700] {strides = array<i32>} : memref<32x128xf32, #tpu.memory_space<vmem>>, vector<16xf32>,
          tpu.vector_store %arg8[%swap3A_699, %swap3A_700], %div3A_697 {strides = array<i32>} : memref<32x128xf32, #tpu.memory_space<vmem>>, vector<16xf32>,
          %get3A_702 = arith.constant 26 : i32
          %get3A_703 = arith.index_cast %get3A_702 : i32 to index
          %get3A_704 = arith.index_cast %mul3A_288 : i32 to index
          %get3A_705 = tpu.vector_load %arg7[%get3A_703, %get3A_704] {strides = array<i32>} : memref<32x128xf32, #tpu.memory_space<vmem>>, vector<16xf32>,
          %max3A_706 = arith.constant 0.000000e+00 : f32
          %max3A_707 = vector.broadcast %max3A_706 : f32 to vector<16xf32>
          %max3A_708 = arith.maximumf %get3A_705, %max3A_707 : vector<16xf32>
          %mul3A_709 = arith.mulf %max3A_708, %max3A_708 : vector<16xf32>
          %add3A_710 = arith.constant 1.1920929E-7 : f32
          %add3A_711 = vector.broadcast %add3A_710 : f32 to vector<16xf32>
          %add3A_712 = arith.addf %get3A_705, %add3A_711 : vector<16xf32>
          %div3A_713 = arith.divf %mul3A_709, %add3A_712 : vector<16xf32>
          %swap3A_714 = arith.constant 26 : i32
          %swap3A_715 = arith.index_cast %swap3A_714 : i32 to index
          %swap3A_716 = arith.index_cast %mul3A_288 : i32 to index
          %swap3A_717 = tpu.vector_load %arg8[%swap3A_715, %swap3A_716] {strides = array<i32>} : memref<32x128xf32, #tpu.memory_space<vmem>>, vector<16xf32>,
          tpu.vector_store %arg8[%swap3A_715, %swap3A_716], %div3A_713 {strides = array<i32>} : memref<32x128xf32, #tpu.memory_space<vmem>>, vector<16xf32>,
          %get3A_718 = arith.constant 27 : i32
          %get3A_719 = arith.index_cast %get3A_718 : i32 to index
          %get3A_720 = arith.index_cast %mul3A_288 : i32 to index
          %get3A_721 = tpu.vector_load %arg7[%get3A_719, %get3A_720] {strides = array<i32>} : memref<32x128xf32, #tpu.memory_space<vmem>>, vector<16xf32>,
          %max3A_722 = arith.constant 0.000000e+00 : f32
          %max3A_723 = vector.broadcast %max3A_722 : f32 to vector<16xf32>
          %max3A_724 = arith.maximumf %get3A_721, %max3A_723 : vector<16xf32>
          %mul3A_725 = arith.mulf %max3A_724, %max3A_724 : vector<16xf32>
          %add3A_726 = arith.constant 1.1920929E-7 : f32
          %add3A_727 = vector.broadcast %add3A_726 : f32 to vector<16xf32>
          %add3A_728 = arith.addf %get3A_721, %add3A_727 : vector<16xf32>
          %div3A_729 = arith.divf %mul3A_725, %add3A_728 : vector<16xf32>
          %swap3A_730 = arith.constant 27 : i32
          %swap3A_731 = arith.index_cast %swap3A_730 : i32 to index
          %swap3A_732 = arith.index_cast %mul3A_288 : i32 to index
          %swap3A_733 = tpu.vector_load %arg8[%swap3A_731, %swap3A_732] {strides = array<i32>} : memref<32x128xf32, #tpu.memory_space<vmem>>, vector<16xf32>,
          tpu.vector_store %arg8[%swap3A_731, %swap3A_732], %div3A_729 {strides = array<i32>} : memref<32x128xf32, #tpu.memory_space<vmem>>, vector<16xf32>,
          %get3A_734 = arith.constant 28 : i32
          %get3A_735 = arith.index_cast %get3A_734 : i32 to index
          %get3A_736 = arith.index_cast %mul3A_288 : i32 to index
          %get3A_737 = tpu.vector_load %arg7[%get3A_735, %get3A_736] {strides = array<i32>} : memref<32x128xf32, #tpu.memory_space<vmem>>, vector<16xf32>,
          %max3A_738 = arith.constant 0.000000e+00 : f32
          %max3A_739 = vector.broadcast %max3A_738 : f32 to vector<16xf32>
          %max3A_740 = arith.maximumf %get3A_737, %max3A_739 : vector<16xf32>
          %mul3A_741 = arith.mulf %max3A_740, %max3A_740 : vector<16xf32>
          %add3A_742 = arith.constant 1.1920929E-7 : f32
          %add3A_743 = vector.broadcast %add3A_742 : f32 to vector<16xf32>
          %add3A_744 = arith.addf %get3A_737, %add3A_743 : vector<16xf32>
          %div3A_745 = arith.divf %mul3A_741, %add3A_744 : vector<16xf32>
          %swap3A_746 = arith.constant 28 : i32
          %swap3A_747 = arith.index_cast %swap3A_746 : i32 to index
          %swap3A_748 = arith.index_cast %mul3A_288 : i32 to index
          %swap3A_749 = tpu.vector_load %arg8[%swap3A_747, %swap3A_748] {strides = array<i32>} : memref<32x128xf32, #tpu.memory_space<vmem>>, vector<16xf32>,
          tpu.vector_store %arg8[%swap3A_747, %swap3A_748], %div3A_745 {strides = array<i32>} : memref<32x128xf32, #tpu.memory_space<vmem>>, vector<16xf32>,
          %get3A_750 = arith.constant 29 : i32
          %get3A_751 = arith.index_cast %get3A_750 : i32 to index
          %get3A_752 = arith.index_cast %mul3A_288 : i32 to index
          %get3A_753 = tpu.vector_load %arg7[%get3A_751, %get3A_752] {strides = array<i32>} : memref<32x128xf32, #tpu.memory_space<vmem>>, vector<16xf32>,
          %max3A_754 = arith.constant 0.000000e+00 : f32
          %max3A_755 = vector.broadcast %max3A_754 : f32 to vector<16xf32>
          %max3A_756 = arith.maximumf %get3A_753, %max3A_755 : vector<16xf32>
          %mul3A_757 = arith.mulf %max3A_756, %max3A_756 : vector<16xf32>
          %add3A_758 = arith.constant 1.1920929E-7 : f32
          %add3A_759 = vector.broadcast %add3A_758 : f32 to vector<16xf32>
          %add3A_760 = arith.addf %get3A_753, %add3A_759 : vector<16xf32>
          %div3A_761 = arith.divf %mul3A_757, %add3A_760 : vector<16xf32>
          %swap3A_762 = arith.constant 29 : i32
          %swap3A_763 = arith.index_cast %swap3A_762 : i32 to index
          %swap3A_764 = arith.index_cast %mul3A_288 : i32 to index
          %swap3A_765 = tpu.vector_load %arg8[%swap3A_763, %swap3A_764] {strides = array<i32>} : memref<32x128xf32, #tpu.memory_space<vmem>>, vector<16xf32>,
          tpu.vector_store %arg8[%swap3A_763, %swap3A_764], %div3A_761 {strides = array<i32>} : memref<32x128xf32, #tpu.memory_space<vmem>>, vector<16xf32>,
          %get3A_766 = arith.constant 30 : i32
          %get3A_767 = arith.index_cast %get3A_766 : i32 to index
          %get3A_768 = arith.index_cast %mul3A_288 : i32 to index
          %get3A_769 = tpu.vector_load %arg7[%get3A_767, %get3A_768] {strides = array<i32>} : memref<32x128xf32, #tpu.memory_space<vmem>>, vector<16xf32>,
          %max3A_770 = arith.constant 0.000000e+00 : f32
          %max3A_771 = vector.broadcast %max3A_770 : f32 to vector<16xf32>
          %max3A_772 = arith.maximumf %get3A_769, %max3A_771 : vector<16xf32>
          %mul3A_773 = arith.mulf %max3A_772, %max3A_772 : vector<16xf32>
          %add3A_774 = arith.constant 1.1920929E-7 : f32
          %add3A_775 = vector.broadcast %add3A_774 : f32 to vector<16xf32>
          %add3A_776 = arith.addf %get3A_769, %add3A_775 : vector<16xf32>
          %div3A_777 = arith.divf %mul3A_773, %add3A_776 : vector<16xf32>
          %swap3A_778 = arith.constant 30 : i32
          %swap3A_779 = arith.index_cast %swap3A_778 : i32 to index
          %swap3A_780 = arith.index_cast %mul3A_288 : i32 to index
          %swap3A_781 = tpu.vector_load %arg8[%swap3A_779, %swap3A_780] {strides = array<i32>} : memref<32x128xf32, #tpu.memory_space<vmem>>, vector<16xf32>,
          tpu.vector_store %arg8[%swap3A_779, %swap3A_780], %div3A_777 {strides = array<i32>} : memref<32x128xf32, #tpu.memory_space<vmem>>, vector<16xf32>,
          %get3A_782 = arith.constant 31 : i32
          %get3A_783 = arith.index_cast %get3A_782 : i32 to index
          %get3A_784 = arith.index_cast %mul3A_288 : i32 to index
          %get3A_785 = tpu.vector_load %arg7[%get3A_783, %get3A_784] {strides = array<i32>} : memref<32x128xf32, #tpu.memory_space<vmem>>, vector<16xf32>,
          %max3A_786 = arith.constant 0.000000e+00 : f32
          %max3A_787 = vector.broadcast %max3A_786 : f32 to vector<16xf32>
          %max3A_788 = arith.maximumf %get3A_785, %max3A_787 : vector<16xf32>
          %mul3A_789 = arith.mulf %max3A_788, %max3A_788 : vector<16xf32>
          %add3A_790 = arith.constant 1.1920929E-7 : f32
          %add3A_791 = vector.broadcast %add3A_790 : f32 to vector<16xf32>
          %add3A_792 = arith.addf %get3A_785, %add3A_791 : vector<16xf32>
          %div3A_793 = arith.divf %mul3A_789, %add3A_792 : vector<16xf32>
          %swap3A_794 = arith.constant 31 : i32
          %swap3A_795 = arith.index_cast %swap3A_794 : i32 to index
          %swap3A_796 = arith.index_cast %mul3A_288 : i32 to index
          %swap3A_797 = tpu.vector_load %arg8[%swap3A_795, %swap3A_796] {strides = array<i32>} : memref<32x128xf32, #tpu.memory_space<vmem>>, vector<16xf32>,
          tpu.vector_store %arg8[%swap3A_795, %swap3A_796], %div3A_793 {strides = array<i32>} : memref<32x128xf32, #tpu.memory_space<vmem>>, vector<16xf32>,
          %scan3A_798 = arith.constant 0 : i32
          scf.yield %scan3A_798 : i32
        }
        %scan3A_284 = arith.constant 8 : i32
      } else {
        %mul3A_278 = arith.constant 128 : i32
        %mul3A_279 = arith.muli %add3A_41, %mul3A_278 : i32
        %add3A_280 = arith.addi %mul3A_2, %mul3A_279 : i32
        "tpu.region"() ({
          %run_scoped3A = tpu.sem_alloc : memref<!tpu.dma_semaphore, #tpu.memory_space<semaphore_mem>>
          %dma_start3A_288 = arith.constant 0 : i32
          %dma_start3A_289 = tpu.memref_slice %arg2[%dma_start3A_288, %add3A_280] : memref<33x262144xf32, #tpu.memory_space<hbm>> -> memref<33x128xf32, #tpu.memory_space<hbm>>
          %dma_start3A_290 = arith.constant 0 : i32
          %dma_start3A_291 = tpu.memref_slice %arg2[%dma_start3A_290, %add3A_280] : memref<33x262144xf32, #tpu.memory_space<hbm>> -> memref<33x128xf32, #tpu.memory_space<hbm>>
          tpu.enqueue_dma source(%dma_start3A_291 : memref<33x128xf32, #tpu.memory_space<hbm>>) target(%arg15 : memref<33x128xf32, #tpu.memory_space<vmem>>) target_semaphore(%run_scoped3A : memref<!tpu.dma_semaphore, #tpu.memory_space<semaphore_mem>>)
          %dma_wait3A_292 = arith.constant 0 : i32
          %dma_wait3A_293 = tpu.memref_slice %arg2[%dma_wait3A_292, %add3A_280] : memref<33x262144xf32, #tpu.memory_space<hbm>> -> memref<33x128xf32, #tpu.memory_space<hbm>>
          %dma_wait3A_294 = arith.constant 0 : i32
          %dma_wait3A_295 = tpu.memref_slice %arg2[%dma_wait3A_294, %add3A_280] : memref<33x262144xf32, #tpu.memory_space<hbm>> -> memref<33x128xf32, #tpu.memory_space<hbm>>
          tpu.wait_dma2 semaphore(%run_scoped3A : memref<!tpu.dma_semaphore, #tpu.memory_space<semaphore_mem>>) src(%dma_wait3A_295 : memref<33x128xf32, #tpu.memory_space<hbm>>) dst(%arg15 : memref<33x128xf32, #tpu.memory_space<vmem>>)
          tpu.yield
        }) : () -> ()
        "tpu.region"() ({
          %run_scoped3A = tpu.sem_alloc : memref<!tpu.dma_semaphore, #tpu.memory_space<semaphore_mem>>
          %dma_start3A_288 = arith.constant 0 : i32
          %dma_start3A_289 = tpu.memref_slice %arg4[%dma_start3A_288, %add3A_280] : memref<65x262144xf32, #tpu.memory_space<hbm>> -> memref<65x128xf32, #tpu.memory_space<hbm>>
          %dma_start3A_290 = arith.constant 0 : i32
          %dma_start3A_291 = tpu.memref_slice %arg4[%dma_start3A_290, %add3A_280] : memref<65x262144xf32, #tpu.memory_space<hbm>> -> memref<65x128xf32, #tpu.memory_space<hbm>>
          tpu.enqueue_dma source(%dma_start3A_291 : memref<65x128xf32, #tpu.memory_space<hbm>>) target(%arg16 : memref<65x128xf32, #tpu.memory_space<vmem>>) target_semaphore(%run_scoped3A : memref<!tpu.dma_semaphore, #tpu.memory_space<semaphore_mem>>)
          %dma_wait3A_292 = arith.constant 0 : i32
          %dma_wait3A_293 = tpu.memref_slice %arg4[%dma_wait3A_292, %add3A_280] : memref<65x262144xf32, #tpu.memory_space<hbm>> -> memref<65x128xf32, #tpu.memory_space<hbm>>
          %dma_wait3A_294 = arith.constant 0 : i32
          %dma_wait3A_295 = tpu.memref_slice %arg4[%dma_wait3A_294, %add3A_280] : memref<65x262144xf32, #tpu.memory_space<hbm>> -> memref<65x128xf32, #tpu.memory_space<hbm>>
          tpu.wait_dma2 semaphore(%run_scoped3A : memref<!tpu.dma_semaphore, #tpu.memory_space<semaphore_mem>>) src(%dma_wait3A_295 : memref<65x128xf32, #tpu.memory_space<hbm>>) dst(%arg16 : memref<65x128xf32, #tpu.memory_space<vmem>>)
          tpu.yield
        }) : () -> ()
        "tpu.region"() ({
          %run_scoped3A = tpu.sem_alloc : memref<!tpu.dma_semaphore, #tpu.memory_space<semaphore_mem>>
          %dma_start3A_288 = arith.constant 0 : i32
          %dma_start3A_289 = tpu.memref_slice %arg5[%dma_start3A_288, %add3A_280] : memref<64x262144xf32, #tpu.memory_space<hbm>> -> memref<64x128xf32, #tpu.memory_space<hbm>>
          %dma_start3A_290 = arith.constant 0 : i32
          %dma_start3A_291 = tpu.memref_slice %arg5[%dma_start3A_290, %add3A_280] : memref<64x262144xf32, #tpu.memory_space<hbm>> -> memref<64x128xf32, #tpu.memory_space<hbm>>
          tpu.enqueue_dma source(%dma_start3A_291 : memref<64x128xf32, #tpu.memory_space<hbm>>) target(%arg17 : memref<64x128xf32, #tpu.memory_space<vmem>>) target_semaphore(%run_scoped3A : memref<!tpu.dma_semaphore, #tpu.memory_space<semaphore_mem>>)
          %dma_wait3A_292 = arith.constant 0 : i32
          %dma_wait3A_293 = tpu.memref_slice %arg5[%dma_wait3A_292, %add3A_280] : memref<64x262144xf32, #tpu.memory_space<hbm>> -> memref<64x128xf32, #tpu.memory_space<hbm>>
          %dma_wait3A_294 = arith.constant 0 : i32
          %dma_wait3A_295 = tpu.memref_slice %arg5[%dma_wait3A_294, %add3A_280] : memref<64x262144xf32, #tpu.memory_space<hbm>> -> memref<64x128xf32, #tpu.memory_space<hbm>>
          tpu.wait_dma2 semaphore(%run_scoped3A : memref<!tpu.dma_semaphore, #tpu.memory_space<semaphore_mem>>) src(%dma_wait3A_295 : memref<64x128xf32, #tpu.memory_space<hbm>>) dst(%arg17 : memref<64x128xf32, #tpu.memory_space<vmem>>)
          tpu.yield
        }) : () -> ()
        %scan3A_281 = arith.constant 0 : i32
        %scan3A_282 = arith.constant 0 : i32
        %scan3A_283 = arith.constant 8 : i32
        %scan3A_284 = arith.addi %scan3A_282, %scan3A_283 : i32
        %scan3A_285 = arith.constant 1 : i32
        %scan3A_286 = scf.for %scan3A_288 = %scan3A_282 to %scan3A_284 step %scan3A_285 iter_args(%scan3A_289 = %scan3A_281) -> (i32)  : i32 {
          %mul3A_290 = arith.constant 16 : i32
          %mul3A_291 = arith.muli %scan3A_288, %mul3A_290 : i32
          %add3A_292 = vector.broadcast %mul3A_291 : i32 to vector<16xi32>
          %add3A_293 = arith.addi %iota3A, %add3A_292 : vector<16xi32>
          %get3A_294 = arith.constant 0 : i32
          %get3A_295 = arith.index_cast %get3A_294 : i32 to index
          %get3A_296 = arith.index_cast %mul3A_291 : i32 to index
          %get3A_297 = tpu.vector_load %arg9[%get3A_295, %get3A_296] {strides = array<i32>} : memref<1x128xf32, #tpu.memory_space<vmem>>, vector<16xf32>,
          %get3A_298 = arith.constant 0 : i32
          %get3A_299 = arith.index_cast %get3A_298 : i32 to index
          %get3A_300 = arith.index_cast %mul3A_291 : i32 to index
          %get3A_301 = tpu.vector_load %arg10[%get3A_299, %get3A_300] {strides = array<i32>} : memref<1x128xf32, #tpu.memory_space<vmem>>, vector<16xf32>,
          %gt3A_302 = arith.cmpf ogt, %get3A_297, %get3A_301 : vector<16xf32>
          %reduce_and3A_303 = arith.constant 1.000000e+00 : f32
          %reduce_and3A_304 = arith.constant 0.000000e+00 : f32
          %reduce_and3A_305 = vector.broadcast %reduce_and3A_303 : f32 to vector<16xf32>
          %reduce_and3A_306 = vector.broadcast %reduce_and3A_304 : f32 to vector<16xf32>
          %reduce_and3A_307 = arith.select %gt3A_302, %reduce_and3A_305, %reduce_and3A_306 : vector<16xi1>, vector<16xf32>
          %reduce_and3A_308 = arith.constant true
          %reduce_and3A_309 = vector.broadcast %reduce_and3A_308 : i1 to vector<16xi1>
          %reduce_and3A_310 = tpu.scan <min>, %reduce_and3A_307 masked %reduce_and3A_309 : vector<16xf32>, vector<16xi1> -> vector<16xf32>
          %reduce_and3A_311 = vector.extract %reduce_and3A_310[15] : f32 from vector<16xf32>
          %reduce_and3A_312 = arith.constant 0.000000e+00 : f32
          %reduce_and3A_313 = arith.cmpf ogt, %reduce_and3A_311, %reduce_and3A_312 : f32
          %convert_element_type3A_314 = arith.extui %reduce_and3A_313 : i1 to i32
          %cond3A_315 = arith.constant 0 : i32
          %cond3A_316 = arith.cmpi ne, %convert_element_type3A_314, %cond3A_315 : i32
          scf.if %cond3A_316 {
            %mul3A_318 = arith.constant 16 : i32
            %mul3A_319 = arith.muli %scan3A_288, %mul3A_318 : i32
            %get3A_320 = arith.constant 0 : i32
            %get3A_321 = arith.index_cast %get3A_320 : i32 to index
            %get3A_322 = arith.index_cast %mul3A_319 : i32 to index
            %get3A_323 = tpu.vector_load %arg7[%get3A_321, %get3A_322] {strides = array<i32>} : memref<32x128xf32, #tpu.memory_space<vmem>>, vector<16xf32>,
            %max3A = arith.constant 0.000000e+00 : f32
            %max3A_324 = vector.broadcast %max3A : f32 to vector<16xf32>
            %max3A_325 = arith.maximumf %get3A_323, %max3A_324 : vector<16xf32>
            %mul3A_326 = arith.mulf %max3A_325, %max3A_325 : vector<16xf32>
            %add3A_327 = arith.constant 1.1920929E-7 : f32
            %add3A_328 = vector.broadcast %add3A_327 : f32 to vector<16xf32>
            %add3A_329 = arith.addf %get3A_323, %add3A_328 : vector<16xf32>
            %div3A = arith.divf %mul3A_326, %add3A_329 : vector<16xf32>
            %swap3A = arith.constant 0 : i32
            %swap3A_330 = arith.index_cast %swap3A : i32 to index
            %swap3A_331 = arith.index_cast %mul3A_319 : i32 to index
            %swap3A_332 = tpu.vector_load %arg8[%swap3A_330, %swap3A_331] {strides = array<i32>} : memref<32x128xf32, #tpu.memory_space<vmem>>, vector<16xf32>,
            tpu.vector_store %arg8[%swap3A_330, %swap3A_331], %div3A {strides = array<i32>} : memref<32x128xf32, #tpu.memory_space<vmem>>, vector<16xf32>,
            %get3A_333 = arith.constant 1 : i32
            %get3A_334 = arith.index_cast %get3A_333 : i32 to index
            %get3A_335 = arith.index_cast %mul3A_319 : i32 to index
            %get3A_336 = tpu.vector_load %arg7[%get3A_334, %get3A_335] {strides = array<i32>} : memref<32x128xf32, #tpu.memory_space<vmem>>, vector<16xf32>,
            %max3A_337 = arith.constant 0.000000e+00 : f32
            %max3A_338 = vector.broadcast %max3A_337 : f32 to vector<16xf32>
            %max3A_339 = arith.maximumf %get3A_336, %max3A_338 : vector<16xf32>
            %mul3A_340 = arith.mulf %max3A_339, %max3A_339 : vector<16xf32>
            %add3A_341 = arith.constant 1.1920929E-7 : f32
            %add3A_342 = vector.broadcast %add3A_341 : f32 to vector<16xf32>
            %add3A_343 = arith.addf %get3A_336, %add3A_342 : vector<16xf32>
            %div3A_344 = arith.divf %mul3A_340, %add3A_343 : vector<16xf32>
            %swap3A_345 = arith.constant 1 : i32
            %swap3A_346 = arith.index_cast %swap3A_345 : i32 to index
            %swap3A_347 = arith.index_cast %mul3A_319 : i32 to index
            %swap3A_348 = tpu.vector_load %arg8[%swap3A_346, %swap3A_347] {strides = array<i32>} : memref<32x128xf32, #tpu.memory_space<vmem>>, vector<16xf32>,
            tpu.vector_store %arg8[%swap3A_346, %swap3A_347], %div3A_344 {strides = array<i32>} : memref<32x128xf32, #tpu.memory_space<vmem>>, vector<16xf32>,
            %get3A_349 = arith.constant 2 : i32
            %get3A_350 = arith.index_cast %get3A_349 : i32 to index
            %get3A_351 = arith.index_cast %mul3A_319 : i32 to index
            %get3A_352 = tpu.vector_load %arg7[%get3A_350, %get3A_351] {strides = array<i32>} : memref<32x128xf32, #tpu.memory_space<vmem>>, vector<16xf32>,
            %max3A_353 = arith.constant 0.000000e+00 : f32
            %max3A_354 = vector.broadcast %max3A_353 : f32 to vector<16xf32>
            %max3A_355 = arith.maximumf %get3A_352, %max3A_354 : vector<16xf32>
            %mul3A_356 = arith.mulf %max3A_355, %max3A_355 : vector<16xf32>
            %add3A_357 = arith.constant 1.1920929E-7 : f32
            %add3A_358 = vector.broadcast %add3A_357 : f32 to vector<16xf32>
            %add3A_359 = arith.addf %get3A_352, %add3A_358 : vector<16xf32>
            %div3A_360 = arith.divf %mul3A_356, %add3A_359 : vector<16xf32>
            %swap3A_361 = arith.constant 2 : i32
            %swap3A_362 = arith.index_cast %swap3A_361 : i32 to index
            %swap3A_363 = arith.index_cast %mul3A_319 : i32 to index
            %swap3A_364 = tpu.vector_load %arg8[%swap3A_362, %swap3A_363] {strides = array<i32>} : memref<32x128xf32, #tpu.memory_space<vmem>>, vector<16xf32>,
            tpu.vector_store %arg8[%swap3A_362, %swap3A_363], %div3A_360 {strides = array<i32>} : memref<32x128xf32, #tpu.memory_space<vmem>>, vector<16xf32>,
            %get3A_365 = arith.constant 3 : i32
            %get3A_366 = arith.index_cast %get3A_365 : i32 to index
            %get3A_367 = arith.index_cast %mul3A_319 : i32 to index
            %get3A_368 = tpu.vector_load %arg7[%get3A_366, %get3A_367] {strides = array<i32>} : memref<32x128xf32, #tpu.memory_space<vmem>>, vector<16xf32>,
            %max3A_369 = arith.constant 0.000000e+00 : f32
            %max3A_370 = vector.broadcast %max3A_369 : f32 to vector<16xf32>
            %max3A_371 = arith.maximumf %get3A_368, %max3A_370 : vector<16xf32>
            %mul3A_372 = arith.mulf %max3A_371, %max3A_371 : vector<16xf32>
            %add3A_373 = arith.constant 1.1920929E-7 : f32
            %add3A_374 = vector.broadcast %add3A_373 : f32 to vector<16xf32>
            %add3A_375 = arith.addf %get3A_368, %add3A_374 : vector<16xf32>
            %div3A_376 = arith.divf %mul3A_372, %add3A_375 : vector<16xf32>
            %swap3A_377 = arith.constant 3 : i32
            %swap3A_378 = arith.index_cast %swap3A_377 : i32 to index
            %swap3A_379 = arith.index_cast %mul3A_319 : i32 to index
            %swap3A_380 = tpu.vector_load %arg8[%swap3A_378, %swap3A_379] {strides = array<i32>} : memref<32x128xf32, #tpu.memory_space<vmem>>, vector<16xf32>,
            tpu.vector_store %arg8[%swap3A_378, %swap3A_379], %div3A_376 {strides = array<i32>} : memref<32x128xf32, #tpu.memory_space<vmem>>, vector<16xf32>,
            %get3A_381 = arith.constant 4 : i32
            %get3A_382 = arith.index_cast %get3A_381 : i32 to index
            %get3A_383 = arith.index_cast %mul3A_319 : i32 to index
            %get3A_384 = tpu.vector_load %arg7[%get3A_382, %get3A_383] {strides = array<i32>} : memref<32x128xf32, #tpu.memory_space<vmem>>, vector<16xf32>,
            %max3A_385 = arith.constant 0.000000e+00 : f32
            %max3A_386 = vector.broadcast %max3A_385 : f32 to vector<16xf32>
            %max3A_387 = arith.maximumf %get3A_384, %max3A_386 : vector<16xf32>
            %mul3A_388 = arith.mulf %max3A_387, %max3A_387 : vector<16xf32>
            %add3A_389 = arith.constant 1.1920929E-7 : f32
            %add3A_390 = vector.broadcast %add3A_389 : f32 to vector<16xf32>
            %add3A_391 = arith.addf %get3A_384, %add3A_390 : vector<16xf32>
            %div3A_392 = arith.divf %mul3A_388, %add3A_391 : vector<16xf32>
            %swap3A_393 = arith.constant 4 : i32
            %swap3A_394 = arith.index_cast %swap3A_393 : i32 to index
            %swap3A_395 = arith.index_cast %mul3A_319 : i32 to index
            %swap3A_396 = tpu.vector_load %arg8[%swap3A_394, %swap3A_395] {strides = array<i32>} : memref<32x128xf32, #tpu.memory_space<vmem>>, vector<16xf32>,
            tpu.vector_store %arg8[%swap3A_394, %swap3A_395], %div3A_392 {strides = array<i32>} : memref<32x128xf32, #tpu.memory_space<vmem>>, vector<16xf32>,
            %get3A_397 = arith.constant 5 : i32
            %get3A_398 = arith.index_cast %get3A_397 : i32 to index
            %get3A_399 = arith.index_cast %mul3A_319 : i32 to index
            %get3A_400 = tpu.vector_load %arg7[%get3A_398, %get3A_399] {strides = array<i32>} : memref<32x128xf32, #tpu.memory_space<vmem>>, vector<16xf32>,
            %max3A_401 = arith.constant 0.000000e+00 : f32
            %max3A_402 = vector.broadcast %max3A_401 : f32 to vector<16xf32>
            %max3A_403 = arith.maximumf %get3A_400, %max3A_402 : vector<16xf32>
            %mul3A_404 = arith.mulf %max3A_403, %max3A_403 : vector<16xf32>
            %add3A_405 = arith.constant 1.1920929E-7 : f32
            %add3A_406 = vector.broadcast %add3A_405 : f32 to vector<16xf32>
            %add3A_407 = arith.addf %get3A_400, %add3A_406 : vector<16xf32>
            %div3A_408 = arith.divf %mul3A_404, %add3A_407 : vector<16xf32>
            %swap3A_409 = arith.constant 5 : i32
            %swap3A_410 = arith.index_cast %swap3A_409 : i32 to index
            %swap3A_411 = arith.index_cast %mul3A_319 : i32 to index
            %swap3A_412 = tpu.vector_load %arg8[%swap3A_410, %swap3A_411] {strides = array<i32>} : memref<32x128xf32, #tpu.memory_space<vmem>>, vector<16xf32>,
            tpu.vector_store %arg8[%swap3A_410, %swap3A_411], %div3A_408 {strides = array<i32>} : memref<32x128xf32, #tpu.memory_space<vmem>>, vector<16xf32>,
            %get3A_413 = arith.constant 6 : i32
            %get3A_414 = arith.index_cast %get3A_413 : i32 to index
            %get3A_415 = arith.index_cast %mul3A_319 : i32 to index
            %get3A_416 = tpu.vector_load %arg7[%get3A_414, %get3A_415] {strides = array<i32>} : memref<32x128xf32, #tpu.memory_space<vmem>>, vector<16xf32>,
            %max3A_417 = arith.constant 0.000000e+00 : f32
            %max3A_418 = vector.broadcast %max3A_417 : f32 to vector<16xf32>
            %max3A_419 = arith.maximumf %get3A_416, %max3A_418 : vector<16xf32>
            %mul3A_420 = arith.mulf %max3A_419, %max3A_419 : vector<16xf32>
            %add3A_421 = arith.constant 1.1920929E-7 : f32
            %add3A_422 = vector.broadcast %add3A_421 : f32 to vector<16xf32>
            %add3A_423 = arith.addf %get3A_416, %add3A_422 : vector<16xf32>
            %div3A_424 = arith.divf %mul3A_420, %add3A_423 : vector<16xf32>
            %swap3A_425 = arith.constant 6 : i32
            %swap3A_426 = arith.index_cast %swap3A_425 : i32 to index
            %swap3A_427 = arith.index_cast %mul3A_319 : i32 to index
            %swap3A_428 = tpu.vector_load %arg8[%swap3A_426, %swap3A_427] {strides = array<i32>} : memref<32x128xf32, #tpu.memory_space<vmem>>, vector<16xf32>,
            tpu.vector_store %arg8[%swap3A_426, %swap3A_427], %div3A_424 {strides = array<i32>} : memref<32x128xf32, #tpu.memory_space<vmem>>, vector<16xf32>,
            %get3A_429 = arith.constant 7 : i32
            %get3A_430 = arith.index_cast %get3A_429 : i32 to index
            %get3A_431 = arith.index_cast %mul3A_319 : i32 to index
            %get3A_432 = tpu.vector_load %arg7[%get3A_430, %get3A_431] {strides = array<i32>} : memref<32x128xf32, #tpu.memory_space<vmem>>, vector<16xf32>,
            %max3A_433 = arith.constant 0.000000e+00 : f32
            %max3A_434 = vector.broadcast %max3A_433 : f32 to vector<16xf32>
            %max3A_435 = arith.maximumf %get3A_432, %max3A_434 : vector<16xf32>
            %mul3A_436 = arith.mulf %max3A_435, %max3A_435 : vector<16xf32>
            %add3A_437 = arith.constant 1.1920929E-7 : f32
            %add3A_438 = vector.broadcast %add3A_437 : f32 to vector<16xf32>
            %add3A_439 = arith.addf %get3A_432, %add3A_438 : vector<16xf32>
            %div3A_440 = arith.divf %mul3A_436, %add3A_439 : vector<16xf32>
            %swap3A_441 = arith.constant 7 : i32
            %swap3A_442 = arith.index_cast %swap3A_441 : i32 to index
            %swap3A_443 = arith.index_cast %mul3A_319 : i32 to index
            %swap3A_444 = tpu.vector_load %arg8[%swap3A_442, %swap3A_443] {strides = array<i32>} : memref<32x128xf32, #tpu.memory_space<vmem>>, vector<16xf32>,
            tpu.vector_store %arg8[%swap3A_442, %swap3A_443], %div3A_440 {strides = array<i32>} : memref<32x128xf32, #tpu.memory_space<vmem>>, vector<16xf32>,
            %get3A_445 = arith.constant 8 : i32
            %get3A_446 = arith.index_cast %get3A_445 : i32 to index
            %get3A_447 = arith.index_cast %mul3A_319 : i32 to index
            %get3A_448 = tpu.vector_load %arg7[%get3A_446, %get3A_447] {strides = array<i32>} : memref<32x128xf32, #tpu.memory_space<vmem>>, vector<16xf32>,
            %max3A_449 = arith.constant 0.000000e+00 : f32
            %max3A_450 = vector.broadcast %max3A_449 : f32 to vector<16xf32>
            %max3A_451 = arith.maximumf %get3A_448, %max3A_450 : vector<16xf32>
            %mul3A_452 = arith.mulf %max3A_451, %max3A_451 : vector<16xf32>
            %add3A_453 = arith.constant 1.1920929E-7 : f32
            %add3A_454 = vector.broadcast %add3A_453 : f32 to vector<16xf32>
            %add3A_455 = arith.addf %get3A_448, %add3A_454 : vector<16xf32>
            %div3A_456 = arith.divf %mul3A_452, %add3A_455 : vector<16xf32>
            %swap3A_457 = arith.constant 8 : i32
            %swap3A_458 = arith.index_cast %swap3A_457 : i32 to index
            %swap3A_459 = arith.index_cast %mul3A_319 : i32 to index
            %swap3A_460 = tpu.vector_load %arg8[%swap3A_458, %swap3A_459] {strides = array<i32>} : memref<32x128xf32, #tpu.memory_space<vmem>>, vector<16xf32>,
            tpu.vector_store %arg8[%swap3A_458, %swap3A_459], %div3A_456 {strides = array<i32>} : memref<32x128xf32, #tpu.memory_space<vmem>>, vector<16xf32>,
            %get3A_461 = arith.constant 9 : i32
            %get3A_462 = arith.index_cast %get3A_461 : i32 to index
            %get3A_463 = arith.index_cast %mul3A_319 : i32 to index
            %get3A_464 = tpu.vector_load %arg7[%get3A_462, %get3A_463] {strides = array<i32>} : memref<32x128xf32, #tpu.memory_space<vmem>>, vector<16xf32>,
            %max3A_465 = arith.constant 0.000000e+00 : f32
            %max3A_466 = vector.broadcast %max3A_465 : f32 to vector<16xf32>
            %max3A_467 = arith.maximumf %get3A_464, %max3A_466 : vector<16xf32>
            %mul3A_468 = arith.mulf %max3A_467, %max3A_467 : vector<16xf32>
            %add3A_469 = arith.constant 1.1920929E-7 : f32
            %add3A_470 = vector.broadcast %add3A_469 : f32 to vector<16xf32>
            %add3A_471 = arith.addf %get3A_464, %add3A_470 : vector<16xf32>
            %div3A_472 = arith.divf %mul3A_468, %add3A_471 : vector<16xf32>
            %swap3A_473 = arith.constant 9 : i32
            %swap3A_474 = arith.index_cast %swap3A_473 : i32 to index
            %swap3A_475 = arith.index_cast %mul3A_319 : i32 to index
            %swap3A_476 = tpu.vector_load %arg8[%swap3A_474, %swap3A_475] {strides = array<i32>} : memref<32x128xf32, #tpu.memory_space<vmem>>, vector<16xf32>,
            tpu.vector_store %arg8[%swap3A_474, %swap3A_475], %div3A_472 {strides = array<i32>} : memref<32x128xf32, #tpu.memory_space<vmem>>, vector<16xf32>,
            %get3A_477 = arith.constant 10 : i32
            %get3A_478 = arith.index_cast %get3A_477 : i32 to index
            %get3A_479 = arith.index_cast %mul3A_319 : i32 to index
            %get3A_480 = tpu.vector_load %arg7[%get3A_478, %get3A_479] {strides = array<i32>} : memref<32x128xf32, #tpu.memory_space<vmem>>, vector<16xf32>,
            %max3A_481 = arith.constant 0.000000e+00 : f32
            %max3A_482 = vector.broadcast %max3A_481 : f32 to vector<16xf32>
            %max3A_483 = arith.maximumf %get3A_480, %max3A_482 : vector<16xf32>
            %mul3A_484 = arith.mulf %max3A_483, %max3A_483 : vector<16xf32>
            %add3A_485 = arith.constant 1.1920929E-7 : f32
            %add3A_486 = vector.broadcast %add3A_485 : f32 to vector<16xf32>
            %add3A_487 = arith.addf %get3A_480, %add3A_486 : vector<16xf32>
            %div3A_488 = arith.divf %mul3A_484, %add3A_487 : vector<16xf32>
            %swap3A_489 = arith.constant 10 : i32
            %swap3A_490 = arith.index_cast %swap3A_489 : i32 to index
            %swap3A_491 = arith.index_cast %mul3A_319 : i32 to index
            %swap3A_492 = tpu.vector_load %arg8[%swap3A_490, %swap3A_491] {strides = array<i32>} : memref<32x128xf32, #tpu.memory_space<vmem>>, vector<16xf32>,
            tpu.vector_store %arg8[%swap3A_490, %swap3A_491], %div3A_488 {strides = array<i32>} : memref<32x128xf32, #tpu.memory_space<vmem>>, vector<16xf32>,
            %get3A_493 = arith.constant 11 : i32
            %get3A_494 = arith.index_cast %get3A_493 : i32 to index
            %get3A_495 = arith.index_cast %mul3A_319 : i32 to index
            %get3A_496 = tpu.vector_load %arg7[%get3A_494, %get3A_495] {strides = array<i32>} : memref<32x128xf32, #tpu.memory_space<vmem>>, vector<16xf32>,
            %max3A_497 = arith.constant 0.000000e+00 : f32
            %max3A_498 = vector.broadcast %max3A_497 : f32 to vector<16xf32>
            %max3A_499 = arith.maximumf %get3A_496, %max3A_498 : vector<16xf32>
            %mul3A_500 = arith.mulf %max3A_499, %max3A_499 : vector<16xf32>
            %add3A_501 = arith.constant 1.1920929E-7 : f32
            %add3A_502 = vector.broadcast %add3A_501 : f32 to vector<16xf32>
            %add3A_503 = arith.addf %get3A_496, %add3A_502 : vector<16xf32>
            %div3A_504 = arith.divf %mul3A_500, %add3A_503 : vector<16xf32>
            %swap3A_505 = arith.constant 11 : i32
            %swap3A_506 = arith.index_cast %swap3A_505 : i32 to index
            %swap3A_507 = arith.index_cast %mul3A_319 : i32 to index
            %swap3A_508 = tpu.vector_load %arg8[%swap3A_506, %swap3A_507] {strides = array<i32>} : memref<32x128xf32, #tpu.memory_space<vmem>>, vector<16xf32>,
            tpu.vector_store %arg8[%swap3A_506, %swap3A_507], %div3A_504 {strides = array<i32>} : memref<32x128xf32, #tpu.memory_space<vmem>>, vector<16xf32>,
            %get3A_509 = arith.constant 12 : i32
            %get3A_510 = arith.index_cast %get3A_509 : i32 to index
            %get3A_511 = arith.index_cast %mul3A_319 : i32 to index
            %get3A_512 = tpu.vector_load %arg7[%get3A_510, %get3A_511] {strides = array<i32>} : memref<32x128xf32, #tpu.memory_space<vmem>>, vector<16xf32>,
            %max3A_513 = arith.constant 0.000000e+00 : f32
            %max3A_514 = vector.broadcast %max3A_513 : f32 to vector<16xf32>
            %max3A_515 = arith.maximumf %get3A_512, %max3A_514 : vector<16xf32>
            %mul3A_516 = arith.mulf %max3A_515, %max3A_515 : vector<16xf32>
            %add3A_517 = arith.constant 1.1920929E-7 : f32
            %add3A_518 = vector.broadcast %add3A_517 : f32 to vector<16xf32>
            %add3A_519 = arith.addf %get3A_512, %add3A_518 : vector<16xf32>
            %div3A_520 = arith.divf %mul3A_516, %add3A_519 : vector<16xf32>
            %swap3A_521 = arith.constant 12 : i32
            %swap3A_522 = arith.index_cast %swap3A_521 : i32 to index
            %swap3A_523 = arith.index_cast %mul3A_319 : i32 to index
            %swap3A_524 = tpu.vector_load %arg8[%swap3A_522, %swap3A_523] {strides = array<i32>} : memref<32x128xf32, #tpu.memory_space<vmem>>, vector<16xf32>,
            tpu.vector_store %arg8[%swap3A_522, %swap3A_523], %div3A_520 {strides = array<i32>} : memref<32x128xf32, #tpu.memory_space<vmem>>, vector<16xf32>,
            %get3A_525 = arith.constant 13 : i32
            %get3A_526 = arith.index_cast %get3A_525 : i32 to index
            %get3A_527 = arith.index_cast %mul3A_319 : i32 to index
            %get3A_528 = tpu.vector_load %arg7[%get3A_526, %get3A_527] {strides = array<i32>} : memref<32x128xf32, #tpu.memory_space<vmem>>, vector<16xf32>,
            %max3A_529 = arith.constant 0.000000e+00 : f32
            %max3A_530 = vector.broadcast %max3A_529 : f32 to vector<16xf32>
            %max3A_531 = arith.maximumf %get3A_528, %max3A_530 : vector<16xf32>
            %mul3A_532 = arith.mulf %max3A_531, %max3A_531 : vector<16xf32>
            %add3A_533 = arith.constant 1.1920929E-7 : f32
            %add3A_534 = vector.broadcast %add3A_533 : f32 to vector<16xf32>
            %add3A_535 = arith.addf %get3A_528, %add3A_534 : vector<16xf32>
            %div3A_536 = arith.divf %mul3A_532, %add3A_535 : vector<16xf32>
            %swap3A_537 = arith.constant 13 : i32
            %swap3A_538 = arith.index_cast %swap3A_537 : i32 to index
            %swap3A_539 = arith.index_cast %mul3A_319 : i32 to index
            %swap3A_540 = tpu.vector_load %arg8[%swap3A_538, %swap3A_539] {strides = array<i32>} : memref<32x128xf32, #tpu.memory_space<vmem>>, vector<16xf32>,
            tpu.vector_store %arg8[%swap3A_538, %swap3A_539], %div3A_536 {strides = array<i32>} : memref<32x128xf32, #tpu.memory_space<vmem>>, vector<16xf32>,
            %get3A_541 = arith.constant 14 : i32
            %get3A_542 = arith.index_cast %get3A_541 : i32 to index
            %get3A_543 = arith.index_cast %mul3A_319 : i32 to index
            %get3A_544 = tpu.vector_load %arg7[%get3A_542, %get3A_543] {strides = array<i32>} : memref<32x128xf32, #tpu.memory_space<vmem>>, vector<16xf32>,
            %max3A_545 = arith.constant 0.000000e+00 : f32
            %max3A_546 = vector.broadcast %max3A_545 : f32 to vector<16xf32>
            %max3A_547 = arith.maximumf %get3A_544, %max3A_546 : vector<16xf32>
            %mul3A_548 = arith.mulf %max3A_547, %max3A_547 : vector<16xf32>
            %add3A_549 = arith.constant 1.1920929E-7 : f32
            %add3A_550 = vector.broadcast %add3A_549 : f32 to vector<16xf32>
            %add3A_551 = arith.addf %get3A_544, %add3A_550 : vector<16xf32>
            %div3A_552 = arith.divf %mul3A_548, %add3A_551 : vector<16xf32>
            %swap3A_553 = arith.constant 14 : i32
            %swap3A_554 = arith.index_cast %swap3A_553 : i32 to index
            %swap3A_555 = arith.index_cast %mul3A_319 : i32 to index
            %swap3A_556 = tpu.vector_load %arg8[%swap3A_554, %swap3A_555] {strides = array<i32>} : memref<32x128xf32, #tpu.memory_space<vmem>>, vector<16xf32>,
            tpu.vector_store %arg8[%swap3A_554, %swap3A_555], %div3A_552 {strides = array<i32>} : memref<32x128xf32, #tpu.memory_space<vmem>>, vector<16xf32>,
            %get3A_557 = arith.constant 15 : i32
            %get3A_558 = arith.index_cast %get3A_557 : i32 to index
            %get3A_559 = arith.index_cast %mul3A_319 : i32 to index
            %get3A_560 = tpu.vector_load %arg7[%get3A_558, %get3A_559] {strides = array<i32>} : memref<32x128xf32, #tpu.memory_space<vmem>>, vector<16xf32>,
            %max3A_561 = arith.constant 0.000000e+00 : f32
            %max3A_562 = vector.broadcast %max3A_561 : f32 to vector<16xf32>
            %max3A_563 = arith.maximumf %get3A_560, %max3A_562 : vector<16xf32>
            %mul3A_564 = arith.mulf %max3A_563, %max3A_563 : vector<16xf32>
            %add3A_565 = arith.constant 1.1920929E-7 : f32
            %add3A_566 = vector.broadcast %add3A_565 : f32 to vector<16xf32>
            %add3A_567 = arith.addf %get3A_560, %add3A_566 : vector<16xf32>
            %div3A_568 = arith.divf %mul3A_564, %add3A_567 : vector<16xf32>
            %swap3A_569 = arith.constant 15 : i32
            %swap3A_570 = arith.index_cast %swap3A_569 : i32 to index
            %swap3A_571 = arith.index_cast %mul3A_319 : i32 to index
            %swap3A_572 = tpu.vector_load %arg8[%swap3A_570, %swap3A_571] {strides = array<i32>} : memref<32x128xf32, #tpu.memory_space<vmem>>, vector<16xf32>,
            tpu.vector_store %arg8[%swap3A_570, %swap3A_571], %div3A_568 {strides = array<i32>} : memref<32x128xf32, #tpu.memory_space<vmem>>, vector<16xf32>,
            %get3A_573 = arith.constant 16 : i32
            %get3A_574 = arith.index_cast %get3A_573 : i32 to index
            %get3A_575 = arith.index_cast %mul3A_319 : i32 to index
            %get3A_576 = tpu.vector_load %arg7[%get3A_574, %get3A_575] {strides = array<i32>} : memref<32x128xf32, #tpu.memory_space<vmem>>, vector<16xf32>,
            %max3A_577 = arith.constant 0.000000e+00 : f32
            %max3A_578 = vector.broadcast %max3A_577 : f32 to vector<16xf32>
            %max3A_579 = arith.maximumf %get3A_576, %max3A_578 : vector<16xf32>
            %mul3A_580 = arith.mulf %max3A_579, %max3A_579 : vector<16xf32>
            %add3A_581 = arith.constant 1.1920929E-7 : f32
            %add3A_582 = vector.broadcast %add3A_581 : f32 to vector<16xf32>
            %add3A_583 = arith.addf %get3A_576, %add3A_582 : vector<16xf32>
            %div3A_584 = arith.divf %mul3A_580, %add3A_583 : vector<16xf32>
            %swap3A_585 = arith.constant 16 : i32
            %swap3A_586 = arith.index_cast %swap3A_585 : i32 to index
            %swap3A_587 = arith.index_cast %mul3A_319 : i32 to index
            %swap3A_588 = tpu.vector_load %arg8[%swap3A_586, %swap3A_587] {strides = array<i32>} : memref<32x128xf32, #tpu.memory_space<vmem>>, vector<16xf32>,
            tpu.vector_store %arg8[%swap3A_586, %swap3A_587], %div3A_584 {strides = array<i32>} : memref<32x128xf32, #tpu.memory_space<vmem>>, vector<16xf32>,
            %get3A_589 = arith.constant 17 : i32
            %get3A_590 = arith.index_cast %get3A_589 : i32 to index
            %get3A_591 = arith.index_cast %mul3A_319 : i32 to index
            %get3A_592 = tpu.vector_load %arg7[%get3A_590, %get3A_591] {strides = array<i32>} : memref<32x128xf32, #tpu.memory_space<vmem>>, vector<16xf32>,
            %max3A_593 = arith.constant 0.000000e+00 : f32
            %max3A_594 = vector.broadcast %max3A_593 : f32 to vector<16xf32>
            %max3A_595 = arith.maximumf %get3A_592, %max3A_594 : vector<16xf32>
            %mul3A_596 = arith.mulf %max3A_595, %max3A_595 : vector<16xf32>
            %add3A_597 = arith.constant 1.1920929E-7 : f32
            %add3A_598 = vector.broadcast %add3A_597 : f32 to vector<16xf32>
            %add3A_599 = arith.addf %get3A_592, %add3A_598 : vector<16xf32>
            %div3A_600 = arith.divf %mul3A_596, %add3A_599 : vector<16xf32>
            %swap3A_601 = arith.constant 17 : i32
            %swap3A_602 = arith.index_cast %swap3A_601 : i32 to index
            %swap3A_603 = arith.index_cast %mul3A_319 : i32 to index
            %swap3A_604 = tpu.vector_load %arg8[%swap3A_602, %swap3A_603] {strides = array<i32>} : memref<32x128xf32, #tpu.memory_space<vmem>>, vector<16xf32>,
            tpu.vector_store %arg8[%swap3A_602, %swap3A_603], %div3A_600 {strides = array<i32>} : memref<32x128xf32, #tpu.memory_space<vmem>>, vector<16xf32>,
            %get3A_605 = arith.constant 18 : i32
            %get3A_606 = arith.index_cast %get3A_605 : i32 to index
            %get3A_607 = arith.index_cast %mul3A_319 : i32 to index
            %get3A_608 = tpu.vector_load %arg7[%get3A_606, %get3A_607] {strides = array<i32>} : memref<32x128xf32, #tpu.memory_space<vmem>>, vector<16xf32>,
            %max3A_609 = arith.constant 0.000000e+00 : f32
            %max3A_610 = vector.broadcast %max3A_609 : f32 to vector<16xf32>
            %max3A_611 = arith.maximumf %get3A_608, %max3A_610 : vector<16xf32>
            %mul3A_612 = arith.mulf %max3A_611, %max3A_611 : vector<16xf32>
            %add3A_613 = arith.constant 1.1920929E-7 : f32
            %add3A_614 = vector.broadcast %add3A_613 : f32 to vector<16xf32>
            %add3A_615 = arith.addf %get3A_608, %add3A_614 : vector<16xf32>
            %div3A_616 = arith.divf %mul3A_612, %add3A_615 : vector<16xf32>
            %swap3A_617 = arith.constant 18 : i32
            %swap3A_618 = arith.index_cast %swap3A_617 : i32 to index
            %swap3A_619 = arith.index_cast %mul3A_319 : i32 to index
            %swap3A_620 = tpu.vector_load %arg8[%swap3A_618, %swap3A_619] {strides = array<i32>} : memref<32x128xf32, #tpu.memory_space<vmem>>, vector<16xf32>,
            tpu.vector_store %arg8[%swap3A_618, %swap3A_619], %div3A_616 {strides = array<i32>} : memref<32x128xf32, #tpu.memory_space<vmem>>, vector<16xf32>,
            %get3A_621 = arith.constant 19 : i32
            %get3A_622 = arith.index_cast %get3A_621 : i32 to index
            %get3A_623 = arith.index_cast %mul3A_319 : i32 to index
            %get3A_624 = tpu.vector_load %arg7[%get3A_622, %get3A_623] {strides = array<i32>} : memref<32x128xf32, #tpu.memory_space<vmem>>, vector<16xf32>,
            %max3A_625 = arith.constant 0.000000e+00 : f32
            %max3A_626 = vector.broadcast %max3A_625 : f32 to vector<16xf32>
            %max3A_627 = arith.maximumf %get3A_624, %max3A_626 : vector<16xf32>
            %mul3A_628 = arith.mulf %max3A_627, %max3A_627 : vector<16xf32>
            %add3A_629 = arith.constant 1.1920929E-7 : f32
            %add3A_630 = vector.broadcast %add3A_629 : f32 to vector<16xf32>
            %add3A_631 = arith.addf %get3A_624, %add3A_630 : vector<16xf32>
            %div3A_632 = arith.divf %mul3A_628, %add3A_631 : vector<16xf32>
            %swap3A_633 = arith.constant 19 : i32
            %swap3A_634 = arith.index_cast %swap3A_633 : i32 to index
            %swap3A_635 = arith.index_cast %mul3A_319 : i32 to index
            %swap3A_636 = tpu.vector_load %arg8[%swap3A_634, %swap3A_635] {strides = array<i32>} : memref<32x128xf32, #tpu.memory_space<vmem>>, vector<16xf32>,
            tpu.vector_store %arg8[%swap3A_634, %swap3A_635], %div3A_632 {strides = array<i32>} : memref<32x128xf32, #tpu.memory_space<vmem>>, vector<16xf32>,
            %get3A_637 = arith.constant 20 : i32
            %get3A_638 = arith.index_cast %get3A_637 : i32 to index
            %get3A_639 = arith.index_cast %mul3A_319 : i32 to index
            %get3A_640 = tpu.vector_load %arg7[%get3A_638, %get3A_639] {strides = array<i32>} : memref<32x128xf32, #tpu.memory_space<vmem>>, vector<16xf32>,
            %max3A_641 = arith.constant 0.000000e+00 : f32
            %max3A_642 = vector.broadcast %max3A_641 : f32 to vector<16xf32>
            %max3A_643 = arith.maximumf %get3A_640, %max3A_642 : vector<16xf32>
            %mul3A_644 = arith.mulf %max3A_643, %max3A_643 : vector<16xf32>
            %add3A_645 = arith.constant 1.1920929E-7 : f32
            %add3A_646 = vector.broadcast %add3A_645 : f32 to vector<16xf32>
            %add3A_647 = arith.addf %get3A_640, %add3A_646 : vector<16xf32>
            %div3A_648 = arith.divf %mul3A_644, %add3A_647 : vector<16xf32>
            %swap3A_649 = arith.constant 20 : i32
            %swap3A_650 = arith.index_cast %swap3A_649 : i32 to index
            %swap3A_651 = arith.index_cast %mul3A_319 : i32 to index
            %swap3A_652 = tpu.vector_load %arg8[%swap3A_650, %swap3A_651] {strides = array<i32>} : memref<32x128xf32, #tpu.memory_space<vmem>>, vector<16xf32>,
            tpu.vector_store %arg8[%swap3A_650, %swap3A_651], %div3A_648 {strides = array<i32>} : memref<32x128xf32, #tpu.memory_space<vmem>>, vector<16xf32>,
            %get3A_653 = arith.constant 21 : i32
            %get3A_654 = arith.index_cast %get3A_653 : i32 to index
            %get3A_655 = arith.index_cast %mul3A_319 : i32 to index
            %get3A_656 = tpu.vector_load %arg7[%get3A_654, %get3A_655] {strides = array<i32>} : memref<32x128xf32, #tpu.memory_space<vmem>>, vector<16xf32>,
            %max3A_657 = arith.constant 0.000000e+00 : f32
            %max3A_658 = vector.broadcast %max3A_657 : f32 to vector<16xf32>
            %max3A_659 = arith.maximumf %get3A_656, %max3A_658 : vector<16xf32>
            %mul3A_660 = arith.mulf %max3A_659, %max3A_659 : vector<16xf32>
            %add3A_661 = arith.constant 1.1920929E-7 : f32
            %add3A_662 = vector.broadcast %add3A_661 : f32 to vector<16xf32>
            %add3A_663 = arith.addf %get3A_656, %add3A_662 : vector<16xf32>
            %div3A_664 = arith.divf %mul3A_660, %add3A_663 : vector<16xf32>
            %swap3A_665 = arith.constant 21 : i32
            %swap3A_666 = arith.index_cast %swap3A_665 : i32 to index
            %swap3A_667 = arith.index_cast %mul3A_319 : i32 to index
            %swap3A_668 = tpu.vector_load %arg8[%swap3A_666, %swap3A_667] {strides = array<i32>} : memref<32x128xf32, #tpu.memory_space<vmem>>, vector<16xf32>,
            tpu.vector_store %arg8[%swap3A_666, %swap3A_667], %div3A_664 {strides = array<i32>} : memref<32x128xf32, #tpu.memory_space<vmem>>, vector<16xf32>,
            %get3A_669 = arith.constant 22 : i32
            %get3A_670 = arith.index_cast %get3A_669 : i32 to index
            %get3A_671 = arith.index_cast %mul3A_319 : i32 to index
            %get3A_672 = tpu.vector_load %arg7[%get3A_670, %get3A_671] {strides = array<i32>} : memref<32x128xf32, #tpu.memory_space<vmem>>, vector<16xf32>,
            %max3A_673 = arith.constant 0.000000e+00 : f32
            %max3A_674 = vector.broadcast %max3A_673 : f32 to vector<16xf32>
            %max3A_675 = arith.maximumf %get3A_672, %max3A_674 : vector<16xf32>
            %mul3A_676 = arith.mulf %max3A_675, %max3A_675 : vector<16xf32>
            %add3A_677 = arith.constant 1.1920929E-7 : f32
            %add3A_678 = vector.broadcast %add3A_677 : f32 to vector<16xf32>
            %add3A_679 = arith.addf %get3A_672, %add3A_678 : vector<16xf32>
            %div3A_680 = arith.divf %mul3A_676, %add3A_679 : vector<16xf32>
            %swap3A_681 = arith.constant 22 : i32
            %swap3A_682 = arith.index_cast %swap3A_681 : i32 to index
            %swap3A_683 = arith.index_cast %mul3A_319 : i32 to index
            %swap3A_684 = tpu.vector_load %arg8[%swap3A_682, %swap3A_683] {strides = array<i32>} : memref<32x128xf32, #tpu.memory_space<vmem>>, vector<16xf32>,
            tpu.vector_store %arg8[%swap3A_682, %swap3A_683], %div3A_680 {strides = array<i32>} : memref<32x128xf32, #tpu.memory_space<vmem>>, vector<16xf32>,
            %get3A_685 = arith.constant 23 : i32
            %get3A_686 = arith.index_cast %get3A_685 : i32 to index
            %get3A_687 = arith.index_cast %mul3A_319 : i32 to index
            %get3A_688 = tpu.vector_load %arg7[%get3A_686, %get3A_687] {strides = array<i32>} : memref<32x128xf32, #tpu.memory_space<vmem>>, vector<16xf32>,
            %max3A_689 = arith.constant 0.000000e+00 : f32
            %max3A_690 = vector.broadcast %max3A_689 : f32 to vector<16xf32>
            %max3A_691 = arith.maximumf %get3A_688, %max3A_690 : vector<16xf32>
            %mul3A_692 = arith.mulf %max3A_691, %max3A_691 : vector<16xf32>
            %add3A_693 = arith.constant 1.1920929E-7 : f32
            %add3A_694 = vector.broadcast %add3A_693 : f32 to vector<16xf32>
            %add3A_695 = arith.addf %get3A_688, %add3A_694 : vector<16xf32>
            %div3A_696 = arith.divf %mul3A_692, %add3A_695 : vector<16xf32>
            %swap3A_697 = arith.constant 23 : i32
            %swap3A_698 = arith.index_cast %swap3A_697 : i32 to index
            %swap3A_699 = arith.index_cast %mul3A_319 : i32 to index
            %swap3A_700 = tpu.vector_load %arg8[%swap3A_698, %swap3A_699] {strides = array<i32>} : memref<32x128xf32, #tpu.memory_space<vmem>>, vector<16xf32>,
            tpu.vector_store %arg8[%swap3A_698, %swap3A_699], %div3A_696 {strides = array<i32>} : memref<32x128xf32, #tpu.memory_space<vmem>>, vector<16xf32>,
            %get3A_701 = arith.constant 24 : i32
            %get3A_702 = arith.index_cast %get3A_701 : i32 to index
            %get3A_703 = arith.index_cast %mul3A_319 : i32 to index
            %get3A_704 = tpu.vector_load %arg7[%get3A_702, %get3A_703] {strides = array<i32>} : memref<32x128xf32, #tpu.memory_space<vmem>>, vector<16xf32>,
            %max3A_705 = arith.constant 0.000000e+00 : f32
            %max3A_706 = vector.broadcast %max3A_705 : f32 to vector<16xf32>
            %max3A_707 = arith.maximumf %get3A_704, %max3A_706 : vector<16xf32>
            %mul3A_708 = arith.mulf %max3A_707, %max3A_707 : vector<16xf32>
            %add3A_709 = arith.constant 1.1920929E-7 : f32
            %add3A_710 = vector.broadcast %add3A_709 : f32 to vector<16xf32>
            %add3A_711 = arith.addf %get3A_704, %add3A_710 : vector<16xf32>
            %div3A_712 = arith.divf %mul3A_708, %add3A_711 : vector<16xf32>
            %swap3A_713 = arith.constant 24 : i32
            %swap3A_714 = arith.index_cast %swap3A_713 : i32 to index
            %swap3A_715 = arith.index_cast %mul3A_319 : i32 to index
            %swap3A_716 = tpu.vector_load %arg8[%swap3A_714, %swap3A_715] {strides = array<i32>} : memref<32x128xf32, #tpu.memory_space<vmem>>, vector<16xf32>,
            tpu.vector_store %arg8[%swap3A_714, %swap3A_715], %div3A_712 {strides = array<i32>} : memref<32x128xf32, #tpu.memory_space<vmem>>, vector<16xf32>,
            %get3A_717 = arith.constant 25 : i32
            %get3A_718 = arith.index_cast %get3A_717 : i32 to index
            %get3A_719 = arith.index_cast %mul3A_319 : i32 to index
            %get3A_720 = tpu.vector_load %arg7[%get3A_718, %get3A_719] {strides = array<i32>} : memref<32x128xf32, #tpu.memory_space<vmem>>, vector<16xf32>,
            %max3A_721 = arith.constant 0.000000e+00 : f32
            %max3A_722 = vector.broadcast %max3A_721 : f32 to vector<16xf32>
            %max3A_723 = arith.maximumf %get3A_720, %max3A_722 : vector<16xf32>
            %mul3A_724 = arith.mulf %max3A_723, %max3A_723 : vector<16xf32>
            %add3A_725 = arith.constant 1.1920929E-7 : f32
            %add3A_726 = vector.broadcast %add3A_725 : f32 to vector<16xf32>
            %add3A_727 = arith.addf %get3A_720, %add3A_726 : vector<16xf32>
            %div3A_728 = arith.divf %mul3A_724, %add3A_727 : vector<16xf32>
            %swap3A_729 = arith.constant 25 : i32
            %swap3A_730 = arith.index_cast %swap3A_729 : i32 to index
            %swap3A_731 = arith.index_cast %mul3A_319 : i32 to index
            %swap3A_732 = tpu.vector_load %arg8[%swap3A_730, %swap3A_731] {strides = array<i32>} : memref<32x128xf32, #tpu.memory_space<vmem>>, vector<16xf32>,
            tpu.vector_store %arg8[%swap3A_730, %swap3A_731], %div3A_728 {strides = array<i32>} : memref<32x128xf32, #tpu.memory_space<vmem>>, vector<16xf32>,
            %get3A_733 = arith.constant 26 : i32
            %get3A_734 = arith.index_cast %get3A_733 : i32 to index
            %get3A_735 = arith.index_cast %mul3A_319 : i32 to index
            %get3A_736 = tpu.vector_load %arg7[%get3A_734, %get3A_735] {strides = array<i32>} : memref<32x128xf32, #tpu.memory_space<vmem>>, vector<16xf32>,
            %max3A_737 = arith.constant 0.000000e+00 : f32
            %max3A_738 = vector.broadcast %max3A_737 : f32 to vector<16xf32>
            %max3A_739 = arith.maximumf %get3A_736, %max3A_738 : vector<16xf32>
            %mul3A_740 = arith.mulf %max3A_739, %max3A_739 : vector<16xf32>
            %add3A_741 = arith.constant 1.1920929E-7 : f32
            %add3A_742 = vector.broadcast %add3A_741 : f32 to vector<16xf32>
            %add3A_743 = arith.addf %get3A_736, %add3A_742 : vector<16xf32>
            %div3A_744 = arith.divf %mul3A_740, %add3A_743 : vector<16xf32>
            %swap3A_745 = arith.constant 26 : i32
            %swap3A_746 = arith.index_cast %swap3A_745 : i32 to index
            %swap3A_747 = arith.index_cast %mul3A_319 : i32 to index
            %swap3A_748 = tpu.vector_load %arg8[%swap3A_746, %swap3A_747] {strides = array<i32>} : memref<32x128xf32, #tpu.memory_space<vmem>>, vector<16xf32>,
            tpu.vector_store %arg8[%swap3A_746, %swap3A_747], %div3A_744 {strides = array<i32>} : memref<32x128xf32, #tpu.memory_space<vmem>>, vector<16xf32>,
            %get3A_749 = arith.constant 27 : i32
            %get3A_750 = arith.index_cast %get3A_749 : i32 to index
            %get3A_751 = arith.index_cast %mul3A_319 : i32 to index
            %get3A_752 = tpu.vector_load %arg7[%get3A_750, %get3A_751] {strides = array<i32>} : memref<32x128xf32, #tpu.memory_space<vmem>>, vector<16xf32>,
            %max3A_753 = arith.constant 0.000000e+00 : f32
            %max3A_754 = vector.broadcast %max3A_753 : f32 to vector<16xf32>
            %max3A_755 = arith.maximumf %get3A_752, %max3A_754 : vector<16xf32>
            %mul3A_756 = arith.mulf %max3A_755, %max3A_755 : vector<16xf32>
            %add3A_757 = arith.constant 1.1920929E-7 : f32
            %add3A_758 = vector.broadcast %add3A_757 : f32 to vector<16xf32>
            %add3A_759 = arith.addf %get3A_752, %add3A_758 : vector<16xf32>
            %div3A_760 = arith.divf %mul3A_756, %add3A_759 : vector<16xf32>
            %swap3A_761 = arith.constant 27 : i32
            %swap3A_762 = arith.index_cast %swap3A_761 : i32 to index
            %swap3A_763 = arith.index_cast %mul3A_319 : i32 to index
            %swap3A_764 = tpu.vector_load %arg8[%swap3A_762, %swap3A_763] {strides = array<i32>} : memref<32x128xf32, #tpu.memory_space<vmem>>, vector<16xf32>,
            tpu.vector_store %arg8[%swap3A_762, %swap3A_763], %div3A_760 {strides = array<i32>} : memref<32x128xf32, #tpu.memory_space<vmem>>, vector<16xf32>,
            %get3A_765 = arith.constant 28 : i32
            %get3A_766 = arith.index_cast %get3A_765 : i32 to index
            %get3A_767 = arith.index_cast %mul3A_319 : i32 to index
            %get3A_768 = tpu.vector_load %arg7[%get3A_766, %get3A_767] {strides = array<i32>} : memref<32x128xf32, #tpu.memory_space<vmem>>, vector<16xf32>,
            %max3A_769 = arith.constant 0.000000e+00 : f32
            %max3A_770 = vector.broadcast %max3A_769 : f32 to vector<16xf32>
            %max3A_771 = arith.maximumf %get3A_768, %max3A_770 : vector<16xf32>
            %mul3A_772 = arith.mulf %max3A_771, %max3A_771 : vector<16xf32>
            %add3A_773 = arith.constant 1.1920929E-7 : f32
            %add3A_774 = vector.broadcast %add3A_773 : f32 to vector<16xf32>
            %add3A_775 = arith.addf %get3A_768, %add3A_774 : vector<16xf32>
            %div3A_776 = arith.divf %mul3A_772, %add3A_775 : vector<16xf32>
            %swap3A_777 = arith.constant 28 : i32
            %swap3A_778 = arith.index_cast %swap3A_777 : i32 to index
            %swap3A_779 = arith.index_cast %mul3A_319 : i32 to index
            %swap3A_780 = tpu.vector_load %arg8[%swap3A_778, %swap3A_779] {strides = array<i32>} : memref<32x128xf32, #tpu.memory_space<vmem>>, vector<16xf32>,
            tpu.vector_store %arg8[%swap3A_778, %swap3A_779], %div3A_776 {strides = array<i32>} : memref<32x128xf32, #tpu.memory_space<vmem>>, vector<16xf32>,
            %get3A_781 = arith.constant 29 : i32
            %get3A_782 = arith.index_cast %get3A_781 : i32 to index
            %get3A_783 = arith.index_cast %mul3A_319 : i32 to index
            %get3A_784 = tpu.vector_load %arg7[%get3A_782, %get3A_783] {strides = array<i32>} : memref<32x128xf32, #tpu.memory_space<vmem>>, vector<16xf32>,
            %max3A_785 = arith.constant 0.000000e+00 : f32
            %max3A_786 = vector.broadcast %max3A_785 : f32 to vector<16xf32>
            %max3A_787 = arith.maximumf %get3A_784, %max3A_786 : vector<16xf32>
            %mul3A_788 = arith.mulf %max3A_787, %max3A_787 : vector<16xf32>
            %add3A_789 = arith.constant 1.1920929E-7 : f32
            %add3A_790 = vector.broadcast %add3A_789 : f32 to vector<16xf32>
            %add3A_791 = arith.addf %get3A_784, %add3A_790 : vector<16xf32>
            %div3A_792 = arith.divf %mul3A_788, %add3A_791 : vector<16xf32>
            %swap3A_793 = arith.constant 29 : i32
            %swap3A_794 = arith.index_cast %swap3A_793 : i32 to index
            %swap3A_795 = arith.index_cast %mul3A_319 : i32 to index
            %swap3A_796 = tpu.vector_load %arg8[%swap3A_794, %swap3A_795] {strides = array<i32>} : memref<32x128xf32, #tpu.memory_space<vmem>>, vector<16xf32>,
            tpu.vector_store %arg8[%swap3A_794, %swap3A_795], %div3A_792 {strides = array<i32>} : memref<32x128xf32, #tpu.memory_space<vmem>>, vector<16xf32>,
            %get3A_797 = arith.constant 30 : i32
            %get3A_798 = arith.index_cast %get3A_797 : i32 to index
            %get3A_799 = arith.index_cast %mul3A_319 : i32 to index
            %get3A_800 = tpu.vector_load %arg7[%get3A_798, %get3A_799] {strides = array<i32>} : memref<32x128xf32, #tpu.memory_space<vmem>>, vector<16xf32>,
            %max3A_801 = arith.constant 0.000000e+00 : f32
            %max3A_802 = vector.broadcast %max3A_801 : f32 to vector<16xf32>
            %max3A_803 = arith.maximumf %get3A_800, %max3A_802 : vector<16xf32>
            %mul3A_804 = arith.mulf %max3A_803, %max3A_803 : vector<16xf32>
            %add3A_805 = arith.constant 1.1920929E-7 : f32
            %add3A_806 = vector.broadcast %add3A_805 : f32 to vector<16xf32>
            %add3A_807 = arith.addf %get3A_800, %add3A_806 : vector<16xf32>
            %div3A_808 = arith.divf %mul3A_804, %add3A_807 : vector<16xf32>
            %swap3A_809 = arith.constant 30 : i32
            %swap3A_810 = arith.index_cast %swap3A_809 : i32 to index
            %swap3A_811 = arith.index_cast %mul3A_319 : i32 to index
            %swap3A_812 = tpu.vector_load %arg8[%swap3A_810, %swap3A_811] {strides = array<i32>} : memref<32x128xf32, #tpu.memory_space<vmem>>, vector<16xf32>,
            tpu.vector_store %arg8[%swap3A_810, %swap3A_811], %div3A_808 {strides = array<i32>} : memref<32x128xf32, #tpu.memory_space<vmem>>, vector<16xf32>,
            %get3A_813 = arith.constant 31 : i32
            %get3A_814 = arith.index_cast %get3A_813 : i32 to index
            %get3A_815 = arith.index_cast %mul3A_319 : i32 to index
            %get3A_816 = tpu.vector_load %arg7[%get3A_814, %get3A_815] {strides = array<i32>} : memref<32x128xf32, #tpu.memory_space<vmem>>, vector<16xf32>,
            %max3A_817 = arith.constant 0.000000e+00 : f32
            %max3A_818 = vector.broadcast %max3A_817 : f32 to vector<16xf32>
            %max3A_819 = arith.maximumf %get3A_816, %max3A_818 : vector<16xf32>
            %mul3A_820 = arith.mulf %max3A_819, %max3A_819 : vector<16xf32>
            %add3A_821 = arith.constant 1.1920929E-7 : f32
            %add3A_822 = vector.broadcast %add3A_821 : f32 to vector<16xf32>
            %add3A_823 = arith.addf %get3A_816, %add3A_822 : vector<16xf32>
            %div3A_824 = arith.divf %mul3A_820, %add3A_823 : vector<16xf32>
            %swap3A_825 = arith.constant 31 : i32
            %swap3A_826 = arith.index_cast %swap3A_825 : i32 to index
            %swap3A_827 = arith.index_cast %mul3A_319 : i32 to index
            %swap3A_828 = tpu.vector_load %arg8[%swap3A_826, %swap3A_827] {strides = array<i32>} : memref<32x128xf32, #tpu.memory_space<vmem>>, vector<16xf32>,
            tpu.vector_store %arg8[%swap3A_826, %swap3A_827], %div3A_824 {strides = array<i32>} : memref<32x128xf32, #tpu.memory_space<vmem>>, vector<16xf32>,
          } else {
            %broadcast_in_dim3A_318 = arith.constant 0.000000e+00 : f32
            %broadcast_in_dim3A_319 = vector.broadcast %broadcast_in_dim3A_318 : f32 to vector<16xf32>
            %broadcast_in_dim3A_320 = arith.constant 0 : i32
            %broadcast_in_dim3A_321 = vector.broadcast %broadcast_in_dim3A_320 : i32 to vector<16xi32>
            %get3A_322 = arith.constant 0 : i32
            %get3A_323 = arith.index_cast %get3A_322 : i32 to index
            %get3A_324 = arith.index_cast %mul3A_291 : i32 to index
            %get3A_325 = tpu.vector_load %arg15[%get3A_323, %get3A_324] {strides = array<i32>} : memref<33x128xf32, #tpu.memory_space<vmem>>, vector<16xf32>,
            %min3A = arith.constant 64 : i32
            %min3A_326 = vector.broadcast %min3A : i32 to vector<16xi32>
            %min3A_327 = arith.minsi %broadcast_in_dim3A_321, %min3A_326 : vector<16xi32>
            %gather3A = tpu.vector_load_idx %arg16[%min3A_327, %add3A_293] : memref<65x128xf32, #tpu.memory_space<vmem>>[vector<16xi32>, vector<16xi32>], vector<16xf32>,
            %min3A_328 = arith.constant 64 : i32
            %min3A_329 = vector.broadcast %min3A_328 : i32 to vector<16xi32>
            %min3A_330 = arith.minsi %broadcast_in_dim3A_321, %min3A_329 : vector<16xi32>
            %gather3A_331 = tpu.vector_load_idx %arg16[%min3A_330, %add3A_293] : memref<65x128xf32, #tpu.memory_space<vmem>>[vector<16xi32>, vector<16xi32>], vector<16xf32>,
            %lt3A_332 = arith.cmpf olt, %gather3A, %get3A_325 : vector<16xf32>
            %lt3A_333 = arith.constant 65 : i32
            %lt3A_334 = vector.broadcast %lt3A_333 : i32 to vector<16xi32>
            %lt3A_335 = arith.cmpi slt, %broadcast_in_dim3A_321, %lt3A_334 : vector<16xi32>
            %and3A_336 = arith.andi %lt3A_332, %lt3A_335 : vector<16xi1>
            %le3A = arith.cmpf ole, %gather3A_331, %get3A_325 : vector<16xf32>
            %lt3A_337 = arith.constant 65 : i32
            %lt3A_338 = vector.broadcast %lt3A_337 : i32 to vector<16xi32>
            %lt3A_339 = arith.cmpi slt, %broadcast_in_dim3A_321, %lt3A_338 : vector<16xi32>
            %and3A_340 = arith.andi %le3A, %lt3A_339 : vector<16xi1>
            %while3A:6 = scf.while (%while3A_347 = %broadcast_in_dim3A_321, %while3A_348 = %broadcast_in_dim3A_321, %while3A_349 = %broadcast_in_dim3A_319, %while3A_350 = %broadcast_in_dim3A_319, %while3A_351 = %and3A_336, %while3A_352 = %and3A_340) : (vector<16xi32>, vector<16xi32>, vector<16xf32>, vector<16xf32>, vector<16xi1>, vector<16xi1>) -> (vector<16xi32>, vector<16xi32>, vector<16xf32>, vector<16xf32>, vector<16xi1>, vector<16xi1>) {
              %or3A = arith.ori %while3A_351, %while3A_352 : vector<16xi1>
              %reduce_or3A = arith.constant 1.000000e+00 : f32
              %reduce_or3A_353 = arith.constant 0.000000e+00 : f32
              %reduce_or3A_354 = vector.broadcast %reduce_or3A : f32 to vector<16xf32>
              %reduce_or3A_355 = vector.broadcast %reduce_or3A_353 : f32 to vector<16xf32>
              %reduce_or3A_356 = arith.select %or3A, %reduce_or3A_354, %reduce_or3A_355 : vector<16xi1>, vector<16xf32>
              %reduce_or3A_357 = arith.constant true
              %reduce_or3A_358 = vector.broadcast %reduce_or3A_357 : i1 to vector<16xi1>
              %reduce_or3A_359 = tpu.scan <max>, %reduce_or3A_356 masked %reduce_or3A_358 : vector<16xf32>, vector<16xi1> -> vector<16xf32>
              %reduce_or3A_360 = vector.extract %reduce_or3A_359[15] : f32 from vector<16xf32>
              %reduce_or3A_361 = arith.constant 0.000000e+00 : f32
              %reduce_or3A_362 = arith.cmpf ogt, %reduce_or3A_360, %reduce_or3A_361 : f32
              scf.condition(%reduce_or3A_362) %while3A_347, %while3A_348, %while3A_349, %while3A_350, %while3A_351, %while3A_352 : vector<16xi32>, vector<16xi32>, vector<16xf32>, vector<16xf32>, vector<16xi1>, vector<16xi1>
            } do {
            ^bb0(%while3A_347: vector<16xi32>, %while3A_348: vector<16xi32>, %while3A_349: vector<16xf32>, %while3A_350: vector<16xf32>, %while3A_351: vector<16xi1>, %while3A_352: vector<16xi1>):
              %min3A_353 = arith.constant 63 : i32
              %min3A_354 = vector.broadcast %min3A_353 : i32 to vector<16xi32>
              %min3A_355 = arith.minsi %while3A_347, %min3A_354 : vector<16xi32>
              %gather3A_356 = tpu.vector_load_idx %arg17[%min3A_355, %add3A_293] : memref<64x128xf32, #tpu.memory_space<vmem>>[vector<16xi32>, vector<16xi32>], vector<16xf32>,
              %min3A_357 = arith.constant 63 : i32
              %min3A_358 = vector.broadcast %min3A_357 : i32 to vector<16xi32>
              %min3A_359 = arith.minsi %while3A_348, %min3A_358 : vector<16xi32>
              %gather3A_360 = tpu.vector_load_idx %arg17[%min3A_359, %add3A_293] : memref<64x128xf32, #tpu.memory_space<vmem>>[vector<16xi32>, vector<16xi32>], vector<16xf32>,
              %lt3A_361 = arith.constant 64 : i32
              %lt3A_362 = vector.broadcast %lt3A_361 : i32 to vector<16xi32>
              %lt3A_363 = arith.cmpi slt, %while3A_347, %lt3A_362 : vector<16xi32>
              %and3A_364 = arith.andi %while3A_351, %lt3A_363 : vector<16xi1>
              %jit3A = arith.constant 0.000000e+00 : f32
              %broadcast_in_dim3A_365 = vector.broadcast %jit3A : f32 to vector<16xf32>
              %select_n3A = arith.select %and3A_364, %gather3A_356, %broadcast_in_dim3A_365 : vector<16xi1>, vector<16xf32>
              %add3A_366 = arith.addf %while3A_349, %select_n3A : vector<16xf32>
              %lt3A_367 = arith.constant 64 : i32
              %lt3A_368 = vector.broadcast %lt3A_367 : i32 to vector<16xi32>
              %lt3A_369 = arith.cmpi slt, %while3A_348, %lt3A_368 : vector<16xi32>
              %and3A_370 = arith.andi %while3A_352, %lt3A_369 : vector<16xi1>
              %jit3A_371 = arith.constant 0.000000e+00 : f32
              %broadcast_in_dim3A_372 = vector.broadcast %jit3A_371 : f32 to vector<16xf32>
              %select_n3A_373 = arith.select %and3A_370, %gather3A_360, %broadcast_in_dim3A_372 : vector<16xi1>, vector<16xf32>
              %add3A_374 = arith.addf %while3A_350, %select_n3A_373 : vector<16xf32>
              %convert_element_type3A_375 = arith.extui %while3A_351 : vector<16xi1> to vector<16xi32>
              %add3A_376 = arith.addi %while3A_347, %convert_element_type3A_375 : vector<16xi32>
              %convert_element_type3A_377 = arith.extui %while3A_352 : vector<16xi1> to vector<16xi32>
              %add3A_378 = arith.addi %while3A_348, %convert_element_type3A_377 : vector<16xi32>
              %min3A_379 = arith.constant 64 : i32
              %min3A_380 = vector.broadcast %min3A_379 : i32 to vector<16xi32>
              %min3A_381 = arith.minsi %add3A_376, %min3A_380 : vector<16xi32>
              %gather3A_382 = tpu.vector_load_idx %arg16[%min3A_381, %add3A_293] : memref<65x128xf32, #tpu.memory_space<vmem>>[vector<16xi32>, vector<16xi32>], vector<16xf32>,
              %min3A_383 = arith.constant 64 : i32
              %min3A_384 = vector.broadcast %min3A_383 : i32 to vector<16xi32>
              %min3A_385 = arith.minsi %add3A_378, %min3A_384 : vector<16xi32>
              %gather3A_386 = tpu.vector_load_idx %arg16[%min3A_385, %add3A_293] : memref<65x128xf32, #tpu.memory_space<vmem>>[vector<16xi32>, vector<16xi32>], vector<16xf32>,
              %lt3A_387 = arith.cmpf olt, %gather3A_382, %get3A_325 : vector<16xf32>
              %lt3A_388 = arith.constant 65 : i32
              %lt3A_389 = vector.broadcast %lt3A_388 : i32 to vector<16xi32>
              %lt3A_390 = arith.cmpi slt, %add3A_376, %lt3A_389 : vector<16xi32>
              %and3A_391 = arith.andi %lt3A_387, %lt3A_390 : vector<16xi1>
              %le3A_392 = arith.cmpf ole, %gather3A_386, %get3A_325 : vector<16xf32>
              %lt3A_393 = arith.constant 65 : i32
              %lt3A_394 = vector.broadcast %lt3A_393 : i32 to vector<16xi32>
              %lt3A_395 = arith.cmpi slt, %add3A_378, %lt3A_394 : vector<16xi32>
              %and3A_396 = arith.andi %le3A_392, %lt3A_395 : vector<16xi1>
              scf.yield %add3A_376, %add3A_378, %add3A_366, %add3A_374, %and3A_391, %and3A_396 : vector<16xi32>, vector<16xi32>, vector<16xf32>, vector<16xf32>, vector<16xi1>, vector<16xi1>
            }
            %scan3A_341 = arith.constant 1 : i32
            %scan3A_342 = arith.constant 32 : i32
            %scan3A_343 = arith.addi %scan3A_341, %scan3A_342 : i32
            %scan3A_344 = arith.constant 1 : i32
            %scan3A_345:5 = scf.for %scan3A_347 = %scan3A_341 to %scan3A_343 step %scan3A_344 iter_args(%scan3A_348 = %while3A#0, %scan3A_349 = %while3A#1, %scan3A_350 = %while3A#2, %scan3A_351 = %while3A#3, %scan3A_352 = %while3A#2) -> (vector<16xi32>, vector<16xi32>, vector<16xf32>, vector<16xf32>, vector<16xf32>)  : i32 {
              %get3A_353 = arith.index_cast %scan3A_347 : i32 to index
              %get3A_354 = arith.index_cast %mul3A_291 : i32 to index
              %get3A_355 = tpu.vector_load %arg15[%get3A_353, %get3A_354] {strides = array<i32>} : memref<33x128xf32, #tpu.memory_space<vmem>>, vector<16xf32>,
              %min3A_356 = arith.constant 64 : i32
              %min3A_357 = vector.broadcast %min3A_356 : i32 to vector<16xi32>
              %min3A_358 = arith.minsi %scan3A_348, %min3A_357 : vector<16xi32>
              %gather3A_359 = tpu.vector_load_idx %arg16[%min3A_358, %add3A_293] : memref<65x128xf32, #tpu.memory_space<vmem>>[vector<16xi32>, vector<16xi32>], vector<16xf32>,
              %min3A_360 = arith.constant 64 : i32
              %min3A_361 = vector.broadcast %min3A_360 : i32 to vector<16xi32>
              %min3A_362 = arith.minsi %scan3A_349, %min3A_361 : vector<16xi32>
              %gather3A_363 = tpu.vector_load_idx %arg16[%min3A_362, %add3A_293] : memref<65x128xf32, #tpu.memory_space<vmem>>[vector<16xi32>, vector<16xi32>], vector<16xf32>,
              %lt3A_364 = arith.cmpf olt, %gather3A_359, %get3A_355 : vector<16xf32>
              %lt3A_365 = arith.constant 65 : i32
              %lt3A_366 = vector.broadcast %lt3A_365 : i32 to vector<16xi32>
              %lt3A_367 = arith.cmpi slt, %scan3A_348, %lt3A_366 : vector<16xi32>
              %and3A_368 = arith.andi %lt3A_364, %lt3A_367 : vector<16xi1>
              %le3A_369 = arith.cmpf ole, %gather3A_363, %get3A_355 : vector<16xf32>
              %lt3A_370 = arith.constant 65 : i32
              %lt3A_371 = vector.broadcast %lt3A_370 : i32 to vector<16xi32>
              %lt3A_372 = arith.cmpi slt, %scan3A_349, %lt3A_371 : vector<16xi32>
              %and3A_373 = arith.andi %le3A_369, %lt3A_372 : vector<16xi1>
              %while3A_374:6 = scf.while (%while3A_389 = %scan3A_348, %while3A_390 = %scan3A_349, %while3A_391 = %scan3A_350, %while3A_392 = %scan3A_351, %while3A_393 = %and3A_368, %while3A_394 = %and3A_373) : (vector<16xi32>, vector<16xi32>, vector<16xf32>, vector<16xf32>, vector<16xi1>, vector<16xi1>) -> (vector<16xi32>, vector<16xi32>, vector<16xf32>, vector<16xf32>, vector<16xi1>, vector<16xi1>) {
                %or3A = arith.ori %while3A_393, %while3A_394 : vector<16xi1>
                %reduce_or3A = arith.constant 1.000000e+00 : f32
                %reduce_or3A_395 = arith.constant 0.000000e+00 : f32
                %reduce_or3A_396 = vector.broadcast %reduce_or3A : f32 to vector<16xf32>
                %reduce_or3A_397 = vector.broadcast %reduce_or3A_395 : f32 to vector<16xf32>
                %reduce_or3A_398 = arith.select %or3A, %reduce_or3A_396, %reduce_or3A_397 : vector<16xi1>, vector<16xf32>
                %reduce_or3A_399 = arith.constant true
                %reduce_or3A_400 = vector.broadcast %reduce_or3A_399 : i1 to vector<16xi1>
                %reduce_or3A_401 = tpu.scan <max>, %reduce_or3A_398 masked %reduce_or3A_400 : vector<16xf32>, vector<16xi1> -> vector<16xf32>
                %reduce_or3A_402 = vector.extract %reduce_or3A_401[15] : f32 from vector<16xf32>
                %reduce_or3A_403 = arith.constant 0.000000e+00 : f32
                %reduce_or3A_404 = arith.cmpf ogt, %reduce_or3A_402, %reduce_or3A_403 : f32
                scf.condition(%reduce_or3A_404) %while3A_389, %while3A_390, %while3A_391, %while3A_392, %while3A_393, %while3A_394 : vector<16xi32>, vector<16xi32>, vector<16xf32>, vector<16xf32>, vector<16xi1>, vector<16xi1>
              } do {
              ^bb0(%while3A_389: vector<16xi32>, %while3A_390: vector<16xi32>, %while3A_391: vector<16xf32>, %while3A_392: vector<16xf32>, %while3A_393: vector<16xi1>, %while3A_394: vector<16xi1>):
                %min3A_395 = arith.constant 63 : i32
                %min3A_396 = vector.broadcast %min3A_395 : i32 to vector<16xi32>
                %min3A_397 = arith.minsi %while3A_389, %min3A_396 : vector<16xi32>
                %gather3A_398 = tpu.vector_load_idx %arg17[%min3A_397, %add3A_293] : memref<64x128xf32, #tpu.memory_space<vmem>>[vector<16xi32>, vector<16xi32>], vector<16xf32>,
                %min3A_399 = arith.constant 63 : i32
                %min3A_400 = vector.broadcast %min3A_399 : i32 to vector<16xi32>
                %min3A_401 = arith.minsi %while3A_390, %min3A_400 : vector<16xi32>
                %gather3A_402 = tpu.vector_load_idx %arg17[%min3A_401, %add3A_293] : memref<64x128xf32, #tpu.memory_space<vmem>>[vector<16xi32>, vector<16xi32>], vector<16xf32>,
                %lt3A_403 = arith.constant 64 : i32
                %lt3A_404 = vector.broadcast %lt3A_403 : i32 to vector<16xi32>
                %lt3A_405 = arith.cmpi slt, %while3A_389, %lt3A_404 : vector<16xi32>
                %and3A_406 = arith.andi %while3A_393, %lt3A_405 : vector<16xi1>
                %jit3A = arith.constant 0.000000e+00 : f32
                %broadcast_in_dim3A_407 = vector.broadcast %jit3A : f32 to vector<16xf32>
                %select_n3A = arith.select %and3A_406, %gather3A_398, %broadcast_in_dim3A_407 : vector<16xi1>, vector<16xf32>
                %add3A_408 = arith.addf %while3A_391, %select_n3A : vector<16xf32>
                %lt3A_409 = arith.constant 64 : i32
                %lt3A_410 = vector.broadcast %lt3A_409 : i32 to vector<16xi32>
                %lt3A_411 = arith.cmpi slt, %while3A_390, %lt3A_410 : vector<16xi32>
                %and3A_412 = arith.andi %while3A_394, %lt3A_411 : vector<16xi1>
                %jit3A_413 = arith.constant 0.000000e+00 : f32
                %broadcast_in_dim3A_414 = vector.broadcast %jit3A_413 : f32 to vector<16xf32>
                %select_n3A_415 = arith.select %and3A_412, %gather3A_402, %broadcast_in_dim3A_414 : vector<16xi1>, vector<16xf32>
                %add3A_416 = arith.addf %while3A_392, %select_n3A_415 : vector<16xf32>
                %convert_element_type3A_417 = arith.extui %while3A_393 : vector<16xi1> to vector<16xi32>
                %add3A_418 = arith.addi %while3A_389, %convert_element_type3A_417 : vector<16xi32>
                %convert_element_type3A_419 = arith.extui %while3A_394 : vector<16xi1> to vector<16xi32>
                %add3A_420 = arith.addi %while3A_390, %convert_element_type3A_419 : vector<16xi32>
                %min3A_421 = arith.constant 64 : i32
                %min3A_422 = vector.broadcast %min3A_421 : i32 to vector<16xi32>
                %min3A_423 = arith.minsi %add3A_418, %min3A_422 : vector<16xi32>
                %gather3A_424 = tpu.vector_load_idx %arg16[%min3A_423, %add3A_293] : memref<65x128xf32, #tpu.memory_space<vmem>>[vector<16xi32>, vector<16xi32>], vector<16xf32>,
                %min3A_425 = arith.constant 64 : i32
                %min3A_426 = vector.broadcast %min3A_425 : i32 to vector<16xi32>
                %min3A_427 = arith.minsi %add3A_420, %min3A_426 : vector<16xi32>
                %gather3A_428 = tpu.vector_load_idx %arg16[%min3A_427, %add3A_293] : memref<65x128xf32, #tpu.memory_space<vmem>>[vector<16xi32>, vector<16xi32>], vector<16xf32>,
                %lt3A_429 = arith.cmpf olt, %gather3A_424, %get3A_355 : vector<16xf32>
                %lt3A_430 = arith.constant 65 : i32
                %lt3A_431 = vector.broadcast %lt3A_430 : i32 to vector<16xi32>
                %lt3A_432 = arith.cmpi slt, %add3A_418, %lt3A_431 : vector<16xi32>
                %and3A_433 = arith.andi %lt3A_429, %lt3A_432 : vector<16xi1>
                %le3A_434 = arith.cmpf ole, %gather3A_428, %get3A_355 : vector<16xf32>
                %lt3A_435 = arith.constant 65 : i32
                %lt3A_436 = vector.broadcast %lt3A_435 : i32 to vector<16xi32>
                %lt3A_437 = arith.cmpi slt, %add3A_420, %lt3A_436 : vector<16xi32>
                %and3A_438 = arith.andi %le3A_434, %lt3A_437 : vector<16xi1>
                scf.yield %add3A_418, %add3A_420, %add3A_408, %add3A_416, %and3A_433, %and3A_438 : vector<16xi32>, vector<16xi32>, vector<16xf32>, vector<16xf32>, vector<16xi1>, vector<16xi1>
              }
              %sub3A = arith.constant 1 : i32
              %sub3A_375 = arith.subi %scan3A_347, %sub3A : i32
              %get3A_376 = arith.index_cast %sub3A_375 : i32 to index
              %get3A_377 = arith.index_cast %mul3A_291 : i32 to index
              %get3A_378 = tpu.vector_load %arg7[%get3A_376, %get3A_377] {strides = array<i32>} : memref<32x128xf32, #tpu.memory_space<vmem>>, vector<16xf32>,
              %sub3A_379 = arith.subf %while3A_374#3, %scan3A_352 : vector<16xf32>
              %sub3A_380 = arith.subf %get3A_378, %sub3A_379 : vector<16xf32>
              %max3A = arith.constant 0.000000e+00 : f32
              %max3A_381 = vector.broadcast %max3A : f32 to vector<16xf32>
              %max3A_382 = arith.maximumf %sub3A_380, %max3A_381 : vector<16xf32>
              %mul3A_383 = arith.mulf %max3A_382, %max3A_382 : vector<16xf32>
              %add3A_384 = arith.constant 1.1920929E-7 : f32
              %add3A_385 = vector.broadcast %add3A_384 : f32 to vector<16xf32>
              %add3A_386 = arith.addf %get3A_378, %add3A_385 : vector<16xf32>
              %div3A = arith.divf %mul3A_383, %add3A_386 : vector<16xf32>
              %swap3A = arith.index_cast %sub3A_375 : i32 to index
              %swap3A_387 = arith.index_cast %mul3A_291 : i32 to index
              %swap3A_388 = tpu.vector_load %arg8[%swap3A, %swap3A_387] {strides = array<i32>} : memref<32x128xf32, #tpu.memory_space<vmem>>, vector<16xf32>,
              tpu.vector_store %arg8[%swap3A, %swap3A_387], %div3A {strides = array<i32>} : memref<32x128xf32, #tpu.memory_space<vmem>>, vector<16xf32>,
              scf.yield %while3A_374#0, %while3A_374#1, %while3A_374#2, %while3A_374#3, %while3A_374#2 : vector<16xi32>, vector<16xi32>, vector<16xf32>, vector<16xf32>, vector<16xf32>
            }
            %scan3A_346 = arith.constant 32 : i32
          }
          %scan3A_317 = arith.constant 0 : i32
          scf.yield %scan3A_317 : i32
        }
        %scan3A_287 = arith.constant 8 : i32
      }
      %mul3A_145 = arith.constant 128 : i32
      %mul3A_146 = arith.muli %add3A_41, %mul3A_145 : i32
      %add3A_147 = arith.addi %mul3A_2, %mul3A_146 : i32
      "tpu.region"() ({
        %run_scoped3A = tpu.sem_alloc : memref<!tpu.dma_semaphore, #tpu.memory_space<semaphore_mem>>
        %dma_start3A_278 = arith.constant 0 : i32
        %dma_start3A_279 = tpu.memref_slice %arg6[%dma_start3A_278, %add3A_147] : memref<32x262144xf32, #tpu.memory_space<hbm>> -> memref<32x128xf32, #tpu.memory_space<hbm>>
        %dma_start3A_280 = arith.constant 0 : i32
        %dma_start3A_281 = tpu.memref_slice %arg6[%dma_start3A_280, %add3A_147] : memref<32x262144xf32, #tpu.memory_space<hbm>> -> memref<32x128xf32, #tpu.memory_space<hbm>>
        tpu.enqueue_dma source(%arg8 : memref<32x128xf32, #tpu.memory_space<vmem>>) target(%dma_start3A_281 : memref<32x128xf32, #tpu.memory_space<hbm>>) target_semaphore(%run_scoped3A : memref<!tpu.dma_semaphore, #tpu.memory_space<semaphore_mem>>)
        %dma_wait3A_282 = arith.constant 0 : i32
        %dma_wait3A_283 = tpu.memref_slice %arg6[%dma_wait3A_282, %add3A_147] : memref<32x262144xf32, #tpu.memory_space<hbm>> -> memref<32x128xf32, #tpu.memory_space<hbm>>
        %dma_wait3A_284 = arith.constant 0 : i32
        %dma_wait3A_285 = tpu.memref_slice %arg6[%dma_wait3A_284, %add3A_147] : memref<32x262144xf32, #tpu.memory_space<hbm>> -> memref<32x128xf32, #tpu.memory_space<hbm>>
        tpu.wait_dma2 semaphore(%run_scoped3A : memref<!tpu.dma_semaphore, #tpu.memory_space<semaphore_mem>>) src(%arg8 : memref<32x128xf32, #tpu.memory_space<vmem>>) dst(%dma_wait3A_285 : memref<32x128xf32, #tpu.memory_space<hbm>>)
        tpu.yield
      }) : () -> ()
      %add3A_148 = arith.constant 2 : i32
      %add3A_149 = arith.addi %add3A_41, %add3A_148 : i32
      %lt3A = arith.constant 64 : i32
      %lt3A_150 = arith.cmpi slt, %add3A_149, %lt3A : i32
      %convert_element_type3A_151 = arith.extui %lt3A_150 : i1 to i32
      %cond3A_152 = arith.constant 0 : i32
      %cond3A_153 = arith.cmpi ne, %convert_element_type3A_151, %cond3A_152 : i32
      scf.if %cond3A_153 {
        %add3A_278 = arith.constant 2 : i32
        %add3A_279 = arith.addi %add3A_41, %add3A_278 : i32
        %mul3A_280 = arith.constant 128 : i32
        %mul3A_281 = arith.muli %add3A_279, %mul3A_280 : i32
        %add3A_282 = arith.addi %mul3A_2, %mul3A_281 : i32
        %dma_start3A_283 = arith.constant 0 : i32
        %dma_start3A_284 = tpu.memref_slice %arg3[%dma_start3A_283, %add3A_282] : memref<32x262144xf32, #tpu.memory_space<hbm>> -> memref<32x128xf32, #tpu.memory_space<hbm>>
        %dma_start3A_285 = arith.constant 0 : i32
        %dma_start3A_286 = tpu.memref_slice %arg3[%dma_start3A_285, %add3A_282] : memref<32x262144xf32, #tpu.memory_space<hbm>> -> memref<32x128xf32, #tpu.memory_space<hbm>>
        tpu.enqueue_dma source(%dma_start3A_286 : memref<32x128xf32, #tpu.memory_space<hbm>>) target(%arg7 : memref<32x128xf32, #tpu.memory_space<vmem>>) target_semaphore(%arg18 : memref<!tpu.dma_semaphore, #tpu.memory_space<semaphore_mem>>)
        %dma_start3A_287 = arith.constant 0 : i32
        %dma_start3A_288 = tpu.memref_slice %arg4[%dma_start3A_287, %add3A_282] : memref<65x262144xf32, #tpu.memory_space<hbm>> -> memref<1x128xf32, #tpu.memory_space<hbm>>
        %dma_start3A_289 = arith.constant 0 : i32
        %dma_start3A_290 = tpu.memref_slice %arg4[%dma_start3A_289, %add3A_282] : memref<65x262144xf32, #tpu.memory_space<hbm>> -> memref<1x128xf32, #tpu.memory_space<hbm>>
        tpu.enqueue_dma source(%dma_start3A_290 : memref<1x128xf32, #tpu.memory_space<hbm>>) target(%arg9 : memref<1x128xf32, #tpu.memory_space<vmem>>) target_semaphore(%arg18 : memref<!tpu.dma_semaphore, #tpu.memory_space<semaphore_mem>>)
        %dma_start3A_291 = arith.constant 32 : i32
        %dma_start3A_292 = tpu.memref_slice %arg2[%dma_start3A_291, %add3A_282] : memref<33x262144xf32, #tpu.memory_space<hbm>> -> memref<1x128xf32, #tpu.memory_space<hbm>>
        %dma_start3A_293 = arith.constant 32 : i32
        %dma_start3A_294 = tpu.memref_slice %arg2[%dma_start3A_293, %add3A_282] : memref<33x262144xf32, #tpu.memory_space<hbm>> -> memref<1x128xf32, #tpu.memory_space<hbm>>
        tpu.enqueue_dma source(%dma_start3A_294 : memref<1x128xf32, #tpu.memory_space<hbm>>) target(%arg10 : memref<1x128xf32, #tpu.memory_space<vmem>>) target_semaphore(%arg18 : memref<!tpu.dma_semaphore, #tpu.memory_space<semaphore_mem>>)
      } else {
      }
      %add3A_154 = arith.constant 1 : i32
      %add3A_155 = arith.addi %mul3A_39, %add3A_154 : i32
      %mul3A_156 = arith.constant 128 : i32
      %mul3A_157 = arith.muli %add3A_155, %mul3A_156 : i32
      %add3A_158 = arith.addi %mul3A_2, %mul3A_157 : i32
      %dma_wait3A_159 = arith.constant 0 : i32
      %dma_wait3A_160 = tpu.memref_slice %arg3[%dma_wait3A_159, %add3A_158] : memref<32x262144xf32, #tpu.memory_space<hbm>> -> memref<32x128xf32, #tpu.memory_space<hbm>>
      %dma_wait3A_161 = arith.constant 0 : i32
      %dma_wait3A_162 = tpu.memref_slice %arg3[%dma_wait3A_161, %add3A_158] : memref<32x262144xf32, #tpu.memory_space<hbm>> -> memref<32x128xf32, #tpu.memory_space<hbm>>
      tpu.wait_dma2 semaphore(%arg19 : memref<!tpu.dma_semaphore, #tpu.memory_space<semaphore_mem>>) src(%dma_wait3A_162 : memref<32x128xf32, #tpu.memory_space<hbm>>) dst(%arg11 : memref<32x128xf32, #tpu.memory_space<vmem>>)
      %dma_wait3A_163 = arith.constant 0 : i32
      %dma_wait3A_164 = tpu.memref_slice %arg4[%dma_wait3A_163, %add3A_158] : memref<65x262144xf32, #tpu.memory_space<hbm>> -> memref<1x128xf32, #tpu.memory_space<hbm>>
      %dma_wait3A_165 = arith.constant 0 : i32
      %dma_wait3A_166 = tpu.memref_slice %arg4[%dma_wait3A_165, %add3A_158] : memref<65x262144xf32, #tpu.memory_space<hbm>> -> memref<1x128xf32, #tpu.memory_space<hbm>>
      tpu.wait_dma2 semaphore(%arg19 : memref<!tpu.dma_semaphore, #tpu.memory_space<semaphore_mem>>) src(%dma_wait3A_166 : memref<1x128xf32, #tpu.memory_space<hbm>>) dst(%arg13 : memref<1x128xf32, #tpu.memory_space<vmem>>)
      %dma_wait3A_167 = arith.constant 32 : i32
      %dma_wait3A_168 = tpu.memref_slice %arg2[%dma_wait3A_167, %add3A_158] : memref<33x262144xf32, #tpu.memory_space<hbm>> -> memref<1x128xf32, #tpu.memory_space<hbm>>
      %dma_wait3A_169 = arith.constant 32 : i32
      %dma_wait3A_170 = tpu.memref_slice %arg2[%dma_wait3A_169, %add3A_158] : memref<33x262144xf32, #tpu.memory_space<hbm>> -> memref<1x128xf32, #tpu.memory_space<hbm>>
      tpu.wait_dma2 semaphore(%arg19 : memref<!tpu.dma_semaphore, #tpu.memory_space<semaphore_mem>>) src(%dma_wait3A_170 : memref<1x128xf32, #tpu.memory_space<hbm>>) dst(%arg14 : memref<1x128xf32, #tpu.memory_space<vmem>>)
      %broadcast_in_dim3A_171 = arith.constant true
      %broadcast_in_dim3A_172 = vector.broadcast %broadcast_in_dim3A_171 : i1 to vector<16xi1>
      %get3A_173 = arith.constant 0 : i32
      %get3A_174 = arith.index_cast %get3A_173 : i32 to index
      %get3A_175 = arith.constant 0 : index
      %get3A_176 = tpu.vector_load %arg13[%get3A_174, %get3A_175] {strides = array<i32>} : memref<1x128xf32, #tpu.memory_space<vmem>>, vector<16xf32>,
      %get3A_177 = arith.constant 0 : i32
      %get3A_178 = arith.index_cast %get3A_177 : i32 to index
      %get3A_179 = arith.constant 0 : index
      %get3A_180 = tpu.vector_load %arg14[%get3A_178, %get3A_179] {strides = array<i32>} : memref<1x128xf32, #tpu.memory_space<vmem>>, vector<16xf32>,
      %gt3A_181 = arith.cmpf ogt, %get3A_176, %get3A_180 : vector<16xf32>
      %and3A_182 = arith.andi %broadcast_in_dim3A_172, %gt3A_181 : vector<16xi1>
      %get3A_183 = arith.constant 0 : i32
      %get3A_184 = arith.index_cast %get3A_183 : i32 to index
      %get3A_185 = arith.constant 16 : index
      %get3A_186 = tpu.vector_load %arg13[%get3A_184, %get3A_185] {strides = array<i32>} : memref<1x128xf32, #tpu.memory_space<vmem>>, vector<16xf32>,
      %get3A_187 = arith.constant 0 : i32
      %get3A_188 = arith.index_cast %get3A_187 : i32 to index
      %get3A_189 = arith.constant 16 : index
      %get3A_190 = tpu.vector_load %arg14[%get3A_188, %get3A_189] {strides = array<i32>} : memref<1x128xf32, #tpu.memory_space<vmem>>, vector<16xf32>,
      %gt3A_191 = arith.cmpf ogt, %get3A_186, %get3A_190 : vector<16xf32>
      %and3A_192 = arith.andi %and3A_182, %gt3A_191 : vector<16xi1>
      %get3A_193 = arith.constant 0 : i32
      %get3A_194 = arith.index_cast %get3A_193 : i32 to index
      %get3A_195 = arith.constant 32 : index
      %get3A_196 = tpu.vector_load %arg13[%get3A_194, %get3A_195] {strides = array<i32>} : memref<1x128xf32, #tpu.memory_space<vmem>>, vector<16xf32>,
      %get3A_197 = arith.constant 0 : i32
      %get3A_198 = arith.index_cast %get3A_197 : i32 to index
      %get3A_199 = arith.constant 32 : index
      %get3A_200 = tpu.vector_load %arg14[%get3A_198, %get3A_199] {strides = array<i32>} : memref<1x128xf32, #tpu.memory_space<vmem>>, vector<16xf32>,
      %gt3A_201 = arith.cmpf ogt, %get3A_196, %get3A_200 : vector<16xf32>
      %and3A_202 = arith.andi %and3A_192, %gt3A_201 : vector<16xi1>
      %get3A_203 = arith.constant 0 : i32
      %get3A_204 = arith.index_cast %get3A_203 : i32 to index
      %get3A_205 = arith.constant 48 : index
      %get3A_206 = tpu.vector_load %arg13[%get3A_204, %get3A_205] {strides = array<i32>} : memref<1x128xf32, #tpu.memory_space<vmem>>, vector<16xf32>,
      %get3A_207 = arith.constant 0 : i32
      %get3A_208 = arith.index_cast %get3A_207 : i32 to index
      %get3A_209 = arith.constant 48 : index
      %get3A_210 = tpu.vector_load %arg14[%get3A_208, %get3A_209] {strides = array<i32>} : memref<1x128xf32, #tpu.memory_space<vmem>>, vector<16xf32>,
      %gt3A_211 = arith.cmpf ogt, %get3A_206, %get3A_210 : vector<16xf32>
      %and3A_212 = arith.andi %and3A_202, %gt3A_211 : vector<16xi1>
      %get3A_213 = arith.constant 0 : i32
      %get3A_214 = arith.index_cast %get3A_213 : i32 to index
      %get3A_215 = arith.constant 64 : index
      %get3A_216 = tpu.vector_load %arg13[%get3A_214, %get3A_215] {strides = array<i32>} : memref<1x128xf32, #tpu.memory_space<vmem>>, vector<16xf32>,
      %get3A_217 = arith.constant 0 : i32
      %get3A_218 = arith.index_cast %get3A_217 : i32 to index
      %get3A_219 = arith.constant 64 : index
      %get3A_220 = tpu.vector_load %arg14[%get3A_218, %get3A_219] {strides = array<i32>} : memref<1x128xf32, #tpu.memory_space<vmem>>, vector<16xf32>,
      %gt3A_221 = arith.cmpf ogt, %get3A_216, %get3A_220 : vector<16xf32>
      %and3A_222 = arith.andi %and3A_212, %gt3A_221 : vector<16xi1>
      %get3A_223 = arith.constant 0 : i32
      %get3A_224 = arith.index_cast %get3A_223 : i32 to index
      %get3A_225 = arith.constant 80 : index
      %get3A_226 = tpu.vector_load %arg13[%get3A_224, %get3A_225] {strides = array<i32>} : memref<1x128xf32, #tpu.memory_space<vmem>>, vector<16xf32>,
      %get3A_227 = arith.constant 0 : i32
      %get3A_228 = arith.index_cast %get3A_227 : i32 to index
      %get3A_229 = arith.constant 80 : index
      %get3A_230 = tpu.vector_load %arg14[%get3A_228, %get3A_229] {strides = array<i32>} : memref<1x128xf32, #tpu.memory_space<vmem>>, vector<16xf32>,
      %gt3A_231 = arith.cmpf ogt, %get3A_226, %get3A_230 : vector<16xf32>
      %and3A_232 = arith.andi %and3A_222, %gt3A_231 : vector<16xi1>
      %get3A_233 = arith.constant 0 : i32
      %get3A_234 = arith.index_cast %get3A_233 : i32 to index
      %get3A_235 = arith.constant 96 : index
      %get3A_236 = tpu.vector_load %arg13[%get3A_234, %get3A_235] {strides = array<i32>} : memref<1x128xf32, #tpu.memory_space<vmem>>, vector<16xf32>,
      %get3A_237 = arith.constant 0 : i32
      %get3A_238 = arith.index_cast %get3A_237 : i32 to index
      %get3A_239 = arith.constant 96 : index
      %get3A_240 = tpu.vector_load %arg14[%get3A_238, %get3A_239] {strides = array<i32>} : memref<1x128xf32, #tpu.memory_space<vmem>>, vector<16xf32>,
      %gt3A_241 = arith.cmpf ogt, %get3A_236, %get3A_240 : vector<16xf32>
      %and3A_242 = arith.andi %and3A_232, %gt3A_241 : vector<16xi1>
      %get3A_243 = arith.constant 0 : i32
      %get3A_244 = arith.index_cast %get3A_243 : i32 to index
      %get3A_245 = arith.constant 112 : index
      %get3A_246 = tpu.vector_load %arg13[%get3A_244, %get3A_245] {strides = array<i32>} : memref<1x128xf32, #tpu.memory_space<vmem>>, vector<16xf32>,
      %get3A_247 = arith.constant 0 : i32
      %get3A_248 = arith.index_cast %get3A_247 : i32 to index
      %get3A_249 = arith.constant 112 : index
      %get3A_250 = tpu.vector_load %arg14[%get3A_248, %get3A_249] {strides = array<i32>} : memref<1x128xf32, #tpu.memory_space<vmem>>, vector<16xf32>,
      %gt3A_251 = arith.cmpf ogt, %get3A_246, %get3A_250 : vector<16xf32>
      %and3A_252 = arith.andi %and3A_242, %gt3A_251 : vector<16xi1>
      %reduce_and3A_253 = arith.constant 1.000000e+00 : f32
      %reduce_and3A_254 = arith.constant 0.000000e+00 : f32
      %reduce_and3A_255 = vector.broadcast %reduce_and3A_253 : f32 to vector<16xf32>
      %reduce_and3A_256 = vector.broadcast %reduce_and3A_254 : f32 to vector<16xf32>
      %reduce_and3A_257 = arith.select %and3A_252, %reduce_and3A_255, %reduce_and3A_256 : vector<16xi1>, vector<16xf32>
      %reduce_and3A_258 = arith.constant true
      %reduce_and3A_259 = vector.broadcast %reduce_and3A_258 : i1 to vector<16xi1>
      %reduce_and3A_260 = tpu.scan <min>, %reduce_and3A_257 masked %reduce_and3A_259 : vector<16xf32>, vector<16xi1> -> vector<16xf32>
      %reduce_and3A_261 = vector.extract %reduce_and3A_260[15] : f32 from vector<16xf32>
      %reduce_and3A_262 = arith.constant 0.000000e+00 : f32
      %reduce_and3A_263 = arith.cmpf ogt, %reduce_and3A_261, %reduce_and3A_262 : f32
      %convert_element_type3A_264 = arith.extui %reduce_and3A_263 : i1 to i32
      %cond3A_265 = arith.constant 0 : i32
      %cond3A_266 = arith.cmpi ne, %convert_element_type3A_264, %cond3A_265 : i32
      scf.if %cond3A_266 {
        %scan3A_278 = arith.constant 0 : i32
        %scan3A_279 = arith.constant 0 : i32
        %scan3A_280 = arith.constant 8 : i32
        %scan3A_281 = arith.addi %scan3A_279, %scan3A_280 : i32
        %scan3A_282 = arith.constant 1 : i32
        %scan3A_283 = scf.for %scan3A_285 = %scan3A_279 to %scan3A_281 step %scan3A_282 iter_args(%scan3A_286 = %scan3A_278) -> (i32)  : i32 {
          %mul3A_287 = arith.constant 16 : i32
          %mul3A_288 = arith.muli %scan3A_285, %mul3A_287 : i32
          %get3A_289 = arith.constant 0 : i32
          %get3A_290 = arith.index_cast %get3A_289 : i32 to index
          %get3A_291 = arith.index_cast %mul3A_288 : i32 to index
          %get3A_292 = tpu.vector_load %arg11[%get3A_290, %get3A_291] {strides = array<i32>} : memref<32x128xf32, #tpu.memory_space<vmem>>, vector<16xf32>,
          %max3A = arith.constant 0.000000e+00 : f32
          %max3A_293 = vector.broadcast %max3A : f32 to vector<16xf32>
          %max3A_294 = arith.maximumf %get3A_292, %max3A_293 : vector<16xf32>
          %mul3A_295 = arith.mulf %max3A_294, %max3A_294 : vector<16xf32>
          %add3A_296 = arith.constant 1.1920929E-7 : f32
          %add3A_297 = vector.broadcast %add3A_296 : f32 to vector<16xf32>
          %add3A_298 = arith.addf %get3A_292, %add3A_297 : vector<16xf32>
          %div3A = arith.divf %mul3A_295, %add3A_298 : vector<16xf32>
          %swap3A = arith.constant 0 : i32
          %swap3A_299 = arith.index_cast %swap3A : i32 to index
          %swap3A_300 = arith.index_cast %mul3A_288 : i32 to index
          %swap3A_301 = tpu.vector_load %arg12[%swap3A_299, %swap3A_300] {strides = array<i32>} : memref<32x128xf32, #tpu.memory_space<vmem>>, vector<16xf32>,
          tpu.vector_store %arg12[%swap3A_299, %swap3A_300], %div3A {strides = array<i32>} : memref<32x128xf32, #tpu.memory_space<vmem>>, vector<16xf32>,
          %get3A_302 = arith.constant 1 : i32
          %get3A_303 = arith.index_cast %get3A_302 : i32 to index
          %get3A_304 = arith.index_cast %mul3A_288 : i32 to index
          %get3A_305 = tpu.vector_load %arg11[%get3A_303, %get3A_304] {strides = array<i32>} : memref<32x128xf32, #tpu.memory_space<vmem>>, vector<16xf32>,
          %max3A_306 = arith.constant 0.000000e+00 : f32
          %max3A_307 = vector.broadcast %max3A_306 : f32 to vector<16xf32>
          %max3A_308 = arith.maximumf %get3A_305, %max3A_307 : vector<16xf32>
          %mul3A_309 = arith.mulf %max3A_308, %max3A_308 : vector<16xf32>
          %add3A_310 = arith.constant 1.1920929E-7 : f32
          %add3A_311 = vector.broadcast %add3A_310 : f32 to vector<16xf32>
          %add3A_312 = arith.addf %get3A_305, %add3A_311 : vector<16xf32>
          %div3A_313 = arith.divf %mul3A_309, %add3A_312 : vector<16xf32>
          %swap3A_314 = arith.constant 1 : i32
          %swap3A_315 = arith.index_cast %swap3A_314 : i32 to index
          %swap3A_316 = arith.index_cast %mul3A_288 : i32 to index
          %swap3A_317 = tpu.vector_load %arg12[%swap3A_315, %swap3A_316] {strides = array<i32>} : memref<32x128xf32, #tpu.memory_space<vmem>>, vector<16xf32>,
          tpu.vector_store %arg12[%swap3A_315, %swap3A_316], %div3A_313 {strides = array<i32>} : memref<32x128xf32, #tpu.memory_space<vmem>>, vector<16xf32>,
          %get3A_318 = arith.constant 2 : i32
          %get3A_319 = arith.index_cast %get3A_318 : i32 to index
          %get3A_320 = arith.index_cast %mul3A_288 : i32 to index
          %get3A_321 = tpu.vector_load %arg11[%get3A_319, %get3A_320] {strides = array<i32>} : memref<32x128xf32, #tpu.memory_space<vmem>>, vector<16xf32>,
          %max3A_322 = arith.constant 0.000000e+00 : f32
          %max3A_323 = vector.broadcast %max3A_322 : f32 to vector<16xf32>
          %max3A_324 = arith.maximumf %get3A_321, %max3A_323 : vector<16xf32>
          %mul3A_325 = arith.mulf %max3A_324, %max3A_324 : vector<16xf32>
          %add3A_326 = arith.constant 1.1920929E-7 : f32
          %add3A_327 = vector.broadcast %add3A_326 : f32 to vector<16xf32>
          %add3A_328 = arith.addf %get3A_321, %add3A_327 : vector<16xf32>
          %div3A_329 = arith.divf %mul3A_325, %add3A_328 : vector<16xf32>
          %swap3A_330 = arith.constant 2 : i32
          %swap3A_331 = arith.index_cast %swap3A_330 : i32 to index
          %swap3A_332 = arith.index_cast %mul3A_288 : i32 to index
          %swap3A_333 = tpu.vector_load %arg12[%swap3A_331, %swap3A_332] {strides = array<i32>} : memref<32x128xf32, #tpu.memory_space<vmem>>, vector<16xf32>,
          tpu.vector_store %arg12[%swap3A_331, %swap3A_332], %div3A_329 {strides = array<i32>} : memref<32x128xf32, #tpu.memory_space<vmem>>, vector<16xf32>,
          %get3A_334 = arith.constant 3 : i32
          %get3A_335 = arith.index_cast %get3A_334 : i32 to index
          %get3A_336 = arith.index_cast %mul3A_288 : i32 to index
          %get3A_337 = tpu.vector_load %arg11[%get3A_335, %get3A_336] {strides = array<i32>} : memref<32x128xf32, #tpu.memory_space<vmem>>, vector<16xf32>,
          %max3A_338 = arith.constant 0.000000e+00 : f32
          %max3A_339 = vector.broadcast %max3A_338 : f32 to vector<16xf32>
          %max3A_340 = arith.maximumf %get3A_337, %max3A_339 : vector<16xf32>
          %mul3A_341 = arith.mulf %max3A_340, %max3A_340 : vector<16xf32>
          %add3A_342 = arith.constant 1.1920929E-7 : f32
          %add3A_343 = vector.broadcast %add3A_342 : f32 to vector<16xf32>
          %add3A_344 = arith.addf %get3A_337, %add3A_343 : vector<16xf32>
          %div3A_345 = arith.divf %mul3A_341, %add3A_344 : vector<16xf32>
          %swap3A_346 = arith.constant 3 : i32
          %swap3A_347 = arith.index_cast %swap3A_346 : i32 to index
          %swap3A_348 = arith.index_cast %mul3A_288 : i32 to index
          %swap3A_349 = tpu.vector_load %arg12[%swap3A_347, %swap3A_348] {strides = array<i32>} : memref<32x128xf32, #tpu.memory_space<vmem>>, vector<16xf32>,
          tpu.vector_store %arg12[%swap3A_347, %swap3A_348], %div3A_345 {strides = array<i32>} : memref<32x128xf32, #tpu.memory_space<vmem>>, vector<16xf32>,
          %get3A_350 = arith.constant 4 : i32
          %get3A_351 = arith.index_cast %get3A_350 : i32 to index
          %get3A_352 = arith.index_cast %mul3A_288 : i32 to index
          %get3A_353 = tpu.vector_load %arg11[%get3A_351, %get3A_352] {strides = array<i32>} : memref<32x128xf32, #tpu.memory_space<vmem>>, vector<16xf32>,
          %max3A_354 = arith.constant 0.000000e+00 : f32
          %max3A_355 = vector.broadcast %max3A_354 : f32 to vector<16xf32>
          %max3A_356 = arith.maximumf %get3A_353, %max3A_355 : vector<16xf32>
          %mul3A_357 = arith.mulf %max3A_356, %max3A_356 : vector<16xf32>
          %add3A_358 = arith.constant 1.1920929E-7 : f32
          %add3A_359 = vector.broadcast %add3A_358 : f32 to vector<16xf32>
          %add3A_360 = arith.addf %get3A_353, %add3A_359 : vector<16xf32>
          %div3A_361 = arith.divf %mul3A_357, %add3A_360 : vector<16xf32>
          %swap3A_362 = arith.constant 4 : i32
          %swap3A_363 = arith.index_cast %swap3A_362 : i32 to index
          %swap3A_364 = arith.index_cast %mul3A_288 : i32 to index
          %swap3A_365 = tpu.vector_load %arg12[%swap3A_363, %swap3A_364] {strides = array<i32>} : memref<32x128xf32, #tpu.memory_space<vmem>>, vector<16xf32>,
          tpu.vector_store %arg12[%swap3A_363, %swap3A_364], %div3A_361 {strides = array<i32>} : memref<32x128xf32, #tpu.memory_space<vmem>>, vector<16xf32>,
          %get3A_366 = arith.constant 5 : i32
          %get3A_367 = arith.index_cast %get3A_366 : i32 to index
          %get3A_368 = arith.index_cast %mul3A_288 : i32 to index
          %get3A_369 = tpu.vector_load %arg11[%get3A_367, %get3A_368] {strides = array<i32>} : memref<32x128xf32, #tpu.memory_space<vmem>>, vector<16xf32>,
          %max3A_370 = arith.constant 0.000000e+00 : f32
          %max3A_371 = vector.broadcast %max3A_370 : f32 to vector<16xf32>
          %max3A_372 = arith.maximumf %get3A_369, %max3A_371 : vector<16xf32>
          %mul3A_373 = arith.mulf %max3A_372, %max3A_372 : vector<16xf32>
          %add3A_374 = arith.constant 1.1920929E-7 : f32
          %add3A_375 = vector.broadcast %add3A_374 : f32 to vector<16xf32>
          %add3A_376 = arith.addf %get3A_369, %add3A_375 : vector<16xf32>
          %div3A_377 = arith.divf %mul3A_373, %add3A_376 : vector<16xf32>
          %swap3A_378 = arith.constant 5 : i32
          %swap3A_379 = arith.index_cast %swap3A_378 : i32 to index
          %swap3A_380 = arith.index_cast %mul3A_288 : i32 to index
          %swap3A_381 = tpu.vector_load %arg12[%swap3A_379, %swap3A_380] {strides = array<i32>} : memref<32x128xf32, #tpu.memory_space<vmem>>, vector<16xf32>,
          tpu.vector_store %arg12[%swap3A_379, %swap3A_380], %div3A_377 {strides = array<i32>} : memref<32x128xf32, #tpu.memory_space<vmem>>, vector<16xf32>,
          %get3A_382 = arith.constant 6 : i32
          %get3A_383 = arith.index_cast %get3A_382 : i32 to index
          %get3A_384 = arith.index_cast %mul3A_288 : i32 to index
          %get3A_385 = tpu.vector_load %arg11[%get3A_383, %get3A_384] {strides = array<i32>} : memref<32x128xf32, #tpu.memory_space<vmem>>, vector<16xf32>,
          %max3A_386 = arith.constant 0.000000e+00 : f32
          %max3A_387 = vector.broadcast %max3A_386 : f32 to vector<16xf32>
          %max3A_388 = arith.maximumf %get3A_385, %max3A_387 : vector<16xf32>
          %mul3A_389 = arith.mulf %max3A_388, %max3A_388 : vector<16xf32>
          %add3A_390 = arith.constant 1.1920929E-7 : f32
          %add3A_391 = vector.broadcast %add3A_390 : f32 to vector<16xf32>
          %add3A_392 = arith.addf %get3A_385, %add3A_391 : vector<16xf32>
          %div3A_393 = arith.divf %mul3A_389, %add3A_392 : vector<16xf32>
          %swap3A_394 = arith.constant 6 : i32
          %swap3A_395 = arith.index_cast %swap3A_394 : i32 to index
          %swap3A_396 = arith.index_cast %mul3A_288 : i32 to index
          %swap3A_397 = tpu.vector_load %arg12[%swap3A_395, %swap3A_396] {strides = array<i32>} : memref<32x128xf32, #tpu.memory_space<vmem>>, vector<16xf32>,
          tpu.vector_store %arg12[%swap3A_395, %swap3A_396], %div3A_393 {strides = array<i32>} : memref<32x128xf32, #tpu.memory_space<vmem>>, vector<16xf32>,
          %get3A_398 = arith.constant 7 : i32
          %get3A_399 = arith.index_cast %get3A_398 : i32 to index
          %get3A_400 = arith.index_cast %mul3A_288 : i32 to index
          %get3A_401 = tpu.vector_load %arg11[%get3A_399, %get3A_400] {strides = array<i32>} : memref<32x128xf32, #tpu.memory_space<vmem>>, vector<16xf32>,
          %max3A_402 = arith.constant 0.000000e+00 : f32
          %max3A_403 = vector.broadcast %max3A_402 : f32 to vector<16xf32>
          %max3A_404 = arith.maximumf %get3A_401, %max3A_403 : vector<16xf32>
          %mul3A_405 = arith.mulf %max3A_404, %max3A_404 : vector<16xf32>
          %add3A_406 = arith.constant 1.1920929E-7 : f32
          %add3A_407 = vector.broadcast %add3A_406 : f32 to vector<16xf32>
          %add3A_408 = arith.addf %get3A_401, %add3A_407 : vector<16xf32>
          %div3A_409 = arith.divf %mul3A_405, %add3A_408 : vector<16xf32>
          %swap3A_410 = arith.constant 7 : i32
          %swap3A_411 = arith.index_cast %swap3A_410 : i32 to index
          %swap3A_412 = arith.index_cast %mul3A_288 : i32 to index
          %swap3A_413 = tpu.vector_load %arg12[%swap3A_411, %swap3A_412] {strides = array<i32>} : memref<32x128xf32, #tpu.memory_space<vmem>>, vector<16xf32>,
          tpu.vector_store %arg12[%swap3A_411, %swap3A_412], %div3A_409 {strides = array<i32>} : memref<32x128xf32, #tpu.memory_space<vmem>>, vector<16xf32>,
          %get3A_414 = arith.constant 8 : i32
          %get3A_415 = arith.index_cast %get3A_414 : i32 to index
          %get3A_416 = arith.index_cast %mul3A_288 : i32 to index
          %get3A_417 = tpu.vector_load %arg11[%get3A_415, %get3A_416] {strides = array<i32>} : memref<32x128xf32, #tpu.memory_space<vmem>>, vector<16xf32>,
          %max3A_418 = arith.constant 0.000000e+00 : f32
          %max3A_419 = vector.broadcast %max3A_418 : f32 to vector<16xf32>
          %max3A_420 = arith.maximumf %get3A_417, %max3A_419 : vector<16xf32>
          %mul3A_421 = arith.mulf %max3A_420, %max3A_420 : vector<16xf32>
          %add3A_422 = arith.constant 1.1920929E-7 : f32
          %add3A_423 = vector.broadcast %add3A_422 : f32 to vector<16xf32>
          %add3A_424 = arith.addf %get3A_417, %add3A_423 : vector<16xf32>
          %div3A_425 = arith.divf %mul3A_421, %add3A_424 : vector<16xf32>
          %swap3A_426 = arith.constant 8 : i32
          %swap3A_427 = arith.index_cast %swap3A_426 : i32 to index
          %swap3A_428 = arith.index_cast %mul3A_288 : i32 to index
          %swap3A_429 = tpu.vector_load %arg12[%swap3A_427, %swap3A_428] {strides = array<i32>} : memref<32x128xf32, #tpu.memory_space<vmem>>, vector<16xf32>,
          tpu.vector_store %arg12[%swap3A_427, %swap3A_428], %div3A_425 {strides = array<i32>} : memref<32x128xf32, #tpu.memory_space<vmem>>, vector<16xf32>,
          %get3A_430 = arith.constant 9 : i32
          %get3A_431 = arith.index_cast %get3A_430 : i32 to index
          %get3A_432 = arith.index_cast %mul3A_288 : i32 to index
          %get3A_433 = tpu.vector_load %arg11[%get3A_431, %get3A_432] {strides = array<i32>} : memref<32x128xf32, #tpu.memory_space<vmem>>, vector<16xf32>,
          %max3A_434 = arith.constant 0.000000e+00 : f32
          %max3A_435 = vector.broadcast %max3A_434 : f32 to vector<16xf32>
          %max3A_436 = arith.maximumf %get3A_433, %max3A_435 : vector<16xf32>
          %mul3A_437 = arith.mulf %max3A_436, %max3A_436 : vector<16xf32>
          %add3A_438 = arith.constant 1.1920929E-7 : f32
          %add3A_439 = vector.broadcast %add3A_438 : f32 to vector<16xf32>
          %add3A_440 = arith.addf %get3A_433, %add3A_439 : vector<16xf32>
          %div3A_441 = arith.divf %mul3A_437, %add3A_440 : vector<16xf32>
          %swap3A_442 = arith.constant 9 : i32
          %swap3A_443 = arith.index_cast %swap3A_442 : i32 to index
          %swap3A_444 = arith.index_cast %mul3A_288 : i32 to index
          %swap3A_445 = tpu.vector_load %arg12[%swap3A_443, %swap3A_444] {strides = array<i32>} : memref<32x128xf32, #tpu.memory_space<vmem>>, vector<16xf32>,
          tpu.vector_store %arg12[%swap3A_443, %swap3A_444], %div3A_441 {strides = array<i32>} : memref<32x128xf32, #tpu.memory_space<vmem>>, vector<16xf32>,
          %get3A_446 = arith.constant 10 : i32
          %get3A_447 = arith.index_cast %get3A_446 : i32 to index
          %get3A_448 = arith.index_cast %mul3A_288 : i32 to index
          %get3A_449 = tpu.vector_load %arg11[%get3A_447, %get3A_448] {strides = array<i32>} : memref<32x128xf32, #tpu.memory_space<vmem>>, vector<16xf32>,
          %max3A_450 = arith.constant 0.000000e+00 : f32
          %max3A_451 = vector.broadcast %max3A_450 : f32 to vector<16xf32>
          %max3A_452 = arith.maximumf %get3A_449, %max3A_451 : vector<16xf32>
          %mul3A_453 = arith.mulf %max3A_452, %max3A_452 : vector<16xf32>
          %add3A_454 = arith.constant 1.1920929E-7 : f32
          %add3A_455 = vector.broadcast %add3A_454 : f32 to vector<16xf32>
          %add3A_456 = arith.addf %get3A_449, %add3A_455 : vector<16xf32>
          %div3A_457 = arith.divf %mul3A_453, %add3A_456 : vector<16xf32>
          %swap3A_458 = arith.constant 10 : i32
          %swap3A_459 = arith.index_cast %swap3A_458 : i32 to index
          %swap3A_460 = arith.index_cast %mul3A_288 : i32 to index
          %swap3A_461 = tpu.vector_load %arg12[%swap3A_459, %swap3A_460] {strides = array<i32>} : memref<32x128xf32, #tpu.memory_space<vmem>>, vector<16xf32>,
          tpu.vector_store %arg12[%swap3A_459, %swap3A_460], %div3A_457 {strides = array<i32>} : memref<32x128xf32, #tpu.memory_space<vmem>>, vector<16xf32>,
          %get3A_462 = arith.constant 11 : i32
          %get3A_463 = arith.index_cast %get3A_462 : i32 to index
          %get3A_464 = arith.index_cast %mul3A_288 : i32 to index
          %get3A_465 = tpu.vector_load %arg11[%get3A_463, %get3A_464] {strides = array<i32>} : memref<32x128xf32, #tpu.memory_space<vmem>>, vector<16xf32>,
          %max3A_466 = arith.constant 0.000000e+00 : f32
          %max3A_467 = vector.broadcast %max3A_466 : f32 to vector<16xf32>
          %max3A_468 = arith.maximumf %get3A_465, %max3A_467 : vector<16xf32>
          %mul3A_469 = arith.mulf %max3A_468, %max3A_468 : vector<16xf32>
          %add3A_470 = arith.constant 1.1920929E-7 : f32
          %add3A_471 = vector.broadcast %add3A_470 : f32 to vector<16xf32>
          %add3A_472 = arith.addf %get3A_465, %add3A_471 : vector<16xf32>
          %div3A_473 = arith.divf %mul3A_469, %add3A_472 : vector<16xf32>
          %swap3A_474 = arith.constant 11 : i32
          %swap3A_475 = arith.index_cast %swap3A_474 : i32 to index
          %swap3A_476 = arith.index_cast %mul3A_288 : i32 to index
          %swap3A_477 = tpu.vector_load %arg12[%swap3A_475, %swap3A_476] {strides = array<i32>} : memref<32x128xf32, #tpu.memory_space<vmem>>, vector<16xf32>,
          tpu.vector_store %arg12[%swap3A_475, %swap3A_476], %div3A_473 {strides = array<i32>} : memref<32x128xf32, #tpu.memory_space<vmem>>, vector<16xf32>,
          %get3A_478 = arith.constant 12 : i32
          %get3A_479 = arith.index_cast %get3A_478 : i32 to index
          %get3A_480 = arith.index_cast %mul3A_288 : i32 to index
          %get3A_481 = tpu.vector_load %arg11[%get3A_479, %get3A_480] {strides = array<i32>} : memref<32x128xf32, #tpu.memory_space<vmem>>, vector<16xf32>,
          %max3A_482 = arith.constant 0.000000e+00 : f32
          %max3A_483 = vector.broadcast %max3A_482 : f32 to vector<16xf32>
          %max3A_484 = arith.maximumf %get3A_481, %max3A_483 : vector<16xf32>
          %mul3A_485 = arith.mulf %max3A_484, %max3A_484 : vector<16xf32>
          %add3A_486 = arith.constant 1.1920929E-7 : f32
          %add3A_487 = vector.broadcast %add3A_486 : f32 to vector<16xf32>
          %add3A_488 = arith.addf %get3A_481, %add3A_487 : vector<16xf32>
          %div3A_489 = arith.divf %mul3A_485, %add3A_488 : vector<16xf32>
          %swap3A_490 = arith.constant 12 : i32
          %swap3A_491 = arith.index_cast %swap3A_490 : i32 to index
          %swap3A_492 = arith.index_cast %mul3A_288 : i32 to index
          %swap3A_493 = tpu.vector_load %arg12[%swap3A_491, %swap3A_492] {strides = array<i32>} : memref<32x128xf32, #tpu.memory_space<vmem>>, vector<16xf32>,
          tpu.vector_store %arg12[%swap3A_491, %swap3A_492], %div3A_489 {strides = array<i32>} : memref<32x128xf32, #tpu.memory_space<vmem>>, vector<16xf32>,
          %get3A_494 = arith.constant 13 : i32
          %get3A_495 = arith.index_cast %get3A_494 : i32 to index
          %get3A_496 = arith.index_cast %mul3A_288 : i32 to index
          %get3A_497 = tpu.vector_load %arg11[%get3A_495, %get3A_496] {strides = array<i32>} : memref<32x128xf32, #tpu.memory_space<vmem>>, vector<16xf32>,
          %max3A_498 = arith.constant 0.000000e+00 : f32
          %max3A_499 = vector.broadcast %max3A_498 : f32 to vector<16xf32>
          %max3A_500 = arith.maximumf %get3A_497, %max3A_499 : vector<16xf32>
          %mul3A_501 = arith.mulf %max3A_500, %max3A_500 : vector<16xf32>
          %add3A_502 = arith.constant 1.1920929E-7 : f32
          %add3A_503 = vector.broadcast %add3A_502 : f32 to vector<16xf32>
          %add3A_504 = arith.addf %get3A_497, %add3A_503 : vector<16xf32>
          %div3A_505 = arith.divf %mul3A_501, %add3A_504 : vector<16xf32>
          %swap3A_506 = arith.constant 13 : i32
          %swap3A_507 = arith.index_cast %swap3A_506 : i32 to index
          %swap3A_508 = arith.index_cast %mul3A_288 : i32 to index
          %swap3A_509 = tpu.vector_load %arg12[%swap3A_507, %swap3A_508] {strides = array<i32>} : memref<32x128xf32, #tpu.memory_space<vmem>>, vector<16xf32>,
          tpu.vector_store %arg12[%swap3A_507, %swap3A_508], %div3A_505 {strides = array<i32>} : memref<32x128xf32, #tpu.memory_space<vmem>>, vector<16xf32>,
          %get3A_510 = arith.constant 14 : i32
          %get3A_511 = arith.index_cast %get3A_510 : i32 to index
          %get3A_512 = arith.index_cast %mul3A_288 : i32 to index
          %get3A_513 = tpu.vector_load %arg11[%get3A_511, %get3A_512] {strides = array<i32>} : memref<32x128xf32, #tpu.memory_space<vmem>>, vector<16xf32>,
          %max3A_514 = arith.constant 0.000000e+00 : f32
          %max3A_515 = vector.broadcast %max3A_514 : f32 to vector<16xf32>
          %max3A_516 = arith.maximumf %get3A_513, %max3A_515 : vector<16xf32>
          %mul3A_517 = arith.mulf %max3A_516, %max3A_516 : vector<16xf32>
          %add3A_518 = arith.constant 1.1920929E-7 : f32
          %add3A_519 = vector.broadcast %add3A_518 : f32 to vector<16xf32>
          %add3A_520 = arith.addf %get3A_513, %add3A_519 : vector<16xf32>
          %div3A_521 = arith.divf %mul3A_517, %add3A_520 : vector<16xf32>
          %swap3A_522 = arith.constant 14 : i32
          %swap3A_523 = arith.index_cast %swap3A_522 : i32 to index
          %swap3A_524 = arith.index_cast %mul3A_288 : i32 to index
          %swap3A_525 = tpu.vector_load %arg12[%swap3A_523, %swap3A_524] {strides = array<i32>} : memref<32x128xf32, #tpu.memory_space<vmem>>, vector<16xf32>,
          tpu.vector_store %arg12[%swap3A_523, %swap3A_524], %div3A_521 {strides = array<i32>} : memref<32x128xf32, #tpu.memory_space<vmem>>, vector<16xf32>,
          %get3A_526 = arith.constant 15 : i32
          %get3A_527 = arith.index_cast %get3A_526 : i32 to index
          %get3A_528 = arith.index_cast %mul3A_288 : i32 to index
          %get3A_529 = tpu.vector_load %arg11[%get3A_527, %get3A_528] {strides = array<i32>} : memref<32x128xf32, #tpu.memory_space<vmem>>, vector<16xf32>,
          %max3A_530 = arith.constant 0.000000e+00 : f32
          %max3A_531 = vector.broadcast %max3A_530 : f32 to vector<16xf32>
          %max3A_532 = arith.maximumf %get3A_529, %max3A_531 : vector<16xf32>
          %mul3A_533 = arith.mulf %max3A_532, %max3A_532 : vector<16xf32>
          %add3A_534 = arith.constant 1.1920929E-7 : f32
          %add3A_535 = vector.broadcast %add3A_534 : f32 to vector<16xf32>
          %add3A_536 = arith.addf %get3A_529, %add3A_535 : vector<16xf32>
          %div3A_537 = arith.divf %mul3A_533, %add3A_536 : vector<16xf32>
          %swap3A_538 = arith.constant 15 : i32
          %swap3A_539 = arith.index_cast %swap3A_538 : i32 to index
          %swap3A_540 = arith.index_cast %mul3A_288 : i32 to index
          %swap3A_541 = tpu.vector_load %arg12[%swap3A_539, %swap3A_540] {strides = array<i32>} : memref<32x128xf32, #tpu.memory_space<vmem>>, vector<16xf32>,
          tpu.vector_store %arg12[%swap3A_539, %swap3A_540], %div3A_537 {strides = array<i32>} : memref<32x128xf32, #tpu.memory_space<vmem>>, vector<16xf32>,
          %get3A_542 = arith.constant 16 : i32
          %get3A_543 = arith.index_cast %get3A_542 : i32 to index
          %get3A_544 = arith.index_cast %mul3A_288 : i32 to index
          %get3A_545 = tpu.vector_load %arg11[%get3A_543, %get3A_544] {strides = array<i32>} : memref<32x128xf32, #tpu.memory_space<vmem>>, vector<16xf32>,
          %max3A_546 = arith.constant 0.000000e+00 : f32
          %max3A_547 = vector.broadcast %max3A_546 : f32 to vector<16xf32>
          %max3A_548 = arith.maximumf %get3A_545, %max3A_547 : vector<16xf32>
          %mul3A_549 = arith.mulf %max3A_548, %max3A_548 : vector<16xf32>
          %add3A_550 = arith.constant 1.1920929E-7 : f32
          %add3A_551 = vector.broadcast %add3A_550 : f32 to vector<16xf32>
          %add3A_552 = arith.addf %get3A_545, %add3A_551 : vector<16xf32>
          %div3A_553 = arith.divf %mul3A_549, %add3A_552 : vector<16xf32>
          %swap3A_554 = arith.constant 16 : i32
          %swap3A_555 = arith.index_cast %swap3A_554 : i32 to index
          %swap3A_556 = arith.index_cast %mul3A_288 : i32 to index
          %swap3A_557 = tpu.vector_load %arg12[%swap3A_555, %swap3A_556] {strides = array<i32>} : memref<32x128xf32, #tpu.memory_space<vmem>>, vector<16xf32>,
          tpu.vector_store %arg12[%swap3A_555, %swap3A_556], %div3A_553 {strides = array<i32>} : memref<32x128xf32, #tpu.memory_space<vmem>>, vector<16xf32>,
          %get3A_558 = arith.constant 17 : i32
          %get3A_559 = arith.index_cast %get3A_558 : i32 to index
          %get3A_560 = arith.index_cast %mul3A_288 : i32 to index
          %get3A_561 = tpu.vector_load %arg11[%get3A_559, %get3A_560] {strides = array<i32>} : memref<32x128xf32, #tpu.memory_space<vmem>>, vector<16xf32>,
          %max3A_562 = arith.constant 0.000000e+00 : f32
          %max3A_563 = vector.broadcast %max3A_562 : f32 to vector<16xf32>
          %max3A_564 = arith.maximumf %get3A_561, %max3A_563 : vector<16xf32>
          %mul3A_565 = arith.mulf %max3A_564, %max3A_564 : vector<16xf32>
          %add3A_566 = arith.constant 1.1920929E-7 : f32
          %add3A_567 = vector.broadcast %add3A_566 : f32 to vector<16xf32>
          %add3A_568 = arith.addf %get3A_561, %add3A_567 : vector<16xf32>
          %div3A_569 = arith.divf %mul3A_565, %add3A_568 : vector<16xf32>
          %swap3A_570 = arith.constant 17 : i32
          %swap3A_571 = arith.index_cast %swap3A_570 : i32 to index
          %swap3A_572 = arith.index_cast %mul3A_288 : i32 to index
          %swap3A_573 = tpu.vector_load %arg12[%swap3A_571, %swap3A_572] {strides = array<i32>} : memref<32x128xf32, #tpu.memory_space<vmem>>, vector<16xf32>,
          tpu.vector_store %arg12[%swap3A_571, %swap3A_572], %div3A_569 {strides = array<i32>} : memref<32x128xf32, #tpu.memory_space<vmem>>, vector<16xf32>,
          %get3A_574 = arith.constant 18 : i32
          %get3A_575 = arith.index_cast %get3A_574 : i32 to index
          %get3A_576 = arith.index_cast %mul3A_288 : i32 to index
          %get3A_577 = tpu.vector_load %arg11[%get3A_575, %get3A_576] {strides = array<i32>} : memref<32x128xf32, #tpu.memory_space<vmem>>, vector<16xf32>,
          %max3A_578 = arith.constant 0.000000e+00 : f32
          %max3A_579 = vector.broadcast %max3A_578 : f32 to vector<16xf32>
          %max3A_580 = arith.maximumf %get3A_577, %max3A_579 : vector<16xf32>
          %mul3A_581 = arith.mulf %max3A_580, %max3A_580 : vector<16xf32>
          %add3A_582 = arith.constant 1.1920929E-7 : f32
          %add3A_583 = vector.broadcast %add3A_582 : f32 to vector<16xf32>
          %add3A_584 = arith.addf %get3A_577, %add3A_583 : vector<16xf32>
          %div3A_585 = arith.divf %mul3A_581, %add3A_584 : vector<16xf32>
          %swap3A_586 = arith.constant 18 : i32
          %swap3A_587 = arith.index_cast %swap3A_586 : i32 to index
          %swap3A_588 = arith.index_cast %mul3A_288 : i32 to index
          %swap3A_589 = tpu.vector_load %arg12[%swap3A_587, %swap3A_588] {strides = array<i32>} : memref<32x128xf32, #tpu.memory_space<vmem>>, vector<16xf32>,
          tpu.vector_store %arg12[%swap3A_587, %swap3A_588], %div3A_585 {strides = array<i32>} : memref<32x128xf32, #tpu.memory_space<vmem>>, vector<16xf32>,
          %get3A_590 = arith.constant 19 : i32
          %get3A_591 = arith.index_cast %get3A_590 : i32 to index
          %get3A_592 = arith.index_cast %mul3A_288 : i32 to index
          %get3A_593 = tpu.vector_load %arg11[%get3A_591, %get3A_592] {strides = array<i32>} : memref<32x128xf32, #tpu.memory_space<vmem>>, vector<16xf32>,
          %max3A_594 = arith.constant 0.000000e+00 : f32
          %max3A_595 = vector.broadcast %max3A_594 : f32 to vector<16xf32>
          %max3A_596 = arith.maximumf %get3A_593, %max3A_595 : vector<16xf32>
          %mul3A_597 = arith.mulf %max3A_596, %max3A_596 : vector<16xf32>
          %add3A_598 = arith.constant 1.1920929E-7 : f32
          %add3A_599 = vector.broadcast %add3A_598 : f32 to vector<16xf32>
          %add3A_600 = arith.addf %get3A_593, %add3A_599 : vector<16xf32>
          %div3A_601 = arith.divf %mul3A_597, %add3A_600 : vector<16xf32>
          %swap3A_602 = arith.constant 19 : i32
          %swap3A_603 = arith.index_cast %swap3A_602 : i32 to index
          %swap3A_604 = arith.index_cast %mul3A_288 : i32 to index
          %swap3A_605 = tpu.vector_load %arg12[%swap3A_603, %swap3A_604] {strides = array<i32>} : memref<32x128xf32, #tpu.memory_space<vmem>>, vector<16xf32>,
          tpu.vector_store %arg12[%swap3A_603, %swap3A_604], %div3A_601 {strides = array<i32>} : memref<32x128xf32, #tpu.memory_space<vmem>>, vector<16xf32>,
          %get3A_606 = arith.constant 20 : i32
          %get3A_607 = arith.index_cast %get3A_606 : i32 to index
          %get3A_608 = arith.index_cast %mul3A_288 : i32 to index
          %get3A_609 = tpu.vector_load %arg11[%get3A_607, %get3A_608] {strides = array<i32>} : memref<32x128xf32, #tpu.memory_space<vmem>>, vector<16xf32>,
          %max3A_610 = arith.constant 0.000000e+00 : f32
          %max3A_611 = vector.broadcast %max3A_610 : f32 to vector<16xf32>
          %max3A_612 = arith.maximumf %get3A_609, %max3A_611 : vector<16xf32>
          %mul3A_613 = arith.mulf %max3A_612, %max3A_612 : vector<16xf32>
          %add3A_614 = arith.constant 1.1920929E-7 : f32
          %add3A_615 = vector.broadcast %add3A_614 : f32 to vector<16xf32>
          %add3A_616 = arith.addf %get3A_609, %add3A_615 : vector<16xf32>
          %div3A_617 = arith.divf %mul3A_613, %add3A_616 : vector<16xf32>
          %swap3A_618 = arith.constant 20 : i32
          %swap3A_619 = arith.index_cast %swap3A_618 : i32 to index
          %swap3A_620 = arith.index_cast %mul3A_288 : i32 to index
          %swap3A_621 = tpu.vector_load %arg12[%swap3A_619, %swap3A_620] {strides = array<i32>} : memref<32x128xf32, #tpu.memory_space<vmem>>, vector<16xf32>,
          tpu.vector_store %arg12[%swap3A_619, %swap3A_620], %div3A_617 {strides = array<i32>} : memref<32x128xf32, #tpu.memory_space<vmem>>, vector<16xf32>,
          %get3A_622 = arith.constant 21 : i32
          %get3A_623 = arith.index_cast %get3A_622 : i32 to index
          %get3A_624 = arith.index_cast %mul3A_288 : i32 to index
          %get3A_625 = tpu.vector_load %arg11[%get3A_623, %get3A_624] {strides = array<i32>} : memref<32x128xf32, #tpu.memory_space<vmem>>, vector<16xf32>,
          %max3A_626 = arith.constant 0.000000e+00 : f32
          %max3A_627 = vector.broadcast %max3A_626 : f32 to vector<16xf32>
          %max3A_628 = arith.maximumf %get3A_625, %max3A_627 : vector<16xf32>
          %mul3A_629 = arith.mulf %max3A_628, %max3A_628 : vector<16xf32>
          %add3A_630 = arith.constant 1.1920929E-7 : f32
          %add3A_631 = vector.broadcast %add3A_630 : f32 to vector<16xf32>
          %add3A_632 = arith.addf %get3A_625, %add3A_631 : vector<16xf32>
          %div3A_633 = arith.divf %mul3A_629, %add3A_632 : vector<16xf32>
          %swap3A_634 = arith.constant 21 : i32
          %swap3A_635 = arith.index_cast %swap3A_634 : i32 to index
          %swap3A_636 = arith.index_cast %mul3A_288 : i32 to index
          %swap3A_637 = tpu.vector_load %arg12[%swap3A_635, %swap3A_636] {strides = array<i32>} : memref<32x128xf32, #tpu.memory_space<vmem>>, vector<16xf32>,
          tpu.vector_store %arg12[%swap3A_635, %swap3A_636], %div3A_633 {strides = array<i32>} : memref<32x128xf32, #tpu.memory_space<vmem>>, vector<16xf32>,
          %get3A_638 = arith.constant 22 : i32
          %get3A_639 = arith.index_cast %get3A_638 : i32 to index
          %get3A_640 = arith.index_cast %mul3A_288 : i32 to index
          %get3A_641 = tpu.vector_load %arg11[%get3A_639, %get3A_640] {strides = array<i32>} : memref<32x128xf32, #tpu.memory_space<vmem>>, vector<16xf32>,
          %max3A_642 = arith.constant 0.000000e+00 : f32
          %max3A_643 = vector.broadcast %max3A_642 : f32 to vector<16xf32>
          %max3A_644 = arith.maximumf %get3A_641, %max3A_643 : vector<16xf32>
          %mul3A_645 = arith.mulf %max3A_644, %max3A_644 : vector<16xf32>
          %add3A_646 = arith.constant 1.1920929E-7 : f32
          %add3A_647 = vector.broadcast %add3A_646 : f32 to vector<16xf32>
          %add3A_648 = arith.addf %get3A_641, %add3A_647 : vector<16xf32>
          %div3A_649 = arith.divf %mul3A_645, %add3A_648 : vector<16xf32>
          %swap3A_650 = arith.constant 22 : i32
          %swap3A_651 = arith.index_cast %swap3A_650 : i32 to index
          %swap3A_652 = arith.index_cast %mul3A_288 : i32 to index
          %swap3A_653 = tpu.vector_load %arg12[%swap3A_651, %swap3A_652] {strides = array<i32>} : memref<32x128xf32, #tpu.memory_space<vmem>>, vector<16xf32>,
          tpu.vector_store %arg12[%swap3A_651, %swap3A_652], %div3A_649 {strides = array<i32>} : memref<32x128xf32, #tpu.memory_space<vmem>>, vector<16xf32>,
          %get3A_654 = arith.constant 23 : i32
          %get3A_655 = arith.index_cast %get3A_654 : i32 to index
          %get3A_656 = arith.index_cast %mul3A_288 : i32 to index
          %get3A_657 = tpu.vector_load %arg11[%get3A_655, %get3A_656] {strides = array<i32>} : memref<32x128xf32, #tpu.memory_space<vmem>>, vector<16xf32>,
          %max3A_658 = arith.constant 0.000000e+00 : f32
          %max3A_659 = vector.broadcast %max3A_658 : f32 to vector<16xf32>
          %max3A_660 = arith.maximumf %get3A_657, %max3A_659 : vector<16xf32>
          %mul3A_661 = arith.mulf %max3A_660, %max3A_660 : vector<16xf32>
          %add3A_662 = arith.constant 1.1920929E-7 : f32
          %add3A_663 = vector.broadcast %add3A_662 : f32 to vector<16xf32>
          %add3A_664 = arith.addf %get3A_657, %add3A_663 : vector<16xf32>
          %div3A_665 = arith.divf %mul3A_661, %add3A_664 : vector<16xf32>
          %swap3A_666 = arith.constant 23 : i32
          %swap3A_667 = arith.index_cast %swap3A_666 : i32 to index
          %swap3A_668 = arith.index_cast %mul3A_288 : i32 to index
          %swap3A_669 = tpu.vector_load %arg12[%swap3A_667, %swap3A_668] {strides = array<i32>} : memref<32x128xf32, #tpu.memory_space<vmem>>, vector<16xf32>,
          tpu.vector_store %arg12[%swap3A_667, %swap3A_668], %div3A_665 {strides = array<i32>} : memref<32x128xf32, #tpu.memory_space<vmem>>, vector<16xf32>,
          %get3A_670 = arith.constant 24 : i32
          %get3A_671 = arith.index_cast %get3A_670 : i32 to index
          %get3A_672 = arith.index_cast %mul3A_288 : i32 to index
          %get3A_673 = tpu.vector_load %arg11[%get3A_671, %get3A_672] {strides = array<i32>} : memref<32x128xf32, #tpu.memory_space<vmem>>, vector<16xf32>,
          %max3A_674 = arith.constant 0.000000e+00 : f32
          %max3A_675 = vector.broadcast %max3A_674 : f32 to vector<16xf32>
          %max3A_676 = arith.maximumf %get3A_673, %max3A_675 : vector<16xf32>
          %mul3A_677 = arith.mulf %max3A_676, %max3A_676 : vector<16xf32>
          %add3A_678 = arith.constant 1.1920929E-7 : f32
          %add3A_679 = vector.broadcast %add3A_678 : f32 to vector<16xf32>
          %add3A_680 = arith.addf %get3A_673, %add3A_679 : vector<16xf32>
          %div3A_681 = arith.divf %mul3A_677, %add3A_680 : vector<16xf32>
          %swap3A_682 = arith.constant 24 : i32
          %swap3A_683 = arith.index_cast %swap3A_682 : i32 to index
          %swap3A_684 = arith.index_cast %mul3A_288 : i32 to index
          %swap3A_685 = tpu.vector_load %arg12[%swap3A_683, %swap3A_684] {strides = array<i32>} : memref<32x128xf32, #tpu.memory_space<vmem>>, vector<16xf32>,
          tpu.vector_store %arg12[%swap3A_683, %swap3A_684], %div3A_681 {strides = array<i32>} : memref<32x128xf32, #tpu.memory_space<vmem>>, vector<16xf32>,
          %get3A_686 = arith.constant 25 : i32
          %get3A_687 = arith.index_cast %get3A_686 : i32 to index
          %get3A_688 = arith.index_cast %mul3A_288 : i32 to index
          %get3A_689 = tpu.vector_load %arg11[%get3A_687, %get3A_688] {strides = array<i32>} : memref<32x128xf32, #tpu.memory_space<vmem>>, vector<16xf32>,
          %max3A_690 = arith.constant 0.000000e+00 : f32
          %max3A_691 = vector.broadcast %max3A_690 : f32 to vector<16xf32>
          %max3A_692 = arith.maximumf %get3A_689, %max3A_691 : vector<16xf32>
          %mul3A_693 = arith.mulf %max3A_692, %max3A_692 : vector<16xf32>
          %add3A_694 = arith.constant 1.1920929E-7 : f32
          %add3A_695 = vector.broadcast %add3A_694 : f32 to vector<16xf32>
          %add3A_696 = arith.addf %get3A_689, %add3A_695 : vector<16xf32>
          %div3A_697 = arith.divf %mul3A_693, %add3A_696 : vector<16xf32>
          %swap3A_698 = arith.constant 25 : i32
          %swap3A_699 = arith.index_cast %swap3A_698 : i32 to index
          %swap3A_700 = arith.index_cast %mul3A_288 : i32 to index
          %swap3A_701 = tpu.vector_load %arg12[%swap3A_699, %swap3A_700] {strides = array<i32>} : memref<32x128xf32, #tpu.memory_space<vmem>>, vector<16xf32>,
          tpu.vector_store %arg12[%swap3A_699, %swap3A_700], %div3A_697 {strides = array<i32>} : memref<32x128xf32, #tpu.memory_space<vmem>>, vector<16xf32>,
          %get3A_702 = arith.constant 26 : i32
          %get3A_703 = arith.index_cast %get3A_702 : i32 to index
          %get3A_704 = arith.index_cast %mul3A_288 : i32 to index
          %get3A_705 = tpu.vector_load %arg11[%get3A_703, %get3A_704] {strides = array<i32>} : memref<32x128xf32, #tpu.memory_space<vmem>>, vector<16xf32>,
          %max3A_706 = arith.constant 0.000000e+00 : f32
          %max3A_707 = vector.broadcast %max3A_706 : f32 to vector<16xf32>
          %max3A_708 = arith.maximumf %get3A_705, %max3A_707 : vector<16xf32>
          %mul3A_709 = arith.mulf %max3A_708, %max3A_708 : vector<16xf32>
          %add3A_710 = arith.constant 1.1920929E-7 : f32
          %add3A_711 = vector.broadcast %add3A_710 : f32 to vector<16xf32>
          %add3A_712 = arith.addf %get3A_705, %add3A_711 : vector<16xf32>
          %div3A_713 = arith.divf %mul3A_709, %add3A_712 : vector<16xf32>
          %swap3A_714 = arith.constant 26 : i32
          %swap3A_715 = arith.index_cast %swap3A_714 : i32 to index
          %swap3A_716 = arith.index_cast %mul3A_288 : i32 to index
          %swap3A_717 = tpu.vector_load %arg12[%swap3A_715, %swap3A_716] {strides = array<i32>} : memref<32x128xf32, #tpu.memory_space<vmem>>, vector<16xf32>,
          tpu.vector_store %arg12[%swap3A_715, %swap3A_716], %div3A_713 {strides = array<i32>} : memref<32x128xf32, #tpu.memory_space<vmem>>, vector<16xf32>,
          %get3A_718 = arith.constant 27 : i32
          %get3A_719 = arith.index_cast %get3A_718 : i32 to index
          %get3A_720 = arith.index_cast %mul3A_288 : i32 to index
          %get3A_721 = tpu.vector_load %arg11[%get3A_719, %get3A_720] {strides = array<i32>} : memref<32x128xf32, #tpu.memory_space<vmem>>, vector<16xf32>,
          %max3A_722 = arith.constant 0.000000e+00 : f32
          %max3A_723 = vector.broadcast %max3A_722 : f32 to vector<16xf32>
          %max3A_724 = arith.maximumf %get3A_721, %max3A_723 : vector<16xf32>
          %mul3A_725 = arith.mulf %max3A_724, %max3A_724 : vector<16xf32>
          %add3A_726 = arith.constant 1.1920929E-7 : f32
          %add3A_727 = vector.broadcast %add3A_726 : f32 to vector<16xf32>
          %add3A_728 = arith.addf %get3A_721, %add3A_727 : vector<16xf32>
          %div3A_729 = arith.divf %mul3A_725, %add3A_728 : vector<16xf32>
          %swap3A_730 = arith.constant 27 : i32
          %swap3A_731 = arith.index_cast %swap3A_730 : i32 to index
          %swap3A_732 = arith.index_cast %mul3A_288 : i32 to index
          %swap3A_733 = tpu.vector_load %arg12[%swap3A_731, %swap3A_732] {strides = array<i32>} : memref<32x128xf32, #tpu.memory_space<vmem>>, vector<16xf32>,
          tpu.vector_store %arg12[%swap3A_731, %swap3A_732], %div3A_729 {strides = array<i32>} : memref<32x128xf32, #tpu.memory_space<vmem>>, vector<16xf32>,
          %get3A_734 = arith.constant 28 : i32
          %get3A_735 = arith.index_cast %get3A_734 : i32 to index
          %get3A_736 = arith.index_cast %mul3A_288 : i32 to index
          %get3A_737 = tpu.vector_load %arg11[%get3A_735, %get3A_736] {strides = array<i32>} : memref<32x128xf32, #tpu.memory_space<vmem>>, vector<16xf32>,
          %max3A_738 = arith.constant 0.000000e+00 : f32
          %max3A_739 = vector.broadcast %max3A_738 : f32 to vector<16xf32>
          %max3A_740 = arith.maximumf %get3A_737, %max3A_739 : vector<16xf32>
          %mul3A_741 = arith.mulf %max3A_740, %max3A_740 : vector<16xf32>
          %add3A_742 = arith.constant 1.1920929E-7 : f32
          %add3A_743 = vector.broadcast %add3A_742 : f32 to vector<16xf32>
          %add3A_744 = arith.addf %get3A_737, %add3A_743 : vector<16xf32>
          %div3A_745 = arith.divf %mul3A_741, %add3A_744 : vector<16xf32>
          %swap3A_746 = arith.constant 28 : i32
          %swap3A_747 = arith.index_cast %swap3A_746 : i32 to index
          %swap3A_748 = arith.index_cast %mul3A_288 : i32 to index
          %swap3A_749 = tpu.vector_load %arg12[%swap3A_747, %swap3A_748] {strides = array<i32>} : memref<32x128xf32, #tpu.memory_space<vmem>>, vector<16xf32>,
          tpu.vector_store %arg12[%swap3A_747, %swap3A_748], %div3A_745 {strides = array<i32>} : memref<32x128xf32, #tpu.memory_space<vmem>>, vector<16xf32>,
          %get3A_750 = arith.constant 29 : i32
          %get3A_751 = arith.index_cast %get3A_750 : i32 to index
          %get3A_752 = arith.index_cast %mul3A_288 : i32 to index
          %get3A_753 = tpu.vector_load %arg11[%get3A_751, %get3A_752] {strides = array<i32>} : memref<32x128xf32, #tpu.memory_space<vmem>>, vector<16xf32>,
          %max3A_754 = arith.constant 0.000000e+00 : f32
          %max3A_755 = vector.broadcast %max3A_754 : f32 to vector<16xf32>
          %max3A_756 = arith.maximumf %get3A_753, %max3A_755 : vector<16xf32>
          %mul3A_757 = arith.mulf %max3A_756, %max3A_756 : vector<16xf32>
          %add3A_758 = arith.constant 1.1920929E-7 : f32
          %add3A_759 = vector.broadcast %add3A_758 : f32 to vector<16xf32>
          %add3A_760 = arith.addf %get3A_753, %add3A_759 : vector<16xf32>
          %div3A_761 = arith.divf %mul3A_757, %add3A_760 : vector<16xf32>
          %swap3A_762 = arith.constant 29 : i32
          %swap3A_763 = arith.index_cast %swap3A_762 : i32 to index
          %swap3A_764 = arith.index_cast %mul3A_288 : i32 to index
          %swap3A_765 = tpu.vector_load %arg12[%swap3A_763, %swap3A_764] {strides = array<i32>} : memref<32x128xf32, #tpu.memory_space<vmem>>, vector<16xf32>,
          tpu.vector_store %arg12[%swap3A_763, %swap3A_764], %div3A_761 {strides = array<i32>} : memref<32x128xf32, #tpu.memory_space<vmem>>, vector<16xf32>,
          %get3A_766 = arith.constant 30 : i32
          %get3A_767 = arith.index_cast %get3A_766 : i32 to index
          %get3A_768 = arith.index_cast %mul3A_288 : i32 to index
          %get3A_769 = tpu.vector_load %arg11[%get3A_767, %get3A_768] {strides = array<i32>} : memref<32x128xf32, #tpu.memory_space<vmem>>, vector<16xf32>,
          %max3A_770 = arith.constant 0.000000e+00 : f32
          %max3A_771 = vector.broadcast %max3A_770 : f32 to vector<16xf32>
          %max3A_772 = arith.maximumf %get3A_769, %max3A_771 : vector<16xf32>
          %mul3A_773 = arith.mulf %max3A_772, %max3A_772 : vector<16xf32>
          %add3A_774 = arith.constant 1.1920929E-7 : f32
          %add3A_775 = vector.broadcast %add3A_774 : f32 to vector<16xf32>
          %add3A_776 = arith.addf %get3A_769, %add3A_775 : vector<16xf32>
          %div3A_777 = arith.divf %mul3A_773, %add3A_776 : vector<16xf32>
          %swap3A_778 = arith.constant 30 : i32
          %swap3A_779 = arith.index_cast %swap3A_778 : i32 to index
          %swap3A_780 = arith.index_cast %mul3A_288 : i32 to index
          %swap3A_781 = tpu.vector_load %arg12[%swap3A_779, %swap3A_780] {strides = array<i32>} : memref<32x128xf32, #tpu.memory_space<vmem>>, vector<16xf32>,
          tpu.vector_store %arg12[%swap3A_779, %swap3A_780], %div3A_777 {strides = array<i32>} : memref<32x128xf32, #tpu.memory_space<vmem>>, vector<16xf32>,
          %get3A_782 = arith.constant 31 : i32
          %get3A_783 = arith.index_cast %get3A_782 : i32 to index
          %get3A_784 = arith.index_cast %mul3A_288 : i32 to index
          %get3A_785 = tpu.vector_load %arg11[%get3A_783, %get3A_784] {strides = array<i32>} : memref<32x128xf32, #tpu.memory_space<vmem>>, vector<16xf32>,
          %max3A_786 = arith.constant 0.000000e+00 : f32
          %max3A_787 = vector.broadcast %max3A_786 : f32 to vector<16xf32>
          %max3A_788 = arith.maximumf %get3A_785, %max3A_787 : vector<16xf32>
          %mul3A_789 = arith.mulf %max3A_788, %max3A_788 : vector<16xf32>
          %add3A_790 = arith.constant 1.1920929E-7 : f32
          %add3A_791 = vector.broadcast %add3A_790 : f32 to vector<16xf32>
          %add3A_792 = arith.addf %get3A_785, %add3A_791 : vector<16xf32>
          %div3A_793 = arith.divf %mul3A_789, %add3A_792 : vector<16xf32>
          %swap3A_794 = arith.constant 31 : i32
          %swap3A_795 = arith.index_cast %swap3A_794 : i32 to index
          %swap3A_796 = arith.index_cast %mul3A_288 : i32 to index
          %swap3A_797 = tpu.vector_load %arg12[%swap3A_795, %swap3A_796] {strides = array<i32>} : memref<32x128xf32, #tpu.memory_space<vmem>>, vector<16xf32>,
          tpu.vector_store %arg12[%swap3A_795, %swap3A_796], %div3A_793 {strides = array<i32>} : memref<32x128xf32, #tpu.memory_space<vmem>>, vector<16xf32>,
          %scan3A_798 = arith.constant 0 : i32
          scf.yield %scan3A_798 : i32
        }
        %scan3A_284 = arith.constant 8 : i32
      } else {
        %mul3A_278 = arith.constant 128 : i32
        %mul3A_279 = arith.muli %add3A_155, %mul3A_278 : i32
        %add3A_280 = arith.addi %mul3A_2, %mul3A_279 : i32
        "tpu.region"() ({
          %run_scoped3A = tpu.sem_alloc : memref<!tpu.dma_semaphore, #tpu.memory_space<semaphore_mem>>
          %dma_start3A_288 = arith.constant 0 : i32
          %dma_start3A_289 = tpu.memref_slice %arg2[%dma_start3A_288, %add3A_280] : memref<33x262144xf32, #tpu.memory_space<hbm>> -> memref<33x128xf32, #tpu.memory_space<hbm>>
          %dma_start3A_290 = arith.constant 0 : i32
          %dma_start3A_291 = tpu.memref_slice %arg2[%dma_start3A_290, %add3A_280] : memref<33x262144xf32, #tpu.memory_space<hbm>> -> memref<33x128xf32, #tpu.memory_space<hbm>>
          tpu.enqueue_dma source(%dma_start3A_291 : memref<33x128xf32, #tpu.memory_space<hbm>>) target(%arg15 : memref<33x128xf32, #tpu.memory_space<vmem>>) target_semaphore(%run_scoped3A : memref<!tpu.dma_semaphore, #tpu.memory_space<semaphore_mem>>)
          %dma_wait3A_292 = arith.constant 0 : i32
          %dma_wait3A_293 = tpu.memref_slice %arg2[%dma_wait3A_292, %add3A_280] : memref<33x262144xf32, #tpu.memory_space<hbm>> -> memref<33x128xf32, #tpu.memory_space<hbm>>
          %dma_wait3A_294 = arith.constant 0 : i32
          %dma_wait3A_295 = tpu.memref_slice %arg2[%dma_wait3A_294, %add3A_280] : memref<33x262144xf32, #tpu.memory_space<hbm>> -> memref<33x128xf32, #tpu.memory_space<hbm>>
          tpu.wait_dma2 semaphore(%run_scoped3A : memref<!tpu.dma_semaphore, #tpu.memory_space<semaphore_mem>>) src(%dma_wait3A_295 : memref<33x128xf32, #tpu.memory_space<hbm>>) dst(%arg15 : memref<33x128xf32, #tpu.memory_space<vmem>>)
          tpu.yield
        }) : () -> ()
        "tpu.region"() ({
          %run_scoped3A = tpu.sem_alloc : memref<!tpu.dma_semaphore, #tpu.memory_space<semaphore_mem>>
          %dma_start3A_288 = arith.constant 0 : i32
          %dma_start3A_289 = tpu.memref_slice %arg4[%dma_start3A_288, %add3A_280] : memref<65x262144xf32, #tpu.memory_space<hbm>> -> memref<65x128xf32, #tpu.memory_space<hbm>>
          %dma_start3A_290 = arith.constant 0 : i32
          %dma_start3A_291 = tpu.memref_slice %arg4[%dma_start3A_290, %add3A_280] : memref<65x262144xf32, #tpu.memory_space<hbm>> -> memref<65x128xf32, #tpu.memory_space<hbm>>
          tpu.enqueue_dma source(%dma_start3A_291 : memref<65x128xf32, #tpu.memory_space<hbm>>) target(%arg16 : memref<65x128xf32, #tpu.memory_space<vmem>>) target_semaphore(%run_scoped3A : memref<!tpu.dma_semaphore, #tpu.memory_space<semaphore_mem>>)
          %dma_wait3A_292 = arith.constant 0 : i32
          %dma_wait3A_293 = tpu.memref_slice %arg4[%dma_wait3A_292, %add3A_280] : memref<65x262144xf32, #tpu.memory_space<hbm>> -> memref<65x128xf32, #tpu.memory_space<hbm>>
          %dma_wait3A_294 = arith.constant 0 : i32
          %dma_wait3A_295 = tpu.memref_slice %arg4[%dma_wait3A_294, %add3A_280] : memref<65x262144xf32, #tpu.memory_space<hbm>> -> memref<65x128xf32, #tpu.memory_space<hbm>>
          tpu.wait_dma2 semaphore(%run_scoped3A : memref<!tpu.dma_semaphore, #tpu.memory_space<semaphore_mem>>) src(%dma_wait3A_295 : memref<65x128xf32, #tpu.memory_space<hbm>>) dst(%arg16 : memref<65x128xf32, #tpu.memory_space<vmem>>)
          tpu.yield
        }) : () -> ()
        "tpu.region"() ({
          %run_scoped3A = tpu.sem_alloc : memref<!tpu.dma_semaphore, #tpu.memory_space<semaphore_mem>>
          %dma_start3A_288 = arith.constant 0 : i32
          %dma_start3A_289 = tpu.memref_slice %arg5[%dma_start3A_288, %add3A_280] : memref<64x262144xf32, #tpu.memory_space<hbm>> -> memref<64x128xf32, #tpu.memory_space<hbm>>
          %dma_start3A_290 = arith.constant 0 : i32
          %dma_start3A_291 = tpu.memref_slice %arg5[%dma_start3A_290, %add3A_280] : memref<64x262144xf32, #tpu.memory_space<hbm>> -> memref<64x128xf32, #tpu.memory_space<hbm>>
          tpu.enqueue_dma source(%dma_start3A_291 : memref<64x128xf32, #tpu.memory_space<hbm>>) target(%arg17 : memref<64x128xf32, #tpu.memory_space<vmem>>) target_semaphore(%run_scoped3A : memref<!tpu.dma_semaphore, #tpu.memory_space<semaphore_mem>>)
          %dma_wait3A_292 = arith.constant 0 : i32
          %dma_wait3A_293 = tpu.memref_slice %arg5[%dma_wait3A_292, %add3A_280] : memref<64x262144xf32, #tpu.memory_space<hbm>> -> memref<64x128xf32, #tpu.memory_space<hbm>>
          %dma_wait3A_294 = arith.constant 0 : i32
          %dma_wait3A_295 = tpu.memref_slice %arg5[%dma_wait3A_294, %add3A_280] : memref<64x262144xf32, #tpu.memory_space<hbm>> -> memref<64x128xf32, #tpu.memory_space<hbm>>
          tpu.wait_dma2 semaphore(%run_scoped3A : memref<!tpu.dma_semaphore, #tpu.memory_space<semaphore_mem>>) src(%dma_wait3A_295 : memref<64x128xf32, #tpu.memory_space<hbm>>) dst(%arg17 : memref<64x128xf32, #tpu.memory_space<vmem>>)
          tpu.yield
        }) : () -> ()
        %scan3A_281 = arith.constant 0 : i32
        %scan3A_282 = arith.constant 0 : i32
        %scan3A_283 = arith.constant 8 : i32
        %scan3A_284 = arith.addi %scan3A_282, %scan3A_283 : i32
        %scan3A_285 = arith.constant 1 : i32
        %scan3A_286 = scf.for %scan3A_288 = %scan3A_282 to %scan3A_284 step %scan3A_285 iter_args(%scan3A_289 = %scan3A_281) -> (i32)  : i32 {
          %mul3A_290 = arith.constant 16 : i32
          %mul3A_291 = arith.muli %scan3A_288, %mul3A_290 : i32
          %add3A_292 = vector.broadcast %mul3A_291 : i32 to vector<16xi32>
          %add3A_293 = arith.addi %iota3A, %add3A_292 : vector<16xi32>
          %get3A_294 = arith.constant 0 : i32
          %get3A_295 = arith.index_cast %get3A_294 : i32 to index
          %get3A_296 = arith.index_cast %mul3A_291 : i32 to index
          %get3A_297 = tpu.vector_load %arg13[%get3A_295, %get3A_296] {strides = array<i32>} : memref<1x128xf32, #tpu.memory_space<vmem>>, vector<16xf32>,
          %get3A_298 = arith.constant 0 : i32
          %get3A_299 = arith.index_cast %get3A_298 : i32 to index
          %get3A_300 = arith.index_cast %mul3A_291 : i32 to index
          %get3A_301 = tpu.vector_load %arg14[%get3A_299, %get3A_300] {strides = array<i32>} : memref<1x128xf32, #tpu.memory_space<vmem>>, vector<16xf32>,
          %gt3A_302 = arith.cmpf ogt, %get3A_297, %get3A_301 : vector<16xf32>
          %reduce_and3A_303 = arith.constant 1.000000e+00 : f32
          %reduce_and3A_304 = arith.constant 0.000000e+00 : f32
          %reduce_and3A_305 = vector.broadcast %reduce_and3A_303 : f32 to vector<16xf32>
          %reduce_and3A_306 = vector.broadcast %reduce_and3A_304 : f32 to vector<16xf32>
          %reduce_and3A_307 = arith.select %gt3A_302, %reduce_and3A_305, %reduce_and3A_306 : vector<16xi1>, vector<16xf32>
          %reduce_and3A_308 = arith.constant true
          %reduce_and3A_309 = vector.broadcast %reduce_and3A_308 : i1 to vector<16xi1>
          %reduce_and3A_310 = tpu.scan <min>, %reduce_and3A_307 masked %reduce_and3A_309 : vector<16xf32>, vector<16xi1> -> vector<16xf32>
          %reduce_and3A_311 = vector.extract %reduce_and3A_310[15] : f32 from vector<16xf32>
          %reduce_and3A_312 = arith.constant 0.000000e+00 : f32
          %reduce_and3A_313 = arith.cmpf ogt, %reduce_and3A_311, %reduce_and3A_312 : f32
          %convert_element_type3A_314 = arith.extui %reduce_and3A_313 : i1 to i32
          %cond3A_315 = arith.constant 0 : i32
          %cond3A_316 = arith.cmpi ne, %convert_element_type3A_314, %cond3A_315 : i32
          scf.if %cond3A_316 {
            %mul3A_318 = arith.constant 16 : i32
            %mul3A_319 = arith.muli %scan3A_288, %mul3A_318 : i32
            %get3A_320 = arith.constant 0 : i32
            %get3A_321 = arith.index_cast %get3A_320 : i32 to index
            %get3A_322 = arith.index_cast %mul3A_319 : i32 to index
            %get3A_323 = tpu.vector_load %arg11[%get3A_321, %get3A_322] {strides = array<i32>} : memref<32x128xf32, #tpu.memory_space<vmem>>, vector<16xf32>,
            %max3A = arith.constant 0.000000e+00 : f32
            %max3A_324 = vector.broadcast %max3A : f32 to vector<16xf32>
            %max3A_325 = arith.maximumf %get3A_323, %max3A_324 : vector<16xf32>
            %mul3A_326 = arith.mulf %max3A_325, %max3A_325 : vector<16xf32>
            %add3A_327 = arith.constant 1.1920929E-7 : f32
            %add3A_328 = vector.broadcast %add3A_327 : f32 to vector<16xf32>
            %add3A_329 = arith.addf %get3A_323, %add3A_328 : vector<16xf32>
            %div3A = arith.divf %mul3A_326, %add3A_329 : vector<16xf32>
            %swap3A = arith.constant 0 : i32
            %swap3A_330 = arith.index_cast %swap3A : i32 to index
            %swap3A_331 = arith.index_cast %mul3A_319 : i32 to index
            %swap3A_332 = tpu.vector_load %arg12[%swap3A_330, %swap3A_331] {strides = array<i32>} : memref<32x128xf32, #tpu.memory_space<vmem>>, vector<16xf32>,
            tpu.vector_store %arg12[%swap3A_330, %swap3A_331], %div3A {strides = array<i32>} : memref<32x128xf32, #tpu.memory_space<vmem>>, vector<16xf32>,
            %get3A_333 = arith.constant 1 : i32
            %get3A_334 = arith.index_cast %get3A_333 : i32 to index
            %get3A_335 = arith.index_cast %mul3A_319 : i32 to index
            %get3A_336 = tpu.vector_load %arg11[%get3A_334, %get3A_335] {strides = array<i32>} : memref<32x128xf32, #tpu.memory_space<vmem>>, vector<16xf32>,
            %max3A_337 = arith.constant 0.000000e+00 : f32
            %max3A_338 = vector.broadcast %max3A_337 : f32 to vector<16xf32>
            %max3A_339 = arith.maximumf %get3A_336, %max3A_338 : vector<16xf32>
            %mul3A_340 = arith.mulf %max3A_339, %max3A_339 : vector<16xf32>
            %add3A_341 = arith.constant 1.1920929E-7 : f32
            %add3A_342 = vector.broadcast %add3A_341 : f32 to vector<16xf32>
            %add3A_343 = arith.addf %get3A_336, %add3A_342 : vector<16xf32>
            %div3A_344 = arith.divf %mul3A_340, %add3A_343 : vector<16xf32>
            %swap3A_345 = arith.constant 1 : i32
            %swap3A_346 = arith.index_cast %swap3A_345 : i32 to index
            %swap3A_347 = arith.index_cast %mul3A_319 : i32 to index
            %swap3A_348 = tpu.vector_load %arg12[%swap3A_346, %swap3A_347] {strides = array<i32>} : memref<32x128xf32, #tpu.memory_space<vmem>>, vector<16xf32>,
            tpu.vector_store %arg12[%swap3A_346, %swap3A_347], %div3A_344 {strides = array<i32>} : memref<32x128xf32, #tpu.memory_space<vmem>>, vector<16xf32>,
            %get3A_349 = arith.constant 2 : i32
            %get3A_350 = arith.index_cast %get3A_349 : i32 to index
            %get3A_351 = arith.index_cast %mul3A_319 : i32 to index
            %get3A_352 = tpu.vector_load %arg11[%get3A_350, %get3A_351] {strides = array<i32>} : memref<32x128xf32, #tpu.memory_space<vmem>>, vector<16xf32>,
            %max3A_353 = arith.constant 0.000000e+00 : f32
            %max3A_354 = vector.broadcast %max3A_353 : f32 to vector<16xf32>
            %max3A_355 = arith.maximumf %get3A_352, %max3A_354 : vector<16xf32>
            %mul3A_356 = arith.mulf %max3A_355, %max3A_355 : vector<16xf32>
            %add3A_357 = arith.constant 1.1920929E-7 : f32
            %add3A_358 = vector.broadcast %add3A_357 : f32 to vector<16xf32>
            %add3A_359 = arith.addf %get3A_352, %add3A_358 : vector<16xf32>
            %div3A_360 = arith.divf %mul3A_356, %add3A_359 : vector<16xf32>
            %swap3A_361 = arith.constant 2 : i32
            %swap3A_362 = arith.index_cast %swap3A_361 : i32 to index
            %swap3A_363 = arith.index_cast %mul3A_319 : i32 to index
            %swap3A_364 = tpu.vector_load %arg12[%swap3A_362, %swap3A_363] {strides = array<i32>} : memref<32x128xf32, #tpu.memory_space<vmem>>, vector<16xf32>,
            tpu.vector_store %arg12[%swap3A_362, %swap3A_363], %div3A_360 {strides = array<i32>} : memref<32x128xf32, #tpu.memory_space<vmem>>, vector<16xf32>,
            %get3A_365 = arith.constant 3 : i32
            %get3A_366 = arith.index_cast %get3A_365 : i32 to index
            %get3A_367 = arith.index_cast %mul3A_319 : i32 to index
            %get3A_368 = tpu.vector_load %arg11[%get3A_366, %get3A_367] {strides = array<i32>} : memref<32x128xf32, #tpu.memory_space<vmem>>, vector<16xf32>,
            %max3A_369 = arith.constant 0.000000e+00 : f32
            %max3A_370 = vector.broadcast %max3A_369 : f32 to vector<16xf32>
            %max3A_371 = arith.maximumf %get3A_368, %max3A_370 : vector<16xf32>
            %mul3A_372 = arith.mulf %max3A_371, %max3A_371 : vector<16xf32>
            %add3A_373 = arith.constant 1.1920929E-7 : f32
            %add3A_374 = vector.broadcast %add3A_373 : f32 to vector<16xf32>
            %add3A_375 = arith.addf %get3A_368, %add3A_374 : vector<16xf32>
            %div3A_376 = arith.divf %mul3A_372, %add3A_375 : vector<16xf32>
            %swap3A_377 = arith.constant 3 : i32
            %swap3A_378 = arith.index_cast %swap3A_377 : i32 to index
            %swap3A_379 = arith.index_cast %mul3A_319 : i32 to index
            %swap3A_380 = tpu.vector_load %arg12[%swap3A_378, %swap3A_379] {strides = array<i32>} : memref<32x128xf32, #tpu.memory_space<vmem>>, vector<16xf32>,
            tpu.vector_store %arg12[%swap3A_378, %swap3A_379], %div3A_376 {strides = array<i32>} : memref<32x128xf32, #tpu.memory_space<vmem>>, vector<16xf32>,
            %get3A_381 = arith.constant 4 : i32
            %get3A_382 = arith.index_cast %get3A_381 : i32 to index
            %get3A_383 = arith.index_cast %mul3A_319 : i32 to index
            %get3A_384 = tpu.vector_load %arg11[%get3A_382, %get3A_383] {strides = array<i32>} : memref<32x128xf32, #tpu.memory_space<vmem>>, vector<16xf32>,
            %max3A_385 = arith.constant 0.000000e+00 : f32
            %max3A_386 = vector.broadcast %max3A_385 : f32 to vector<16xf32>
            %max3A_387 = arith.maximumf %get3A_384, %max3A_386 : vector<16xf32>
            %mul3A_388 = arith.mulf %max3A_387, %max3A_387 : vector<16xf32>
            %add3A_389 = arith.constant 1.1920929E-7 : f32
            %add3A_390 = vector.broadcast %add3A_389 : f32 to vector<16xf32>
            %add3A_391 = arith.addf %get3A_384, %add3A_390 : vector<16xf32>
            %div3A_392 = arith.divf %mul3A_388, %add3A_391 : vector<16xf32>
            %swap3A_393 = arith.constant 4 : i32
            %swap3A_394 = arith.index_cast %swap3A_393 : i32 to index
            %swap3A_395 = arith.index_cast %mul3A_319 : i32 to index
            %swap3A_396 = tpu.vector_load %arg12[%swap3A_394, %swap3A_395] {strides = array<i32>} : memref<32x128xf32, #tpu.memory_space<vmem>>, vector<16xf32>,
            tpu.vector_store %arg12[%swap3A_394, %swap3A_395], %div3A_392 {strides = array<i32>} : memref<32x128xf32, #tpu.memory_space<vmem>>, vector<16xf32>,
            %get3A_397 = arith.constant 5 : i32
            %get3A_398 = arith.index_cast %get3A_397 : i32 to index
            %get3A_399 = arith.index_cast %mul3A_319 : i32 to index
            %get3A_400 = tpu.vector_load %arg11[%get3A_398, %get3A_399] {strides = array<i32>} : memref<32x128xf32, #tpu.memory_space<vmem>>, vector<16xf32>,
            %max3A_401 = arith.constant 0.000000e+00 : f32
            %max3A_402 = vector.broadcast %max3A_401 : f32 to vector<16xf32>
            %max3A_403 = arith.maximumf %get3A_400, %max3A_402 : vector<16xf32>
            %mul3A_404 = arith.mulf %max3A_403, %max3A_403 : vector<16xf32>
            %add3A_405 = arith.constant 1.1920929E-7 : f32
            %add3A_406 = vector.broadcast %add3A_405 : f32 to vector<16xf32>
            %add3A_407 = arith.addf %get3A_400, %add3A_406 : vector<16xf32>
            %div3A_408 = arith.divf %mul3A_404, %add3A_407 : vector<16xf32>
            %swap3A_409 = arith.constant 5 : i32
            %swap3A_410 = arith.index_cast %swap3A_409 : i32 to index
            %swap3A_411 = arith.index_cast %mul3A_319 : i32 to index
            %swap3A_412 = tpu.vector_load %arg12[%swap3A_410, %swap3A_411] {strides = array<i32>} : memref<32x128xf32, #tpu.memory_space<vmem>>, vector<16xf32>,
            tpu.vector_store %arg12[%swap3A_410, %swap3A_411], %div3A_408 {strides = array<i32>} : memref<32x128xf32, #tpu.memory_space<vmem>>, vector<16xf32>,
            %get3A_413 = arith.constant 6 : i32
            %get3A_414 = arith.index_cast %get3A_413 : i32 to index
            %get3A_415 = arith.index_cast %mul3A_319 : i32 to index
            %get3A_416 = tpu.vector_load %arg11[%get3A_414, %get3A_415] {strides = array<i32>} : memref<32x128xf32, #tpu.memory_space<vmem>>, vector<16xf32>,
            %max3A_417 = arith.constant 0.000000e+00 : f32
            %max3A_418 = vector.broadcast %max3A_417 : f32 to vector<16xf32>
            %max3A_419 = arith.maximumf %get3A_416, %max3A_418 : vector<16xf32>
            %mul3A_420 = arith.mulf %max3A_419, %max3A_419 : vector<16xf32>
            %add3A_421 = arith.constant 1.1920929E-7 : f32
            %add3A_422 = vector.broadcast %add3A_421 : f32 to vector<16xf32>
            %add3A_423 = arith.addf %get3A_416, %add3A_422 : vector<16xf32>
            %div3A_424 = arith.divf %mul3A_420, %add3A_423 : vector<16xf32>
            %swap3A_425 = arith.constant 6 : i32
            %swap3A_426 = arith.index_cast %swap3A_425 : i32 to index
            %swap3A_427 = arith.index_cast %mul3A_319 : i32 to index
            %swap3A_428 = tpu.vector_load %arg12[%swap3A_426, %swap3A_427] {strides = array<i32>} : memref<32x128xf32, #tpu.memory_space<vmem>>, vector<16xf32>,
            tpu.vector_store %arg12[%swap3A_426, %swap3A_427], %div3A_424 {strides = array<i32>} : memref<32x128xf32, #tpu.memory_space<vmem>>, vector<16xf32>,
            %get3A_429 = arith.constant 7 : i32
            %get3A_430 = arith.index_cast %get3A_429 : i32 to index
            %get3A_431 = arith.index_cast %mul3A_319 : i32 to index
            %get3A_432 = tpu.vector_load %arg11[%get3A_430, %get3A_431] {strides = array<i32>} : memref<32x128xf32, #tpu.memory_space<vmem>>, vector<16xf32>,
            %max3A_433 = arith.constant 0.000000e+00 : f32
            %max3A_434 = vector.broadcast %max3A_433 : f32 to vector<16xf32>
            %max3A_435 = arith.maximumf %get3A_432, %max3A_434 : vector<16xf32>
            %mul3A_436 = arith.mulf %max3A_435, %max3A_435 : vector<16xf32>
            %add3A_437 = arith.constant 1.1920929E-7 : f32
            %add3A_438 = vector.broadcast %add3A_437 : f32 to vector<16xf32>
            %add3A_439 = arith.addf %get3A_432, %add3A_438 : vector<16xf32>
            %div3A_440 = arith.divf %mul3A_436, %add3A_439 : vector<16xf32>
            %swap3A_441 = arith.constant 7 : i32
            %swap3A_442 = arith.index_cast %swap3A_441 : i32 to index
            %swap3A_443 = arith.index_cast %mul3A_319 : i32 to index
            %swap3A_444 = tpu.vector_load %arg12[%swap3A_442, %swap3A_443] {strides = array<i32>} : memref<32x128xf32, #tpu.memory_space<vmem>>, vector<16xf32>,
            tpu.vector_store %arg12[%swap3A_442, %swap3A_443], %div3A_440 {strides = array<i32>} : memref<32x128xf32, #tpu.memory_space<vmem>>, vector<16xf32>,
            %get3A_445 = arith.constant 8 : i32
            %get3A_446 = arith.index_cast %get3A_445 : i32 to index
            %get3A_447 = arith.index_cast %mul3A_319 : i32 to index
            %get3A_448 = tpu.vector_load %arg11[%get3A_446, %get3A_447] {strides = array<i32>} : memref<32x128xf32, #tpu.memory_space<vmem>>, vector<16xf32>,
            %max3A_449 = arith.constant 0.000000e+00 : f32
            %max3A_450 = vector.broadcast %max3A_449 : f32 to vector<16xf32>
            %max3A_451 = arith.maximumf %get3A_448, %max3A_450 : vector<16xf32>
            %mul3A_452 = arith.mulf %max3A_451, %max3A_451 : vector<16xf32>
            %add3A_453 = arith.constant 1.1920929E-7 : f32
            %add3A_454 = vector.broadcast %add3A_453 : f32 to vector<16xf32>
            %add3A_455 = arith.addf %get3A_448, %add3A_454 : vector<16xf32>
            %div3A_456 = arith.divf %mul3A_452, %add3A_455 : vector<16xf32>
            %swap3A_457 = arith.constant 8 : i32
            %swap3A_458 = arith.index_cast %swap3A_457 : i32 to index
            %swap3A_459 = arith.index_cast %mul3A_319 : i32 to index
            %swap3A_460 = tpu.vector_load %arg12[%swap3A_458, %swap3A_459] {strides = array<i32>} : memref<32x128xf32, #tpu.memory_space<vmem>>, vector<16xf32>,
            tpu.vector_store %arg12[%swap3A_458, %swap3A_459], %div3A_456 {strides = array<i32>} : memref<32x128xf32, #tpu.memory_space<vmem>>, vector<16xf32>,
            %get3A_461 = arith.constant 9 : i32
            %get3A_462 = arith.index_cast %get3A_461 : i32 to index
            %get3A_463 = arith.index_cast %mul3A_319 : i32 to index
            %get3A_464 = tpu.vector_load %arg11[%get3A_462, %get3A_463] {strides = array<i32>} : memref<32x128xf32, #tpu.memory_space<vmem>>, vector<16xf32>,
            %max3A_465 = arith.constant 0.000000e+00 : f32
            %max3A_466 = vector.broadcast %max3A_465 : f32 to vector<16xf32>
            %max3A_467 = arith.maximumf %get3A_464, %max3A_466 : vector<16xf32>
            %mul3A_468 = arith.mulf %max3A_467, %max3A_467 : vector<16xf32>
            %add3A_469 = arith.constant 1.1920929E-7 : f32
            %add3A_470 = vector.broadcast %add3A_469 : f32 to vector<16xf32>
            %add3A_471 = arith.addf %get3A_464, %add3A_470 : vector<16xf32>
            %div3A_472 = arith.divf %mul3A_468, %add3A_471 : vector<16xf32>
            %swap3A_473 = arith.constant 9 : i32
            %swap3A_474 = arith.index_cast %swap3A_473 : i32 to index
            %swap3A_475 = arith.index_cast %mul3A_319 : i32 to index
            %swap3A_476 = tpu.vector_load %arg12[%swap3A_474, %swap3A_475] {strides = array<i32>} : memref<32x128xf32, #tpu.memory_space<vmem>>, vector<16xf32>,
            tpu.vector_store %arg12[%swap3A_474, %swap3A_475], %div3A_472 {strides = array<i32>} : memref<32x128xf32, #tpu.memory_space<vmem>>, vector<16xf32>,
            %get3A_477 = arith.constant 10 : i32
            %get3A_478 = arith.index_cast %get3A_477 : i32 to index
            %get3A_479 = arith.index_cast %mul3A_319 : i32 to index
            %get3A_480 = tpu.vector_load %arg11[%get3A_478, %get3A_479] {strides = array<i32>} : memref<32x128xf32, #tpu.memory_space<vmem>>, vector<16xf32>,
            %max3A_481 = arith.constant 0.000000e+00 : f32
            %max3A_482 = vector.broadcast %max3A_481 : f32 to vector<16xf32>
            %max3A_483 = arith.maximumf %get3A_480, %max3A_482 : vector<16xf32>
            %mul3A_484 = arith.mulf %max3A_483, %max3A_483 : vector<16xf32>
            %add3A_485 = arith.constant 1.1920929E-7 : f32
            %add3A_486 = vector.broadcast %add3A_485 : f32 to vector<16xf32>
            %add3A_487 = arith.addf %get3A_480, %add3A_486 : vector<16xf32>
            %div3A_488 = arith.divf %mul3A_484, %add3A_487 : vector<16xf32>
            %swap3A_489 = arith.constant 10 : i32
            %swap3A_490 = arith.index_cast %swap3A_489 : i32 to index
            %swap3A_491 = arith.index_cast %mul3A_319 : i32 to index
            %swap3A_492 = tpu.vector_load %arg12[%swap3A_490, %swap3A_491] {strides = array<i32>} : memref<32x128xf32, #tpu.memory_space<vmem>>, vector<16xf32>,
            tpu.vector_store %arg12[%swap3A_490, %swap3A_491], %div3A_488 {strides = array<i32>} : memref<32x128xf32, #tpu.memory_space<vmem>>, vector<16xf32>,
            %get3A_493 = arith.constant 11 : i32
            %get3A_494 = arith.index_cast %get3A_493 : i32 to index
            %get3A_495 = arith.index_cast %mul3A_319 : i32 to index
            %get3A_496 = tpu.vector_load %arg11[%get3A_494, %get3A_495] {strides = array<i32>} : memref<32x128xf32, #tpu.memory_space<vmem>>, vector<16xf32>,
            %max3A_497 = arith.constant 0.000000e+00 : f32
            %max3A_498 = vector.broadcast %max3A_497 : f32 to vector<16xf32>
            %max3A_499 = arith.maximumf %get3A_496, %max3A_498 : vector<16xf32>
            %mul3A_500 = arith.mulf %max3A_499, %max3A_499 : vector<16xf32>
            %add3A_501 = arith.constant 1.1920929E-7 : f32
            %add3A_502 = vector.broadcast %add3A_501 : f32 to vector<16xf32>
            %add3A_503 = arith.addf %get3A_496, %add3A_502 : vector<16xf32>
            %div3A_504 = arith.divf %mul3A_500, %add3A_503 : vector<16xf32>
            %swap3A_505 = arith.constant 11 : i32
            %swap3A_506 = arith.index_cast %swap3A_505 : i32 to index
            %swap3A_507 = arith.index_cast %mul3A_319 : i32 to index
            %swap3A_508 = tpu.vector_load %arg12[%swap3A_506, %swap3A_507] {strides = array<i32>} : memref<32x128xf32, #tpu.memory_space<vmem>>, vector<16xf32>,
            tpu.vector_store %arg12[%swap3A_506, %swap3A_507], %div3A_504 {strides = array<i32>} : memref<32x128xf32, #tpu.memory_space<vmem>>, vector<16xf32>,
            %get3A_509 = arith.constant 12 : i32
            %get3A_510 = arith.index_cast %get3A_509 : i32 to index
            %get3A_511 = arith.index_cast %mul3A_319 : i32 to index
            %get3A_512 = tpu.vector_load %arg11[%get3A_510, %get3A_511] {strides = array<i32>} : memref<32x128xf32, #tpu.memory_space<vmem>>, vector<16xf32>,
            %max3A_513 = arith.constant 0.000000e+00 : f32
            %max3A_514 = vector.broadcast %max3A_513 : f32 to vector<16xf32>
            %max3A_515 = arith.maximumf %get3A_512, %max3A_514 : vector<16xf32>
            %mul3A_516 = arith.mulf %max3A_515, %max3A_515 : vector<16xf32>
            %add3A_517 = arith.constant 1.1920929E-7 : f32
            %add3A_518 = vector.broadcast %add3A_517 : f32 to vector<16xf32>
            %add3A_519 = arith.addf %get3A_512, %add3A_518 : vector<16xf32>
            %div3A_520 = arith.divf %mul3A_516, %add3A_519 : vector<16xf32>
            %swap3A_521 = arith.constant 12 : i32
            %swap3A_522 = arith.index_cast %swap3A_521 : i32 to index
            %swap3A_523 = arith.index_cast %mul3A_319 : i32 to index
            %swap3A_524 = tpu.vector_load %arg12[%swap3A_522, %swap3A_523] {strides = array<i32>} : memref<32x128xf32, #tpu.memory_space<vmem>>, vector<16xf32>,
            tpu.vector_store %arg12[%swap3A_522, %swap3A_523], %div3A_520 {strides = array<i32>} : memref<32x128xf32, #tpu.memory_space<vmem>>, vector<16xf32>,
            %get3A_525 = arith.constant 13 : i32
            %get3A_526 = arith.index_cast %get3A_525 : i32 to index
            %get3A_527 = arith.index_cast %mul3A_319 : i32 to index
            %get3A_528 = tpu.vector_load %arg11[%get3A_526, %get3A_527] {strides = array<i32>} : memref<32x128xf32, #tpu.memory_space<vmem>>, vector<16xf32>,
            %max3A_529 = arith.constant 0.000000e+00 : f32
            %max3A_530 = vector.broadcast %max3A_529 : f32 to vector<16xf32>
            %max3A_531 = arith.maximumf %get3A_528, %max3A_530 : vector<16xf32>
            %mul3A_532 = arith.mulf %max3A_531, %max3A_531 : vector<16xf32>
            %add3A_533 = arith.constant 1.1920929E-7 : f32
            %add3A_534 = vector.broadcast %add3A_533 : f32 to vector<16xf32>
            %add3A_535 = arith.addf %get3A_528, %add3A_534 : vector<16xf32>
            %div3A_536 = arith.divf %mul3A_532, %add3A_535 : vector<16xf32>
            %swap3A_537 = arith.constant 13 : i32
            %swap3A_538 = arith.index_cast %swap3A_537 : i32 to index
            %swap3A_539 = arith.index_cast %mul3A_319 : i32 to index
            %swap3A_540 = tpu.vector_load %arg12[%swap3A_538, %swap3A_539] {strides = array<i32>} : memref<32x128xf32, #tpu.memory_space<vmem>>, vector<16xf32>,
            tpu.vector_store %arg12[%swap3A_538, %swap3A_539], %div3A_536 {strides = array<i32>} : memref<32x128xf32, #tpu.memory_space<vmem>>, vector<16xf32>,
            %get3A_541 = arith.constant 14 : i32
            %get3A_542 = arith.index_cast %get3A_541 : i32 to index
            %get3A_543 = arith.index_cast %mul3A_319 : i32 to index
            %get3A_544 = tpu.vector_load %arg11[%get3A_542, %get3A_543] {strides = array<i32>} : memref<32x128xf32, #tpu.memory_space<vmem>>, vector<16xf32>,
            %max3A_545 = arith.constant 0.000000e+00 : f32
            %max3A_546 = vector.broadcast %max3A_545 : f32 to vector<16xf32>
            %max3A_547 = arith.maximumf %get3A_544, %max3A_546 : vector<16xf32>
            %mul3A_548 = arith.mulf %max3A_547, %max3A_547 : vector<16xf32>
            %add3A_549 = arith.constant 1.1920929E-7 : f32
            %add3A_550 = vector.broadcast %add3A_549 : f32 to vector<16xf32>
            %add3A_551 = arith.addf %get3A_544, %add3A_550 : vector<16xf32>
            %div3A_552 = arith.divf %mul3A_548, %add3A_551 : vector<16xf32>
            %swap3A_553 = arith.constant 14 : i32
            %swap3A_554 = arith.index_cast %swap3A_553 : i32 to index
            %swap3A_555 = arith.index_cast %mul3A_319 : i32 to index
            %swap3A_556 = tpu.vector_load %arg12[%swap3A_554, %swap3A_555] {strides = array<i32>} : memref<32x128xf32, #tpu.memory_space<vmem>>, vector<16xf32>,
            tpu.vector_store %arg12[%swap3A_554, %swap3A_555], %div3A_552 {strides = array<i32>} : memref<32x128xf32, #tpu.memory_space<vmem>>, vector<16xf32>,
            %get3A_557 = arith.constant 15 : i32
            %get3A_558 = arith.index_cast %get3A_557 : i32 to index
            %get3A_559 = arith.index_cast %mul3A_319 : i32 to index
            %get3A_560 = tpu.vector_load %arg11[%get3A_558, %get3A_559] {strides = array<i32>} : memref<32x128xf32, #tpu.memory_space<vmem>>, vector<16xf32>,
            %max3A_561 = arith.constant 0.000000e+00 : f32
            %max3A_562 = vector.broadcast %max3A_561 : f32 to vector<16xf32>
            %max3A_563 = arith.maximumf %get3A_560, %max3A_562 : vector<16xf32>
            %mul3A_564 = arith.mulf %max3A_563, %max3A_563 : vector<16xf32>
            %add3A_565 = arith.constant 1.1920929E-7 : f32
            %add3A_566 = vector.broadcast %add3A_565 : f32 to vector<16xf32>
            %add3A_567 = arith.addf %get3A_560, %add3A_566 : vector<16xf32>
            %div3A_568 = arith.divf %mul3A_564, %add3A_567 : vector<16xf32>
            %swap3A_569 = arith.constant 15 : i32
            %swap3A_570 = arith.index_cast %swap3A_569 : i32 to index
            %swap3A_571 = arith.index_cast %mul3A_319 : i32 to index
            %swap3A_572 = tpu.vector_load %arg12[%swap3A_570, %swap3A_571] {strides = array<i32>} : memref<32x128xf32, #tpu.memory_space<vmem>>, vector<16xf32>,
            tpu.vector_store %arg12[%swap3A_570, %swap3A_571], %div3A_568 {strides = array<i32>} : memref<32x128xf32, #tpu.memory_space<vmem>>, vector<16xf32>,
            %get3A_573 = arith.constant 16 : i32
            %get3A_574 = arith.index_cast %get3A_573 : i32 to index
            %get3A_575 = arith.index_cast %mul3A_319 : i32 to index
            %get3A_576 = tpu.vector_load %arg11[%get3A_574, %get3A_575] {strides = array<i32>} : memref<32x128xf32, #tpu.memory_space<vmem>>, vector<16xf32>,
            %max3A_577 = arith.constant 0.000000e+00 : f32
            %max3A_578 = vector.broadcast %max3A_577 : f32 to vector<16xf32>
            %max3A_579 = arith.maximumf %get3A_576, %max3A_578 : vector<16xf32>
            %mul3A_580 = arith.mulf %max3A_579, %max3A_579 : vector<16xf32>
            %add3A_581 = arith.constant 1.1920929E-7 : f32
            %add3A_582 = vector.broadcast %add3A_581 : f32 to vector<16xf32>
            %add3A_583 = arith.addf %get3A_576, %add3A_582 : vector<16xf32>
            %div3A_584 = arith.divf %mul3A_580, %add3A_583 : vector<16xf32>
            %swap3A_585 = arith.constant 16 : i32
            %swap3A_586 = arith.index_cast %swap3A_585 : i32 to index
            %swap3A_587 = arith.index_cast %mul3A_319 : i32 to index
            %swap3A_588 = tpu.vector_load %arg12[%swap3A_586, %swap3A_587] {strides = array<i32>} : memref<32x128xf32, #tpu.memory_space<vmem>>, vector<16xf32>,
            tpu.vector_store %arg12[%swap3A_586, %swap3A_587], %div3A_584 {strides = array<i32>} : memref<32x128xf32, #tpu.memory_space<vmem>>, vector<16xf32>,
            %get3A_589 = arith.constant 17 : i32
            %get3A_590 = arith.index_cast %get3A_589 : i32 to index
            %get3A_591 = arith.index_cast %mul3A_319 : i32 to index
            %get3A_592 = tpu.vector_load %arg11[%get3A_590, %get3A_591] {strides = array<i32>} : memref<32x128xf32, #tpu.memory_space<vmem>>, vector<16xf32>,
            %max3A_593 = arith.constant 0.000000e+00 : f32
            %max3A_594 = vector.broadcast %max3A_593 : f32 to vector<16xf32>
            %max3A_595 = arith.maximumf %get3A_592, %max3A_594 : vector<16xf32>
            %mul3A_596 = arith.mulf %max3A_595, %max3A_595 : vector<16xf32>
            %add3A_597 = arith.constant 1.1920929E-7 : f32
            %add3A_598 = vector.broadcast %add3A_597 : f32 to vector<16xf32>
            %add3A_599 = arith.addf %get3A_592, %add3A_598 : vector<16xf32>
            %div3A_600 = arith.divf %mul3A_596, %add3A_599 : vector<16xf32>
            %swap3A_601 = arith.constant 17 : i32
            %swap3A_602 = arith.index_cast %swap3A_601 : i32 to index
            %swap3A_603 = arith.index_cast %mul3A_319 : i32 to index
            %swap3A_604 = tpu.vector_load %arg12[%swap3A_602, %swap3A_603] {strides = array<i32>} : memref<32x128xf32, #tpu.memory_space<vmem>>, vector<16xf32>,
            tpu.vector_store %arg12[%swap3A_602, %swap3A_603], %div3A_600 {strides = array<i32>} : memref<32x128xf32, #tpu.memory_space<vmem>>, vector<16xf32>,
            %get3A_605 = arith.constant 18 : i32
            %get3A_606 = arith.index_cast %get3A_605 : i32 to index
            %get3A_607 = arith.index_cast %mul3A_319 : i32 to index
            %get3A_608 = tpu.vector_load %arg11[%get3A_606, %get3A_607] {strides = array<i32>} : memref<32x128xf32, #tpu.memory_space<vmem>>, vector<16xf32>,
            %max3A_609 = arith.constant 0.000000e+00 : f32
            %max3A_610 = vector.broadcast %max3A_609 : f32 to vector<16xf32>
            %max3A_611 = arith.maximumf %get3A_608, %max3A_610 : vector<16xf32>
            %mul3A_612 = arith.mulf %max3A_611, %max3A_611 : vector<16xf32>
            %add3A_613 = arith.constant 1.1920929E-7 : f32
            %add3A_614 = vector.broadcast %add3A_613 : f32 to vector<16xf32>
            %add3A_615 = arith.addf %get3A_608, %add3A_614 : vector<16xf32>
            %div3A_616 = arith.divf %mul3A_612, %add3A_615 : vector<16xf32>
            %swap3A_617 = arith.constant 18 : i32
            %swap3A_618 = arith.index_cast %swap3A_617 : i32 to index
            %swap3A_619 = arith.index_cast %mul3A_319 : i32 to index
            %swap3A_620 = tpu.vector_load %arg12[%swap3A_618, %swap3A_619] {strides = array<i32>} : memref<32x128xf32, #tpu.memory_space<vmem>>, vector<16xf32>,
            tpu.vector_store %arg12[%swap3A_618, %swap3A_619], %div3A_616 {strides = array<i32>} : memref<32x128xf32, #tpu.memory_space<vmem>>, vector<16xf32>,
            %get3A_621 = arith.constant 19 : i32
            %get3A_622 = arith.index_cast %get3A_621 : i32 to index
            %get3A_623 = arith.index_cast %mul3A_319 : i32 to index
            %get3A_624 = tpu.vector_load %arg11[%get3A_622, %get3A_623] {strides = array<i32>} : memref<32x128xf32, #tpu.memory_space<vmem>>, vector<16xf32>,
            %max3A_625 = arith.constant 0.000000e+00 : f32
            %max3A_626 = vector.broadcast %max3A_625 : f32 to vector<16xf32>
            %max3A_627 = arith.maximumf %get3A_624, %max3A_626 : vector<16xf32>
            %mul3A_628 = arith.mulf %max3A_627, %max3A_627 : vector<16xf32>
            %add3A_629 = arith.constant 1.1920929E-7 : f32
            %add3A_630 = vector.broadcast %add3A_629 : f32 to vector<16xf32>
            %add3A_631 = arith.addf %get3A_624, %add3A_630 : vector<16xf32>
            %div3A_632 = arith.divf %mul3A_628, %add3A_631 : vector<16xf32>
            %swap3A_633 = arith.constant 19 : i32
            %swap3A_634 = arith.index_cast %swap3A_633 : i32 to index
            %swap3A_635 = arith.index_cast %mul3A_319 : i32 to index
            %swap3A_636 = tpu.vector_load %arg12[%swap3A_634, %swap3A_635] {strides = array<i32>} : memref<32x128xf32, #tpu.memory_space<vmem>>, vector<16xf32>,
            tpu.vector_store %arg12[%swap3A_634, %swap3A_635], %div3A_632 {strides = array<i32>} : memref<32x128xf32, #tpu.memory_space<vmem>>, vector<16xf32>,
            %get3A_637 = arith.constant 20 : i32
            %get3A_638 = arith.index_cast %get3A_637 : i32 to index
            %get3A_639 = arith.index_cast %mul3A_319 : i32 to index
            %get3A_640 = tpu.vector_load %arg11[%get3A_638, %get3A_639] {strides = array<i32>} : memref<32x128xf32, #tpu.memory_space<vmem>>, vector<16xf32>,
            %max3A_641 = arith.constant 0.000000e+00 : f32
            %max3A_642 = vector.broadcast %max3A_641 : f32 to vector<16xf32>
            %max3A_643 = arith.maximumf %get3A_640, %max3A_642 : vector<16xf32>
            %mul3A_644 = arith.mulf %max3A_643, %max3A_643 : vector<16xf32>
            %add3A_645 = arith.constant 1.1920929E-7 : f32
            %add3A_646 = vector.broadcast %add3A_645 : f32 to vector<16xf32>
            %add3A_647 = arith.addf %get3A_640, %add3A_646 : vector<16xf32>
            %div3A_648 = arith.divf %mul3A_644, %add3A_647 : vector<16xf32>
            %swap3A_649 = arith.constant 20 : i32
            %swap3A_650 = arith.index_cast %swap3A_649 : i32 to index
            %swap3A_651 = arith.index_cast %mul3A_319 : i32 to index
            %swap3A_652 = tpu.vector_load %arg12[%swap3A_650, %swap3A_651] {strides = array<i32>} : memref<32x128xf32, #tpu.memory_space<vmem>>, vector<16xf32>,
            tpu.vector_store %arg12[%swap3A_650, %swap3A_651], %div3A_648 {strides = array<i32>} : memref<32x128xf32, #tpu.memory_space<vmem>>, vector<16xf32>,
            %get3A_653 = arith.constant 21 : i32
            %get3A_654 = arith.index_cast %get3A_653 : i32 to index
            %get3A_655 = arith.index_cast %mul3A_319 : i32 to index
            %get3A_656 = tpu.vector_load %arg11[%get3A_654, %get3A_655] {strides = array<i32>} : memref<32x128xf32, #tpu.memory_space<vmem>>, vector<16xf32>,
            %max3A_657 = arith.constant 0.000000e+00 : f32
            %max3A_658 = vector.broadcast %max3A_657 : f32 to vector<16xf32>
            %max3A_659 = arith.maximumf %get3A_656, %max3A_658 : vector<16xf32>
            %mul3A_660 = arith.mulf %max3A_659, %max3A_659 : vector<16xf32>
            %add3A_661 = arith.constant 1.1920929E-7 : f32
            %add3A_662 = vector.broadcast %add3A_661 : f32 to vector<16xf32>
            %add3A_663 = arith.addf %get3A_656, %add3A_662 : vector<16xf32>
            %div3A_664 = arith.divf %mul3A_660, %add3A_663 : vector<16xf32>
            %swap3A_665 = arith.constant 21 : i32
            %swap3A_666 = arith.index_cast %swap3A_665 : i32 to index
            %swap3A_667 = arith.index_cast %mul3A_319 : i32 to index
            %swap3A_668 = tpu.vector_load %arg12[%swap3A_666, %swap3A_667] {strides = array<i32>} : memref<32x128xf32, #tpu.memory_space<vmem>>, vector<16xf32>,
            tpu.vector_store %arg12[%swap3A_666, %swap3A_667], %div3A_664 {strides = array<i32>} : memref<32x128xf32, #tpu.memory_space<vmem>>, vector<16xf32>,
            %get3A_669 = arith.constant 22 : i32
            %get3A_670 = arith.index_cast %get3A_669 : i32 to index
            %get3A_671 = arith.index_cast %mul3A_319 : i32 to index
            %get3A_672 = tpu.vector_load %arg11[%get3A_670, %get3A_671] {strides = array<i32>} : memref<32x128xf32, #tpu.memory_space<vmem>>, vector<16xf32>,
            %max3A_673 = arith.constant 0.000000e+00 : f32
            %max3A_674 = vector.broadcast %max3A_673 : f32 to vector<16xf32>
            %max3A_675 = arith.maximumf %get3A_672, %max3A_674 : vector<16xf32>
            %mul3A_676 = arith.mulf %max3A_675, %max3A_675 : vector<16xf32>
            %add3A_677 = arith.constant 1.1920929E-7 : f32
            %add3A_678 = vector.broadcast %add3A_677 : f32 to vector<16xf32>
            %add3A_679 = arith.addf %get3A_672, %add3A_678 : vector<16xf32>
            %div3A_680 = arith.divf %mul3A_676, %add3A_679 : vector<16xf32>
            %swap3A_681 = arith.constant 22 : i32
            %swap3A_682 = arith.index_cast %swap3A_681 : i32 to index
            %swap3A_683 = arith.index_cast %mul3A_319 : i32 to index
            %swap3A_684 = tpu.vector_load %arg12[%swap3A_682, %swap3A_683] {strides = array<i32>} : memref<32x128xf32, #tpu.memory_space<vmem>>, vector<16xf32>,
            tpu.vector_store %arg12[%swap3A_682, %swap3A_683], %div3A_680 {strides = array<i32>} : memref<32x128xf32, #tpu.memory_space<vmem>>, vector<16xf32>,
            %get3A_685 = arith.constant 23 : i32
            %get3A_686 = arith.index_cast %get3A_685 : i32 to index
            %get3A_687 = arith.index_cast %mul3A_319 : i32 to index
            %get3A_688 = tpu.vector_load %arg11[%get3A_686, %get3A_687] {strides = array<i32>} : memref<32x128xf32, #tpu.memory_space<vmem>>, vector<16xf32>,
            %max3A_689 = arith.constant 0.000000e+00 : f32
            %max3A_690 = vector.broadcast %max3A_689 : f32 to vector<16xf32>
            %max3A_691 = arith.maximumf %get3A_688, %max3A_690 : vector<16xf32>
            %mul3A_692 = arith.mulf %max3A_691, %max3A_691 : vector<16xf32>
            %add3A_693 = arith.constant 1.1920929E-7 : f32
            %add3A_694 = vector.broadcast %add3A_693 : f32 to vector<16xf32>
            %add3A_695 = arith.addf %get3A_688, %add3A_694 : vector<16xf32>
            %div3A_696 = arith.divf %mul3A_692, %add3A_695 : vector<16xf32>
            %swap3A_697 = arith.constant 23 : i32
            %swap3A_698 = arith.index_cast %swap3A_697 : i32 to index
            %swap3A_699 = arith.index_cast %mul3A_319 : i32 to index
            %swap3A_700 = tpu.vector_load %arg12[%swap3A_698, %swap3A_699] {strides = array<i32>} : memref<32x128xf32, #tpu.memory_space<vmem>>, vector<16xf32>,
            tpu.vector_store %arg12[%swap3A_698, %swap3A_699], %div3A_696 {strides = array<i32>} : memref<32x128xf32, #tpu.memory_space<vmem>>, vector<16xf32>,
            %get3A_701 = arith.constant 24 : i32
            %get3A_702 = arith.index_cast %get3A_701 : i32 to index
            %get3A_703 = arith.index_cast %mul3A_319 : i32 to index
            %get3A_704 = tpu.vector_load %arg11[%get3A_702, %get3A_703] {strides = array<i32>} : memref<32x128xf32, #tpu.memory_space<vmem>>, vector<16xf32>,
            %max3A_705 = arith.constant 0.000000e+00 : f32
            %max3A_706 = vector.broadcast %max3A_705 : f32 to vector<16xf32>
            %max3A_707 = arith.maximumf %get3A_704, %max3A_706 : vector<16xf32>
            %mul3A_708 = arith.mulf %max3A_707, %max3A_707 : vector<16xf32>
            %add3A_709 = arith.constant 1.1920929E-7 : f32
            %add3A_710 = vector.broadcast %add3A_709 : f32 to vector<16xf32>
            %add3A_711 = arith.addf %get3A_704, %add3A_710 : vector<16xf32>
            %div3A_712 = arith.divf %mul3A_708, %add3A_711 : vector<16xf32>
            %swap3A_713 = arith.constant 24 : i32
            %swap3A_714 = arith.index_cast %swap3A_713 : i32 to index
            %swap3A_715 = arith.index_cast %mul3A_319 : i32 to index
            %swap3A_716 = tpu.vector_load %arg12[%swap3A_714, %swap3A_715] {strides = array<i32>} : memref<32x128xf32, #tpu.memory_space<vmem>>, vector<16xf32>,
            tpu.vector_store %arg12[%swap3A_714, %swap3A_715], %div3A_712 {strides = array<i32>} : memref<32x128xf32, #tpu.memory_space<vmem>>, vector<16xf32>,
            %get3A_717 = arith.constant 25 : i32
            %get3A_718 = arith.index_cast %get3A_717 : i32 to index
            %get3A_719 = arith.index_cast %mul3A_319 : i32 to index
            %get3A_720 = tpu.vector_load %arg11[%get3A_718, %get3A_719] {strides = array<i32>} : memref<32x128xf32, #tpu.memory_space<vmem>>, vector<16xf32>,
            %max3A_721 = arith.constant 0.000000e+00 : f32
            %max3A_722 = vector.broadcast %max3A_721 : f32 to vector<16xf32>
            %max3A_723 = arith.maximumf %get3A_720, %max3A_722 : vector<16xf32>
            %mul3A_724 = arith.mulf %max3A_723, %max3A_723 : vector<16xf32>
            %add3A_725 = arith.constant 1.1920929E-7 : f32
            %add3A_726 = vector.broadcast %add3A_725 : f32 to vector<16xf32>
            %add3A_727 = arith.addf %get3A_720, %add3A_726 : vector<16xf32>
            %div3A_728 = arith.divf %mul3A_724, %add3A_727 : vector<16xf32>
            %swap3A_729 = arith.constant 25 : i32
            %swap3A_730 = arith.index_cast %swap3A_729 : i32 to index
            %swap3A_731 = arith.index_cast %mul3A_319 : i32 to index
            %swap3A_732 = tpu.vector_load %arg12[%swap3A_730, %swap3A_731] {strides = array<i32>} : memref<32x128xf32, #tpu.memory_space<vmem>>, vector<16xf32>,
            tpu.vector_store %arg12[%swap3A_730, %swap3A_731], %div3A_728 {strides = array<i32>} : memref<32x128xf32, #tpu.memory_space<vmem>>, vector<16xf32>,
            %get3A_733 = arith.constant 26 : i32
            %get3A_734 = arith.index_cast %get3A_733 : i32 to index
            %get3A_735 = arith.index_cast %mul3A_319 : i32 to index
            %get3A_736 = tpu.vector_load %arg11[%get3A_734, %get3A_735] {strides = array<i32>} : memref<32x128xf32, #tpu.memory_space<vmem>>, vector<16xf32>,
            %max3A_737 = arith.constant 0.000000e+00 : f32
            %max3A_738 = vector.broadcast %max3A_737 : f32 to vector<16xf32>
            %max3A_739 = arith.maximumf %get3A_736, %max3A_738 : vector<16xf32>
            %mul3A_740 = arith.mulf %max3A_739, %max3A_739 : vector<16xf32>
            %add3A_741 = arith.constant 1.1920929E-7 : f32
            %add3A_742 = vector.broadcast %add3A_741 : f32 to vector<16xf32>
            %add3A_743 = arith.addf %get3A_736, %add3A_742 : vector<16xf32>
            %div3A_744 = arith.divf %mul3A_740, %add3A_743 : vector<16xf32>
            %swap3A_745 = arith.constant 26 : i32
            %swap3A_746 = arith.index_cast %swap3A_745 : i32 to index
            %swap3A_747 = arith.index_cast %mul3A_319 : i32 to index
            %swap3A_748 = tpu.vector_load %arg12[%swap3A_746, %swap3A_747] {strides = array<i32>} : memref<32x128xf32, #tpu.memory_space<vmem>>, vector<16xf32>,
            tpu.vector_store %arg12[%swap3A_746, %swap3A_747], %div3A_744 {strides = array<i32>} : memref<32x128xf32, #tpu.memory_space<vmem>>, vector<16xf32>,
            %get3A_749 = arith.constant 27 : i32
            %get3A_750 = arith.index_cast %get3A_749 : i32 to index
            %get3A_751 = arith.index_cast %mul3A_319 : i32 to index
            %get3A_752 = tpu.vector_load %arg11[%get3A_750, %get3A_751] {strides = array<i32>} : memref<32x128xf32, #tpu.memory_space<vmem>>, vector<16xf32>,
            %max3A_753 = arith.constant 0.000000e+00 : f32
            %max3A_754 = vector.broadcast %max3A_753 : f32 to vector<16xf32>
            %max3A_755 = arith.maximumf %get3A_752, %max3A_754 : vector<16xf32>
            %mul3A_756 = arith.mulf %max3A_755, %max3A_755 : vector<16xf32>
            %add3A_757 = arith.constant 1.1920929E-7 : f32
            %add3A_758 = vector.broadcast %add3A_757 : f32 to vector<16xf32>
            %add3A_759 = arith.addf %get3A_752, %add3A_758 : vector<16xf32>
            %div3A_760 = arith.divf %mul3A_756, %add3A_759 : vector<16xf32>
            %swap3A_761 = arith.constant 27 : i32
            %swap3A_762 = arith.index_cast %swap3A_761 : i32 to index
            %swap3A_763 = arith.index_cast %mul3A_319 : i32 to index
            %swap3A_764 = tpu.vector_load %arg12[%swap3A_762, %swap3A_763] {strides = array<i32>} : memref<32x128xf32, #tpu.memory_space<vmem>>, vector<16xf32>,
            tpu.vector_store %arg12[%swap3A_762, %swap3A_763], %div3A_760 {strides = array<i32>} : memref<32x128xf32, #tpu.memory_space<vmem>>, vector<16xf32>,
            %get3A_765 = arith.constant 28 : i32
            %get3A_766 = arith.index_cast %get3A_765 : i32 to index
            %get3A_767 = arith.index_cast %mul3A_319 : i32 to index
            %get3A_768 = tpu.vector_load %arg11[%get3A_766, %get3A_767] {strides = array<i32>} : memref<32x128xf32, #tpu.memory_space<vmem>>, vector<16xf32>,
            %max3A_769 = arith.constant 0.000000e+00 : f32
            %max3A_770 = vector.broadcast %max3A_769 : f32 to vector<16xf32>
            %max3A_771 = arith.maximumf %get3A_768, %max3A_770 : vector<16xf32>
            %mul3A_772 = arith.mulf %max3A_771, %max3A_771 : vector<16xf32>
            %add3A_773 = arith.constant 1.1920929E-7 : f32
            %add3A_774 = vector.broadcast %add3A_773 : f32 to vector<16xf32>
            %add3A_775 = arith.addf %get3A_768, %add3A_774 : vector<16xf32>
            %div3A_776 = arith.divf %mul3A_772, %add3A_775 : vector<16xf32>
            %swap3A_777 = arith.constant 28 : i32
            %swap3A_778 = arith.index_cast %swap3A_777 : i32 to index
            %swap3A_779 = arith.index_cast %mul3A_319 : i32 to index
            %swap3A_780 = tpu.vector_load %arg12[%swap3A_778, %swap3A_779] {strides = array<i32>} : memref<32x128xf32, #tpu.memory_space<vmem>>, vector<16xf32>,
            tpu.vector_store %arg12[%swap3A_778, %swap3A_779], %div3A_776 {strides = array<i32>} : memref<32x128xf32, #tpu.memory_space<vmem>>, vector<16xf32>,
            %get3A_781 = arith.constant 29 : i32
            %get3A_782 = arith.index_cast %get3A_781 : i32 to index
            %get3A_783 = arith.index_cast %mul3A_319 : i32 to index
            %get3A_784 = tpu.vector_load %arg11[%get3A_782, %get3A_783] {strides = array<i32>} : memref<32x128xf32, #tpu.memory_space<vmem>>, vector<16xf32>,
            %max3A_785 = arith.constant 0.000000e+00 : f32
            %max3A_786 = vector.broadcast %max3A_785 : f32 to vector<16xf32>
            %max3A_787 = arith.maximumf %get3A_784, %max3A_786 : vector<16xf32>
            %mul3A_788 = arith.mulf %max3A_787, %max3A_787 : vector<16xf32>
            %add3A_789 = arith.constant 1.1920929E-7 : f32
            %add3A_790 = vector.broadcast %add3A_789 : f32 to vector<16xf32>
            %add3A_791 = arith.addf %get3A_784, %add3A_790 : vector<16xf32>
            %div3A_792 = arith.divf %mul3A_788, %add3A_791 : vector<16xf32>
            %swap3A_793 = arith.constant 29 : i32
            %swap3A_794 = arith.index_cast %swap3A_793 : i32 to index
            %swap3A_795 = arith.index_cast %mul3A_319 : i32 to index
            %swap3A_796 = tpu.vector_load %arg12[%swap3A_794, %swap3A_795] {strides = array<i32>} : memref<32x128xf32, #tpu.memory_space<vmem>>, vector<16xf32>,
            tpu.vector_store %arg12[%swap3A_794, %swap3A_795], %div3A_792 {strides = array<i32>} : memref<32x128xf32, #tpu.memory_space<vmem>>, vector<16xf32>,
            %get3A_797 = arith.constant 30 : i32
            %get3A_798 = arith.index_cast %get3A_797 : i32 to index
            %get3A_799 = arith.index_cast %mul3A_319 : i32 to index
            %get3A_800 = tpu.vector_load %arg11[%get3A_798, %get3A_799] {strides = array<i32>} : memref<32x128xf32, #tpu.memory_space<vmem>>, vector<16xf32>,
            %max3A_801 = arith.constant 0.000000e+00 : f32
            %max3A_802 = vector.broadcast %max3A_801 : f32 to vector<16xf32>
            %max3A_803 = arith.maximumf %get3A_800, %max3A_802 : vector<16xf32>
            %mul3A_804 = arith.mulf %max3A_803, %max3A_803 : vector<16xf32>
            %add3A_805 = arith.constant 1.1920929E-7 : f32
            %add3A_806 = vector.broadcast %add3A_805 : f32 to vector<16xf32>
            %add3A_807 = arith.addf %get3A_800, %add3A_806 : vector<16xf32>
            %div3A_808 = arith.divf %mul3A_804, %add3A_807 : vector<16xf32>
            %swap3A_809 = arith.constant 30 : i32
            %swap3A_810 = arith.index_cast %swap3A_809 : i32 to index
            %swap3A_811 = arith.index_cast %mul3A_319 : i32 to index
            %swap3A_812 = tpu.vector_load %arg12[%swap3A_810, %swap3A_811] {strides = array<i32>} : memref<32x128xf32, #tpu.memory_space<vmem>>, vector<16xf32>,
            tpu.vector_store %arg12[%swap3A_810, %swap3A_811], %div3A_808 {strides = array<i32>} : memref<32x128xf32, #tpu.memory_space<vmem>>, vector<16xf32>,
            %get3A_813 = arith.constant 31 : i32
            %get3A_814 = arith.index_cast %get3A_813 : i32 to index
            %get3A_815 = arith.index_cast %mul3A_319 : i32 to index
            %get3A_816 = tpu.vector_load %arg11[%get3A_814, %get3A_815] {strides = array<i32>} : memref<32x128xf32, #tpu.memory_space<vmem>>, vector<16xf32>,
            %max3A_817 = arith.constant 0.000000e+00 : f32
            %max3A_818 = vector.broadcast %max3A_817 : f32 to vector<16xf32>
            %max3A_819 = arith.maximumf %get3A_816, %max3A_818 : vector<16xf32>
            %mul3A_820 = arith.mulf %max3A_819, %max3A_819 : vector<16xf32>
            %add3A_821 = arith.constant 1.1920929E-7 : f32
            %add3A_822 = vector.broadcast %add3A_821 : f32 to vector<16xf32>
            %add3A_823 = arith.addf %get3A_816, %add3A_822 : vector<16xf32>
            %div3A_824 = arith.divf %mul3A_820, %add3A_823 : vector<16xf32>
            %swap3A_825 = arith.constant 31 : i32
            %swap3A_826 = arith.index_cast %swap3A_825 : i32 to index
            %swap3A_827 = arith.index_cast %mul3A_319 : i32 to index
            %swap3A_828 = tpu.vector_load %arg12[%swap3A_826, %swap3A_827] {strides = array<i32>} : memref<32x128xf32, #tpu.memory_space<vmem>>, vector<16xf32>,
            tpu.vector_store %arg12[%swap3A_826, %swap3A_827], %div3A_824 {strides = array<i32>} : memref<32x128xf32, #tpu.memory_space<vmem>>, vector<16xf32>,
          } else {
            %broadcast_in_dim3A_318 = arith.constant 0.000000e+00 : f32
            %broadcast_in_dim3A_319 = vector.broadcast %broadcast_in_dim3A_318 : f32 to vector<16xf32>
            %broadcast_in_dim3A_320 = arith.constant 0 : i32
            %broadcast_in_dim3A_321 = vector.broadcast %broadcast_in_dim3A_320 : i32 to vector<16xi32>
            %get3A_322 = arith.constant 0 : i32
            %get3A_323 = arith.index_cast %get3A_322 : i32 to index
            %get3A_324 = arith.index_cast %mul3A_291 : i32 to index
            %get3A_325 = tpu.vector_load %arg15[%get3A_323, %get3A_324] {strides = array<i32>} : memref<33x128xf32, #tpu.memory_space<vmem>>, vector<16xf32>,
            %min3A = arith.constant 64 : i32
            %min3A_326 = vector.broadcast %min3A : i32 to vector<16xi32>
            %min3A_327 = arith.minsi %broadcast_in_dim3A_321, %min3A_326 : vector<16xi32>
            %gather3A = tpu.vector_load_idx %arg16[%min3A_327, %add3A_293] : memref<65x128xf32, #tpu.memory_space<vmem>>[vector<16xi32>, vector<16xi32>], vector<16xf32>,
            %min3A_328 = arith.constant 64 : i32
            %min3A_329 = vector.broadcast %min3A_328 : i32 to vector<16xi32>
            %min3A_330 = arith.minsi %broadcast_in_dim3A_321, %min3A_329 : vector<16xi32>
            %gather3A_331 = tpu.vector_load_idx %arg16[%min3A_330, %add3A_293] : memref<65x128xf32, #tpu.memory_space<vmem>>[vector<16xi32>, vector<16xi32>], vector<16xf32>,
            %lt3A_332 = arith.cmpf olt, %gather3A, %get3A_325 : vector<16xf32>
            %lt3A_333 = arith.constant 65 : i32
            %lt3A_334 = vector.broadcast %lt3A_333 : i32 to vector<16xi32>
            %lt3A_335 = arith.cmpi slt, %broadcast_in_dim3A_321, %lt3A_334 : vector<16xi32>
            %and3A_336 = arith.andi %lt3A_332, %lt3A_335 : vector<16xi1>
            %le3A = arith.cmpf ole, %gather3A_331, %get3A_325 : vector<16xf32>
            %lt3A_337 = arith.constant 65 : i32
            %lt3A_338 = vector.broadcast %lt3A_337 : i32 to vector<16xi32>
            %lt3A_339 = arith.cmpi slt, %broadcast_in_dim3A_321, %lt3A_338 : vector<16xi32>
            %and3A_340 = arith.andi %le3A, %lt3A_339 : vector<16xi1>
            %while3A:6 = scf.while (%while3A_347 = %broadcast_in_dim3A_321, %while3A_348 = %broadcast_in_dim3A_321, %while3A_349 = %broadcast_in_dim3A_319, %while3A_350 = %broadcast_in_dim3A_319, %while3A_351 = %and3A_336, %while3A_352 = %and3A_340) : (vector<16xi32>, vector<16xi32>, vector<16xf32>, vector<16xf32>, vector<16xi1>, vector<16xi1>) -> (vector<16xi32>, vector<16xi32>, vector<16xf32>, vector<16xf32>, vector<16xi1>, vector<16xi1>) {
              %or3A = arith.ori %while3A_351, %while3A_352 : vector<16xi1>
              %reduce_or3A = arith.constant 1.000000e+00 : f32
              %reduce_or3A_353 = arith.constant 0.000000e+00 : f32
              %reduce_or3A_354 = vector.broadcast %reduce_or3A : f32 to vector<16xf32>
              %reduce_or3A_355 = vector.broadcast %reduce_or3A_353 : f32 to vector<16xf32>
              %reduce_or3A_356 = arith.select %or3A, %reduce_or3A_354, %reduce_or3A_355 : vector<16xi1>, vector<16xf32>
              %reduce_or3A_357 = arith.constant true
              %reduce_or3A_358 = vector.broadcast %reduce_or3A_357 : i1 to vector<16xi1>
              %reduce_or3A_359 = tpu.scan <max>, %reduce_or3A_356 masked %reduce_or3A_358 : vector<16xf32>, vector<16xi1> -> vector<16xf32>
              %reduce_or3A_360 = vector.extract %reduce_or3A_359[15] : f32 from vector<16xf32>
              %reduce_or3A_361 = arith.constant 0.000000e+00 : f32
              %reduce_or3A_362 = arith.cmpf ogt, %reduce_or3A_360, %reduce_or3A_361 : f32
              scf.condition(%reduce_or3A_362) %while3A_347, %while3A_348, %while3A_349, %while3A_350, %while3A_351, %while3A_352 : vector<16xi32>, vector<16xi32>, vector<16xf32>, vector<16xf32>, vector<16xi1>, vector<16xi1>
            } do {
            ^bb0(%while3A_347: vector<16xi32>, %while3A_348: vector<16xi32>, %while3A_349: vector<16xf32>, %while3A_350: vector<16xf32>, %while3A_351: vector<16xi1>, %while3A_352: vector<16xi1>):
              %min3A_353 = arith.constant 63 : i32
              %min3A_354 = vector.broadcast %min3A_353 : i32 to vector<16xi32>
              %min3A_355 = arith.minsi %while3A_347, %min3A_354 : vector<16xi32>
              %gather3A_356 = tpu.vector_load_idx %arg17[%min3A_355, %add3A_293] : memref<64x128xf32, #tpu.memory_space<vmem>>[vector<16xi32>, vector<16xi32>], vector<16xf32>,
              %min3A_357 = arith.constant 63 : i32
              %min3A_358 = vector.broadcast %min3A_357 : i32 to vector<16xi32>
              %min3A_359 = arith.minsi %while3A_348, %min3A_358 : vector<16xi32>
              %gather3A_360 = tpu.vector_load_idx %arg17[%min3A_359, %add3A_293] : memref<64x128xf32, #tpu.memory_space<vmem>>[vector<16xi32>, vector<16xi32>], vector<16xf32>,
              %lt3A_361 = arith.constant 64 : i32
              %lt3A_362 = vector.broadcast %lt3A_361 : i32 to vector<16xi32>
              %lt3A_363 = arith.cmpi slt, %while3A_347, %lt3A_362 : vector<16xi32>
              %and3A_364 = arith.andi %while3A_351, %lt3A_363 : vector<16xi1>
              %jit3A = arith.constant 0.000000e+00 : f32
              %broadcast_in_dim3A_365 = vector.broadcast %jit3A : f32 to vector<16xf32>
              %select_n3A = arith.select %and3A_364, %gather3A_356, %broadcast_in_dim3A_365 : vector<16xi1>, vector<16xf32>
              %add3A_366 = arith.addf %while3A_349, %select_n3A : vector<16xf32>
              %lt3A_367 = arith.constant 64 : i32
              %lt3A_368 = vector.broadcast %lt3A_367 : i32 to vector<16xi32>
              %lt3A_369 = arith.cmpi slt, %while3A_348, %lt3A_368 : vector<16xi32>
              %and3A_370 = arith.andi %while3A_352, %lt3A_369 : vector<16xi1>
              %jit3A_371 = arith.constant 0.000000e+00 : f32
              %broadcast_in_dim3A_372 = vector.broadcast %jit3A_371 : f32 to vector<16xf32>
              %select_n3A_373 = arith.select %and3A_370, %gather3A_360, %broadcast_in_dim3A_372 : vector<16xi1>, vector<16xf32>
              %add3A_374 = arith.addf %while3A_350, %select_n3A_373 : vector<16xf32>
              %convert_element_type3A_375 = arith.extui %while3A_351 : vector<16xi1> to vector<16xi32>
              %add3A_376 = arith.addi %while3A_347, %convert_element_type3A_375 : vector<16xi32>
              %convert_element_type3A_377 = arith.extui %while3A_352 : vector<16xi1> to vector<16xi32>
              %add3A_378 = arith.addi %while3A_348, %convert_element_type3A_377 : vector<16xi32>
              %min3A_379 = arith.constant 64 : i32
              %min3A_380 = vector.broadcast %min3A_379 : i32 to vector<16xi32>
              %min3A_381 = arith.minsi %add3A_376, %min3A_380 : vector<16xi32>
              %gather3A_382 = tpu.vector_load_idx %arg16[%min3A_381, %add3A_293] : memref<65x128xf32, #tpu.memory_space<vmem>>[vector<16xi32>, vector<16xi32>], vector<16xf32>,
              %min3A_383 = arith.constant 64 : i32
              %min3A_384 = vector.broadcast %min3A_383 : i32 to vector<16xi32>
              %min3A_385 = arith.minsi %add3A_378, %min3A_384 : vector<16xi32>
              %gather3A_386 = tpu.vector_load_idx %arg16[%min3A_385, %add3A_293] : memref<65x128xf32, #tpu.memory_space<vmem>>[vector<16xi32>, vector<16xi32>], vector<16xf32>,
              %lt3A_387 = arith.cmpf olt, %gather3A_382, %get3A_325 : vector<16xf32>
              %lt3A_388 = arith.constant 65 : i32
              %lt3A_389 = vector.broadcast %lt3A_388 : i32 to vector<16xi32>
              %lt3A_390 = arith.cmpi slt, %add3A_376, %lt3A_389 : vector<16xi32>
              %and3A_391 = arith.andi %lt3A_387, %lt3A_390 : vector<16xi1>
              %le3A_392 = arith.cmpf ole, %gather3A_386, %get3A_325 : vector<16xf32>
              %lt3A_393 = arith.constant 65 : i32
              %lt3A_394 = vector.broadcast %lt3A_393 : i32 to vector<16xi32>
              %lt3A_395 = arith.cmpi slt, %add3A_378, %lt3A_394 : vector<16xi32>
              %and3A_396 = arith.andi %le3A_392, %lt3A_395 : vector<16xi1>
              scf.yield %add3A_376, %add3A_378, %add3A_366, %add3A_374, %and3A_391, %and3A_396 : vector<16xi32>, vector<16xi32>, vector<16xf32>, vector<16xf32>, vector<16xi1>, vector<16xi1>
            }
            %scan3A_341 = arith.constant 1 : i32
            %scan3A_342 = arith.constant 32 : i32
            %scan3A_343 = arith.addi %scan3A_341, %scan3A_342 : i32
            %scan3A_344 = arith.constant 1 : i32
            %scan3A_345:5 = scf.for %scan3A_347 = %scan3A_341 to %scan3A_343 step %scan3A_344 iter_args(%scan3A_348 = %while3A#0, %scan3A_349 = %while3A#1, %scan3A_350 = %while3A#2, %scan3A_351 = %while3A#3, %scan3A_352 = %while3A#2) -> (vector<16xi32>, vector<16xi32>, vector<16xf32>, vector<16xf32>, vector<16xf32>)  : i32 {
              %get3A_353 = arith.index_cast %scan3A_347 : i32 to index
              %get3A_354 = arith.index_cast %mul3A_291 : i32 to index
              %get3A_355 = tpu.vector_load %arg15[%get3A_353, %get3A_354] {strides = array<i32>} : memref<33x128xf32, #tpu.memory_space<vmem>>, vector<16xf32>,
              %min3A_356 = arith.constant 64 : i32
              %min3A_357 = vector.broadcast %min3A_356 : i32 to vector<16xi32>
              %min3A_358 = arith.minsi %scan3A_348, %min3A_357 : vector<16xi32>
              %gather3A_359 = tpu.vector_load_idx %arg16[%min3A_358, %add3A_293] : memref<65x128xf32, #tpu.memory_space<vmem>>[vector<16xi32>, vector<16xi32>], vector<16xf32>,
              %min3A_360 = arith.constant 64 : i32
              %min3A_361 = vector.broadcast %min3A_360 : i32 to vector<16xi32>
              %min3A_362 = arith.minsi %scan3A_349, %min3A_361 : vector<16xi32>
              %gather3A_363 = tpu.vector_load_idx %arg16[%min3A_362, %add3A_293] : memref<65x128xf32, #tpu.memory_space<vmem>>[vector<16xi32>, vector<16xi32>], vector<16xf32>,
              %lt3A_364 = arith.cmpf olt, %gather3A_359, %get3A_355 : vector<16xf32>
              %lt3A_365 = arith.constant 65 : i32
              %lt3A_366 = vector.broadcast %lt3A_365 : i32 to vector<16xi32>
              %lt3A_367 = arith.cmpi slt, %scan3A_348, %lt3A_366 : vector<16xi32>
              %and3A_368 = arith.andi %lt3A_364, %lt3A_367 : vector<16xi1>
              %le3A_369 = arith.cmpf ole, %gather3A_363, %get3A_355 : vector<16xf32>
              %lt3A_370 = arith.constant 65 : i32
              %lt3A_371 = vector.broadcast %lt3A_370 : i32 to vector<16xi32>
              %lt3A_372 = arith.cmpi slt, %scan3A_349, %lt3A_371 : vector<16xi32>
              %and3A_373 = arith.andi %le3A_369, %lt3A_372 : vector<16xi1>
              %while3A_374:6 = scf.while (%while3A_389 = %scan3A_348, %while3A_390 = %scan3A_349, %while3A_391 = %scan3A_350, %while3A_392 = %scan3A_351, %while3A_393 = %and3A_368, %while3A_394 = %and3A_373) : (vector<16xi32>, vector<16xi32>, vector<16xf32>, vector<16xf32>, vector<16xi1>, vector<16xi1>) -> (vector<16xi32>, vector<16xi32>, vector<16xf32>, vector<16xf32>, vector<16xi1>, vector<16xi1>) {
                %or3A = arith.ori %while3A_393, %while3A_394 : vector<16xi1>
                %reduce_or3A = arith.constant 1.000000e+00 : f32
                %reduce_or3A_395 = arith.constant 0.000000e+00 : f32
                %reduce_or3A_396 = vector.broadcast %reduce_or3A : f32 to vector<16xf32>
                %reduce_or3A_397 = vector.broadcast %reduce_or3A_395 : f32 to vector<16xf32>
                %reduce_or3A_398 = arith.select %or3A, %reduce_or3A_396, %reduce_or3A_397 : vector<16xi1>, vector<16xf32>
                %reduce_or3A_399 = arith.constant true
                %reduce_or3A_400 = vector.broadcast %reduce_or3A_399 : i1 to vector<16xi1>
                %reduce_or3A_401 = tpu.scan <max>, %reduce_or3A_398 masked %reduce_or3A_400 : vector<16xf32>, vector<16xi1> -> vector<16xf32>
                %reduce_or3A_402 = vector.extract %reduce_or3A_401[15] : f32 from vector<16xf32>
                %reduce_or3A_403 = arith.constant 0.000000e+00 : f32
                %reduce_or3A_404 = arith.cmpf ogt, %reduce_or3A_402, %reduce_or3A_403 : f32
                scf.condition(%reduce_or3A_404) %while3A_389, %while3A_390, %while3A_391, %while3A_392, %while3A_393, %while3A_394 : vector<16xi32>, vector<16xi32>, vector<16xf32>, vector<16xf32>, vector<16xi1>, vector<16xi1>
              } do {
              ^bb0(%while3A_389: vector<16xi32>, %while3A_390: vector<16xi32>, %while3A_391: vector<16xf32>, %while3A_392: vector<16xf32>, %while3A_393: vector<16xi1>, %while3A_394: vector<16xi1>):
                %min3A_395 = arith.constant 63 : i32
                %min3A_396 = vector.broadcast %min3A_395 : i32 to vector<16xi32>
                %min3A_397 = arith.minsi %while3A_389, %min3A_396 : vector<16xi32>
                %gather3A_398 = tpu.vector_load_idx %arg17[%min3A_397, %add3A_293] : memref<64x128xf32, #tpu.memory_space<vmem>>[vector<16xi32>, vector<16xi32>], vector<16xf32>,
                %min3A_399 = arith.constant 63 : i32
                %min3A_400 = vector.broadcast %min3A_399 : i32 to vector<16xi32>
                %min3A_401 = arith.minsi %while3A_390, %min3A_400 : vector<16xi32>
                %gather3A_402 = tpu.vector_load_idx %arg17[%min3A_401, %add3A_293] : memref<64x128xf32, #tpu.memory_space<vmem>>[vector<16xi32>, vector<16xi32>], vector<16xf32>,
                %lt3A_403 = arith.constant 64 : i32
                %lt3A_404 = vector.broadcast %lt3A_403 : i32 to vector<16xi32>
                %lt3A_405 = arith.cmpi slt, %while3A_389, %lt3A_404 : vector<16xi32>
                %and3A_406 = arith.andi %while3A_393, %lt3A_405 : vector<16xi1>
                %jit3A = arith.constant 0.000000e+00 : f32
                %broadcast_in_dim3A_407 = vector.broadcast %jit3A : f32 to vector<16xf32>
                %select_n3A = arith.select %and3A_406, %gather3A_398, %broadcast_in_dim3A_407 : vector<16xi1>, vector<16xf32>
                %add3A_408 = arith.addf %while3A_391, %select_n3A : vector<16xf32>
                %lt3A_409 = arith.constant 64 : i32
                %lt3A_410 = vector.broadcast %lt3A_409 : i32 to vector<16xi32>
                %lt3A_411 = arith.cmpi slt, %while3A_390, %lt3A_410 : vector<16xi32>
                %and3A_412 = arith.andi %while3A_394, %lt3A_411 : vector<16xi1>
                %jit3A_413 = arith.constant 0.000000e+00 : f32
                %broadcast_in_dim3A_414 = vector.broadcast %jit3A_413 : f32 to vector<16xf32>
                %select_n3A_415 = arith.select %and3A_412, %gather3A_402, %broadcast_in_dim3A_414 : vector<16xi1>, vector<16xf32>
                %add3A_416 = arith.addf %while3A_392, %select_n3A_415 : vector<16xf32>
                %convert_element_type3A_417 = arith.extui %while3A_393 : vector<16xi1> to vector<16xi32>
                %add3A_418 = arith.addi %while3A_389, %convert_element_type3A_417 : vector<16xi32>
                %convert_element_type3A_419 = arith.extui %while3A_394 : vector<16xi1> to vector<16xi32>
                %add3A_420 = arith.addi %while3A_390, %convert_element_type3A_419 : vector<16xi32>
                %min3A_421 = arith.constant 64 : i32
                %min3A_422 = vector.broadcast %min3A_421 : i32 to vector<16xi32>
                %min3A_423 = arith.minsi %add3A_418, %min3A_422 : vector<16xi32>
                %gather3A_424 = tpu.vector_load_idx %arg16[%min3A_423, %add3A_293] : memref<65x128xf32, #tpu.memory_space<vmem>>[vector<16xi32>, vector<16xi32>], vector<16xf32>,
                %min3A_425 = arith.constant 64 : i32
                %min3A_426 = vector.broadcast %min3A_425 : i32 to vector<16xi32>
                %min3A_427 = arith.minsi %add3A_420, %min3A_426 : vector<16xi32>
                %gather3A_428 = tpu.vector_load_idx %arg16[%min3A_427, %add3A_293] : memref<65x128xf32, #tpu.memory_space<vmem>>[vector<16xi32>, vector<16xi32>], vector<16xf32>,
                %lt3A_429 = arith.cmpf olt, %gather3A_424, %get3A_355 : vector<16xf32>
                %lt3A_430 = arith.constant 65 : i32
                %lt3A_431 = vector.broadcast %lt3A_430 : i32 to vector<16xi32>
                %lt3A_432 = arith.cmpi slt, %add3A_418, %lt3A_431 : vector<16xi32>
                %and3A_433 = arith.andi %lt3A_429, %lt3A_432 : vector<16xi1>
                %le3A_434 = arith.cmpf ole, %gather3A_428, %get3A_355 : vector<16xf32>
                %lt3A_435 = arith.constant 65 : i32
                %lt3A_436 = vector.broadcast %lt3A_435 : i32 to vector<16xi32>
                %lt3A_437 = arith.cmpi slt, %add3A_420, %lt3A_436 : vector<16xi32>
                %and3A_438 = arith.andi %le3A_434, %lt3A_437 : vector<16xi1>
                scf.yield %add3A_418, %add3A_420, %add3A_408, %add3A_416, %and3A_433, %and3A_438 : vector<16xi32>, vector<16xi32>, vector<16xf32>, vector<16xf32>, vector<16xi1>, vector<16xi1>
              }
              %sub3A = arith.constant 1 : i32
              %sub3A_375 = arith.subi %scan3A_347, %sub3A : i32
              %get3A_376 = arith.index_cast %sub3A_375 : i32 to index
              %get3A_377 = arith.index_cast %mul3A_291 : i32 to index
              %get3A_378 = tpu.vector_load %arg11[%get3A_376, %get3A_377] {strides = array<i32>} : memref<32x128xf32, #tpu.memory_space<vmem>>, vector<16xf32>,
              %sub3A_379 = arith.subf %while3A_374#3, %scan3A_352 : vector<16xf32>
              %sub3A_380 = arith.subf %get3A_378, %sub3A_379 : vector<16xf32>
              %max3A = arith.constant 0.000000e+00 : f32
              %max3A_381 = vector.broadcast %max3A : f32 to vector<16xf32>
              %max3A_382 = arith.maximumf %sub3A_380, %max3A_381 : vector<16xf32>
              %mul3A_383 = arith.mulf %max3A_382, %max3A_382 : vector<16xf32>
              %add3A_384 = arith.constant 1.1920929E-7 : f32
              %add3A_385 = vector.broadcast %add3A_384 : f32 to vector<16xf32>
              %add3A_386 = arith.addf %get3A_378, %add3A_385 : vector<16xf32>
              %div3A = arith.divf %mul3A_383, %add3A_386 : vector<16xf32>
              %swap3A = arith.index_cast %sub3A_375 : i32 to index
              %swap3A_387 = arith.index_cast %mul3A_291 : i32 to index
              %swap3A_388 = tpu.vector_load %arg12[%swap3A, %swap3A_387] {strides = array<i32>} : memref<32x128xf32, #tpu.memory_space<vmem>>, vector<16xf32>,
              tpu.vector_store %arg12[%swap3A, %swap3A_387], %div3A {strides = array<i32>} : memref<32x128xf32, #tpu.memory_space<vmem>>, vector<16xf32>,
              scf.yield %while3A_374#0, %while3A_374#1, %while3A_374#2, %while3A_374#3, %while3A_374#2 : vector<16xi32>, vector<16xi32>, vector<16xf32>, vector<16xf32>, vector<16xf32>
            }
            %scan3A_346 = arith.constant 32 : i32
          }
          %scan3A_317 = arith.constant 0 : i32
          scf.yield %scan3A_317 : i32
        }
        %scan3A_287 = arith.constant 8 : i32
      }
      %mul3A_267 = arith.constant 128 : i32
      %mul3A_268 = arith.muli %add3A_155, %mul3A_267 : i32
      %add3A_269 = arith.addi %mul3A_2, %mul3A_268 : i32
      "tpu.region"() ({
        %run_scoped3A = tpu.sem_alloc : memref<!tpu.dma_semaphore, #tpu.memory_space<semaphore_mem>>
        %dma_start3A_278 = arith.constant 0 : i32
        %dma_start3A_279 = tpu.memref_slice %arg6[%dma_start3A_278, %add3A_269] : memref<32x262144xf32, #tpu.memory_space<hbm>> -> memref<32x128xf32, #tpu.memory_space<hbm>>
        %dma_start3A_280 = arith.constant 0 : i32
        %dma_start3A_281 = tpu.memref_slice %arg6[%dma_start3A_280, %add3A_269] : memref<32x262144xf32, #tpu.memory_space<hbm>> -> memref<32x128xf32, #tpu.memory_space<hbm>>
        tpu.enqueue_dma source(%arg12 : memref<32x128xf32, #tpu.memory_space<vmem>>) target(%dma_start3A_281 : memref<32x128xf32, #tpu.memory_space<hbm>>) target_semaphore(%run_scoped3A : memref<!tpu.dma_semaphore, #tpu.memory_space<semaphore_mem>>)
        %dma_wait3A_282 = arith.constant 0 : i32
        %dma_wait3A_283 = tpu.memref_slice %arg6[%dma_wait3A_282, %add3A_269] : memref<32x262144xf32, #tpu.memory_space<hbm>> -> memref<32x128xf32, #tpu.memory_space<hbm>>
        %dma_wait3A_284 = arith.constant 0 : i32
        %dma_wait3A_285 = tpu.memref_slice %arg6[%dma_wait3A_284, %add3A_269] : memref<32x262144xf32, #tpu.memory_space<hbm>> -> memref<32x128xf32, #tpu.memory_space<hbm>>
        tpu.wait_dma2 semaphore(%run_scoped3A : memref<!tpu.dma_semaphore, #tpu.memory_space<semaphore_mem>>) src(%arg12 : memref<32x128xf32, #tpu.memory_space<vmem>>) dst(%dma_wait3A_285 : memref<32x128xf32, #tpu.memory_space<hbm>>)
        tpu.yield
      }) : () -> ()
      %add3A_270 = arith.constant 2 : i32
      %add3A_271 = arith.addi %add3A_155, %add3A_270 : i32
      %lt3A_272 = arith.constant 64 : i32
      %lt3A_273 = arith.cmpi slt, %add3A_271, %lt3A_272 : i32
      %convert_element_type3A_274 = arith.extui %lt3A_273 : i1 to i32
      %cond3A_275 = arith.constant 0 : i32
      %cond3A_276 = arith.cmpi ne, %convert_element_type3A_274, %cond3A_275 : i32
      scf.if %cond3A_276 {
        %add3A_278 = arith.constant 2 : i32
        %add3A_279 = arith.addi %add3A_155, %add3A_278 : i32
        %mul3A_280 = arith.constant 128 : i32
        %mul3A_281 = arith.muli %add3A_279, %mul3A_280 : i32
        %add3A_282 = arith.addi %mul3A_2, %mul3A_281 : i32
        %dma_start3A_283 = arith.constant 0 : i32
        %dma_start3A_284 = tpu.memref_slice %arg3[%dma_start3A_283, %add3A_282] : memref<32x262144xf32, #tpu.memory_space<hbm>> -> memref<32x128xf32, #tpu.memory_space<hbm>>
        %dma_start3A_285 = arith.constant 0 : i32
        %dma_start3A_286 = tpu.memref_slice %arg3[%dma_start3A_285, %add3A_282] : memref<32x262144xf32, #tpu.memory_space<hbm>> -> memref<32x128xf32, #tpu.memory_space<hbm>>
        tpu.enqueue_dma source(%dma_start3A_286 : memref<32x128xf32, #tpu.memory_space<hbm>>) target(%arg11 : memref<32x128xf32, #tpu.memory_space<vmem>>) target_semaphore(%arg19 : memref<!tpu.dma_semaphore, #tpu.memory_space<semaphore_mem>>)
        %dma_start3A_287 = arith.constant 0 : i32
        %dma_start3A_288 = tpu.memref_slice %arg4[%dma_start3A_287, %add3A_282] : memref<65x262144xf32, #tpu.memory_space<hbm>> -> memref<1x128xf32, #tpu.memory_space<hbm>>
        %dma_start3A_289 = arith.constant 0 : i32
        %dma_start3A_290 = tpu.memref_slice %arg4[%dma_start3A_289, %add3A_282] : memref<65x262144xf32, #tpu.memory_space<hbm>> -> memref<1x128xf32, #tpu.memory_space<hbm>>
        tpu.enqueue_dma source(%dma_start3A_290 : memref<1x128xf32, #tpu.memory_space<hbm>>) target(%arg13 : memref<1x128xf32, #tpu.memory_space<vmem>>) target_semaphore(%arg19 : memref<!tpu.dma_semaphore, #tpu.memory_space<semaphore_mem>>)
        %dma_start3A_291 = arith.constant 32 : i32
        %dma_start3A_292 = tpu.memref_slice %arg2[%dma_start3A_291, %add3A_282] : memref<33x262144xf32, #tpu.memory_space<hbm>> -> memref<1x128xf32, #tpu.memory_space<hbm>>
        %dma_start3A_293 = arith.constant 32 : i32
        %dma_start3A_294 = tpu.memref_slice %arg2[%dma_start3A_293, %add3A_282] : memref<33x262144xf32, #tpu.memory_space<hbm>> -> memref<1x128xf32, #tpu.memory_space<hbm>>
        tpu.enqueue_dma source(%dma_start3A_294 : memref<1x128xf32, #tpu.memory_space<hbm>>) target(%arg14 : memref<1x128xf32, #tpu.memory_space<vmem>>) target_semaphore(%arg19 : memref<!tpu.dma_semaphore, #tpu.memory_space<semaphore_mem>>)
      } else {
      }
      %scan3A_277 = arith.constant 0 : i32
      scf.yield %scan3A_277 : i32
    }
    %scan3A_35 = arith.constant 32 : i32
    return
  }
}

</mosaic_0001>

<sc_bundles>
// kernel: kernel.3.cloned.1.call-start
scs
__scs_entry_jumppad:
0x0: {  	(pc) =	sbr.rel $0x88, $3  }
0x1: {  	(tag) =	ssettag $0x0;
	lr =	simm.s32 $0x1  }
0x2: {  	[smem:$0x3F9D] =	sst lr;
	_ =	strace $0xD0000000  }
0x3: {  	_ = 	snop  }
0x4: {  	_ = 	snop  }
0x5: {  	_ = 	snop  }
0x6: {  	_ = 	snop  }
0x7: {  	_ = 	snop  }
__scs_overlays_trampoline_lowered:
0x8: {  	[smem:$0x3FAC] =	sst s0  }
0x9: {  	[smem:$0x3FAD] =	sst s1  }
0xa: {  	[smem:$0x3FAE] =	sst s2  }
0xb: {  	[smem:$0x3FAF] =	sst s3  }
0xc: {  	[smem:$0x3FB0] =	sst s4  }
0xd: {  	[smem:$0x3FB1] =	sst s5  }
0xe: {  	[smem:$0x3FB2] =	sst s6  }
0xf: {  	[smem:$0x3FB3] =	sst s7  }
0x10: {  	[smem:$0x3FB4] =	sst s8  }
0x11: {  	[smem:$0x3FB5] =	sst s9;
	s0 =	simm.s32 @!p0 $0x0  }
0x12: {  	s1 =	sld [smem:$0x3F9B];
	s0 =	simm.s32 @p0 $0x1  }
0x13: {  	[smem:$0x3FB6] =	sst s0;
	s0 =	simm.s32 @!p1 $0x0  }
0x14: {  	s2 =	sld [smem:$0x3F9A];
	s0 =	simm.s32 @p1 $0x1  }
0x15: {  	[smem:$0x3FB7] =	sst s0;
	s0 =	simm.s32 @!p2 $0x0  }
0x16: {  	s3 =	sld [smem:$0x3FDB];
	s0 =	simm.s32 @p2 $0x1  }
0x17: {  	s4 =	simm.s32 $0x1BF5;
	[smem:$0x3FB9] =	sst s0  }
0x18: {  	s0 =	sld [smem:$0x3F9C];
	_ =	swait.ge [sflag:s4], $0x0  }
0x19: {  	s7 =	sld [smem:$0x3F9D]  }
0x1a: {  	s8 =	sadd.s32 $0xFFFFE003, lr  }
0x1b: {  	s9 =	sadd.s32 $0xFFFFFEF7, lr;
	s5 =	simm.s32 $0xFFFFFFFF;
	p2 =	slt.u32 s8, $0xFFFFF086  }
0x1c: {  	p1 =	slt.u32 s9, $0xF7A;
	s5 =	simm.s32 @!p2 $0x0  }
0x1d: {  	s5 =	simm.s32 @p1 $0x1;
	p0 =	seq.s32 s7, s2  }
0x1e: {  	s7 =	smul.u32 @!p0 $0xF7A, s2;
	p2 =	seq.s32 @!p0 s5, $0x0  }
0x1f: {  	s9 =	smul.u32 $0xF7A, s1;
	s8 =	simm.s32 @!p0 $0x1BF5;
	p2 =	por !p2, p0  }
0x20: {  	[sflag:s8] =	ssyncset.s32 @!p0 $0xFFFFF086;
	s6 =	sadd.s32 @!p0 s3, s7;
	s7 =	simm.s32 @!p0 $0x108  }
0x21: {  	s3 =	sadd.s32 s3, s9;
	s6 =	sadd.s32 @!p0 $0x88, s6;
	s7 =	simm.s32 @p2 $0x1082  }
0x22: {  	[simem:s7], [sflag:s8] =	dma.local @!p0 [hbm:s6], $0xF7A  }
0x23: {  	s9 =	sor.u32 $0xD0000000, s2;
	s6 =	simm.s32 $0x108;
	_ =	swait.ge @!p0 [sflag:s8], $0x0  }
0x24: {  	s3 =	sadd.s32 $0x88, s3;
	s6 =	simm.s32 @!p1 $0x1082;
	[sflag:s4] =	ssyncset.s32 $0xFFFFF086  }
0x25: {  	[simem:s6], [sflag:s4] =	dma.local [hbm:s3], $0xF7A  }
0x26: {  	[smem:$0x3F9D] =	sst s1;
	(tag) =	ssettag s2;
	_ =	strace s9  }
0x27: {  	s1 =	sld [smem:$0x3FAD]  }
0x28: {  	s2 =	sld [smem:$0x3FAE]  }
0x29: {  	s4 =	sld [smem:$0x3FB0]  }
0x2a: {  	p0 =	seq.s32 s5, $0x0;
	s5 =	sld [smem:$0x3FB1]  }
0x2b: {  	s6 =	sld [smem:$0x3FB2]  }
0x2c: {  	s7 =	sld [smem:$0x3FB3]  }
0x2d: {  	s3 =	simm.s32 $0x108;
	s8 =	sld [smem:$0x3FB4]  }
0x2e: {  	s3 =	simm.s32 @!p0 $0x1082;
	s9 =	sld [smem:$0x3FB5]  }
0x2f: {  	lr =	sadd.s32 s0, s3;
	s0 =	sld [smem:$0x3FAC]  }
0x30: {  	s3 =	sld [smem:$0x3FAF]  }
0x31: {  	[smem:$0x3FB8] =	sst s10  }
0x32: {  	s10 =	sld [smem:$0x3FB6];
	_ =	sdelay $0x3  }
0x33: {  	p0 =	seq.s32 s10, $0x1;
	s10 =	sld [smem:$0x3FB8];
	_ =	sdelay $0x3  }
0x34: {  	[smem:$0x3FB8] =	sst s10  }
0x35: {  	s10 =	sld [smem:$0x3FB7];
	_ =	sdelay $0x3  }
0x36: {  	p1 =	seq.s32 s10, $0x1;
	s10 =	sld [smem:$0x3FB8];
	_ =	sdelay $0x3  }
0x37: {  	[smem:$0x3FB8] =	sst s10  }
0x38: {  	s10 =	sld [smem:$0x3FB9]  }
0x39: {  	_ = 	snop;
	(pc) =	sbr.ind lr, $3  }
0x3a: {  	_ = 	snop  }
0x3b: {  	_ = 	snop  }
0x3c: {  	p2 =	seq.s32 s10, $0x1;
	s10 =	sld [smem:$0x3FB8]  }
0x3d: {  	_ =	shalt  }
0x3e: {  	_ =	shalt  }
0x3f: {  	_ =	shalt  }
0x40: {  	_ =	shalt  }
0x41: {  	_ =	shalt  }
0x42: {  	_ =	shalt  }
0x43: {  	_ =	shalt  }
0x44: {  	_ =	shalt  }
0x45: {  	_ =	shalt  }
0x46: {  	_ =	shalt  }
0x47: {  	_ =	shalt  }
0x48: {  	_ =	shalt  }
0x49: {  	_ =	shalt  }
0x4a: {  	_ =	shalt  }
0x4b: {  	_ =	shalt  }
0x4c: {  	_ =	shalt  }
0x4d: {  	_ =	shalt  }
0x4e: {  	_ =	shalt  }
0x4f: {  	_ =	shalt  }
0x50: {  	_ =	shalt  }
0x51: {  	_ =	shalt  }
0x52: {  	_ =	shalt  }
0x53: {  	_ =	shalt  }
0x54: {  	_ =	shalt  }
0x55: {  	_ =	shalt  }
0x56: {  	_ =	shalt  }
0x57: {  	_ =	shalt  }
0x58: {  	_ =	shalt  }
0x59: {  	_ =	shalt  }
0x5a: {  	_ =	shalt  }
0x5b: {  	_ =	shalt  }
0x5c: {  	_ =	shalt  }
0x5d: {  	_ =	shalt  }
0x5e: {  	_ =	shalt  }
0x5f: {  	_ =	shalt  }
0x60: {  	_ =	shalt  }
0x61: {  	_ =	shalt  }
0x62: {  	_ =	shalt  }
0x63: {  	_ =	shalt  }
0x64: {  	_ =	shalt  }
0x65: {  	_ =	shalt  }
0x66: {  	_ =	shalt  }
0x67: {  	_ =	shalt  }
0x68: {  	_ =	shalt  }
0x69: {  	_ =	shalt  }
0x6a: {  	_ =	shalt  }
0x6b: {  	_ =	shalt  }
0x6c: {  	_ =	shalt  }
0x6d: {  	_ =	shalt  }
0x6e: {  	_ =	shalt  }
0x6f: {  	_ =	shalt  }
0x70: {  	_ =	shalt  }
0x71: {  	_ =	shalt  }
0x72: {  	_ =	shalt  }
0x73: {  	_ =	shalt  }
0x74: {  	_ =	shalt  }
0x75: {  	_ =	shalt  }
0x76: {  	_ =	shalt  }
0x77: {  	_ =	shalt  }
0x78: {  	_ =	shalt  }
0x79: {  	_ =	shalt  }
0x7a: {  	_ =	shalt  }
0x7b: {  	_ =	shalt  }
0x7c: {  	_ =	shalt  }
0x7d: {  	_ =	shalt  }
0x7e: {  	_ =	shalt  }
0x7f: {  	_ =	shalt  }
0x80: {  	_ =	shalt  }
0x81: {  	_ =	shalt  }
0x82: {  	_ =	shalt  }
0x83: {  	_ =	shalt  }
0x84: {  	_ =	shalt  }
0x85: {  	_ =	shalt  }
0x86: {  	_ =	shalt  }
0x87: {  	_ =	shalt  }
.Lfunc_end0:
.L_simem_size_0:
called_computation_lowered:
.L_overlay_start_0:
0x88: {  	s2 =	sld [smem:$0x3FD9]  }
0x89: {  	s3 =	sld [smem:$0x3FFE];
	_ =	sdelay $0x1  }
0x8a: {  	s1 =	srdreg.scid  }
0x8b: {  	s0 =	sand.u32 $0x1, s1  }
0x8c: {  	s18 =	sshll.u32 s0, $0xA;
	s2 =	sadd.s32 s3, s2  }
0x8d: {  	s2 =	sadd.s32 s2, s18  }
0x8e: {  	[smem:$0x3FC4] =	sst s2  }
0x8f: {  	_ = 	snop  }
0x90: {  	s2 =	sld [smem:$0x3FC9]  }
0x91: {  	s19 =	sld [smem:$0x3FC8]  }
0x92: {  	s4 =	sld [smem:$0x3FC7]  }
0x93: {  	s5 =	sld [smem:$0x3FC6]  }
0x94: {  	s6 =	sld [smem:$0x3FD0];
	(tm) =	ssettm $0x1  }
0x95: {  	s7 =	sld [smem:$0x3FFB];
	_ =	sdelay $0x3  }
0x96: {  	_ =	strace s7  }
0x97: {  	s7 =	sld [smem:$0x3FFC];
	_ =	sdelay $0x3  }
0x98: {  	_ =	strace s7  }
0x99: {  	s7 =	sld [smem:$0x3FFD];
	_ =	sdelay $0x3  }
0x9a: {  	_ =	strace s7  }
0x9b: {  	_ =	strace $0x8FFFFFFF  }
0x9c: {  	s20 =	sld [smem:$0x3FDB];
	_ =	sdelay $0x1  }
0x9d: {  	s8 =	simm.s32 $_scs_section_size  }
0x9e: {  	s9 =	simm.s32 $_size__tile_overlayer_lowered;
	s10 =	simm.s32 $_tile_overlayer_lowered  }
0x9f: {  	s23 =	simm.s32 $0x1BFF;
	s22 =	sshll.u32 s10, $0x1;
	s7 =	sadd.s32 s8, s20  }
0xa0: {  	s11 =	simm.s32 $0x0;
	s21 =	sshll.u32 s9, $0x1;
	s9 =	sadd.s32 s22, s7  }
0xa1: {  	[timem:s11], [sflag:s23] =	dma.local [hbm:s9], s21  }
0xa2: {  	_ =	swait.ge [sflag:s23], s21  }
0xa3: {  	s8 =	ssub.s32 $0x0, s21;
	[sflag:s23] =	ssyncset.done $0x0  }
0xa4: {  	[sflag:s23] =	ssyncadd.s32 s8;
	_ =	sdelay $0x1  }
0xa5: {  	s24 =	simm.s32 $0x1B8B  }
0xa6: {  	_ =	swait.ge [sflag:s24], $0x1  }
0xa7: {  	[sflag:s24] =	ssyncset.done $0x0  }
0xa8: {  	s25 =	simm.s32 $0x1B8E;
	[sflag:s24] =	ssyncadd.s32 $0xFFFFFFFF  }
0xa9: {  	s26 =	simm.s32 $execute0_lowered;
	[smem:$0x3FD2] =	sst s25  }
0xaa: {  	s8 =	sshll.u32 s26, $0x1;
	_ =	strace $0x80000046;
	[dreg:$0x1] =	wrdreg $0xFFFFFFFF  }
0xab: {  	s28 =	simm.s32 $_size_execute0_lowered;
	s7 =	sadd.s32 s7, s8;
	[dreg:$0x0] =	wrdreg $0x0  }
0xac: {  	s8 =	sshll.u32 s28, $0x1;
	[dreg:$0x2] =	wrdreg s7  }
0xad: {  	[dreg:$0x3] =	wrdreg s8  }
0xae: {  	[dreg:$0x4] =	wrdreg $0xC0  }
0xaf: {  	_ =	task [dreg:s11], $0x5FFFF  }
0xb0: {  	[dreg:$0x1] =	wrdreg $0xFFFFFFFF  }
0xb1: {  	[dreg:$0x0] =	wrdreg $0x60  }
0xb2: {  	[dreg:$0x2] =	wrdreg s2  }
0xb3: {  	[dreg:$0x3] =	wrdreg s19  }
0xb4: {  	[dreg:$0x4] =	wrdreg s4  }
0xb5: {  	[dreg:$0x5] =	wrdreg s5  }
0xb6: {  	[dreg:$0x6] =	wrdreg s6  }
0xb7: {  	[dreg:$0x7] =	wrdreg $0x9  }
0xb8: {  	_ =	task.clear_ibuf [dreg:s11], $0x8FFFF;
	_ =	strace $0x90000046  }
0xb9: {  	s29 =	simm.s32 $0x9;
	_ =	strace $0x80000048  }
0xba: {  	_ =	swait.ge [sflag:s29], $0x1  }
0xbb: {  	[sflag:s29] =	ssyncadd.s32 $0xFFFFFFFF  }
0xbc: {  	_ =	strace $0x90000048  }
0xbd: {  	_ =	sfence  }
0xbe: {  	s30 =	sld [smem:$0x0];
	_ =	sdelay $0x2  }
0xbf: {  	s31 =	sshll.u32 s1, $0xD;
	s1 =	sshrl.u32 s1, $0x2  }
0xc0: {  	s3 =	sand.u32 $0x4000, s31;
	s1 =	sadd.s32 s1, s30  }
0xc1: {  	s0 =	sor.u32 s3, s0;
	s1 =	sshll.u32 s1, $0x11  }
0xc2: {  	s0 =	sor.u32 s1, s0  }
0xc3: {  	s0 =	sadd.s32 $0x8F2B, s0  }
0xc4: {  	[sflag:s0] =	ssyncadd.remote.s32 $0x1  }
0xc5: {  	_ =	sfence.sel $0xFFFF  }
0xc6: {  	[dreg:$0x0] =	wrdreg $0xFFFFFFFF;
	(pc) =	sbr.abs _section_cstart, $3  }
0xc7: {  	[dreg:$0x1] =	wrdreg $0xFFFFFFFF  }
0xc8: {  	_ =	task.clear_ibuf [dreg:s11], $0x2FFFF;
	_ =	strace $0x9FFFFFFF  }
0xc9: {  	(tm) =	ssettm $0x7FFFFFFF  }
tec
execute0_lowered:
.L_overlay_start_1:
0x0: {  	(tag) =	ssettag $0x1  }
0x1: {  	s1 =	rddreg [dreg:$0x0]  }
0x2: {  	s2 =	rddreg [dreg:$0x1]  }
0x3: {  	s3 =	rddreg [dreg:$0x2]  }
0x4: {  	s5 =	rddreg [dreg:$0x4];
	s0 =	srdreg.scid;
	s7 =	simm.s32 $0x0  }
0x5: {  	s4 =	stileid.u32;
	s19 =	simm.s32 $0x400;
	s28 =	simm.s32 $0x1000  }
0x6: {  	s29 =	simm.s32 $0x3;
	s30 =	simm.s32 $0x2;
	s31 =	simm.s32 $0x3100  }
0x7: {  	s0 =	sand.u32 $0x1, s0;
	[smem:$0x7FF] =	sst s7;
	s9 =	sshll.u32 s4, $0xE  }
0x8: {  	s11 =	sadd.s32 $0x100000, s1;
	s24 =	smov.u32 s1;
	s6 =	ssub.s32 $0x2, s0  }
0x9: {  	s4 =	simm.s32 $0x0;
	s0 =	sshll.u32 s0, $0xD;
	s8 =	sshrl.u32 s6, $0x1  }
0xa: {  	_ =	strace $0x80000047;
	s6 =	ssub.s32 s6, s8;
	s8 =	sor.u32 s0, s9  }
0xb: {  	s0 =	sadd.s32 s2, s8;
	s20 =	sadd.s32 s3, s8;
	s21 =	sadd.s32 s8, s11  }
0xc: {  	s22 =	sor.u32 $0x80, s8;
	s9 =	sadd.s32 s8, s1;
	[dreg:$0x6] =	wrdreg s0  }
0xd: {  	s16 =	sor.u32 $0x100, s8;
	s17 =	sor.u32 $0x180, s8;
	[dreg:$0x7] =	wrdreg s20  }
0xe: {  	s26 =	smax.u32 s6, $0x1;
	s6 =	simm.s32 $0x5200;
	[dreg:$0x8] =	wrdreg s21  }
.Ltmp0:
0xf: {  	s23 =	sadd.s32 s2, s22;
	s0 =	sadd.s32 s3, s22;
	(pc) =	sbr.rel .LBB2_1-.Ltmp0, $4  }
0x10: {  	s25 =	sadd.s32 $0x100080, s9;
	[dreg:$0xc] =	wrdreg s26;
	s20 =	simm.s32 $0x200000  }
0x11: {  	s26 =	simm.s32 $0x1;
	s21 =	simm.s32 $0x5600;
	[dreg:$0x9] =	wrdreg s23  }
0x12: {  	s22 =	simm.s32 $0x7600;
	s9 =	simm.s32 $0x7A00;
	[dreg:$0xa] =	wrdreg s0  }
0x13: {  	v0 =	vimm.f32 $0.0e+00;
	v1 =	vlaneseq.u32;
	v2 =	vimm.s32 $0x0;
	[dreg:$0xb] =	wrdreg s25;
	s25 =	simm.s32 $0x4180;
	s0 =	simm.s32 $0x4200  }
.LBB2_34:
0x14: {  	s4 =	rddreg [dreg:$0xd]  }
0x15: {  	s1 =	rddreg [dreg:$0xc];
	s4 =	sadd.s32 $0x1, s4  }
0x16: {  	p0 =	sne.s32 s4, s1  }
.Ltmp1:
0x17: {  	_ = 	snop;
	(pc) =	sbr.rel @!p0 .LBB2_35-.Ltmp1, $1  }
0x18: {  	_ =	sdelay $0x3  }
.LBB2_1:
0x19: {  	s1 =	rddreg [dreg:$0x6]  }
0x1a: {  	[tilespmem:s7], [sflag:$0x1] =	stream.strided.gather [hbm4b:s1+s19], $0x1000, s20, s19, $0x38;
	[tilespmem:$0x9A00] =	vst v63  }
0x1b: {  	s18 =	rddreg [dreg:$0x7];
	s23 =	simm.s32 $0x2000  }
0x1c: {  	[tilespmem:s23], [sflag:$0x1] =	stream.linear.gather [hbm4b:s18+s7], $0x80, $0x38;
	[tilespmem:$0x9A00] =	vst v63  }
0x1d: {  	s10 =	rddreg [dreg:$0x8];
	s12 =	simm.s32 $0x2080  }
0x1e: {  	[tilespmem:s12], [sflag:$0x1] =	stream.strided.gather [hbm4b:s10+s19], $0x0, s20, s19, $0x38;
	[tilespmem:$0x9A00] =	vst v63  }
0x1f: {  	_ = 	snop  }
0x20: {  	[tilespmem:s12], [sflag:$0x1] =	stream.linear.gather [hbm4b:s10+s7], $0x80, $0x38;
	[tilespmem:$0x9A00] =	vst v63  }
0x21: {  	s13 =	rddreg [dreg:$0x9];
	s14 =	simm.s32 $0x2100  }
0x22: {  	[tilespmem:s14], [sflag:$0x2] =	stream.strided.gather [hbm4b:s13+s19], $0x1000, s20, s19, $0x38;
	[tilespmem:$0x9A00] =	vst v63  }
0x23: {  	s15 =	rddreg [dreg:$0xa];
	s18 =	simm.s32 $0x4100  }
0x24: {  	[tilespmem:s18], [sflag:$0x2] =	stream.linear.gather [hbm4b:s15+s7], $0x80, $0x38;
	[tilespmem:$0x9A00] =	vst v63  }
0x25: {  	s23 =	rddreg [dreg:$0xb]  }
0x26: {  	[tilespmem:s25], [sflag:$0x2] =	stream.strided.gather [hbm4b:s23+s19], $0x0, s20, s19, $0x38;
	[tilespmem:$0x9A00] =	vst v63  }
0x27: {  	[dreg:$0xd] =	wrdreg s4;
	s13 =	simm.s32 $0x0  }
0x28: {  	[tilespmem:s25], [sflag:$0x2] =	stream.linear.gather [hbm4b:s23+s7], $0x80, $0x38;
	[tilespmem:$0x9A00] =	vst v63  }
.LBB2_2:
0x29: {  	_ =	swait.ge [sflag:s26], $0x1000  }
0x2a: {  	[sflag:s26] =	ssyncset.done $0x0  }
0x2b: {  	[sflag:s26] =	ssyncadd.s32 $0xFFFFF000  }
0x2c: {  	_ =	swait.ge [sflag:s26], $0x80  }
0x2d: {  	[sflag:s26] =	ssyncset.done $0x0  }
0x2e: {  	[sflag:s26] =	ssyncadd.s32 $0xFFFFFF80  }
0x2f: {  	_ =	swait.ge [sflag:s26], $0x80  }
0x30: {  	[sflag:s26] =	ssyncset.done $0x0  }
0x31: {  	[sflag:s26] =	ssyncadd.s32 $0xFFFFFF80  }
0x32: {  	v3 =	vld [tilespmem:$0x2000]  }
0x33: {  	v4 =	vld [tilespmem:$0x2080]  }
0x34: {  	v5 =	vld [tilespmem:$0x2010]  }
0x35: {  	v6 =	vld [tilespmem:$0x2090]  }
0x36: {  	v7 =	vld [tilespmem:$0x2020]  }
0x37: {  	v8 =	vld [tilespmem:$0x20A0]  }
0x38: {  	v9 =	vld [tilespmem:$0x2030]  }
0x39: {  	v10 =	vld [tilespmem:$0x20B0]  }
0x3a: {  	v11 =	vld [tilespmem:$0x2040]  }
0x3b: {  	v12 =	vld [tilespmem:$0x20C0]  }
0x3c: {  	v13 =	vld [tilespmem:$0x2050]  }
0x3d: {  	v14 =	vld [tilespmem:$0x20D0]  }
0x3e: {  	v15 =	vld [tilespmem:$0x2060]  }
0x3f: {  	v16 =	vld [tilespmem:$0x20E0]  }
0x40: {  	v63 =	vld [tilespmem:$0x20F0];
	vm0 =	vgt.f32 v3, v4;
	vm1 =	vgt.f32 v5, v6  }
0x41: {  	v3 =	vld [tilespmem:$0x2070];
	vm10 =	vgt.f32 v7, v8;
	vm0 =	vmand vm0, vm1  }
0x42: {  	vm11 =	vgt.f32 v9, v10;
	vm0 =	vmand vm0, vm10  }
0x43: {  	vm12 =	vgt.f32 v11, v12;
	vm0 =	vmand vm0, vm11  }
0x44: {  	vm13 =	vgt.f32 v13, v14;
	vm0 =	vmand vm0, vm12  }
0x45: {  	vm14 =	vgt.f32 v15, v16;
	vm0 =	vmand vm0, vm13  }
0x46: {  	vm15 =	vgt.f32 v3, v63;
	vm0 =	vmand vm0, vm14  }
0x47: {  	vm0 =	vmand vm0, vm15  }
0x48: {  	v3 =	vsel vm0, $0x3F800000, v0  }
0x49: {  	(xrf0) =	vmin.scan.msk.f32 $0xffff, v3;
	_ =	sdelay $0x5  }
0x4a: {  	v3, _, _ =	vpop (xrf0)  }
0x4b: {  	(v2sf) =	vpush v3, $0xF;
	_ =	sdelay $0xe  }
0x4c: {  	s10 =	spop (v2sf)  }
0x4d: {  	p0 =	sgt.f32 s10, $0.0e+00  }
.Ltmp2:
0x4e: {  	_ = 	snop;
	(pc) =	sbr.rel @!p0 .LBB2_6-.Ltmp2, $3  }
0x4f: {  	_ =	sdelay $0x1  }
0x50: {  	s14 =	sshll.u32 s13, $0x8  }
0x51: {  	s18 =	sor.u32 s8, s14  }
0x52: {  	s12 =	simm.s32 $0xFFFFFF80  }
0x53: {  	v7 =	vld [tilespmem:s12+$0xE80]  }
0x54: {  	v3 =	vld [tilespmem:s12+$0xE00]  }
0x55: {  	v4 =	vld [tilespmem:s12+$0xD00]  }
0x56: {  	v5 =	vld [tilespmem:s12+$0xB80]  }
0x57: {  	v6 =	vld [tilespmem:s12+$0xA00]  }
0x58: {  	v10 =	vld [tilespmem:s12+$0xF00]  }
0x59: {  	v14 =	vld [tilespmem:s12+$0x780]  }
0x5a: {  	v16 =	vld [tilespmem:s12+$0xC80]  }
0x5b: {  	v18 =	vld [tilespmem:s12+$0x600];
	v8 =	vadd.f32 $1.192092900e-07, v3  }
0x5c: {  	v37 =	vld [tilespmem:s12+$0xB00];
	v11 =	vadd.f32 $1.192092900e-07, v4;
	v13 =	vadd.f32 $1.192092900e-07, v5;
	v17 =	vmax.f32 v7, $0.0e+00  }
0x5d: {  	v3 =	vmax.f32 v3, $0.0e+00;
	v4 =	vmax.f32 v4, $0.0e+00;
	v5 =	vmax.f32 v5, $0.0e+00  }
0x5e: {  	v42 =	vld [tilespmem:s12+$0x180];
	v19 =	vadd.f32 $1.192092900e-07, v6;
	v21 =	vadd.f32 $1.192092900e-07, v10;
	(erf) = vrcp.f32 v8  }
0x5f: {  	v20 =	vld [tilespmem:s12+$0x580];
	v6 =	vmax.f32 v6, $0.0e+00;
	v24 =	vmax.f32 v16, $0.0e+00;
	(erf) = vrcp.f32 v11  }
0x60: {  	v26 =	vmax.f32 v18, $0.0e+00;
	v31 =	vadd.f32 $1.192092900e-07, v14;
	v14 =	vmax.f32 v14, $0.0e+00;
	v8 =	vld [tilespmem:s12+$0x700]  }
0x61: {  	v51 =	vadd.f32 $1.192092900e-07, v37;
	v15 =	vmul.f32 v3, v3;
	v3 =	vmul.f32 v5, v5;
	v11 =	vld [tilespmem:s12+$0x680]  }
0x62: {  	v5 =	vmax.f32 v10, $0.0e+00;
	(erf) = vrcp.f32 v13;
	v13 =	vmul.f32 v17, v17;
	v17 =	vld [tilespmem:s12+$0xC00]  }
0x63: {  	v62 =	vmax.f32 v42, $0.0e+00;
	v10 =	vmul.f32 v4, v4;
	v4 =	vmul.f32 v5, v5  }
0x64: {  	v5 =	vmul.f32 v6, v6;
	v6 =	vadd.f32 $1.192092900e-07, v20;
	(erf) = vrcp.f32 v19  }
0x65: {  	v27 =	vld [tilespmem:s12+$0x980];
	v19 =	vadd.f32 $1.192092900e-07, v16;
	(erf) = vrcp.f32 v21;
	v28 =	vadd.f32 $1.192092900e-07, v8  }
0x66: {  	v25 =	vld [tilespmem:s12+$0x800];
	v32 =	vmax.f32 v8, $0.0e+00;
	v23 =	vmax.f32 v11, $0.0e+00;
	v11 =	vadd.f32 $1.192092900e-07, v11  }
0x67: {  	v8 =	vmax.f32 v17, $0.0e+00;
	v16 =	vpop (erf);
	(erf) = vrcp.f32 v19;
	v19 =	vadd.f32 $1.192092900e-07, v17;
	v17 =	vld [tilespmem:s12+$0x100]  }
0x68: {  	v35 =	vld [tilespmem:s12+$0x300];
	v33 =	vmul.f32 v8, v8;
	v8 =	vmax.f32 v20, $0.0e+00;
	v29 =	vpop (erf);
	(erf) = vrcp.f32 v6  }
0x69: {  	v34 =	vld [tilespmem:s12+$0x80];
	v6 =	vadd.f32 $1.192092900e-07, v18;
	v10 =	vmul.f32 v29, v10;
	(erf) = vrcp.f32 v19  }
0x6a: {  	v30 =	vld [tilespmem:s12+$0x480];
	v20 =	vmul.f32 v8, v8;
	v8 =	vadd.f32 $1.192092900e-07, v27;
	(erf) = vrcp.f32 v11  }
0x6b: {  	v38 =	vmul.f32 v14, v14;
	v21 =	vld [tilespmem:s12+$0x400];
	[tilespmem:s12+$0x1D00] =	vst v10;
	v10 =	vmax.f32 v25, $0.0e+00;
	(erf) = vrcp.f32 v6  }
0x6c: {  	v22 =	vld [tilespmem:s12+$0x900];
	v36 =	vmul.f32 v10, v10;
	v10 =	vadd.f32 $1.192092900e-07, v17;
	(erf) = vrcp.f32 v8  }
0x6d: {  	v14 =	vmax.f32 v35, $0.0e+00;
	v63 =	vmul.f32 v62, v62;
	v6 =	vpop (erf);
	(erf) = vrcp.f32 v28;
	v28 =	vld [tilespmem:s12+$0xA80]  }
0x6e: {  	v19 =	vmul.f32 v26, v26;
	v26 =	vmax.f32 v27, $0.0e+00;
	v27 =	vadd.f32 $1.192092900e-07, v34  }
0x6f: {  	v44 =	vld [tilespmem:s12+$0x200];
	v18 =	vmul.f32 v24, v24;
	v24 =	vadd.f32 $1.192092900e-07, v30;
	v8 =	vpop (erf);
	(erf) = vrcp.f32 v10  }
0x70: {  	v32 =	vmul.f32 v32, v32;
	v40 =	vmax.f32 v21, $0.0e+00;
	v10 =	vpop (erf);
	(erf) = vrcp.f32 v27  }
0x71: {  	v11 =	vmax.f32 v22, $0.0e+00;
	v22 =	vadd.f32 $1.192092900e-07, v22;
	v39 =	vpop (erf);
	(erf) = vrcp.f32 v24  }
0x72: {  	v29 =	vld [tilespmem:s12+$0x500];
	v27 =	vmul.f32 v14, v14;
	v14 =	vpop (erf);
	(erf) = vrcp.f32 v31;
	v31 =	vadd.f32 $1.192092900e-07, v28  }
0x73: {  	v21 =	vadd.f32 $1.192092900e-07, v21;
	v24 =	vmul.f32 v26, v26;
	v26 =	vpop (erf);
	(erf) = vrcp.f32 v22  }
0x74: {  	v54 =	vadd.f32 $1.192092900e-07, v44;
	v43 =	vpop (erf);
	v26 =	vmul.f32 v26, v33;
	(erf) = vrcp.f32 v31  }
0x75: {  	v46 =	vadd.f32 $1.192092900e-07, v42;
	v23 =	vmul.f32 v23, v23;
	v40 =	vmul.f32 v40, v40;
	v22 =	vpop (erf)  }
0x76: {  	v34 =	vmax.f32 v34, $0.0e+00;
	v20 =	vmul.f32 v14, v20;
	(erf) = vrcp.f32 v51;
	v31 =	vpop (erf)  }
0x77: {  	v25 =	vadd.f32 $1.192092900e-07, v25;
	v45 =	vadd.f32 $1.192092900e-07, v29;
	(erf) = vrcp.f32 v21;
	v21 =	vpop (erf)  }
0x78: {  	v55 =	vmax.f32 v37, $0.0e+00;
	v34 =	vmul.f32 v34, v34;
	v11 =	vmul.f32 v11, v11;
	[tilespmem:s12+$0x1C00] =	vst v26;
	v26 =	vpop (erf)  }
0x79: {  	v35 =	vadd.f32 $1.192092900e-07, v35;
	v18 =	vmul.f32 v39, v18;
	(erf) = vrcp.f32 v45;
	v53 =	vpop (erf)  }
0x7a: {  	v17 =	vmax.f32 v17, $0.0e+00;
	[tilespmem:s12+$0x1580] =	vst v20;
	v24 =	vmul.f32 v31, v24;
	(erf) = vrcp.f32 v25;
	v20 =	vpop (erf)  }
0x7b: {  	v28 =	vmax.f32 v28, $0.0e+00;
	v31 =	vmul.f32 v17, v17;
	v17 =	vld [tilespmem:s12+$0x1000];
	(erf) = vrcp.f32 v54;
	v25 =	vpop (erf)  }
0x7c: {  	v14 =	vmax.f32 v30, $0.0e+00;
	v30 =	vld [tilespmem:s12+$0xF80];
	v28 =	vmul.f32 v28, v28;
	(erf) = vrcp.f32 v46;
	v56 =	vpop (erf)  }
0x7d: {  	v9 =	vld [tilespmem:s12+$0xD80];
	v7 =	vadd.f32 $1.192092900e-07, v7;
	v23 =	vmul.f32 v43, v23;
	(erf) = vrcp.f32 v35;
	v57 =	vpop (erf)  }
0x7e: {  	v29 =	vmax.f32 v29, $0.0e+00;
	v21 =	vmul.f32 v21, v32;
	v28 =	vmul.f32 v57, v28  }
0x7f: {  	v41 =	vld [tilespmem:s12+$0x380];
	[tilespmem:s12+$0x1980] =	vst v24;
	v24 =	vmax.f32 v44, $0.0e+00;
	v32 =	vmul.f32 v53, v34;
	v34 =	vmul.f32 v55, v55  }
0x80: {  	v12 =	vld [tilespmem:s12+$0x880];
	[tilespmem:s12+$0x1700] =	vst v21;
	v21 =	vmul.f32 v29, v29;
	v29 =	vadd.f32 $1.192092900e-07, v17;
	(erf) = vrcp.f32 v7;
	v58 =	vpop (erf)  }
0x81: {  	[tilespmem:s12+$0x1680] =	vst v23;
	v61 =	vadd.f32 $1.192092900e-07, v30;
	v24 =	vmul.f32 v24, v24;
	v37 =	vmul.f32 v56, v11;
	v59 =	vpop (erf)  }
0x82: {  	v52 =	vld [tilespmem:s12+$0x280];
	v7 =	vmax.f32 v9, $0.0e+00;
	(erf) = vrcp.f32 v29;
	v34 =	vmul.f32 v58, v34;
	[tilespmem:s12+$0x1A80] =	vst v28;
	v28 =	vpop (erf)  }
0x83: {  	[tilespmem:s12+$0x1080] =	vst v32;
	v11 =	vadd.f32 $1.192092900e-07, v9;
	v29 =	vmul.f32 v28, v21;
	v21 =	vmul.f32 v25, v38;
	v25 =	vpop (erf)  }
0x84: {  	[tilespmem:s12+$0x1900] =	vst v37;
	(erf) = vrcp.f32 v61;
	v28 =	vmul.f32 v26, v31;
	v31 =	vadd.f32 $1.192092900e-07, v41;
	v26 =	vpop (erf)  }
0x85: {  	v9 =	vmax.f32 v12, $0.0e+00;
	v60 =	vmul.f32 v59, v40;
	[tilespmem:s12+$0x1B00] =	vst v34;
	v26 =	vmul.f32 v26, v24;
	v24 =	vpop (erf)  }
0x86: {  	[tilespmem:s12+$0x1780] =	vst v21;
	v21 =	vmul.f32 v25, v36;
	v25 =	vadd.f32 $1.192092900e-07, v12;
	(erf) = vrcp.f32 v31;
	v12 =	vpop (erf)  }
0x87: {  	[tilespmem:s12+$0x1400] =	vst v60;
	v27 =	vmul.f32 v12, v27;
	v12 =	vmul.f32 v16, v15;
	v15 =	vadd.f32 $1.192092900e-07, v52  }
0x88: {  	v14 =	vmul.f32 v14, v14;
	[tilespmem:s12+$0x1100] =	vst v28;
	v24 =	vmul.f32 v24, v63  }
0x89: {  	v22 =	vmul.f32 v22, v19;
	(erf) = vrcp.f32 v25;
	v16 =	vpop (erf);
	[tilespmem:s12+$0x1800] =	vst v21  }
0x8a: {  	v19 =	vmax.f32 v41, $0.0e+00;
	v28 =	vmax.f32 v30, $0.0e+00;
	[tilespmem:s12+$0x1180] =	vst v24;
	v25 =	vmul.f32 v16, v13  }
0x8b: {  	s15 =	simm.s32 $0xFFFFFE40;
	v21 =	vmax.f32 v52, $0.0e+00;
	v16 =	vmul.f32 v28, v28;
	[tilespmem:s12+$0x1300] =	vst v27;
	(erf) = vrcp.f32 v15;
	v15 =	vpop (erf)  }
.LBB2_4:
0x8c: {  	s10 =	sshra.s32 s15, $0x2;
	p0 =	seq.s32 s15, $0xFFFFFFC0;
	s15 =	sadd.s32 $0x40, s15;
	[tilespmem:s12+$0x1500] =	vst v29;
	v5 =	vmul.f32 v8, v5;
	v3 =	vmul.f32 v6, v3  }
0x8d: {  	v4 =	vmul.f32 v10, v4;
	v13 =	vld [tilespmem:s10+$0xE80];
	[tilespmem:s12+$0x1E80] =	vst v25;
	(erf) = vrcp.f32 v11;
	v6 =	vpop (erf)  }
0x8e: {  	v10 =	vmul.f32 v19, v19;
	v8 =	vld [tilespmem:s10+$0xE00];
	[tilespmem:s12+$0x1600] =	vst v22;
	v6 =	vmul.f32 v6, v16  }
0x8f: {  	v14 =	vmul.f32 v20, v14;
	v11 =	vld [tilespmem:s10+$0xD00];
	[tilespmem:s12+$0x1C80] =	vst v18  }
0x90: {  	v18 =	vmul.f32 v7, v7;
	v16 =	vld [tilespmem:s10+$0xB80];
	[tilespmem:s12+$0x1E00] =	vst v12;
	v7 =	vpop (erf)  }
0x91: {  	v25 =	vmul.f32 v9, v9;
	v9 =	vmax.f32 v17, $0.0e+00;
	v12 =	vld [tilespmem:s10+$0x880];
	v10 =	vmul.f32 v7, v10;
	[tilespmem:s12+$0x1480] =	vst v14  }
0x92: {  	v19 =	vmul.f32 v21, v21;
	v9 =	vmul.f32 v9, v9;
	v14 =	vld [tilespmem:s10+$0xD80];
	v17 =	vmax.f32 v13, $0.0e+00;
	[tilespmem:s12+$0x1200] =	vst v26;
	v20 =	vpop (erf)  }
0x93: {  	v21 =	vld [tilespmem:s10+$0xA00];
	v22 =	vmax.f32 v8, $0.0e+00;
	v8 =	vadd.f32 $1.192092900e-07, v8;
	v20 =	vmul.f32 v20, v25;
	[tilespmem:s12+$0x1B80] =	vst v3  }
0x94: {  	v23 =	vmax.f32 v11, $0.0e+00;
	v3 =	vadd.f32 $1.192092900e-07, v11;
	v24 =	vld [tilespmem:s10+$0xF00];
	[tilespmem:s12+$0x1A00] =	vst v5;
	v5 =	vmul.f32 v15, v9;
	v7 =	vpop (erf)  }
0x95: {  	v27 =	vld [tilespmem:s10+$0x780];
	v25 =	vmax.f32 v16, $0.0e+00;
	v9 =	vadd.f32 $1.192092900e-07, v16;
	(erf) = vrcp.f32 v8;
	[tilespmem:s12+$0x1F00] =	vst v4  }
0x96: {  	v8 =	vld [tilespmem:s10+$0x700];
	(erf) = vrcp.f32 v3;
	v3 =	vmul.f32 v7, v19;
	[tilespmem:s12+$0x1F80] =	vst v6;
	v4 =	vpop (erf)  }
0x97: {  	v6 =	vld [tilespmem:s10+$0x680];
	v7 =	vmax.f32 v14, $0.0e+00;
	(erf) = vrcp.f32 v9;
	v4 =	vmul.f32 v4, v18;
	[tilespmem:s12+$0x2000] =	vst v5  }
0x98: {  	v11 =	vadd.f32 $1.192092900e-07, v14;
	v5 =	vmax.f32 v21, $0.0e+00;
	v18 =	vadd.f32 $1.192092900e-07, v21;
	v19 =	vld [tilespmem:s10+$0xC80];
	[tilespmem:s12+$0x1380] =	vst v10  }
0x99: {  	v16 =	vmul.f32 v22, v22;
	v9 =	vmax.f32 v12, $0.0e+00;
	v10 =	vld [tilespmem:s10+$0x600];
	v14 =	vadd.f32 $1.192092900e-07, v24;
	[tilespmem:s12+$0x1D80] =	vst v4  }
0x9a: {  	v15 =	vmul.f32 v17, v17;
	v4 =	vmax.f32 v24, $0.0e+00;
	v21 =	vld [tilespmem:s10+$0x580];
	(erf) = vrcp.f32 v18;
	[tilespmem:s12+$0x1280] =	vst v3  }
0x9b: {  	v3 =	vmul.f32 v25, v25;
	v17 =	vld [tilespmem:s10+$0xC00];
	(erf) = vrcp.f32 v14;
	[tilespmem:s12+$0x1880] =	vst v20;
	s12 =	smov.u32 s10  }
0x9c: {  	v4 =	vmul.f32 v4, v4;
	v20 =	vmul.f32 v23, v23;
	v14 =	vld [tilespmem:s12+$0x900]  }
0x9d: {  	v24 =	vmax.f32 v6, $0.0e+00;
	v29 =	vld [tilespmem:s12+$0x400];
	v23 =	vmax.f32 v19, $0.0e+00;
	v19 =	vadd.f32 $1.192092900e-07, v19  }
0x9e: {  	v5 =	vmul.f32 v5, v5;
	v25 =	vadd.f32 $1.192092900e-07, v6;
	v22 =	vmax.f32 v10, $0.0e+00;
	v30 =	vld [tilespmem:s12+$0x800];
	v18 =	vpop (erf)  }
0x9f: {  	v28 =	vadd.f32 $1.192092900e-07, v8;
	v26 =	vadd.f32 $1.192092900e-07, v21;
	v31 =	vld [tilespmem:s12+$0x980];
	(erf) = vrcp.f32 v19;
	v6 =	vpop (erf)  }
0xa0: {  	v33 =	vadd.f32 $1.192092900e-07, v27;
	v32 =	vld [tilespmem:s12+$0x480];
	v19 =	vadd.f32 $1.192092900e-07, v17;
	v20 =	vmul.f32 v6, v20;
	v6 =	vpop (erf)  }
0xa1: {  	v35 =	vmax.f32 v8, $0.0e+00;
	v38 =	vmax.f32 v17, $0.0e+00;
	v34 =	vld [tilespmem:s12+$0x500];
	(erf) = vrcp.f32 v26  }
0xa2: {  	v36 =	vadd.f32 $1.192092900e-07, v10;
	v37 =	vmul.f32 v38, v38;
	v17 =	vld [tilespmem:s12+$0x100];
	[tilespmem:s12+$0x1D00] =	vst v20;
	(erf) = vrcp.f32 v19  }
0xa3: {  	v22 =	vmul.f32 v22, v22;
	v26 =	vmax.f32 v21, $0.0e+00;
	v19 =	vld [tilespmem:s12+$0x80];
	v20 =	vmax.f32 v30, $0.0e+00;
	v8 =	vpop (erf)  }
0xa4: {  	v21 =	vmul.f32 v26, v26;
	v38 =	vld [tilespmem:s12+$0x300];
	v39 =	vmax.f32 v31, $0.0e+00;
	(erf) = vrcp.f32 v25;
	v10 =	vpop (erf)  }
0xa5: {  	v25 =	vmul.f32 v20, v20;
	v20 =	vmax.f32 v14, $0.0e+00;
	v31 =	vadd.f32 $1.192092900e-07, v31;
	v26 =	vld [tilespmem:s12+$0x380]  }
0xa6: {  	v23 =	vmul.f32 v23, v23;
	v40 =	vld [tilespmem:s12+$0x180];
	(erf) = vrcp.f32 v36  }
0xa7: {  	v41 =	vadd.f32 $1.192092900e-07, v32;
	v36 =	vadd.f32 $1.192092900e-07, v17;
	v42 =	vld [tilespmem:s12+$0xF80];
	(erf) = vrcp.f32 v31  }
0xa8: {  	v43 =	vmul.f32 v24, v24;
	v49 =	vadd.f32 $1.192092900e-07, v19;
	(erf) = vrcp.f32 v28;
	v24 =	vpop (erf)  }
0xa9: {  	v27 =	vmax.f32 v27, $0.0e+00;
	v35 =	vmul.f32 v35, v35;
	v44 =	vld [tilespmem:s12+$0xA80];
	(erf) = vrcp.f32 v36  }
0xaa: {  	v45 =	vmul.f32 v27, v27;
	v36 =	vmax.f32 v19, $0.0e+00;
	v19 =	vmax.f32 v26, $0.0e+00;
	v46 =	vld [tilespmem:s12+$0xB00];
	v47 =	vpop (erf)  }
0xab: {  	v48 =	vmax.f32 v29, $0.0e+00;
	v28 =	vmax.f32 v38, $0.0e+00;
	v27 =	vld [tilespmem:s12+$0x280];
	(erf) = vrcp.f32 v49;
	v31 =	vpop (erf)  }
0xac: {  	v49 =	vmul.f32 v28, v28;
	v28 =	vmax.f32 v42, $0.0e+00;
	(erf) = vrcp.f32 v41  }
0xad: {  	v14 =	vadd.f32 $1.192092900e-07, v14;
	v39 =	vmul.f32 v39, v39;
	v41 =	vpop (erf);
	(erf) = vrcp.f32 v33  }
0xae: {  	v29 =	vadd.f32 $1.192092900e-07, v29;
	v52 =	vmul.f32 v31, v37;
	v53 =	vadd.f32 $1.192092900e-07, v44  }
0xaf: {  	v54 =	vmul.f32 v47, v21;
	v47 =	vadd.f32 $1.192092900e-07, v46;
	v50 =	vpop (erf);
	(erf) = vrcp.f32 v14  }
0xb0: {  	v14 =	vmax.f32 v32, $0.0e+00;
	v51 =	vld [tilespmem:s12+$0x200];
	v21 =	vmax.f32 v27, $0.0e+00;
	[tilespmem:s12+$0x1C00] =	vst v52;
	v31 =	vpop (erf);
	(erf) = vrcp.f32 v53  }
0xb1: {  	v32 =	vadd.f32 $1.192092900e-07, v34;
	v14 =	vmul.f32 v14, v14;
	[tilespmem:s12+$0x1580] =	vst v54;
	v33 =	vpop (erf);
	(erf) = vrcp.f32 v47  }
0xb2: {  	v34 =	vmax.f32 v34, $0.0e+00;
	v31 =	vmul.f32 v31, v39;
	v37 =	vpop (erf);
	(erf) = vrcp.f32 v29  }
0xb3: {  	v17 =	vmax.f32 v17, $0.0e+00;
	v29 =	vmul.f32 v20, v20;
	(erf) = vrcp.f32 v32  }
0xb4: {  	v30 =	vadd.f32 $1.192092900e-07, v30;
	v52 =	vmul.f32 v33, v35;
	v32 =	vmul.f32 v17, v17;
	v35 =	vpop (erf)  }
0xb5: {  	v38 =	vadd.f32 $1.192092900e-07, v38;
	v53 =	vmul.f32 v36, v36;
	v39 =	vadd.f32 $1.192092900e-07, v51;
	v17 =	vld [tilespmem:s12+$0x1000];
	v20 =	vpop (erf)  }
0xb6: {  	v48 =	vmul.f32 v48, v48;
	v47 =	vadd.f32 $1.192092900e-07, v40;
	[tilespmem:s12+$0x1700] =	vst v52;
	v33 =	vpop (erf);
	(erf) = vrcp.f32 v30  }
0xb7: {  	v44 =	vmax.f32 v44, $0.0e+00;
	v30 =	vmul.f32 v35, v53;
	(erf) = vrcp.f32 v39  }
0xb8: {  	v39 =	vmax.f32 v46, $0.0e+00;
	[tilespmem:s12+$0x1980] =	vst v31;
	v31 =	vmul.f32 v44, v44;
	(erf) = vrcp.f32 v47;
	v36 =	vpop (erf)  }
0xb9: {  	v13 =	vadd.f32 $1.192092900e-07, v13;
	[tilespmem:s12+$0x1080] =	vst v30;
	v30 =	vmul.f32 v39, v39;
	(erf) = vrcp.f32 v38;
	v35 =	vpop (erf)  }
0xba: {  	v34 =	vmul.f32 v34, v34;
	v31 =	vmul.f32 v35, v31;
	v35 =	vadd.f32 $1.192092900e-07, v17;
	v38 =	vpop (erf)  }
0xbb: {  	v44 =	vmax.f32 v51, $0.0e+00;
	v30 =	vmul.f32 v38, v30;
	v38 =	vpop (erf);
	(erf) = vrcp.f32 v13  }
0xbc: {  	v13 =	vmul.f32 v44, v44;
	v38 =	vmul.f32 v38, v48;
	[tilespmem:s12+$0x1A80] =	vst v31;
	v31 =	vadd.f32 $1.192092900e-07, v42;
	v39 =	vpop (erf)  }
0xbd: {  	v40 =	vmax.f32 v40, $0.0e+00;
	v36 =	vmul.f32 v36, v29;
	[tilespmem:s12+$0x1B00] =	vst v30;
	(erf) = vrcp.f32 v35  }
0xbe: {  	v30 =	vmul.f32 v40, v40;
	v29 =	vmul.f32 v39, v34  }
0xbf: {  	v33 =	vmul.f32 v33, v45;
	[tilespmem:s12+$0x1900] =	vst v36;
	v34 =	vpop (erf);
	(erf) = vrcp.f32 v31  }
0xc0: {  	v35 =	vmul.f32 v41, v43;
	v31 =	vmul.f32 v37, v32;
	v32 =	vadd.f32 $1.192092900e-07, v26;
	[tilespmem:s12+$0x1400] =	vst v38;
	v26 =	vpop (erf)  }
0xc1: {  	v26 =	vmul.f32 v26, v13;
	[tilespmem:s12+$0x1780] =	vst v33;
	v13 =	vmul.f32 v34, v25;
	v25 =	vpop (erf)  }
.Ltmp3:
0xc2: {  	[tilespmem:s12+$0x1100] =	vst v31;
	v25 =	vmul.f32 v25, v30;
	v30 =	vadd.f32 $1.192092900e-07, v12;
	v12 =	vpop (erf);
	(erf) = vrcp.f32 v32;
	(pc) =	sbr.rel @!p0 .LBB2_4-.Ltmp3, $4  }
0xc3: {  	v31 =	vmul.f32 v12, v49;
	[tilespmem:s12+$0x1680] =	vst v35;
	v12 =	vmul.f32 v18, v16  }
0xc4: {  	v27 =	vadd.f32 $1.192092900e-07, v27;
	v22 =	vmul.f32 v50, v22;
	[tilespmem:s12+$0x1180] =	vst v25;
	(erf) = vrcp.f32 v30;
	v16 =	vpop (erf)  }
0xc5: {  	[tilespmem:s12+$0x1800] =	vst v13;
	v25 =	vmul.f32 v16, v15;
	v16 =	vmul.f32 v28, v28  }
0xc6: {  	v18 =	vmul.f32 v24, v23;
	[tilespmem:s12+$0x1300] =	vst v31;
	(erf) = vrcp.f32 v27;
	v15 =	vpop (erf)  }
0xc7: {  	[tilespmem:s12+$0x1500] =	vst v29  }
0xc8: {  	[tilespmem:s12+$0x1E80] =	vst v25  }
0xc9: {  	[tilespmem:s12+$0x1600] =	vst v22  }
0xca: {  	(erf) = vrcp.f32 v11;
	[tilespmem:s12+$0x1E00] =	vst v12  }
0xcb: {  	v54 =	vmul.f32 v20, v14;
	[tilespmem:s12+$0x1200] =	vst v26  }
0xcc: {  	v3 =	vmul.f32 v6, v3;
	[tilespmem:s12+$0x1C80] =	vst v18  }
0xcd: {  	v5 =	vmul.f32 v8, v5;
	[tilespmem:s12+$0x1480] =	vst v54  }
0xce: {  	v56 =	vmax.f32 v17, $0.0e+00;
	v4 =	vmul.f32 v10, v4;
	v55 =	vpop (erf);
	[tilespmem:s12+$0x1B80] =	vst v3;
	v3 =	vmul.f32 v19, v19  }
0xcf: {  	v8 =	vmul.f32 v56, v56;
	v6 =	vmul.f32 v55, v16;
	[tilespmem:s12+$0x1A00] =	vst v5;
	v57 =	vpop (erf)  }
0xd0: {  	v9 =	vmul.f32 v9, v9;
	[tilespmem:s12+$0x1F00] =	vst v4;
	v3 =	vmul.f32 v57, v3  }
0xd1: {  	v62 =	vmul.f32 v21, v21;
	v60 =	vmul.f32 v15, v8;
	[tilespmem:s12+$0x1F80] =	vst v6;
	v58 =	vpop (erf)  }
0xd2: {  	v59 =	vmul.f32 v7, v7;
	[tilespmem:s12+$0x1380] =	vst v3;
	v3 =	vmul.f32 v58, v9;
	v61 =	vpop (erf)  }
0xd3: {  	[tilespmem:s12+$0x2000] =	vst v60;
	v63 =	vpop (erf);
	v4 =	vmul.f32 v61, v62  }
0xd4: {  	[tilespmem:s12+$0x1880] =	vst v3;
	v5 =	vmul.f32 v63, v59  }
0xd5: {  	[tilespmem:s12+$0x1280] =	vst v4  }
0xd6: {  	[tilespmem:s12+$0x1D80] =	vst v5  }
.LBB2_17:
0xd7: {  	s4 =	sadd.s32 s5, s18;
	p0 =	seq.s32 s13, $0x1F  }
0xd8: {  	[hbm4b:s4+s19] =	stream.strided.scatter [tilespmem:s28], [sflag:$0x3], $0x1000, s20, s19, $0x38;
	[tilespmem:$0x9A00] =	vst v63  }
0xd9: {  	s4 =	sadd.s32 @!p0 s14, s16;
	_ =	swait.ge [sflag:s29], $0x1000  }
0xda: {  	s12 =	simm.s32 @!p0 $0x400;
	s15 =	simm.s32 @!p0 $0x200000;
	[sflag:s29] =	ssyncset.done $0x0  }
0xdb: {  	s1 =	simm.s32 @!p0 $0x0;
	s10 =	sadd.s32 @!p0 s2, s4;
	[sflag:s29] =	ssyncadd.s32 $0xFFFFF000  }
0xdc: {  	[tilespmem:s1], [sflag:$0x1] =	stream.strided.gather @!p0 [hbm4b:s10+s12], $0x1000, s15, s12, $0x38;
	[tilespmem:$0x9A00] =	vst v63  }
0xdd: {  	s23 =	simm.s32 @!p0 $0x2000;
	s10 =	sadd.s32 @!p0 s3, s4  }
0xde: {  	[tilespmem:s23], [sflag:$0x1] =	stream.linear.gather @!p0 [hbm4b:s10+s1], $0x80, $0x38;
	[tilespmem:$0x9A00] =	vst v63  }
0xdf: {  	s4 =	sadd.s32 @!p0 s4, s11;
	s10 =	simm.s32 @!p0 $0x2080  }
0xe0: {  	[tilespmem:s10], [sflag:$0x1] =	stream.strided.gather @!p0 [hbm4b:s4+s12], $0x0, s15, s12, $0x38;
	[tilespmem:$0x9A00] =	vst v63  }
0xe1: {  	_ = 	snop  }
0xe2: {  	[tilespmem:s10], [sflag:$0x1] =	stream.linear.gather @!p0 [hbm4b:s4+s1], $0x80, $0x38;
	[tilespmem:$0x9A00] =	vst v63  }
0xe3: {  	_ =	swait.ge [sflag:s30], $0x1000  }
0xe4: {  	[sflag:s30] =	ssyncset.done $0x0  }
0xe5: {  	[sflag:s30] =	ssyncadd.s32 $0xFFFFF000  }
0xe6: {  	_ =	swait.ge [sflag:s30], $0x80  }
0xe7: {  	[sflag:s30] =	ssyncset.done $0x0  }
0xe8: {  	[sflag:s30] =	ssyncadd.s32 $0xFFFFFF80  }
0xe9: {  	_ =	swait.ge [sflag:s30], $0x80  }
0xea: {  	[sflag:s30] =	ssyncset.done $0x0  }
0xeb: {  	[sflag:s30] =	ssyncadd.s32 $0xFFFFFF80  }
0xec: {  	v3 =	vld [tilespmem:$0x4100]  }
0xed: {  	v4 =	vld [tilespmem:$0x4180]  }
0xee: {  	v5 =	vld [tilespmem:$0x4110]  }
0xef: {  	v6 =	vld [tilespmem:$0x4190]  }
0xf0: {  	v7 =	vld [tilespmem:$0x4120]  }
0xf1: {  	v8 =	vld [tilespmem:$0x41A0]  }
0xf2: {  	v9 =	vld [tilespmem:$0x4130]  }
0xf3: {  	v10 =	vld [tilespmem:$0x41B0]  }
0xf4: {  	v11 =	vld [tilespmem:$0x4140]  }
0xf5: {  	v12 =	vld [tilespmem:$0x41C0]  }
0xf6: {  	v13 =	vld [tilespmem:$0x4150]  }
0xf7: {  	v14 =	vld [tilespmem:$0x41D0]  }
0xf8: {  	v15 =	vld [tilespmem:$0x4160]  }
0xf9: {  	v16 =	vld [tilespmem:$0x41E0]  }
0xfa: {  	v63 =	vld [tilespmem:$0x41F0];
	vm0 =	vgt.f32 v3, v4;
	vm1 =	vgt.f32 v5, v6  }
0xfb: {  	v3 =	vld [tilespmem:$0x4170];
	vm10 =	vgt.f32 v7, v8;
	vm0 =	vmand vm0, vm1  }
0xfc: {  	vm11 =	vgt.f32 v9, v10;
	vm0 =	vmand vm0, vm10  }
0xfd: {  	vm12 =	vgt.f32 v11, v12;
	vm0 =	vmand vm0, vm11  }
0xfe: {  	vm13 =	vgt.f32 v13, v14;
	vm0 =	vmand vm0, vm12  }
0xff: {  	vm14 =	vgt.f32 v15, v16;
	vm0 =	vmand vm0, vm13  }
0x100: {  	vm15 =	vgt.f32 v3, v63;
	vm0 =	vmand vm0, vm14  }
0x101: {  	vm0 =	vmand vm0, vm15  }
0x102: {  	v3 =	vsel vm0, $0x3F800000, v0  }
0x103: {  	(xrf0) =	vmin.scan.msk.f32 $0xffff, v3;
	_ =	sdelay $0x5  }
0x104: {  	v3, _, _ =	vpop (xrf0)  }
0x105: {  	(v2sf) =	vpush v3, $0xF;
	_ =	sdelay $0xe  }
0x106: {  	s23 =	spop (v2sf)  }
0x107: {  	p1 =	sgt.f32 s23, $0.0e+00  }
.Ltmp4:
0x108: {  	_ = 	snop;
	(pc) =	sbr.rel @!p1 .LBB2_21-.Ltmp4, $2  }
0x109: {  	_ =	sdelay $0x2  }
0x10a: {  	s18 =	sor.u32 $0x80, s18  }
0x10b: {  	s12 =	simm.s32 $0xFFFFFF80  }
0x10c: {  	v7 =	vld [tilespmem:s12+$0x2F80]  }
0x10d: {  	v3 =	vld [tilespmem:s12+$0x2F00]  }
0x10e: {  	v4 =	vld [tilespmem:s12+$0x2E00]  }
0x10f: {  	v5 =	vld [tilespmem:s12+$0x2C80]  }
0x110: {  	v6 =	vld [tilespmem:s12+$0x2B00]  }
0x111: {  	v10 =	vld [tilespmem:s12+$0x3000]  }
0x112: {  	v14 =	vld [tilespmem:s12+$0x2880]  }
0x113: {  	v16 =	vld [tilespmem:s12+$0x2D80]  }
0x114: {  	v18 =	vld [tilespmem:s12+$0x2700];
	v8 =	vadd.f32 $1.192092900e-07, v3  }
0x115: {  	v37 =	vld [tilespmem:s12+$0x2C00];
	v11 =	vadd.f32 $1.192092900e-07, v4;
	v13 =	vadd.f32 $1.192092900e-07, v5;
	v17 =	vmax.f32 v7, $0.0e+00  }
0x116: {  	v3 =	vmax.f32 v3, $0.0e+00;
	v4 =	vmax.f32 v4, $0.0e+00;
	v5 =	vmax.f32 v5, $0.0e+00  }
0x117: {  	v42 =	vld [tilespmem:s12+$0x2280];
	v19 =	vadd.f32 $1.192092900e-07, v6;
	v21 =	vadd.f32 $1.192092900e-07, v10;
	(erf) = vrcp.f32 v8  }
0x118: {  	v20 =	vld [tilespmem:s12+$0x2680];
	v6 =	vmax.f32 v6, $0.0e+00;
	v24 =	vmax.f32 v16, $0.0e+00;
	(erf) = vrcp.f32 v11  }
0x119: {  	v26 =	vmax.f32 v18, $0.0e+00;
	v31 =	vadd.f32 $1.192092900e-07, v14;
	v14 =	vmax.f32 v14, $0.0e+00;
	v8 =	vld [tilespmem:s12+$0x2800]  }
0x11a: {  	v51 =	vadd.f32 $1.192092900e-07, v37;
	v15 =	vmul.f32 v3, v3;
	v3 =	vmul.f32 v5, v5;
	v11 =	vld [tilespmem:s12+$0x2780]  }
0x11b: {  	v5 =	vmax.f32 v10, $0.0e+00;
	(erf) = vrcp.f32 v13;
	v13 =	vmul.f32 v17, v17;
	v17 =	vld [tilespmem:s12+$0x2D00]  }
0x11c: {  	v62 =	vmax.f32 v42, $0.0e+00;
	v10 =	vmul.f32 v4, v4;
	v4 =	vmul.f32 v5, v5  }
0x11d: {  	v5 =	vmul.f32 v6, v6;
	v6 =	vadd.f32 $1.192092900e-07, v20;
	(erf) = vrcp.f32 v19  }
0x11e: {  	v27 =	vld [tilespmem:s12+$0x2A80];
	v19 =	vadd.f32 $1.192092900e-07, v16;
	(erf) = vrcp.f32 v21;
	v28 =	vadd.f32 $1.192092900e-07, v8  }
0x11f: {  	v25 =	vld [tilespmem:s12+$0x2900];
	v32 =	vmax.f32 v8, $0.0e+00;
	v23 =	vmax.f32 v11, $0.0e+00;
	v11 =	vadd.f32 $1.192092900e-07, v11  }
0x120: {  	v8 =	vmax.f32 v17, $0.0e+00;
	v16 =	vpop (erf);
	(erf) = vrcp.f32 v19;
	v19 =	vadd.f32 $1.192092900e-07, v17;
	v17 =	vld [tilespmem:s12+$0x2200]  }
0x121: {  	v35 =	vld [tilespmem:s12+$0x2400];
	v33 =	vmul.f32 v8, v8;
	v8 =	vmax.f32 v20, $0.0e+00;
	v29 =	vpop (erf);
	(erf) = vrcp.f32 v6  }
0x122: {  	v34 =	vld [tilespmem:s12+$0x2180];
	v6 =	vadd.f32 $1.192092900e-07, v18;
	v10 =	vmul.f32 v29, v10;
	(erf) = vrcp.f32 v19  }
0x123: {  	v30 =	vld [tilespmem:s12+$0x2580];
	v20 =	vmul.f32 v8, v8;
	v8 =	vadd.f32 $1.192092900e-07, v27;
	(erf) = vrcp.f32 v11  }
0x124: {  	v38 =	vmul.f32 v14, v14;
	v21 =	vld [tilespmem:s12+$0x2500];
	[tilespmem:s12+$0x3E00] =	vst v10;
	v10 =	vmax.f32 v25, $0.0e+00;
	(erf) = vrcp.f32 v6  }
0x125: {  	v22 =	vld [tilespmem:s12+$0x2A00];
	v36 =	vmul.f32 v10, v10;
	v10 =	vadd.f32 $1.192092900e-07, v17;
	(erf) = vrcp.f32 v8  }
0x126: {  	v14 =	vmax.f32 v35, $0.0e+00;
	v63 =	vmul.f32 v62, v62;
	v6 =	vpop (erf);
	(erf) = vrcp.f32 v28;
	v28 =	vld [tilespmem:s12+$0x2B80]  }
0x127: {  	v19 =	vmul.f32 v26, v26;
	v26 =	vmax.f32 v27, $0.0e+00;
	v27 =	vadd.f32 $1.192092900e-07, v34  }
0x128: {  	v44 =	vld [tilespmem:s12+$0x2300];
	v18 =	vmul.f32 v24, v24;
	v24 =	vadd.f32 $1.192092900e-07, v30;
	v8 =	vpop (erf);
	(erf) = vrcp.f32 v10  }
0x129: {  	v32 =	vmul.f32 v32, v32;
	v40 =	vmax.f32 v21, $0.0e+00;
	v10 =	vpop (erf);
	(erf) = vrcp.f32 v27  }
0x12a: {  	v11 =	vmax.f32 v22, $0.0e+00;
	v22 =	vadd.f32 $1.192092900e-07, v22;
	v39 =	vpop (erf);
	(erf) = vrcp.f32 v24  }
0x12b: {  	v29 =	vld [tilespmem:s12+$0x2600];
	v27 =	vmul.f32 v14, v14;
	v14 =	vpop (erf);
	(erf) = vrcp.f32 v31;
	v31 =	vadd.f32 $1.192092900e-07, v28  }
0x12c: {  	v21 =	vadd.f32 $1.192092900e-07, v21;
	v24 =	vmul.f32 v26, v26;
	v26 =	vpop (erf);
	(erf) = vrcp.f32 v22  }
0x12d: {  	v54 =	vadd.f32 $1.192092900e-07, v44;
	v43 =	vpop (erf);
	v26 =	vmul.f32 v26, v33;
	(erf) = vrcp.f32 v31  }
0x12e: {  	v46 =	vadd.f32 $1.192092900e-07, v42;
	v23 =	vmul.f32 v23, v23;
	v40 =	vmul.f32 v40, v40;
	v22 =	vpop (erf)  }
0x12f: {  	v34 =	vmax.f32 v34, $0.0e+00;
	v20 =	vmul.f32 v14, v20;
	(erf) = vrcp.f32 v51;
	v31 =	vpop (erf)  }
0x130: {  	v25 =	vadd.f32 $1.192092900e-07, v25;
	v45 =	vadd.f32 $1.192092900e-07, v29;
	(erf) = vrcp.f32 v21;
	v21 =	vpop (erf)  }
0x131: {  	v55 =	vmax.f32 v37, $0.0e+00;
	v34 =	vmul.f32 v34, v34;
	v11 =	vmul.f32 v11, v11;
	[tilespmem:s12+$0x3D00] =	vst v26;
	v26 =	vpop (erf)  }
0x132: {  	v35 =	vadd.f32 $1.192092900e-07, v35;
	v18 =	vmul.f32 v39, v18;
	(erf) = vrcp.f32 v45;
	v53 =	vpop (erf)  }
0x133: {  	v17 =	vmax.f32 v17, $0.0e+00;
	[tilespmem:s12+$0x3680] =	vst v20;
	v24 =	vmul.f32 v31, v24;
	(erf) = vrcp.f32 v25;
	v20 =	vpop (erf)  }
0x134: {  	v28 =	vmax.f32 v28, $0.0e+00;
	v31 =	vmul.f32 v17, v17;
	v17 =	vld [tilespmem:s12+$0x3100];
	(erf) = vrcp.f32 v54;
	v25 =	vpop (erf)  }
0x135: {  	v14 =	vmax.f32 v30, $0.0e+00;
	v30 =	vld [tilespmem:s12+$0x3080];
	v28 =	vmul.f32 v28, v28;
	(erf) = vrcp.f32 v46;
	v56 =	vpop (erf)  }
0x136: {  	v9 =	vld [tilespmem:s12+$0x2E80];
	v7 =	vadd.f32 $1.192092900e-07, v7;
	v23 =	vmul.f32 v43, v23;
	(erf) = vrcp.f32 v35;
	v57 =	vpop (erf)  }
0x137: {  	v29 =	vmax.f32 v29, $0.0e+00;
	v21 =	vmul.f32 v21, v32;
	v28 =	vmul.f32 v57, v28  }
0x138: {  	v41 =	vld [tilespmem:s12+$0x2480];
	[tilespmem:s12+$0x3A80] =	vst v24;
	v24 =	vmax.f32 v44, $0.0e+00;
	v32 =	vmul.f32 v53, v34;
	v34 =	vmul.f32 v55, v55  }
0x139: {  	v12 =	vld [tilespmem:s12+$0x2980];
	[tilespmem:s12+$0x3800] =	vst v21;
	v21 =	vmul.f32 v29, v29;
	v29 =	vadd.f32 $1.192092900e-07, v17;
	(erf) = vrcp.f32 v7;
	v58 =	vpop (erf)  }
0x13a: {  	[tilespmem:s12+$0x3780] =	vst v23;
	v61 =	vadd.f32 $1.192092900e-07, v30;
	v24 =	vmul.f32 v24, v24;
	v37 =	vmul.f32 v56, v11;
	v59 =	vpop (erf)  }
0x13b: {  	v52 =	vld [tilespmem:s12+$0x2380];
	v7 =	vmax.f32 v9, $0.0e+00;
	(erf) = vrcp.f32 v29;
	v34 =	vmul.f32 v58, v34;
	[tilespmem:s12+$0x3B80] =	vst v28;
	v28 =	vpop (erf)  }
0x13c: {  	[tilespmem:s12+$0x3180] =	vst v32;
	v11 =	vadd.f32 $1.192092900e-07, v9;
	v29 =	vmul.f32 v28, v21;
	v21 =	vmul.f32 v25, v38;
	v25 =	vpop (erf)  }
0x13d: {  	[tilespmem:s12+$0x3A00] =	vst v37;
	(erf) = vrcp.f32 v61;
	v28 =	vmul.f32 v26, v31;
	v31 =	vadd.f32 $1.192092900e-07, v41;
	v26 =	vpop (erf)  }
0x13e: {  	v9 =	vmax.f32 v12, $0.0e+00;
	v60 =	vmul.f32 v59, v40;
	[tilespmem:s12+$0x3C00] =	vst v34;
	v26 =	vmul.f32 v26, v24;
	v24 =	vpop (erf)  }
0x13f: {  	[tilespmem:s12+$0x3880] =	vst v21;
	v21 =	vmul.f32 v25, v36;
	v25 =	vadd.f32 $1.192092900e-07, v12;
	(erf) = vrcp.f32 v31;
	v12 =	vpop (erf)  }
0x140: {  	[tilespmem:s12+$0x3500] =	vst v60;
	v27 =	vmul.f32 v12, v27;
	v12 =	vmul.f32 v16, v15;
	v15 =	vadd.f32 $1.192092900e-07, v52  }
0x141: {  	v14 =	vmul.f32 v14, v14;
	[tilespmem:s12+$0x3200] =	vst v28;
	v24 =	vmul.f32 v24, v63  }
0x142: {  	v22 =	vmul.f32 v22, v19;
	(erf) = vrcp.f32 v25;
	v16 =	vpop (erf);
	[tilespmem:s12+$0x3900] =	vst v21  }
0x143: {  	v19 =	vmax.f32 v41, $0.0e+00;
	v28 =	vmax.f32 v30, $0.0e+00;
	[tilespmem:s12+$0x3280] =	vst v24;
	v25 =	vmul.f32 v16, v13  }
0x144: {  	s15 =	simm.s32 $0xFFFFFE40;
	v21 =	vmax.f32 v52, $0.0e+00;
	v16 =	vmul.f32 v28, v28;
	[tilespmem:s12+$0x3400] =	vst v27;
	(erf) = vrcp.f32 v15;
	v15 =	vpop (erf)  }
.LBB2_19:
0x145: {  	s10 =	sshra.s32 s15, $0x2;
	p1 =	seq.s32 s15, $0xFFFFFFC0;
	s15 =	sadd.s32 $0x40, s15;
	[tilespmem:s12+$0x3600] =	vst v29;
	v5 =	vmul.f32 v8, v5;
	v3 =	vmul.f32 v6, v3  }
0x146: {  	v4 =	vmul.f32 v10, v4;
	v13 =	vld [tilespmem:s10+$0x2F80];
	[tilespmem:s12+$0x3F80] =	vst v25;
	(erf) = vrcp.f32 v11;
	v6 =	vpop (erf)  }
0x147: {  	v10 =	vmul.f32 v19, v19;
	v8 =	vld [tilespmem:s10+$0x2F00];
	[tilespmem:s12+$0x3700] =	vst v22;
	v6 =	vmul.f32 v6, v16  }
0x148: {  	v14 =	vmul.f32 v20, v14;
	v11 =	vld [tilespmem:s10+$0x2E00];
	[tilespmem:s12+$0x3D80] =	vst v18  }
0x149: {  	v18 =	vmul.f32 v7, v7;
	v16 =	vld [tilespmem:s10+$0x2C80];
	[tilespmem:s12+$0x3F00] =	vst v12;
	v7 =	vpop (erf)  }
0x14a: {  	v25 =	vmul.f32 v9, v9;
	v9 =	vmax.f32 v17, $0.0e+00;
	v12 =	vld [tilespmem:s10+$0x2980];
	v10 =	vmul.f32 v7, v10;
	[tilespmem:s12+$0x3580] =	vst v14  }
0x14b: {  	v19 =	vmul.f32 v21, v21;
	v9 =	vmul.f32 v9, v9;
	v14 =	vld [tilespmem:s10+$0x2E80];
	v17 =	vmax.f32 v13, $0.0e+00;
	[tilespmem:s12+$0x3300] =	vst v26;
	v20 =	vpop (erf)  }
0x14c: {  	v21 =	vld [tilespmem:s10+$0x2B00];
	v22 =	vmax.f32 v8, $0.0e+00;
	v8 =	vadd.f32 $1.192092900e-07, v8;
	v20 =	vmul.f32 v20, v25;
	[tilespmem:s12+$0x3C80] =	vst v3  }
0x14d: {  	v23 =	vmax.f32 v11, $0.0e+00;
	v3 =	vadd.f32 $1.192092900e-07, v11;
	v24 =	vld [tilespmem:s10+$0x3000];
	[tilespmem:s12+$0x3B00] =	vst v5;
	v5 =	vmul.f32 v15, v9;
	v7 =	vpop (erf)  }
0x14e: {  	v27 =	vld [tilespmem:s10+$0x2880];
	v25 =	vmax.f32 v16, $0.0e+00;
	v9 =	vadd.f32 $1.192092900e-07, v16;
	(erf) = vrcp.f32 v8;
	[tilespmem:s12+$0x4000] =	vst v4  }
0x14f: {  	v8 =	vld [tilespmem:s10+$0x2800];
	(erf) = vrcp.f32 v3;
	v3 =	vmul.f32 v7, v19;
	[tilespmem:s12+$0x4080] =	vst v6;
	v4 =	vpop (erf)  }
0x150: {  	v6 =	vld [tilespmem:s10+$0x2780];
	v7 =	vmax.f32 v14, $0.0e+00;
	(erf) = vrcp.f32 v9;
	v4 =	vmul.f32 v4, v18;
	[tilespmem:s12+$0x4100] =	vst v5  }
0x151: {  	v11 =	vadd.f32 $1.192092900e-07, v14;
	v5 =	vmax.f32 v21, $0.0e+00;
	v18 =	vadd.f32 $1.192092900e-07, v21;
	v19 =	vld [tilespmem:s10+$0x2D80];
	[tilespmem:s12+$0x3480] =	vst v10  }
0x152: {  	v16 =	vmul.f32 v22, v22;
	v9 =	vmax.f32 v12, $0.0e+00;
	v10 =	vld [tilespmem:s10+$0x2700];
	v14 =	vadd.f32 $1.192092900e-07, v24;
	[tilespmem:s12+$0x3E80] =	vst v4  }
0x153: {  	v15 =	vmul.f32 v17, v17;
	v4 =	vmax.f32 v24, $0.0e+00;
	v21 =	vld [tilespmem:s10+$0x2680];
	(erf) = vrcp.f32 v18;
	[tilespmem:s12+$0x3380] =	vst v3  }
0x154: {  	v3 =	vmul.f32 v25, v25;
	v17 =	vld [tilespmem:s10+$0x2D00];
	(erf) = vrcp.f32 v14;
	[tilespmem:s12+$0x3980] =	vst v20;
	s12 =	smov.u32 s10  }
0x155: {  	v4 =	vmul.f32 v4, v4;
	v20 =	vmul.f32 v23, v23;
	v14 =	vld [tilespmem:s12+$0x2A00]  }
0x156: {  	v24 =	vmax.f32 v6, $0.0e+00;
	v29 =	vld [tilespmem:s12+$0x2500];
	v23 =	vmax.f32 v19, $0.0e+00;
	v19 =	vadd.f32 $1.192092900e-07, v19  }
0x157: {  	v5 =	vmul.f32 v5, v5;
	v25 =	vadd.f32 $1.192092900e-07, v6;
	v22 =	vmax.f32 v10, $0.0e+00;
	v30 =	vld [tilespmem:s12+$0x2900];
	v18 =	vpop (erf)  }
0x158: {  	v28 =	vadd.f32 $1.192092900e-07, v8;
	v26 =	vadd.f32 $1.192092900e-07, v21;
	v31 =	vld [tilespmem:s12+$0x2A80];
	(erf) = vrcp.f32 v19;
	v6 =	vpop (erf)  }
0x159: {  	v33 =	vadd.f32 $1.192092900e-07, v27;
	v32 =	vld [tilespmem:s12+$0x2580];
	v19 =	vadd.f32 $1.192092900e-07, v17;
	v20 =	vmul.f32 v6, v20;
	v6 =	vpop (erf)  }
0x15a: {  	v35 =	vmax.f32 v8, $0.0e+00;
	v38 =	vmax.f32 v17, $0.0e+00;
	v34 =	vld [tilespmem:s12+$0x2600];
	(erf) = vrcp.f32 v26  }
0x15b: {  	v36 =	vadd.f32 $1.192092900e-07, v10;
	v37 =	vmul.f32 v38, v38;
	v17 =	vld [tilespmem:s12+$0x2200];
	[tilespmem:s12+$0x3E00] =	vst v20;
	(erf) = vrcp.f32 v19  }
0x15c: {  	v22 =	vmul.f32 v22, v22;
	v26 =	vmax.f32 v21, $0.0e+00;
	v19 =	vld [tilespmem:s12+$0x2180];
	v20 =	vmax.f32 v30, $0.0e+00;
	v8 =	vpop (erf)  }
0x15d: {  	v21 =	vmul.f32 v26, v26;
	v38 =	vld [tilespmem:s12+$0x2400];
	v39 =	vmax.f32 v31, $0.0e+00;
	(erf) = vrcp.f32 v25;
	v10 =	vpop (erf)  }
0x15e: {  	v25 =	vmul.f32 v20, v20;
	v20 =	vmax.f32 v14, $0.0e+00;
	v31 =	vadd.f32 $1.192092900e-07, v31;
	v26 =	vld [tilespmem:s12+$0x2480]  }
0x15f: {  	v23 =	vmul.f32 v23, v23;
	v40 =	vld [tilespmem:s12+$0x2280];
	(erf) = vrcp.f32 v36  }
0x160: {  	v41 =	vadd.f32 $1.192092900e-07, v32;
	v36 =	vadd.f32 $1.192092900e-07, v17;
	v42 =	vld [tilespmem:s12+$0x3080];
	(erf) = vrcp.f32 v31  }
0x161: {  	v43 =	vmul.f32 v24, v24;
	v49 =	vadd.f32 $1.192092900e-07, v19;
	(erf) = vrcp.f32 v28;
	v24 =	vpop (erf)  }
0x162: {  	v27 =	vmax.f32 v27, $0.0e+00;
	v35 =	vmul.f32 v35, v35;
	v44 =	vld [tilespmem:s12+$0x2B80];
	(erf) = vrcp.f32 v36  }
0x163: {  	v45 =	vmul.f32 v27, v27;
	v36 =	vmax.f32 v19, $0.0e+00;
	v19 =	vmax.f32 v26, $0.0e+00;
	v46 =	vld [tilespmem:s12+$0x2C00];
	v47 =	vpop (erf)  }
0x164: {  	v48 =	vmax.f32 v29, $0.0e+00;
	v28 =	vmax.f32 v38, $0.0e+00;
	v27 =	vld [tilespmem:s12+$0x2380];
	(erf) = vrcp.f32 v49;
	v31 =	vpop (erf)  }
0x165: {  	v49 =	vmul.f32 v28, v28;
	v28 =	vmax.f32 v42, $0.0e+00;
	(erf) = vrcp.f32 v41  }
0x166: {  	v14 =	vadd.f32 $1.192092900e-07, v14;
	v39 =	vmul.f32 v39, v39;
	v41 =	vpop (erf);
	(erf) = vrcp.f32 v33  }
0x167: {  	v29 =	vadd.f32 $1.192092900e-07, v29;
	v52 =	vmul.f32 v31, v37;
	v53 =	vadd.f32 $1.192092900e-07, v44  }
0x168: {  	v54 =	vmul.f32 v47, v21;
	v47 =	vadd.f32 $1.192092900e-07, v46;
	v50 =	vpop (erf);
	(erf) = vrcp.f32 v14  }
0x169: {  	v14 =	vmax.f32 v32, $0.0e+00;
	v51 =	vld [tilespmem:s12+$0x2300];
	v21 =	vmax.f32 v27, $0.0e+00;
	[tilespmem:s12+$0x3D00] =	vst v52;
	v31 =	vpop (erf);
	(erf) = vrcp.f32 v53  }
0x16a: {  	v32 =	vadd.f32 $1.192092900e-07, v34;
	v14 =	vmul.f32 v14, v14;
	[tilespmem:s12+$0x3680] =	vst v54;
	v33 =	vpop (erf);
	(erf) = vrcp.f32 v47  }
0x16b: {  	v34 =	vmax.f32 v34, $0.0e+00;
	v31 =	vmul.f32 v31, v39;
	v37 =	vpop (erf);
	(erf) = vrcp.f32 v29  }
0x16c: {  	v17 =	vmax.f32 v17, $0.0e+00;
	v29 =	vmul.f32 v20, v20;
	(erf) = vrcp.f32 v32  }
0x16d: {  	v30 =	vadd.f32 $1.192092900e-07, v30;
	v52 =	vmul.f32 v33, v35;
	v32 =	vmul.f32 v17, v17;
	v35 =	vpop (erf)  }
0x16e: {  	v38 =	vadd.f32 $1.192092900e-07, v38;
	v53 =	vmul.f32 v36, v36;
	v39 =	vadd.f32 $1.192092900e-07, v51;
	v17 =	vld [tilespmem:s12+$0x3100];
	v20 =	vpop (erf)  }
0x16f: {  	v48 =	vmul.f32 v48, v48;
	v47 =	vadd.f32 $1.192092900e-07, v40;
	[tilespmem:s12+$0x3800] =	vst v52;
	v33 =	vpop (erf);
	(erf) = vrcp.f32 v30  }
0x170: {  	v44 =	vmax.f32 v44, $0.0e+00;
	v30 =	vmul.f32 v35, v53;
	(erf) = vrcp.f32 v39  }
0x171: {  	v39 =	vmax.f32 v46, $0.0e+00;
	[tilespmem:s12+$0x3A80] =	vst v31;
	v31 =	vmul.f32 v44, v44;
	(erf) = vrcp.f32 v47;
	v36 =	vpop (erf)  }
0x172: {  	v13 =	vadd.f32 $1.192092900e-07, v13;
	[tilespmem:s12+$0x3180] =	vst v30;
	v30 =	vmul.f32 v39, v39;
	(erf) = vrcp.f32 v38;
	v35 =	vpop (erf)  }
0x173: {  	v34 =	vmul.f32 v34, v34;
	v31 =	vmul.f32 v35, v31;
	v35 =	vadd.f32 $1.192092900e-07, v17;
	v38 =	vpop (erf)  }
0x174: {  	v44 =	vmax.f32 v51, $0.0e+00;
	v30 =	vmul.f32 v38, v30;
	v38 =	vpop (erf);
	(erf) = vrcp.f32 v13  }
0x175: {  	v13 =	vmul.f32 v44, v44;
	v38 =	vmul.f32 v38, v48;
	[tilespmem:s12+$0x3B80] =	vst v31;
	v31 =	vadd.f32 $1.192092900e-07, v42;
	v39 =	vpop (erf)  }
0x176: {  	v40 =	vmax.f32 v40, $0.0e+00;
	v36 =	vmul.f32 v36, v29;
	[tilespmem:s12+$0x3C00] =	vst v30;
	(erf) = vrcp.f32 v35  }
0x177: {  	v30 =	vmul.f32 v40, v40;
	v29 =	vmul.f32 v39, v34  }
0x178: {  	v33 =	vmul.f32 v33, v45;
	[tilespmem:s12+$0x3A00] =	vst v36;
	v34 =	vpop (erf);
	(erf) = vrcp.f32 v31  }
0x179: {  	v35 =	vmul.f32 v41, v43;
	v31 =	vmul.f32 v37, v32;
	v32 =	vadd.f32 $1.192092900e-07, v26;
	[tilespmem:s12+$0x3500] =	vst v38;
	v26 =	vpop (erf)  }
0x17a: {  	v26 =	vmul.f32 v26, v13;
	[tilespmem:s12+$0x3880] =	vst v33;
	v13 =	vmul.f32 v34, v25;
	v25 =	vpop (erf)  }
.Ltmp5:
0x17b: {  	[tilespmem:s12+$0x3200] =	vst v31;
	v25 =	vmul.f32 v25, v30;
	v30 =	vadd.f32 $1.192092900e-07, v12;
	v12 =	vpop (erf);
	(erf) = vrcp.f32 v32;
	(pc) =	sbr.rel @!p1 .LBB2_19-.Ltmp5, $4  }
0x17c: {  	v31 =	vmul.f32 v12, v49;
	[tilespmem:s12+$0x3780] =	vst v35;
	v12 =	vmul.f32 v18, v16  }
0x17d: {  	v27 =	vadd.f32 $1.192092900e-07, v27;
	v22 =	vmul.f32 v50, v22;
	[tilespmem:s12+$0x3280] =	vst v25;
	(erf) = vrcp.f32 v30;
	v16 =	vpop (erf)  }
0x17e: {  	[tilespmem:s12+$0x3900] =	vst v13;
	v25 =	vmul.f32 v16, v15;
	v16 =	vmul.f32 v28, v28  }
0x17f: {  	v18 =	vmul.f32 v24, v23;
	[tilespmem:s12+$0x3400] =	vst v31;
	(erf) = vrcp.f32 v27;
	v15 =	vpop (erf)  }
0x180: {  	[tilespmem:s12+$0x3600] =	vst v29  }
0x181: {  	[tilespmem:s12+$0x3F80] =	vst v25  }
0x182: {  	[tilespmem:s12+$0x3700] =	vst v22  }
0x183: {  	(erf) = vrcp.f32 v11;
	[tilespmem:s12+$0x3F00] =	vst v12  }
0x184: {  	v54 =	vmul.f32 v20, v14;
	[tilespmem:s12+$0x3300] =	vst v26  }
0x185: {  	v3 =	vmul.f32 v6, v3;
	[tilespmem:s12+$0x3D80] =	vst v18  }
0x186: {  	v5 =	vmul.f32 v8, v5;
	[tilespmem:s12+$0x3580] =	vst v54  }
0x187: {  	v56 =	vmax.f32 v17, $0.0e+00;
	v4 =	vmul.f32 v10, v4;
	v55 =	vpop (erf);
	[tilespmem:s12+$0x3C80] =	vst v3;
	v3 =	vmul.f32 v19, v19  }
0x188: {  	v8 =	vmul.f32 v56, v56;
	v6 =	vmul.f32 v55, v16;
	[tilespmem:s12+$0x3B00] =	vst v5;
	v57 =	vpop (erf)  }
0x189: {  	v9 =	vmul.f32 v9, v9;
	[tilespmem:s12+$0x4000] =	vst v4;
	v3 =	vmul.f32 v57, v3  }
0x18a: {  	v62 =	vmul.f32 v21, v21;
	v60 =	vmul.f32 v15, v8;
	[tilespmem:s12+$0x4080] =	vst v6;
	v58 =	vpop (erf)  }
0x18b: {  	v59 =	vmul.f32 v7, v7;
	[tilespmem:s12+$0x3480] =	vst v3;
	v3 =	vmul.f32 v58, v9;
	v61 =	vpop (erf)  }
0x18c: {  	[tilespmem:s12+$0x4100] =	vst v60;
	v63 =	vpop (erf);
	v4 =	vmul.f32 v61, v62  }
0x18d: {  	[tilespmem:s12+$0x3980] =	vst v3;
	v5 =	vmul.f32 v63, v59  }
0x18e: {  	[tilespmem:s12+$0x3380] =	vst v4  }
0x18f: {  	[tilespmem:s12+$0x3E80] =	vst v5  }
.LBB2_32:
.Ltmp6:
0x190: {  	s1 =	sadd.s32 s5, s18;
	(pc) =	sbr.rel @p0 .LBB2_34-.Ltmp6, $4  }
0x191: {  	[hbm4b:s1+s19] =	stream.strided.scatter [tilespmem:s31], [sflag:$0x3], $0x1000, s20, s19, $0x38;
	[tilespmem:$0x9A00] =	vst v63  }
0x192: {  	_ =	swait.ge [sflag:s29], $0x1000  }
0x193: {  	[sflag:s29] =	ssyncset.done $0x0  }
0x194: {  	[sflag:s29] =	ssyncadd.s32 $0xFFFFF000  }
0x195: {  	s1 =	sadd.s32 s14, s17  }
0x196: {  	s10 =	simm.s32 $0x2100;
	s4 =	sadd.s32 s2, s1  }
0x197: {  	[tilespmem:s10], [sflag:$0x2] =	stream.strided.gather [hbm4b:s4+s19], $0x1000, s20, s19, $0x38;
	[tilespmem:$0x9A00] =	vst v63  }
0x198: {  	s23 =	simm.s32 $0x4100;
	s18 =	sadd.s32 s3, s1  }
0x199: {  	[tilespmem:s23], [sflag:$0x2] =	stream.linear.gather [hbm4b:s18+s7], $0x80, $0x38;
	[tilespmem:$0x9A00] =	vst v63  }
.Ltmp7:
0x19a: {  	_ = 	snop;
	(pc) =	sbr.rel .LBB2_2-.Ltmp7, $4  }
0x19b: {  	s1 =	sadd.s32 s1, s11  }
0x19c: {  	[tilespmem:s25], [sflag:$0x2] =	stream.strided.gather [hbm4b:s1+s19], $0x0, s20, s19, $0x38;
	[tilespmem:$0x9A00] =	vst v63  }
0x19d: {  	s13 =	sadd.s32 $0x1, s13  }
0x19e: {  	[tilespmem:s25], [sflag:$0x2] =	stream.linear.gather [hbm4b:s1+s7], $0x80, $0x38;
	[tilespmem:$0x9A00] =	vst v63  }
.LBB2_6:
0x19f: {  	s10 =	sadd.s32 s24, s18  }
0x1a0: {  	[tilespmem:s0], [sflag:$0x3] =	stream.strided.gather [hbm4b:s10+s19], $0x1000, s20, s19, $0x38;
	[tilespmem:$0x9A00] =	vst v63  }
0x1a1: {  	s12 =	simm.s32 $0x0;
	s10 =	sadd.s32 $0x100000, s10  }
0x1a2: {  	[tilespmem:s6], [sflag:$0x3] =	stream.linear.gather [hbm4b:s10+s12], $0x80, $0x38;
	[tilespmem:$0x9A00] =	vst v63  }
0x1a3: {  	_ =	swait.ge [sflag:s29], $0x1080  }
0x1a4: {  	[sflag:s29] =	ssyncset.done $0x0  }
0x1a5: {  	s15 =	sadd.s32 s3, s18;
	[sflag:s29] =	ssyncadd.s32 $0xFFFFEF80  }
0x1a6: {  	[tilespmem:s21], [sflag:$0x3] =	stream.strided.gather [hbm4b:s15+s19], $0x2000, s20, s19, $0x38;
	[tilespmem:$0x9A00] =	vst v63  }
0x1a7: {  	s10 =	sadd.s32 $0x200000, s15  }
0x1a8: {  	[tilespmem:s22], [sflag:$0x3] =	stream.linear.gather [hbm4b:s10+s12], $0x80, $0x38;
	[tilespmem:$0x9A00] =	vst v63  }
0x1a9: {  	_ =	swait.ge [sflag:s29], $0x2080  }
0x1aa: {  	[sflag:s29] =	ssyncset.done $0x0  }
0x1ab: {  	[sflag:s29] =	ssyncadd.s32 $0xFFFFDF80  }
0x1ac: {  	s1 =	rddreg [dreg:$0x3]  }
.Ltmp8:
0x1ad: {  	s23 =	sadd.s32 s1, s18;
	(pc) =	sbr.rel .LBB2_7-.Ltmp8, $4  }
0x1ae: {  	[tilespmem:s9], [sflag:$0x3] =	stream.strided.gather [hbm4b:s23+s19], $0x2000, s20, s19, $0x38;
	[tilespmem:$0x9A00] =	vst v63  }
0x1af: {  	_ =	swait.ge [sflag:s29], $0x2000  }
0x1b0: {  	[sflag:s29] =	ssyncset.done $0x0  }
0x1b1: {  	[sflag:s29] =	ssyncadd.s32 $0xFFFFE000  }
.LBB2_8:
0x1b2: {  	v3 =	vld [tilespmem:s15+$0x0];
	_ =	sdelay $0x4  }
0x1b3: {  	v4 =	vadd.f32 $1.192092900e-07, v3;
	_ =	sdelay $0x1  }
0x1b4: {  	(erf) = vrcp.f32 v4;
	_ =	sdelay $0x6  }
0x1b5: {  	v3 =	vmax.f32 v3, $0.0e+00  }
0x1b6: {  	v3 =	vmul.f32 v3, v3  }
0x1b7: {  	v4 =	vpop (erf)  }
0x1b8: {  	v3 =	vmul.f32 v4, v3;
	_ =	sdelay $0x1  }
0x1b9: {  	s10 =	sor.u32 $0x80, s15;
	[tilespmem:s15+$0x1000] =	vst v3  }
0x1ba: {  	v3 =	vld [tilespmem:s10+$0x0];
	_ =	sdelay $0x4  }
0x1bb: {  	v33 =	vadd.f32 $1.192092900e-07, v3;
	_ =	sdelay $0x1  }
0x1bc: {  	(erf) = vrcp.f32 v33;
	_ =	sdelay $0x6  }
0x1bd: {  	v3 =	vmax.f32 v3, $0.0e+00  }
0x1be: {  	v3 =	vmul.f32 v3, v3  }
0x1bf: {  	v4 =	vpop (erf)  }
0x1c0: {  	v3 =	vmul.f32 v4, v3;
	_ =	sdelay $0x1  }
0x1c1: {  	s1 =	sor.u32 $0x100, s15;
	[tilespmem:s15+$0x1080] =	vst v3  }
0x1c2: {  	v3 =	vld [tilespmem:s1+$0x0];
	_ =	sdelay $0x4  }
0x1c3: {  	v34 =	vadd.f32 $1.192092900e-07, v3;
	_ =	sdelay $0x1  }
0x1c4: {  	(erf) = vrcp.f32 v34;
	_ =	sdelay $0x6  }
0x1c5: {  	v3 =	vmax.f32 v3, $0.0e+00  }
0x1c6: {  	v3 =	vmul.f32 v3, v3  }
0x1c7: {  	v4 =	vpop (erf)  }
0x1c8: {  	v3 =	vmul.f32 v4, v3;
	_ =	sdelay $0x1  }
0x1c9: {  	s4 =	sor.u32 $0x180, s15;
	[tilespmem:s15+$0x1100] =	vst v3  }
0x1ca: {  	v3 =	vld [tilespmem:s4+$0x0];
	_ =	sdelay $0x4  }
0x1cb: {  	v35 =	vadd.f32 $1.192092900e-07, v3;
	_ =	sdelay $0x1  }
0x1cc: {  	(erf) = vrcp.f32 v35;
	_ =	sdelay $0x6  }
0x1cd: {  	v3 =	vmax.f32 v3, $0.0e+00  }
0x1ce: {  	v3 =	vmul.f32 v3, v3  }
0x1cf: {  	v4 =	vpop (erf)  }
0x1d0: {  	v3 =	vmul.f32 v4, v3;
	_ =	sdelay $0x1  }
0x1d1: {  	s23 =	sor.u32 $0x200, s15;
	[tilespmem:s15+$0x1180] =	vst v3  }
0x1d2: {  	v3 =	vld [tilespmem:s23+$0x0];
	_ =	sdelay $0x4  }
0x1d3: {  	v36 =	vadd.f32 $1.192092900e-07, v3;
	_ =	sdelay $0x1  }
0x1d4: {  	(erf) = vrcp.f32 v36;
	_ =	sdelay $0x6  }
0x1d5: {  	v3 =	vmax.f32 v3, $0.0e+00  }
0x1d6: {  	v3 =	vmul.f32 v3, v3  }
0x1d7: {  	v4 =	vpop (erf)  }
0x1d8: {  	v3 =	vmul.f32 v4, v3;
	_ =	sdelay $0x1  }
0x1d9: {  	s1 =	sor.u32 $0x280, s15;
	[tilespmem:s15+$0x1200] =	vst v3  }
0x1da: {  	v3 =	vld [tilespmem:s1+$0x0];
	_ =	sdelay $0x4  }
0x1db: {  	v37 =	vadd.f32 $1.192092900e-07, v3;
	_ =	sdelay $0x1  }
0x1dc: {  	(erf) = vrcp.f32 v37;
	_ =	sdelay $0x6  }
0x1dd: {  	v3 =	vmax.f32 v3, $0.0e+00  }
0x1de: {  	v3 =	vmul.f32 v3, v3  }
0x1df: {  	v4 =	vpop (erf)  }
0x1e0: {  	v3 =	vmul.f32 v4, v3;
	_ =	sdelay $0x1  }
0x1e1: {  	s4 =	sor.u32 $0x300, s15;
	[tilespmem:s15+$0x1280] =	vst v3  }
0x1e2: {  	v3 =	vld [tilespmem:s4+$0x0];
	_ =	sdelay $0x4  }
0x1e3: {  	v38 =	vadd.f32 $1.192092900e-07, v3;
	_ =	sdelay $0x1  }
0x1e4: {  	(erf) = vrcp.f32 v38;
	_ =	sdelay $0x6  }
0x1e5: {  	v3 =	vmax.f32 v3, $0.0e+00  }
0x1e6: {  	v3 =	vmul.f32 v3, v3  }
0x1e7: {  	v4 =	vpop (erf)  }
0x1e8: {  	v3 =	vmul.f32 v4, v3;
	_ =	sdelay $0x1  }
0x1e9: {  	s23 =	sor.u32 $0x380, s15;
	[tilespmem:s15+$0x1300] =	vst v3  }
0x1ea: {  	v3 =	vld [tilespmem:s23+$0x0];
	_ =	sdelay $0x4  }
0x1eb: {  	v39 =	vadd.f32 $1.192092900e-07, v3;
	_ =	sdelay $0x1  }
0x1ec: {  	(erf) = vrcp.f32 v39;
	_ =	sdelay $0x6  }
0x1ed: {  	v3 =	vmax.f32 v3, $0.0e+00  }
0x1ee: {  	v3 =	vmul.f32 v3, v3  }
0x1ef: {  	v4 =	vpop (erf)  }
0x1f0: {  	v3 =	vmul.f32 v4, v3;
	_ =	sdelay $0x1  }
0x1f1: {  	s1 =	sor.u32 $0x400, s15;
	[tilespmem:s15+$0x1380] =	vst v3  }
0x1f2: {  	v3 =	vld [tilespmem:s1+$0x0];
	_ =	sdelay $0x4  }
0x1f3: {  	v40 =	vadd.f32 $1.192092900e-07, v3;
	_ =	sdelay $0x1  }
0x1f4: {  	(erf) = vrcp.f32 v40;
	_ =	sdelay $0x6  }
0x1f5: {  	v3 =	vmax.f32 v3, $0.0e+00  }
0x1f6: {  	v3 =	vmul.f32 v3, v3  }
0x1f7: {  	v4 =	vpop (erf)  }
0x1f8: {  	v3 =	vmul.f32 v4, v3;
	_ =	sdelay $0x1  }
0x1f9: {  	s4 =	sor.u32 $0x480, s15;
	[tilespmem:s15+$0x1400] =	vst v3  }
0x1fa: {  	v3 =	vld [tilespmem:s4+$0x0];
	_ =	sdelay $0x4  }
0x1fb: {  	v41 =	vadd.f32 $1.192092900e-07, v3;
	_ =	sdelay $0x1  }
0x1fc: {  	(erf) = vrcp.f32 v41;
	_ =	sdelay $0x6  }
0x1fd: {  	v3 =	vmax.f32 v3, $0.0e+00  }
0x1fe: {  	v3 =	vmul.f32 v3, v3  }
0x1ff: {  	v4 =	vpop (erf)  }
0x200: {  	v3 =	vmul.f32 v4, v3;
	_ =	sdelay $0x1  }
0x201: {  	s23 =	sor.u32 $0x500, s15;
	[tilespmem:s15+$0x1480] =	vst v3  }
0x202: {  	v3 =	vld [tilespmem:s23+$0x0];
	_ =	sdelay $0x4  }
0x203: {  	v42 =	vadd.f32 $1.192092900e-07, v3;
	_ =	sdelay $0x1  }
0x204: {  	(erf) = vrcp.f32 v42;
	_ =	sdelay $0x6  }
0x205: {  	v3 =	vmax.f32 v3, $0.0e+00  }
0x206: {  	v3 =	vmul.f32 v3, v3  }
0x207: {  	v4 =	vpop (erf)  }
0x208: {  	v3 =	vmul.f32 v4, v3;
	_ =	sdelay $0x1  }
0x209: {  	s1 =	sor.u32 $0x580, s15;
	[tilespmem:s15+$0x1500] =	vst v3  }
0x20a: {  	v3 =	vld [tilespmem:s1+$0x0];
	_ =	sdelay $0x4  }
0x20b: {  	v43 =	vadd.f32 $1.192092900e-07, v3;
	_ =	sdelay $0x1  }
0x20c: {  	(erf) = vrcp.f32 v43;
	_ =	sdelay $0x6  }
0x20d: {  	v3 =	vmax.f32 v3, $0.0e+00  }
0x20e: {  	v3 =	vmul.f32 v3, v3  }
0x20f: {  	v4 =	vpop (erf)  }
0x210: {  	v3 =	vmul.f32 v4, v3;
	_ =	sdelay $0x1  }
0x211: {  	s4 =	sor.u32 $0x600, s15;
	[tilespmem:s15+$0x1580] =	vst v3  }
0x212: {  	v3 =	vld [tilespmem:s4+$0x0];
	_ =	sdelay $0x4  }
0x213: {  	v44 =	vadd.f32 $1.192092900e-07, v3;
	_ =	sdelay $0x1  }
0x214: {  	(erf) = vrcp.f32 v44;
	_ =	sdelay $0x6  }
0x215: {  	v3 =	vmax.f32 v3, $0.0e+00  }
0x216: {  	v3 =	vmul.f32 v3, v3  }
0x217: {  	v4 =	vpop (erf)  }
0x218: {  	v3 =	vmul.f32 v4, v3;
	_ =	sdelay $0x1  }
0x219: {  	s23 =	sor.u32 $0x680, s15;
	[tilespmem:s15+$0x1600] =	vst v3  }
0x21a: {  	v3 =	vld [tilespmem:s23+$0x0];
	_ =	sdelay $0x4  }
0x21b: {  	v45 =	vadd.f32 $1.192092900e-07, v3;
	_ =	sdelay $0x1  }
0x21c: {  	(erf) = vrcp.f32 v45;
	_ =	sdelay $0x6  }
0x21d: {  	v3 =	vmax.f32 v3, $0.0e+00  }
0x21e: {  	v3 =	vmul.f32 v3, v3  }
0x21f: {  	v4 =	vpop (erf)  }
0x220: {  	v3 =	vmul.f32 v4, v3;
	_ =	sdelay $0x1  }
0x221: {  	s1 =	sor.u32 $0x700, s15;
	[tilespmem:s15+$0x1680] =	vst v3  }
0x222: {  	v3 =	vld [tilespmem:s1+$0x0];
	_ =	sdelay $0x4  }
0x223: {  	v46 =	vadd.f32 $1.192092900e-07, v3;
	_ =	sdelay $0x1  }
0x224: {  	(erf) = vrcp.f32 v46;
	_ =	sdelay $0x6  }
0x225: {  	v3 =	vmax.f32 v3, $0.0e+00  }
0x226: {  	v3 =	vmul.f32 v3, v3  }
0x227: {  	v4 =	vpop (erf)  }
0x228: {  	v3 =	vmul.f32 v4, v3;
	_ =	sdelay $0x1  }
0x229: {  	s4 =	sor.u32 $0x780, s15;
	[tilespmem:s15+$0x1700] =	vst v3  }
0x22a: {  	v3 =	vld [tilespmem:s4+$0x0];
	_ =	sdelay $0x4  }
0x22b: {  	v47 =	vadd.f32 $1.192092900e-07, v3;
	_ =	sdelay $0x1  }
0x22c: {  	(erf) = vrcp.f32 v47;
	_ =	sdelay $0x6  }
0x22d: {  	v3 =	vmax.f32 v3, $0.0e+00  }
0x22e: {  	v3 =	vmul.f32 v3, v3  }
0x22f: {  	v4 =	vpop (erf)  }
0x230: {  	v3 =	vmul.f32 v4, v3;
	_ =	sdelay $0x1  }
0x231: {  	s23 =	sor.u32 $0x800, s15;
	[tilespmem:s15+$0x1780] =	vst v3  }
0x232: {  	v3 =	vld [tilespmem:s23+$0x0];
	_ =	sdelay $0x4  }
0x233: {  	v48 =	vadd.f32 $1.192092900e-07, v3;
	_ =	sdelay $0x1  }
0x234: {  	(erf) = vrcp.f32 v48;
	_ =	sdelay $0x6  }
0x235: {  	v3 =	vmax.f32 v3, $0.0e+00  }
0x236: {  	v3 =	vmul.f32 v3, v3  }
0x237: {  	v4 =	vpop (erf)  }
0x238: {  	v3 =	vmul.f32 v4, v3;
	_ =	sdelay $0x1  }
0x239: {  	s1 =	sor.u32 $0x880, s15;
	[tilespmem:s15+$0x1800] =	vst v3  }
0x23a: {  	v3 =	vld [tilespmem:s1+$0x0];
	_ =	sdelay $0x4  }
0x23b: {  	v49 =	vadd.f32 $1.192092900e-07, v3;
	_ =	sdelay $0x1  }
0x23c: {  	(erf) = vrcp.f32 v49;
	_ =	sdelay $0x6  }
0x23d: {  	v3 =	vmax.f32 v3, $0.0e+00  }
0x23e: {  	v3 =	vmul.f32 v3, v3  }
0x23f: {  	v4 =	vpop (erf)  }
0x240: {  	v3 =	vmul.f32 v4, v3;
	_ =	sdelay $0x1  }
0x241: {  	s4 =	sor.u32 $0x900, s15;
	[tilespmem:s15+$0x1880] =	vst v3  }
0x242: {  	v3 =	vld [tilespmem:s4+$0x0];
	_ =	sdelay $0x4  }
0x243: {  	v50 =	vadd.f32 $1.192092900e-07, v3;
	_ =	sdelay $0x1  }
0x244: {  	(erf) = vrcp.f32 v50;
	_ =	sdelay $0x6  }
0x245: {  	v3 =	vmax.f32 v3, $0.0e+00  }
0x246: {  	v3 =	vmul.f32 v3, v3  }
0x247: {  	v4 =	vpop (erf)  }
0x248: {  	v3 =	vmul.f32 v4, v3;
	_ =	sdelay $0x1  }
0x249: {  	s23 =	sor.u32 $0x980, s15;
	[tilespmem:s15+$0x1900] =	vst v3  }
0x24a: {  	v3 =	vld [tilespmem:s23+$0x0];
	_ =	sdelay $0x4  }
0x24b: {  	v51 =	vadd.f32 $1.192092900e-07, v3;
	_ =	sdelay $0x1  }
0x24c: {  	(erf) = vrcp.f32 v51;
	_ =	sdelay $0x6  }
0x24d: {  	v3 =	vmax.f32 v3, $0.0e+00  }
0x24e: {  	v3 =	vmul.f32 v3, v3  }
0x24f: {  	v4 =	vpop (erf)  }
0x250: {  	v3 =	vmul.f32 v4, v3;
	_ =	sdelay $0x1  }
0x251: {  	s1 =	sor.u32 $0xA00, s15;
	[tilespmem:s15+$0x1980] =	vst v3  }
0x252: {  	v3 =	vld [tilespmem:s1+$0x0];
	_ =	sdelay $0x4  }
0x253: {  	v52 =	vadd.f32 $1.192092900e-07, v3;
	_ =	sdelay $0x1  }
0x254: {  	(erf) = vrcp.f32 v52;
	_ =	sdelay $0x6  }
0x255: {  	v3 =	vmax.f32 v3, $0.0e+00  }
0x256: {  	v3 =	vmul.f32 v3, v3  }
0x257: {  	v4 =	vpop (erf)  }
0x258: {  	v3 =	vmul.f32 v4, v3;
	_ =	sdelay $0x1  }
0x259: {  	s4 =	sor.u32 $0xA80, s15;
	[tilespmem:s15+$0x1A00] =	vst v3  }
0x25a: {  	v3 =	vld [tilespmem:s4+$0x0];
	_ =	sdelay $0x4  }
0x25b: {  	v53 =	vadd.f32 $1.192092900e-07, v3;
	_ =	sdelay $0x1  }
0x25c: {  	(erf) = vrcp.f32 v53;
	_ =	sdelay $0x6  }
0x25d: {  	v3 =	vmax.f32 v3, $0.0e+00  }
0x25e: {  	v3 =	vmul.f32 v3, v3  }
0x25f: {  	v4 =	vpop (erf)  }
0x260: {  	v3 =	vmul.f32 v4, v3;
	_ =	sdelay $0x1  }
0x261: {  	s23 =	sor.u32 $0xB00, s15;
	[tilespmem:s15+$0x1A80] =	vst v3  }
0x262: {  	v3 =	vld [tilespmem:s23+$0x0];
	_ =	sdelay $0x4  }
0x263: {  	v54 =	vadd.f32 $1.192092900e-07, v3;
	_ =	sdelay $0x1  }
0x264: {  	(erf) = vrcp.f32 v54;
	_ =	sdelay $0x6  }
0x265: {  	v3 =	vmax.f32 v3, $0.0e+00  }
0x266: {  	v3 =	vmul.f32 v3, v3  }
0x267: {  	v4 =	vpop (erf)  }
0x268: {  	v3 =	vmul.f32 v4, v3;
	_ =	sdelay $0x1  }
0x269: {  	s1 =	sor.u32 $0xB80, s15;
	[tilespmem:s15+$0x1B00] =	vst v3  }
0x26a: {  	v3 =	vld [tilespmem:s1+$0x0];
	_ =	sdelay $0x4  }
0x26b: {  	v55 =	vadd.f32 $1.192092900e-07, v3;
	_ =	sdelay $0x1  }
0x26c: {  	(erf) = vrcp.f32 v55;
	_ =	sdelay $0x6  }
0x26d: {  	v3 =	vmax.f32 v3, $0.0e+00  }
0x26e: {  	v3 =	vmul.f32 v3, v3  }
0x26f: {  	v4 =	vpop (erf)  }
0x270: {  	v3 =	vmul.f32 v4, v3;
	_ =	sdelay $0x1  }
0x271: {  	s4 =	sor.u32 $0xC00, s15;
	[tilespmem:s15+$0x1B80] =	vst v3  }
0x272: {  	v3 =	vld [tilespmem:s4+$0x0];
	_ =	sdelay $0x4  }
0x273: {  	v56 =	vadd.f32 $1.192092900e-07, v3;
	_ =	sdelay $0x1  }
0x274: {  	(erf) = vrcp.f32 v56;
	_ =	sdelay $0x6  }
0x275: {  	v3 =	vmax.f32 v3, $0.0e+00  }
0x276: {  	v3 =	vmul.f32 v3, v3  }
0x277: {  	v4 =	vpop (erf)  }
0x278: {  	v3 =	vmul.f32 v4, v3;
	_ =	sdelay $0x1  }
0x279: {  	s23 =	sor.u32 $0xC80, s15;
	[tilespmem:s15+$0x1C00] =	vst v3  }
0x27a: {  	v3 =	vld [tilespmem:s23+$0x0];
	_ =	sdelay $0x4  }
0x27b: {  	v57 =	vadd.f32 $1.192092900e-07, v3;
	_ =	sdelay $0x1  }
0x27c: {  	(erf) = vrcp.f32 v57;
	_ =	sdelay $0x6  }
0x27d: {  	v3 =	vmax.f32 v3, $0.0e+00  }
0x27e: {  	v3 =	vmul.f32 v3, v3  }
0x27f: {  	v4 =	vpop (erf)  }
0x280: {  	v3 =	vmul.f32 v4, v3;
	_ =	sdelay $0x1  }
0x281: {  	s1 =	sor.u32 $0xD00, s15;
	[tilespmem:s15+$0x1C80] =	vst v3  }
0x282: {  	v3 =	vld [tilespmem:s1+$0x0];
	_ =	sdelay $0x4  }
0x283: {  	v58 =	vadd.f32 $1.192092900e-07, v3;
	_ =	sdelay $0x1  }
0x284: {  	(erf) = vrcp.f32 v58;
	_ =	sdelay $0x6  }
0x285: {  	v3 =	vmax.f32 v3, $0.0e+00  }
0x286: {  	v3 =	vmul.f32 v3, v3  }
0x287: {  	v4 =	vpop (erf)  }
0x288: {  	v3 =	vmul.f32 v4, v3;
	_ =	sdelay $0x1  }
0x289: {  	s4 =	sor.u32 $0xD80, s15;
	[tilespmem:s15+$0x1D00] =	vst v3  }
0x28a: {  	v3 =	vld [tilespmem:s4+$0x0];
	_ =	sdelay $0x4  }
0x28b: {  	v59 =	vadd.f32 $1.192092900e-07, v3;
	_ =	sdelay $0x1  }
0x28c: {  	(erf) = vrcp.f32 v59;
	_ =	sdelay $0x6  }
0x28d: {  	v3 =	vmax.f32 v3, $0.0e+00  }
0x28e: {  	v3 =	vmul.f32 v3, v3  }
0x28f: {  	v4 =	vpop (erf)  }
0x290: {  	v3 =	vmul.f32 v4, v3;
	_ =	sdelay $0x1  }
0x291: {  	s23 =	sor.u32 $0xE00, s15;
	[tilespmem:s15+$0x1D80] =	vst v3  }
0x292: {  	v3 =	vld [tilespmem:s23+$0x0];
	_ =	sdelay $0x4  }
0x293: {  	v60 =	vadd.f32 $1.192092900e-07, v3;
	_ =	sdelay $0x1  }
0x294: {  	(erf) = vrcp.f32 v60;
	_ =	sdelay $0x6  }
0x295: {  	v3 =	vmax.f32 v3, $0.0e+00  }
0x296: {  	v3 =	vmul.f32 v3, v3  }
0x297: {  	v4 =	vpop (erf)  }
0x298: {  	v3 =	vmul.f32 v4, v3;
	_ =	sdelay $0x1  }
0x299: {  	s1 =	sor.u32 $0xE80, s15;
	[tilespmem:s15+$0x1E00] =	vst v3  }
0x29a: {  	v3 =	vld [tilespmem:s1+$0x0];
	_ =	sdelay $0x4  }
0x29b: {  	v61 =	vadd.f32 $1.192092900e-07, v3;
	_ =	sdelay $0x1  }
0x29c: {  	(erf) = vrcp.f32 v61;
	_ =	sdelay $0x6  }
0x29d: {  	v3 =	vmax.f32 v3, $0.0e+00  }
0x29e: {  	v3 =	vmul.f32 v3, v3  }
0x29f: {  	v4 =	vpop (erf)  }
0x2a0: {  	v3 =	vmul.f32 v4, v3;
	_ =	sdelay $0x1  }
0x2a1: {  	s4 =	sor.u32 $0xF00, s15;
	[tilespmem:s15+$0x1E80] =	vst v3  }
0x2a2: {  	v3 =	vld [tilespmem:s4+$0x0];
	_ =	sdelay $0x4  }
0x2a3: {  	v62 =	vadd.f32 $1.192092900e-07, v3;
	_ =	sdelay $0x1  }
0x2a4: {  	(erf) = vrcp.f32 v62;
	_ =	sdelay $0x6  }
0x2a5: {  	v3 =	vmax.f32 v3, $0.0e+00  }
0x2a6: {  	v3 =	vmul.f32 v3, v3  }
0x2a7: {  	v4 =	vpop (erf)  }
0x2a8: {  	v3 =	vmul.f32 v4, v3;
	_ =	sdelay $0x1  }
0x2a9: {  	s23 =	sor.u32 $0xF80, s15;
	[tilespmem:s15+$0x1F00] =	vst v3  }
0x2aa: {  	v3 =	vld [tilespmem:s23+$0x0];
	_ =	sdelay $0x4  }
0x2ab: {  	v63 =	vadd.f32 $1.192092900e-07, v3;
	_ =	sdelay $0x1  }
0x2ac: {  	(erf) = vrcp.f32 v63;
	_ =	sdelay $0x6  }
0x2ad: {  	v3 =	vmax.f32 v3, $0.0e+00  }
0x2ae: {  	v3 =	vmul.f32 v3, v3  }
0x2af: {  	v4 =	vpop (erf)  }
0x2b0: {  	v3 =	vmul.f32 v4, v3;
	_ =	sdelay $0x1  }
0x2b1: {  	[tilespmem:s15+$0x1F80] =	vst v3  }
.LBB2_16:
0x2b2: {  	s12 =	sadd.s32 $0x1, s12  }
0x2b3: {  	p0 =	sne.s32 s12, $0x8  }
.Ltmp9:
0x2b4: {  	_ = 	snop;
	(pc) =	sbr.rel @!p0 .LBB2_17-.Ltmp9, $1  }
0x2b5: {  	_ =	sdelay $0x3  }
.LBB2_7:
0x2b6: {  	s15 =	sshll.u32 s12, $0x4  }
0x2b7: {  	v3 =	vld [tilespmem:s15+$0x2000]  }
0x2b8: {  	v4 =	vld [tilespmem:s15+$0x2080];
	_ =	sdelay $0x4  }
0x2b9: {  	vm0 =	vgt.f32 v3, v4  }
0x2ba: {  	v3 =	vsel vm0, $0x3F800000, v0  }
0x2bb: {  	(xrf0) =	vmin.scan.msk.f32 $0xffff, v3;
	_ =	sdelay $0x5  }
0x2bc: {  	v3, _, _ =	vpop (xrf0)  }
0x2bd: {  	(v2sf) =	vpush v3, $0xF;
	_ =	sdelay $0xe  }
0x2be: {  	s10 =	spop (v2sf)  }
0x2bf: {  	p0 =	sgt.f32 s10, $0.0e+00  }
.Ltmp10:
0x2c0: {  	_ = 	snop;
	(pc) =	sbr.rel @p0 .LBB2_8-.Ltmp10, $1  }
0x2c1: {  	_ =	sdelay $0x3  }
0x2c2: {  	v3 =	vor.u32 s15, v1;
	_ =	sdelay $0x3  }
0x2c3: {  	v8 =	vld [tilespmem:s15+$0x4200]  }
0x2c4: {  	v9 =	vld.idx.msk [tilespmem:v3+s21+$0x0], $0xffff;
	_ =	sdelay $0x4  }
0x2c5: {  	v7 =	vimm.f32 $0.0e+00;
	vm0 =	vle.f32 v9, v8  }
0x2c6: {  	v4 =	vsel vm0, $0x3F800000, v7  }
0x2c7: {  	(xrf0) =	vmax.scan.msk.f32 $0xffff, v4;
	_ =	sdelay $0x5  }
0x2c8: {  	v4, _, _ =	vpop (xrf0)  }
0x2c9: {  	(v2sf) =	vpush v4, $0xF;
	_ =	sdelay $0xe  }
0x2ca: {  	s10 =	spop (v2sf)  }
0x2cb: {  	p0 =	sgt.f32 s10, $0.0e+00  }
.Ltmp11:
0x2cc: {  	_ = 	snop;
	(pc) =	sbr.rel @!p0 .LBB2_12-.Ltmp11, $2  }
0x2cd: {  	_ =	sdelay $0x2  }
0x2ce: {  	v6 =	vimm.s32 $0x0;
	v5 =	vimm.f32 $0.0e+00;
	v4 =	vimm.s32 $0x0  }
0x2cf: {  	vm1 =	vlt.f32 v9, v8;
	v4 =	vimm.s32 $0x0  }
0x2d0: {  	v5 =	vimm.f32 $0.0e+00;
	v7 =	vimm.f32 $0.0e+00;
	v6 =	vimm.s32 $0x0  }
.LBB2_11:
0x2d1: {  	vm2 =	vlt.s32 v6, $0x3F  }
0x2d2: {  	v9 =	vnsel vm2, $0x3F, v6;
	vm2 =	vlt.s32 v4, $0x3F  }
0x2d3: {  	v11 =	vsel vm1, $0x1, v2;
	v10 =	vnsel vm2, $0x3F, v4  }
0x2d4: {  	vm2 =	vlt.s32 v6, $0x40;
	v6 =	vadd.s32 v11, v6;
	v11 =	vsel vm0, $0x1, v2  }
0x2d5: {  	vm3 =	vlt.s32 v4, $0x40;
	v4 =	vadd.s32 v11, v4;
	vm4 =	vlt.s32 v6, $0x40  }
0x2d6: {  	v11 =	vnsel vm4, $0x40, v6;
	vm14 =	vlt.s32 v4, $0x40  }
0x2d7: {  	v11 =	vshll.u32 v11, $0x7;
	v12 =	vnsel vm14, $0x40, v4  }
0x2d8: {  	v11 =	vadd.s32 v3, v11;
	v12 =	vshll.u32 v12, $0x7  }
0x2d9: {  	v12 =	vadd.s32 v3, v12;
	_ =	sdelay $0x3  }
0x2da: {  	v11 =	vld.idx.msk [tilespmem:v11+s21+$0x0], $0xffff  }
0x2db: {  	v12 =	vld.idx.msk [tilespmem:v12+s21+$0x0], $0xffff;
	_ =	sdelay $0x3  }
0x2dc: {  	vm3 =	vmand vm3, vm0;
	vm0 =	vlt.s32 v6, $0x41  }
0x2dd: {  	vm6 =	vlt.s32 v4, $0x41;
	vm15 =	vlt.f32 v11, v8;
	vm5 =	vle.f32 v12, v8  }
0x2de: {  	vm2 =	vmand vm2, vm1;
	vm1 =	vmand vm0, vm15;
	vm0 =	vmand vm6, vm5  }
0x2df: {  	vm4 =	vmor vm1, vm0  }
0x2e0: {  	v11 =	vsel vm4, $0x3F800000, v0  }
0x2e1: {  	(xrf0) =	vmax.scan.msk.f32 $0xffff, v11;
	_ =	sdelay $0x5  }
0x2e2: {  	v11, _, _ =	vpop (xrf0)  }
0x2e3: {  	(v2sf) =	vpush v11, $0xF;
	_ =	sdelay $0x7  }
0x2e4: {  	v9 =	vshll.u32 v9, $0x7  }
0x2e5: {  	v9 =	vadd.s32 v3, v9;
	v10 =	vshll.u32 v10, $0x7  }
0x2e6: {  	v10 =	vadd.s32 v3, v10;
	_ =	sdelay $0x3  }
0x2e7: {  	v9 =	vld.idx.msk [tilespmem:v9+s9+$0x0], $0xffff  }
0x2e8: {  	v10 =	vld.idx.msk [tilespmem:v10+s9+$0x0], $0xffff;
	s4 =	spop (v2sf)  }
0x2e9: {  	p0 =	sgt.f32 s4, $0.0e+00  }
.Ltmp12:
0x2ea: {  	_ = 	snop;
	(pc) =	sbr.rel @p0 .LBB2_11-.Ltmp12, $3  }
0x2eb: {  	_ =	sdelay $0x1  }
0x2ec: {  	v9 =	vnsel vm2, $0x0, v9;
	v10 =	vnsel vm3, $0x0, v10  }
0x2ed: {  	v7 =	vadd.f32 v9, v7;
	v5 =	vadd.f32 v10, v5  }
.LBB2_12:
.Ltmp13:
0x2ee: {  	(pc) =	sbr.rel .LBB2_13-.Ltmp13, $3  }
0x2ef: {  	_ =	sdelay $0x1  }
0x2f0: {  	s10 =	sadd.s32 $0x4200, s15;
	s4 =	sadd.s32 $0xFFFFFF80, s15  }
0x2f1: {  	s15 =	simm.s32 $0x1;
	v8 =	vmov s10;
	v9 =	vmov s4;
	v10 =	vmov v7  }
.LBB2_15:
0x2f2: {  	_ =	sdelay $0x3  }
0x2f3: {  	v11 =	vld.idx.msk [tilespmem:v9+s10+$0x0 ss:$0x1], $0xffff;
	_ =	sdelay $0x4  }
0x2f4: {  	v12 =	vadd.f32 $1.192092900e-07, v11;
	_ =	sdelay $0x1  }
0x2f5: {  	(erf) = vrcp.f32 v12;
	_ =	sdelay $0x2  }
0x2f6: {  	v7 =	vsub.f32 v5, v7;
	_ =	sdelay $0x1  }
0x2f7: {  	v7 =	vsub.f32 v11, v7;
	_ =	sdelay $0x1  }
0x2f8: {  	v7 =	vmax.f32 v7, $0.0e+00  }
0x2f9: {  	s15 =	sadd.s32 $0x1, s15;
	v7 =	vmul.f32 v7, v7  }
0x2fa: {  	p0 =	sne.s32 s15, $0x21;
	v11 =	vpop (erf)  }
.Ltmp14:
0x2fb: {  	v7 =	vmul.f32 v7, v11;
	(pc) =	sbr.rel @!p0 .LBB2_16-.Ltmp14, $2  }
0x2fc: {  	_ =	sdelay $0x2  }
0x2fd: {  	[tilespmem:v9+s10+$0x1000 ss:$0x1] =	vst.idx.msk $0xffff, v7;
	v7 =	vmov v10  }
.LBB2_13:
0x2fe: {  	vm0 =	vlt.s32 v6, $0x40  }
0x2ff: {  	v11 =	vnsel vm0, $0x40, v6;
	vm0 =	vlt.s32 v4, $0x40  }
0x300: {  	v11 =	vshll.u32 v11, $0x7;
	v12 =	vnsel vm0, $0x40, v4  }
0x301: {  	v13 =	vadd.s32 v3, v11;
	v11 =	vshll.u32 v12, $0x7  }
0x302: {  	v12 =	vadd.s32 v3, v11  }
0x303: {  	s10 =	sshll.u32 s15, $0x7  }
0x304: {  	s4 =	sand.u32 $0x3FFFFF80, s10  }
0x305: {  	v11 =	vld.idx.msk [tilespmem:v8+s4+$0x0 ss:$0x1], $0xffff  }
0x306: {  	v13 =	vld.idx.msk [tilespmem:v13+s21+$0x0], $0xffff  }
0x307: {  	v12 =	vld.idx.msk [tilespmem:v12+s21+$0x0], $0xffff;
	_ =	sdelay $0x3  }
0x308: {  	vm1 =	vlt.s32 v6, $0x41  }
0x309: {  	vm3 =	vlt.s32 v4, $0x41;
	vm0 =	vlt.f32 v13, v11;
	vm2 =	vle.f32 v12, v11  }
0x30a: {  	vm0 =	vmand vm1, vm0;
	vm1 =	vmand vm3, vm2  }
0x30b: {  	vm2 =	vmor vm0, vm1  }
0x30c: {  	v63 =	vsel vm2, $0x3F800000, v0  }
0x30d: {  	(xrf0) =	vmax.scan.msk.f32 $0xffff, v63;
	_ =	sdelay $0x5  }
0x30e: {  	v12, _, _ =	vpop (xrf0)  }
0x30f: {  	(v2sf) =	vpush v12, $0xF;
	_ =	sdelay $0xe  }
0x310: {  	s23 =	spop (v2sf)  }
0x311: {  	p0 =	sgt.f32 s23, $0.0e+00  }
.Ltmp15:
0x312: {  	_ = 	snop;
	(pc) =	sbr.rel @!p0 .LBB2_15-.Ltmp15, $1  }
0x313: {  	_ =	sdelay $0x3  }
.LBB2_14:
0x314: {  	vm2 =	vlt.s32 v6, $0x3F;
	v14 =	vsel vm0, $0x1, v2  }
0x315: {  	v61 =	vsel vm1, $0x1, v2;
	v12 =	vnsel vm2, $0x3F, v6;
	vm2 =	vlt.s32 v4, $0x3F  }
0x316: {  	v13 =	vnsel vm2, $0x3F, v4;
	vm2 =	vlt.s32 v6, $0x40;
	v6 =	vadd.s32 v14, v6  }
0x317: {  	vm3 =	vlt.s32 v4, $0x40;
	v4 =	vadd.s32 v61, v4;
	vm4 =	vlt.s32 v6, $0x40  }
0x318: {  	vm14 =	vlt.s32 v4, $0x40;
	v62 =	vnsel vm4, $0x40, v6  }
0x319: {  	v15 =	vnsel vm14, $0x40, v4;
	v14 =	vshll.u32 v62, $0x7  }
0x31a: {  	v15 =	vshll.u32 v15, $0x7;
	v14 =	vadd.s32 v3, v14  }
0x31b: {  	v15 =	vadd.s32 v3, v15;
	_ =	sdelay $0x3  }
0x31c: {  	v14 =	vld.idx.msk [tilespmem:v14+s21+$0x0], $0xffff  }
0x31d: {  	v15 =	vld.idx.msk [tilespmem:v15+s21+$0x0], $0xffff;
	_ =	sdelay $0x3  }
0x31e: {  	vm3 =	vmand vm3, vm1;
	vm2 =	vmand vm2, vm0;
	vm0 =	vlt.s32 v6, $0x41  }
0x31f: {  	vm5 =	vlt.s32 v4, $0x41;
	vm15 =	vlt.f32 v14, v11;
	vm1 =	vle.f32 v15, v11  }
0x320: {  	vm0 =	vmand vm0, vm15;
	vm1 =	vmand vm5, vm1  }
0x321: {  	vm4 =	vmor vm0, vm1  }
0x322: {  	v63 =	vsel vm4, $0x3F800000, v0  }
0x323: {  	(xrf0) =	vmax.scan.msk.f32 $0xffff, v63;
	_ =	sdelay $0x5  }
0x324: {  	v14, _, _ =	vpop (xrf0)  }
0x325: {  	(v2sf) =	vpush v14, $0xF;
	_ =	sdelay $0x7  }
0x326: {  	v12 =	vshll.u32 v12, $0x7  }
0x327: {  	v12 =	vadd.s32 v3, v12;
	v13 =	vshll.u32 v13, $0x7  }
0x328: {  	v13 =	vadd.s32 v3, v13;
	_ =	sdelay $0x3  }
0x329: {  	v12 =	vld.idx.msk [tilespmem:v12+s9+$0x0], $0xffff  }
0x32a: {  	v13 =	vld.idx.msk [tilespmem:v13+s9+$0x0], $0xffff;
	s4 =	spop (v2sf)  }
0x32b: {  	p0 =	sgt.f32 s4, $0.0e+00  }
.Ltmp16:
0x32c: {  	_ = 	snop;
	(pc) =	sbr.rel @p0 .LBB2_14-.Ltmp16, $3  }
0x32d: {  	_ =	sdelay $0x1  }
0x32e: {  	v12 =	vnsel vm2, $0x0, v12;
	v13 =	vnsel vm3, $0x0, v13  }
0x32f: {  	v10 =	vadd.f32 v12, v10;
	v5 =	vadd.f32 v13, v5  }
.Ltmp17:
0x330: {  	_ = 	snop;
	(pc) =	sbr.rel .LBB2_15-.Ltmp17, $1  }
0x331: {  	_ =	sdelay $0x3  }
.LBB2_21:
0x332: {  	s1 =	sadd.s32 s24, s18  }
0x333: {  	[tilespmem:s0], [sflag:$0x3] =	stream.strided.gather [hbm4b:s1+s19], $0x1000, s20, s19, $0x38;
	[tilespmem:$0x9A00] =	vst v63  }
0x334: {  	s12 =	simm.s32 $0x0;
	s1 =	sadd.s32 $0x100000, s1  }
0x335: {  	[tilespmem:s6], [sflag:$0x3] =	stream.linear.gather [hbm4b:s1+s12], $0x80, $0x38;
	[tilespmem:$0x9A00] =	vst v63  }
0x336: {  	_ =	swait.ge [sflag:s29], $0x1080  }
0x337: {  	[sflag:s29] =	ssyncset.done $0x0  }
0x338: {  	s15 =	sadd.s32 s3, s18;
	[sflag:s29] =	ssyncadd.s32 $0xFFFFEF80  }
0x339: {  	[tilespmem:s21], [sflag:$0x3] =	stream.strided.gather [hbm4b:s15+s19], $0x2000, s20, s19, $0x38;
	[tilespmem:$0x9A00] =	vst v63  }
0x33a: {  	s1 =	sadd.s32 $0x200000, s15  }
0x33b: {  	[tilespmem:s22], [sflag:$0x3] =	stream.linear.gather [hbm4b:s1+s12], $0x80, $0x38;
	[tilespmem:$0x9A00] =	vst v63  }
0x33c: {  	_ =	swait.ge [sflag:s29], $0x2080  }
0x33d: {  	[sflag:s29] =	ssyncset.done $0x0  }
0x33e: {  	[sflag:s29] =	ssyncadd.s32 $0xFFFFDF80  }
0x33f: {  	s23 =	rddreg [dreg:$0x3]  }
.Ltmp18:
0x340: {  	s1 =	sadd.s32 s23, s18;
	(pc) =	sbr.rel .LBB2_22-.Ltmp18, $4  }
0x341: {  	[tilespmem:s9], [sflag:$0x3] =	stream.strided.gather [hbm4b:s1+s19], $0x2000, s20, s19, $0x38;
	[tilespmem:$0x9A00] =	vst v63  }
0x342: {  	_ =	swait.ge [sflag:s29], $0x2000  }
0x343: {  	[sflag:s29] =	ssyncset.done $0x0  }
0x344: {  	[sflag:s29] =	ssyncadd.s32 $0xFFFFE000  }
.LBB2_23:
0x345: {  	v3 =	vld [tilespmem:s15+$0x2100]  }
0x346: {  	v4 =	vld [tilespmem:s15+$0x2180]  }
0x347: {  	v5 =	vld [tilespmem:s15+$0x2200]  }
0x348: {  	v6 =	vld [tilespmem:s15+$0x2280]  }
0x349: {  	v9 =	vld [tilespmem:s15+$0x2300]  }
0x34a: {  	v10 =	vld [tilespmem:s15+$0x2380]  }
0x34b: {  	v37 =	vld [tilespmem:s15+$0x2400]  }
0x34c: {  	v38 =	vld [tilespmem:s15+$0x2480]  }
0x34d: {  	v13 =	vld [tilespmem:s15+$0x2500]  }
0x34e: {  	v14 =	vld [tilespmem:s15+$0x2580];
	v7 =	vadd.f32 $1.192092900e-07, v3;
	v8 =	vadd.f32 $1.192092900e-07, v4  }
0x34f: {  	v41 =	vld [tilespmem:s15+$0x2600];
	v35 =	vadd.f32 $1.192092900e-07, v5;
	v36 =	vadd.f32 $1.192092900e-07, v6  }
0x350: {  	v42 =	vld [tilespmem:s15+$0x2680];
	v11 =	vadd.f32 $1.192092900e-07, v9;
	v3 =	vmax.f32 v3, $0.0e+00;
	v12 =	vadd.f32 $1.192092900e-07, v10  }
0x351: {  	v17 =	vld [tilespmem:s15+$0x2700];
	v39 =	vadd.f32 $1.192092900e-07, v37;
	v4 =	vmax.f32 v4, $0.0e+00;
	v40 =	vadd.f32 $1.192092900e-07, v38  }
0x352: {  	v18 =	vld [tilespmem:s15+$0x2780];
	v5 =	vmax.f32 v5, $0.0e+00;
	v6 =	vmax.f32 v6, $0.0e+00;
	(erf) = vrcp.f32 v7  }
0x353: {  	v49 =	vld [tilespmem:s15+$0x2800];
	v45 =	vadd.f32 $1.192092900e-07, v13;
	v9 =	vmax.f32 v9, $0.0e+00;
	(erf) = vrcp.f32 v8  }
0x354: {  	v46 =	vadd.f32 $1.192092900e-07, v14;
	v47 =	vadd.f32 $1.192092900e-07, v41;
	(erf) = vrcp.f32 v35  }
0x355: {  	v10 =	vmax.f32 v10, $0.0e+00;
	v48 =	vadd.f32 $1.192092900e-07, v42;
	(erf) = vrcp.f32 v36  }
0x356: {  	v53 =	vadd.f32 $1.192092900e-07, v17;
	v13 =	vmax.f32 v13, $0.0e+00;
	v3 =	vmul.f32 v3, v3  }
0x357: {  	v54 =	vadd.f32 $1.192092900e-07, v18;
	v4 =	vmul.f32 v4, v4;
	v5 =	vmul.f32 v5, v5  }
0x358: {  	v55 =	vadd.f32 $1.192092900e-07, v49;
	v6 =	vmul.f32 v6, v6;
	v9 =	vmul.f32 v9, v9  }
0x359: {  	v21 =	vld [tilespmem:s15+$0x2900];
	v14 =	vmax.f32 v14, $0.0e+00;
	v10 =	vmul.f32 v10, v10;
	(erf) = vrcp.f32 v11  }
0x35a: {  	v17 =	vmax.f32 v17, $0.0e+00;
	v13 =	vmul.f32 v13, v13;
	(erf) = vrcp.f32 v12  }
0x35b: {  	v23 =	vld [tilespmem:s15+$0x2A00];
	v18 =	vmax.f32 v18, $0.0e+00;
	v14 =	vmul.f32 v14, v14;
	v15 =	vpop (erf);
	(erf) = vrcp.f32 v39  }
0x35c: {  	v17 =	vmul.f32 v17, v17;
	v7 =	vmax.f32 v37, $0.0e+00;
	v16 =	vpop (erf);
	(erf) = vrcp.f32 v40  }
0x35d: {  	v50 =	vld [tilespmem:s15+$0x2880];
	v30 =	vmul.f32 v18, v18;
	v7 =	vmul.f32 v7, v7;
	v8 =	vmax.f32 v38, $0.0e+00;
	v43 =	vpop (erf)  }
0x35e: {  	v59 =	vadd.f32 $1.192092900e-07, v21;
	v8 =	vmul.f32 v8, v8;
	v44 =	vpop (erf);
	(erf) = vrcp.f32 v45  }
0x35f: {  	v11 =	vmax.f32 v41, $0.0e+00;
	v12 =	vmax.f32 v42, $0.0e+00;
	(erf) = vrcp.f32 v46  }
0x360: {  	v22 =	vld [tilespmem:s15+$0x2980];
	v11 =	vmul.f32 v11, v11;
	v42 =	vmax.f32 v23, $0.0e+00;
	v12 =	vmul.f32 v12, v12  }
0x361: {  	v36 =	vmax.f32 v21, $0.0e+00;
	v21 =	vmul.f32 v42, v42;
	v3 =	vmul.f32 v15, v3  }
0x362: {  	v15 =	vmax.f32 v50, $0.0e+00;
	v4 =	vmul.f32 v16, v4;
	v19 =	vpop (erf);
	(erf) = vrcp.f32 v47  }
0x363: {  	v57 =	vld [tilespmem:s15+$0x2A80];
	v56 =	vadd.f32 $1.192092900e-07, v50;
	v15 =	vmul.f32 v15, v15;
	v20 =	vpop (erf);
	(erf) = vrcp.f32 v48  }
0x364: {  	v16 =	vmax.f32 v49, $0.0e+00;
	v5 =	vmul.f32 v43, v5;
	v51 =	vpop (erf);
	(erf) = vrcp.f32 v53  }
0x365: {  	v28 =	vld [tilespmem:s15+$0x2B00];
	v61 =	vadd.f32 $1.192092900e-07, v22;
	v16 =	vmul.f32 v16, v16;
	v52 =	vpop (erf);
	(erf) = vrcp.f32 v54  }
0x366: {  	v29 =	vld [tilespmem:s15+$0x2B80];
	v62 =	vadd.f32 $1.192092900e-07, v23;
	v6 =	vmul.f32 v44, v6;
	(erf) = vrcp.f32 v55  }
0x367: {  	v35 =	vld [tilespmem:s15+$0x2C00];
	v41 =	vmax.f32 v22, $0.0e+00;
	v9 =	vmul.f32 v19, v9;
	v24 =	vpop (erf);
	(erf) = vrcp.f32 v56  }
0x368: {  	v63 =	vadd.f32 $1.192092900e-07, v57;
	[tilespmem:s15+$0x3100] =	vst v3;
	v44 =	vmul.f32 v41, v41;
	v25 =	vpop (erf);
	(erf) = vrcp.f32 v59  }
0x369: {  	v10 =	vmul.f32 v20, v10;
	v20 =	vmax.f32 v57, $0.0e+00;
	[tilespmem:s15+$0x3300] =	vst v9;
	v9 =	vmul.f32 v36, v36  }
0x36a: {  	v34 =	vadd.f32 $1.192092900e-07, v28;
	[tilespmem:s15+$0x3180] =	vst v4;
	v48 =	vmul.f32 v20, v20;
	v7 =	vmul.f32 v51, v7  }
0x36b: {  	v37 =	vadd.f32 $1.192092900e-07, v29;
	v38 =	vld [tilespmem:s15+$0x2C80];
	[tilespmem:s15+$0x3200] =	vst v5;
	v8 =	vmul.f32 v52, v8;
	v58 =	vpop (erf);
	(erf) = vrcp.f32 v61  }
0x36c: {  	v39 =	vld [tilespmem:s15+$0x2D00];
	v49 =	vadd.f32 $1.192092900e-07, v35;
	[tilespmem:s15+$0x3280] =	vst v6;
	v13 =	vmul.f32 v24, v13;
	v60 =	vpop (erf);
	(erf) = vrcp.f32 v62  }
0x36d: {  	v57 =	vmax.f32 v28, $0.0e+00;
	[tilespmem:s15+$0x3380] =	vst v10;
	v53 =	vld [tilespmem:s15+$0x2F00];
	v14 =	vmul.f32 v25, v14;
	(erf) = vrcp.f32 v63;
	v3 =	vpop (erf)  }
0x36e: {  	v43 =	vld [tilespmem:s15+$0x2D80];
	[tilespmem:s15+$0x3400] =	vst v7;
	v11 =	vmul.f32 v58, v11;
	v62 =	vmax.f32 v29, $0.0e+00;
	v31 =	vpop (erf);
	(erf) = vrcp.f32 v34  }
0x36f: {  	v46 =	vld [tilespmem:s15+$0x2E00];
	[tilespmem:s15+$0x3480] =	vst v8;
	v29 =	vmax.f32 v35, $0.0e+00;
	v12 =	vmul.f32 v60, v12;
	v3 =	vmul.f32 v3, v17;
	v32 =	vpop (erf)  }
0x370: {  	v50 =	vld [tilespmem:s15+$0x2E80];
	v52 =	vadd.f32 $1.192092900e-07, v38;
	[tilespmem:s15+$0x3500] =	vst v13;
	v4 =	vmul.f32 v31, v30;
	v31 =	vmul.f32 v29, v29;
	v33 =	vpop (erf)  }
0x371: {  	v55 =	vadd.f32 $1.192092900e-07, v39;
	v56 =	vld [tilespmem:s15+$0x2F80];
	[tilespmem:s15+$0x3580] =	vst v14;
	v5 =	vmul.f32 v32, v16;
	v40 =	vpop (erf);
	(erf) = vrcp.f32 v37  }
0x372: {  	v25 =	vadd.f32 $1.192092900e-07, v53;
	[tilespmem:s15+$0x3700] =	vst v3;
	v3 =	vmul.f32 v57, v57;
	(erf) = vrcp.f32 v49  }
0x373: {  	v59 =	vld [tilespmem:s15+$0x3000];
	v58 =	vadd.f32 $1.192092900e-07, v43;
	[tilespmem:s15+$0x3600] =	vst v11;
	v6 =	vmul.f32 v33, v15;
	(erf) = vrcp.f32 v52  }
0x374: {  	v61 =	vld [tilespmem:s15+$0x3080];
	v60 =	vadd.f32 $1.192092900e-07, v46;
	[tilespmem:s15+$0x3780] =	vst v4;
	v4 =	vmul.f32 v62, v62;
	v45 =	vpop (erf);
	(erf) = vrcp.f32 v55  }
0x375: {  	v63 =	vadd.f32 $1.192092900e-07, v50;
	[tilespmem:s15+$0x3680] =	vst v12;
	v7 =	vmul.f32 v40, v9;
	v47 =	vpop (erf);
	(erf) = vrcp.f32 v58  }
0x376: {  	v27 =	vadd.f32 $1.192092900e-07, v56;
	[tilespmem:s15+$0x3800] =	vst v5;
	v8 =	vmul.f32 v45, v44;
	v51 =	vpop (erf);
	(erf) = vrcp.f32 v60  }
0x377: {  	v32 =	vmax.f32 v38, $0.0e+00;
	[tilespmem:s15+$0x3880] =	vst v6;
	v9 =	vmul.f32 v47, v21;
	v24 =	vpop (erf);
	(erf) = vrcp.f32 v63  }
0x378: {  	v28 =	vadd.f32 $1.192092900e-07, v59;
	[tilespmem:s15+$0x3900] =	vst v7;
	v7 =	vmul.f32 v32, v32;
	(erf) = vrcp.f32 v25  }
0x379: {  	v30 =	vadd.f32 $1.192092900e-07, v61;
	v54 =	vmul.f32 v51, v48;
	[tilespmem:s15+$0x3980] =	vst v8;
	(erf) = vrcp.f32 v27  }
0x37a: {  	[tilespmem:s15+$0x3A00] =	vst v9;
	v3 =	vmul.f32 v24, v3;
	v26 =	vpop (erf);
	(erf) = vrcp.f32 v28  }
0x37b: {  	v34 =	vmax.f32 v39, $0.0e+00;
	[tilespmem:s15+$0x3A80] =	vst v54;
	v4 =	vmul.f32 v26, v4;
	v33 =	vpop (erf);
	(erf) = vrcp.f32 v30  }
0x37c: {  	v36 =	vmul.f32 v34, v34;
	v37 =	vmax.f32 v43, $0.0e+00;
	[tilespmem:s15+$0x3B00] =	vst v3;
	v35 =	vpop (erf);
	v3 =	vmul.f32 v33, v31  }
0x37d: {  	v41 =	vmax.f32 v46, $0.0e+00;
	v40 =	vmul.f32 v37, v37;
	v38 =	vpop (erf);
	[tilespmem:s15+$0x3B80] =	vst v4;
	v39 =	vmul.f32 v35, v7  }
0x37e: {  	v43 =	vmul.f32 v41, v41;
	v44 =	vmax.f32 v50, $0.0e+00;
	v42 =	vpop (erf);
	[tilespmem:s15+$0x3C00] =	vst v3;
	v3 =	vmul.f32 v38, v36  }
0x37f: {  	v47 =	vmul.f32 v44, v44;
	v48 =	vmax.f32 v53, $0.0e+00;
	v45 =	vpop (erf);
	[tilespmem:s15+$0x3C80] =	vst v39;
	v46 =	vmul.f32 v42, v40  }
0x380: {  	v51 =	vmax.f32 v56, $0.0e+00;
	v50 =	vmul.f32 v48, v48;
	v49 =	vpop (erf);
	[tilespmem:s15+$0x3D00] =	vst v3;
	v3 =	vmul.f32 v45, v43  }
0x381: {  	v55 =	vmax.f32 v59, $0.0e+00;
	v54 =	vmul.f32 v51, v51;
	v52 =	vpop (erf);
	[tilespmem:s15+$0x3D80] =	vst v46;
	v53 =	vmul.f32 v49, v47  }
0x382: {  	v57 =	vmul.f32 v55, v55;
	v58 =	vmax.f32 v61, $0.0e+00;
	v56 =	vpop (erf);
	[tilespmem:s15+$0x3E00] =	vst v3;
	v3 =	vmul.f32 v52, v50  }
0x383: {  	v61 =	vmul.f32 v58, v58;
	v59 =	vpop (erf);
	[tilespmem:s15+$0x3E80] =	vst v53;
	v60 =	vmul.f32 v56, v54  }
0x384: {  	[tilespmem:s15+$0x3F00] =	vst v3;
	v3 =	vmul.f32 v59, v57;
	v62 =	vpop (erf)  }
0x385: {  	[tilespmem:s15+$0x3F80] =	vst v60;
	v63 =	vmul.f32 v62, v61  }
0x386: {  	[tilespmem:s15+$0x4000] =	vst v3  }
0x387: {  	[tilespmem:s15+$0x4080] =	vst v63  }
.LBB2_31:
0x388: {  	s12 =	sadd.s32 $0x1, s12  }
0x389: {  	p1 =	sne.s32 s12, $0x8  }
.Ltmp19:
0x38a: {  	_ = 	snop;
	(pc) =	sbr.rel @!p1 .LBB2_32-.Ltmp19, $1  }
0x38b: {  	_ =	sdelay $0x3  }
.LBB2_22:
0x38c: {  	s15 =	sshll.u32 s12, $0x4  }
0x38d: {  	v3 =	vld [tilespmem:s15+$0x4100]  }
0x38e: {  	v4 =	vld [tilespmem:s15+$0x4180];
	_ =	sdelay $0x4  }
0x38f: {  	vm0 =	vgt.f32 v3, v4  }
0x390: {  	v3 =	vsel vm0, $0x3F800000, v0  }
0x391: {  	(xrf0) =	vmin.scan.msk.f32 $0xffff, v3;
	_ =	sdelay $0x5  }
0x392: {  	v3, _, _ =	vpop (xrf0)  }
0x393: {  	(v2sf) =	vpush v3, $0xF;
	_ =	sdelay $0xe  }
0x394: {  	s1 =	spop (v2sf)  }
0x395: {  	p1 =	sgt.f32 s1, $0.0e+00  }
.Ltmp20:
0x396: {  	_ = 	snop;
	(pc) =	sbr.rel @p1 .LBB2_23-.Ltmp20, $1  }
0x397: {  	_ =	sdelay $0x3  }
0x398: {  	v3 =	vor.u32 s15, v1;
	_ =	sdelay $0x3  }
0x399: {  	v8 =	vld [tilespmem:s15+$0x4200]  }
0x39a: {  	v9 =	vld.idx.msk [tilespmem:v3+s21+$0x0], $0xffff;
	_ =	sdelay $0x4  }
0x39b: {  	v7 =	vimm.f32 $0.0e+00;
	vm0 =	vle.f32 v9, v8  }
0x39c: {  	v4 =	vsel vm0, $0x3F800000, v7  }
0x39d: {  	(xrf0) =	vmax.scan.msk.f32 $0xffff, v4;
	_ =	sdelay $0x5  }
0x39e: {  	v4, _, _ =	vpop (xrf0)  }
0x39f: {  	(v2sf) =	vpush v4, $0xF;
	_ =	sdelay $0xe  }
0x3a0: {  	s1 =	spop (v2sf)  }
0x3a1: {  	p1 =	sgt.f32 s1, $0.0e+00  }
.Ltmp21:
0x3a2: {  	_ = 	snop;
	(pc) =	sbr.rel @!p1 .LBB2_27-.Ltmp21, $2  }
0x3a3: {  	_ =	sdelay $0x2  }
0x3a4: {  	v6 =	vimm.s32 $0x0;
	v5 =	vimm.f32 $0.0e+00;
	v4 =	vimm.s32 $0x0  }
0x3a5: {  	vm1 =	vlt.f32 v9, v8;
	v4 =	vimm.s32 $0x0  }
0x3a6: {  	v5 =	vimm.f32 $0.0e+00;
	v7 =	vimm.f32 $0.0e+00;
	v6 =	vimm.s32 $0x0  }
.LBB2_26:
0x3a7: {  	vm2 =	vlt.s32 v6, $0x3F  }
0x3a8: {  	v9 =	vnsel vm2, $0x3F, v6;
	vm2 =	vlt.s32 v4, $0x3F  }
0x3a9: {  	v11 =	vsel vm1, $0x1, v2;
	v10 =	vnsel vm2, $0x3F, v4  }
0x3aa: {  	vm2 =	vlt.s32 v6, $0x40;
	v6 =	vadd.s32 v11, v6;
	v11 =	vsel vm0, $0x1, v2  }
0x3ab: {  	vm3 =	vlt.s32 v4, $0x40;
	v4 =	vadd.s32 v11, v4;
	vm4 =	vlt.s32 v6, $0x40  }
0x3ac: {  	v11 =	vnsel vm4, $0x40, v6;
	vm14 =	vlt.s32 v4, $0x40  }
0x3ad: {  	v11 =	vshll.u32 v11, $0x7;
	v12 =	vnsel vm14, $0x40, v4  }
0x3ae: {  	v11 =	vadd.s32 v3, v11;
	v12 =	vshll.u32 v12, $0x7  }
0x3af: {  	v12 =	vadd.s32 v3, v12;
	_ =	sdelay $0x3  }
0x3b0: {  	v11 =	vld.idx.msk [tilespmem:v11+s21+$0x0], $0xffff  }
0x3b1: {  	v12 =	vld.idx.msk [tilespmem:v12+s21+$0x0], $0xffff;
	_ =	sdelay $0x3  }
0x3b2: {  	vm3 =	vmand vm3, vm0;
	vm0 =	vlt.s32 v6, $0x41  }
0x3b3: {  	vm6 =	vlt.s32 v4, $0x41;
	vm15 =	vlt.f32 v11, v8;
	vm5 =	vle.f32 v12, v8  }
0x3b4: {  	vm2 =	vmand vm2, vm1;
	vm1 =	vmand vm0, vm15;
	vm0 =	vmand vm6, vm5  }
0x3b5: {  	vm4 =	vmor vm1, vm0  }
0x3b6: {  	v11 =	vsel vm4, $0x3F800000, v0  }
0x3b7: {  	(xrf0) =	vmax.scan.msk.f32 $0xffff, v11;
	_ =	sdelay $0x5  }
0x3b8: {  	v11, _, _ =	vpop (xrf0)  }
0x3b9: {  	(v2sf) =	vpush v11, $0xF;
	_ =	sdelay $0x7  }
0x3ba: {  	v9 =	vshll.u32 v9, $0x7  }
0x3bb: {  	v9 =	vadd.s32 v3, v9;
	v10 =	vshll.u32 v10, $0x7  }
0x3bc: {  	v10 =	vadd.s32 v3, v10;
	_ =	sdelay $0x3  }
0x3bd: {  	v9 =	vld.idx.msk [tilespmem:v9+s9+$0x0], $0xffff  }
0x3be: {  	v10 =	vld.idx.msk [tilespmem:v10+s9+$0x0], $0xffff;
	s1 =	spop (v2sf)  }
0x3bf: {  	p1 =	sgt.f32 s1, $0.0e+00  }
.Ltmp22:
0x3c0: {  	_ = 	snop;
	(pc) =	sbr.rel @p1 .LBB2_26-.Ltmp22, $3  }
0x3c1: {  	_ =	sdelay $0x1  }
0x3c2: {  	v9 =	vnsel vm2, $0x0, v9;
	v10 =	vnsel vm3, $0x0, v10  }
0x3c3: {  	v7 =	vadd.f32 v9, v7;
	v5 =	vadd.f32 v10, v5  }
.LBB2_27:
.Ltmp23:
0x3c4: {  	(pc) =	sbr.rel .LBB2_28-.Ltmp23, $3  }
0x3c5: {  	_ =	sdelay $0x1  }
0x3c6: {  	s1 =	sadd.s32 $0x4200, s15;
	s4 =	sadd.s32 $0xFFFFFF80, s15  }
0x3c7: {  	s15 =	simm.s32 $0x1;
	v8 =	vmov s1;
	v9 =	vmov s4;
	v10 =	vmov v7  }
.LBB2_30:
0x3c8: {  	_ =	sdelay $0x3  }
0x3c9: {  	v11 =	vld.idx.msk [tilespmem:v9+s10+$0x2100 ss:$0x1], $0xffff;
	_ =	sdelay $0x4  }
0x3ca: {  	v12 =	vadd.f32 $1.192092900e-07, v11;
	_ =	sdelay $0x1  }
0x3cb: {  	(erf) = vrcp.f32 v12;
	_ =	sdelay $0x2  }
0x3cc: {  	v7 =	vsub.f32 v5, v7;
	_ =	sdelay $0x1  }
0x3cd: {  	v7 =	vsub.f32 v11, v7;
	_ =	sdelay $0x1  }
0x3ce: {  	v7 =	vmax.f32 v7, $0.0e+00  }
0x3cf: {  	s15 =	sadd.s32 $0x1, s15;
	v7 =	vmul.f32 v7, v7  }
0x3d0: {  	p1 =	sne.s32 s15, $0x21;
	v11 =	vpop (erf)  }
.Ltmp24:
0x3d1: {  	v7 =	vmul.f32 v7, v11;
	(pc) =	sbr.rel @!p1 .LBB2_31-.Ltmp24, $2  }
0x3d2: {  	_ =	sdelay $0x2  }
0x3d3: {  	[tilespmem:v9+s10+$0x3100 ss:$0x1] =	vst.idx.msk $0xffff, v7;
	v7 =	vmov v10  }
.LBB2_28:
0x3d4: {  	vm0 =	vlt.s32 v6, $0x40  }
0x3d5: {  	v11 =	vnsel vm0, $0x40, v6;
	vm0 =	vlt.s32 v4, $0x40  }
0x3d6: {  	v11 =	vshll.u32 v11, $0x7;
	v12 =	vnsel vm0, $0x40, v4  }
0x3d7: {  	v13 =	vadd.s32 v3, v11;
	v11 =	vshll.u32 v12, $0x7  }
0x3d8: {  	v12 =	vadd.s32 v3, v11  }
0x3d9: {  	s10 =	sshll.u32 s15, $0x7  }
0x3da: {  	s1 =	sand.u32 $0x3FFFFF80, s10  }
0x3db: {  	v11 =	vld.idx.msk [tilespmem:v8+s1+$0x0 ss:$0x1], $0xffff  }
0x3dc: {  	v13 =	vld.idx.msk [tilespmem:v13+s21+$0x0], $0xffff  }
0x3dd: {  	v12 =	vld.idx.msk [tilespmem:v12+s21+$0x0], $0xffff;
	_ =	sdelay $0x3  }
0x3de: {  	vm1 =	vlt.s32 v6, $0x41  }
0x3df: {  	vm3 =	vlt.s32 v4, $0x41;
	vm0 =	vlt.f32 v13, v11;
	vm2 =	vle.f32 v12, v11  }
0x3e0: {  	vm0 =	vmand vm1, vm0;
	vm1 =	vmand vm3, vm2  }
0x3e1: {  	vm2 =	vmor vm0, vm1  }
0x3e2: {  	v63 =	vsel vm2, $0x3F800000, v0  }
0x3e3: {  	(xrf0) =	vmax.scan.msk.f32 $0xffff, v63;
	_ =	sdelay $0x5  }
0x3e4: {  	v12, _, _ =	vpop (xrf0)  }
0x3e5: {  	(v2sf) =	vpush v12, $0xF;
	_ =	sdelay $0xe  }
0x3e6: {  	s23 =	spop (v2sf)  }
0x3e7: {  	p1 =	sgt.f32 s23, $0.0e+00  }
.Ltmp25:
0x3e8: {  	_ = 	snop;
	(pc) =	sbr.rel @!p1 .LBB2_30-.Ltmp25, $1  }
0x3e9: {  	_ =	sdelay $0x3  }
.LBB2_29:
0x3ea: {  	vm2 =	vlt.s32 v6, $0x3F;
	v14 =	vsel vm0, $0x1, v2  }
0x3eb: {  	v61 =	vsel vm1, $0x1, v2;
	v12 =	vnsel vm2, $0x3F, v6;
	vm2 =	vlt.s32 v4, $0x3F  }
0x3ec: {  	v13 =	vnsel vm2, $0x3F, v4;
	vm2 =	vlt.s32 v6, $0x40;
	v6 =	vadd.s32 v14, v6  }
0x3ed: {  	vm3 =	vlt.s32 v4, $0x40;
	v4 =	vadd.s32 v61, v4;
	vm4 =	vlt.s32 v6, $0x40  }
0x3ee: {  	vm14 =	vlt.s32 v4, $0x40;
	v62 =	vnsel vm4, $0x40, v6  }
0x3ef: {  	v15 =	vnsel vm14, $0x40, v4;
	v14 =	vshll.u32 v62, $0x7  }
0x3f0: {  	v15 =	vshll.u32 v15, $0x7;
	v14 =	vadd.s32 v3, v14  }
0x3f1: {  	v15 =	vadd.s32 v3, v15;
	_ =	sdelay $0x3  }
0x3f2: {  	v14 =	vld.idx.msk [tilespmem:v14+s21+$0x0], $0xffff  }
0x3f3: {  	v15 =	vld.idx.msk [tilespmem:v15+s21+$0x0], $0xffff;
	_ =	sdelay $0x3  }
0x3f4: {  	vm3 =	vmand vm3, vm1;
	vm2 =	vmand vm2, vm0;
	vm0 =	vlt.s32 v6, $0x41  }
0x3f5: {  	vm5 =	vlt.s32 v4, $0x41;
	vm15 =	vlt.f32 v14, v11;
	vm1 =	vle.f32 v15, v11  }
0x3f6: {  	vm0 =	vmand vm0, vm15;
	vm1 =	vmand vm5, vm1  }
0x3f7: {  	vm4 =	vmor vm0, vm1  }
0x3f8: {  	v63 =	vsel vm4, $0x3F800000, v0  }
0x3f9: {  	(xrf0) =	vmax.scan.msk.f32 $0xffff, v63;
	_ =	sdelay $0x5  }
0x3fa: {  	v14, _, _ =	vpop (xrf0)  }
0x3fb: {  	(v2sf) =	vpush v14, $0xF;
	_ =	sdelay $0x7  }
0x3fc: {  	v12 =	vshll.u32 v12, $0x7  }
0x3fd: {  	v12 =	vadd.s32 v3, v12;
	v13 =	vshll.u32 v13, $0x7  }
0x3fe: {  	v13 =	vadd.s32 v3, v13;
	_ =	sdelay $0x3  }
0x3ff: {  	v12 =	vld.idx.msk [tilespmem:v12+s9+$0x0], $0xffff  }
0x400: {  	v13 =	vld.idx.msk [tilespmem:v13+s9+$0x0], $0xffff;
	s1 =	spop (v2sf)  }
0x401: {  	p1 =	sgt.f32 s1, $0.0e+00  }
.Ltmp26:
0x402: {  	_ = 	snop;
	(pc) =	sbr.rel @p1 .LBB2_29-.Ltmp26, $3  }
0x403: {  	_ =	sdelay $0x1  }
0x404: {  	v12 =	vnsel vm2, $0x0, v12;
	v13 =	vnsel vm3, $0x0, v13  }
0x405: {  	v10 =	vadd.f32 v12, v10;
	v5 =	vadd.f32 v13, v5  }
.Ltmp27:
0x406: {  	_ = 	snop;
	(pc) =	sbr.rel .LBB2_30-.Ltmp27, $1  }
0x407: {  	_ =	sdelay $0x3  }
.LBB2_35:
0x408: {  	_ =	sfence.sel $0x180000  }
0x409: {  	[bflag:$0x0] =	sbarrier.arrive $0xFFFF  }
0x40a: {  	_ =	strace $0x90000047  }
0x40b: {  	s0 =	stileid.u32;
	[bflag:$0x2] =	sbarrier.arrive $0xFFFF  }
0x40c: {  	p0 =	sne.s32 s0, $0x0;
	s0 =	rddreg [dreg:$0x5]  }
0x40d: {  	s0 =	sadd.s32 @!p0 $0x100000, s0  }
0x40e: {  	[sflag:s0] =	ssyncadd.tile.s32 @!p0 $0x1;
	_ =	shalt  }
.Lfunc_end2:
_tile_overlayer_lowered:
.L_overlay_start_2:
0x40f: {  	(tag) =	ssettag $0x2  }
0x410: {  	s0 =	rddreg [dreg:$0x0];
	s2 =	stileid.u32  }
0x411: {  	s1 =	rddreg [dreg:$0x1];
	p0 =	sne.s32 s2, $0x0  }
0x412: {  	s3 =	rddreg [dreg:$0x2];
	[bflag:$0x3] =	sbarrier.arrive $0xFFFF;
	s2 =	simm.s32 @!p0 $0x1C03  }
0x413: {  	[timem:s3], [sflag:s2] =	dma.local @!p0 [hbm:s0], s1  }
0x414: {  	s0 =	simm.s32 @!p0 $0x3  }
0x415: {  	_ =	swait.ge @!p0 [sflag:s0], s1  }
0x416: {  	s1 =	ssub.s32 @!p0 $0x0, s1;
	[sflag:s0] =	ssyncset.done @!p0 $0x0  }
0x417: {  	[sflag:s0] =	ssyncadd.s32 @!p0 s1  }
0x418: {  	[bflag:$0x3] =	sbarrier.arrive $0xFFFF  }
0x419: {  	_ =	shalt  }

</sc_bundles>
